<compile_context>
chip_gen: v7x
topology: tpu7x:2x2x1
jax: 0.10.2.dev20260603
libtpu: 0.0.44.dev20260713+nightly
codegen_flags: <defaults>
</compile_context>

<pallas_src>
import jax
import jax.numpy as jnp
from jax import lax
from jax.experimental import pallas as pl
from jax.experimental.pallas import tpu as pltpu
from jax.experimental.pallas import tpu_sc as plsc

_TOPK = 64
_B = 128
_N = 8192
_L = 16
_NVEC = _N // _L
_NSEG = 8
_SEGV = _NVEC // _NSEG
_NC = 2
_NS = 16
_NW = _NC * _NS
_ROWS_PER_W = _B // _NW


def _vsort(v):
    return jnp.sort(v)


def _vrev(v):
    return lax.rev(v, (0,))


def _clean32(u, v):
    return _vsort(jnp.minimum(u, v)), _vsort(jnp.maximum(u, v))


def _merge16(a, b):
    rb = _vrev(b)
    return _vsort(jnp.minimum(a, rb)), _vsort(jnp.maximum(a, rb))


def _merge32(a0, a1, b0, b1):
    rb0, rb1 = _vrev(b1), _vrev(b0)
    l0, l1 = jnp.minimum(a0, rb0), jnp.minimum(a1, rb1)
    h0, h1 = jnp.maximum(a0, rb0), jnp.maximum(a1, rb1)
    p0, p1 = _clean32(l0, l1)
    q0, q1 = _clean32(h0, h1)
    return p0, p1, q0, q1


def _sort64(c0, c1, c2, c3):
    a0, a1 = _merge16(_vsort(c0), _vsort(c1))
    b0, b1 = _merge16(_vsort(c2), _vsort(c3))
    return _merge32(a0, a1, b0, b1)


def _merge_top64(s, c):
    t0 = jnp.maximum(s[0], _vrev(c[3]))
    t1 = jnp.maximum(s[1], _vrev(c[2]))
    t2 = jnp.maximum(s[2], _vrev(c[1]))
    t3 = jnp.maximum(s[3], _vrev(c[0]))
    l0, l1 = jnp.minimum(t0, t2), jnp.minimum(t1, t3)
    h0, h1 = jnp.maximum(t0, t2), jnp.maximum(t1, t3)
    p0, p1 = _clean32(l0, l1)
    q0, q1 = _clean32(h0, h1)
    return p0, p1, q0, q1


def _process_row(row_v, cand_v, outrow_v, iota, ninf):
    @plsc.parallel_loop(0, _SEGV, unroll=4, carry=(ninf,) * _NSEG)
    def p1_body(i, ms):
        base = i * (_NSEG * _L)
        return tuple(
            jnp.maximum(ms[s], row_v[pl.ds(base + s * _L, _L)])
            for s in range(_NSEG))

    ms = p1_body
    top = _merge_top64(_sort64(*ms[:4]), _sort64(*ms[4:]))
    thr = jnp.full((_L,), jnp.min(top[0]), jnp.float32)

    base_idx = iota * _NVEC

    @plsc.parallel_loop(0, _NVEC, unroll=8, carry=base_idx)
    def p2_body(i, idx):
        v = row_v[pl.ds(i * _L, _L)]
        msk = v >= thr
        plsc.store_scatter(cand_v, [idx], v, mask=msk)
        return idx + msk.astype(jnp.int32)

    cnt = p2_body - base_idx
    maxcnt = jnp.max(cnt)
    nchunks = lax.shift_right_logical(maxcnt + 3, 2)

    def p3_body(m, buf):
        js = m * 4
        cs = []
        for u in range(4):
            j = js + u
            v = plsc.load_gather(cand_v, [base_idx + j])
            cs.append(jnp.where(j < cnt, v, ninf))
        ch = _sort64(*cs)
        return _merge_top64(buf, ch)

    buf = lax.fori_loop(0, nchunks, p3_body, (ninf, ninf, ninf, ninf))

    outrow_v[pl.ds(0, _L)] = _vrev(buf[3])
    outrow_v[pl.ds(_L, _L)] = _vrev(buf[2])
    outrow_v[pl.ds(2 * _L, _L)] = _vrev(buf[1])
    outrow_v[pl.ds(3 * _L, _L)] = _vrev(buf[0])


def _sc_body(x_hbm, out_hbm, row_v0, row_v1, cand_v, out_v, sem0, sem1):
    wid = lax.axis_index("s") * _NC + lax.axis_index("c")
    iota = lax.iota(jnp.int32, _L)
    ninf = jnp.full((_L,), -jnp.inf, jnp.float32)

    row0 = wid * _ROWS_PER_W
    bufs = [row_v0, row_v1]
    sems = [sem0, sem1]
    cp = pltpu.async_copy(x_hbm.at[row0], bufs[0], sems[0])
    for r in range(_ROWS_PER_W):
        cp.wait()
        if r + 1 < _ROWS_PER_W:
            cp = pltpu.async_copy(x_hbm.at[row0 + r + 1],
                                  bufs[(r + 1) % 2], sems[(r + 1) % 2])
        _process_row(bufs[r % 2], cand_v, out_v.at[r], iota, ninf)
    pltpu.sync_copy(out_v, out_hbm.at[pl.ds(row0, _ROWS_PER_W)])


def kernel(x):
    run = pl.kernel(
        _sc_body,
        out_type=jax.ShapeDtypeStruct((_B, _TOPK), jnp.float32),
        mesh=plsc.VectorSubcoreMesh(core_axis_name="c", subcore_axis_name="s",
                                    num_cores=_NC, num_subcores=_NS),
        scratch_types=[
            pltpu.VMEM((_N,), jnp.float32),
            pltpu.VMEM((_N,), jnp.float32),
            pltpu.VMEM((_N + _TOPK,), jnp.float32),
            pltpu.VMEM((_ROWS_PER_W, _TOPK), jnp.float32),
            pltpu.SemaphoreType.DMA,
            pltpu.SemaphoreType.DMA,
        ],
        compiler_params=pltpu.CompilerParams(
            needs_layout_passes=False,
            disable_bounds_checks=True,
            disable_semaphore_checks=True,
            skip_device_barrier=True,
        ),
    )
    return run(x)

# --- scband reference (transcript-rebuilt; emitter-appended) ---
"""Pipeline reference for scband-top-kpooling-53678501265806 (READ-ONLY COPY).

The authoritative reference and input builder live on the scoring server;
editing this copy changes nothing except your own understanding.
"""

import jax, jax.numpy as jnp
import numpy as np

TOP_K = 64

def setup_inputs(seed: int = 0) -> dict:
    key = jax.random.key(seed)
    x = jax.random.normal(key, (128, 8192), dtype=jnp.float32)
    return {"x": x}

def reference(x):
    # x_mask is None path: torch.topk(x, k=top_k, dim=1)[0].view(B, -1)
    vals, _ = jax.lax.top_k(x, TOP_K)
    return vals.reshape(x.shape[0], -1)

if __name__ == "__main__":
    import jax
    _d = setup_inputs()
    print(jax.jit(kernel)(*tuple(_d.values())))

</pallas_src>

<mosaic_0001>
#map = affine_map<(d0, d1) -> (0, 0)>
module attributes {stable_mosaic.version = 14 : i64} {
  func.func @_sc_body(%arg0: i32, %arg1: i32, %arg2: memref<128x8192xf32, #tpu.memory_space<hbm>>, %arg3: memref<128x64xf32, #tpu.memory_space<hbm>>, %arg4: memref<8192xf32, #tpu.memory_space<vmem>>, %arg5: memref<8192xf32, #tpu.memory_space<vmem>>, %arg6: memref<8256xf32, #tpu.memory_space<vmem>>, %arg7: memref<4x64xf32, #tpu.memory_space<vmem>>, %arg8: memref<!tpu.dma_semaphore, #tpu.memory_space<semaphore_mem>>, %arg9: memref<!tpu.dma_semaphore, #tpu.memory_space<semaphore_mem>>) attributes {dimension_semantics = [#tpu.dimension_semantics<core_parallel>, #tpu.dimension_semantics<subcore_parallel>], iteration_bounds = array<i64: 2, 16>, scalar_prefetch = 0 : i64, scratch_operands = 6 : i64, tpu.core_type = #tpu.core_type<sc_vector_subcore>, window_params = [{transform_indices = #map}, {transform_indices = #map}]} {
    %mul3A = arith.constant 2 : i32
    %mul3A_0 = arith.muli %arg1, %mul3A : i32
    %add3A = arith.addi %mul3A_0, %arg0 : i32
    %iota3A = tpu.iota {dimensions = array<i32: 0>} : vector<16xi32>
    %broadcast_in_dim3A = arith.constant 0xFF800000 : f32
    %broadcast_in_dim3A_1 = vector.broadcast %broadcast_in_dim3A : f32 to vector<16xf32>
    %mul3A_2 = arith.constant 4 : i32
    %mul3A_3 = arith.muli %add3A, %mul3A_2 : i32
    %dma_start3A = arith.constant 0 : i32
    %dma_start3A_4 = tpu.memref_slice %arg2[%mul3A_3, %dma_start3A] : memref<128x8192xf32, #tpu.memory_space<hbm>> -> memref<1x8192xf32, #tpu.memory_space<hbm>>
    %dma_start3A_5 = tpu.memref_squeeze %dma_start3A_4 : memref<1x8192xf32, #tpu.memory_space<hbm>> -> memref<8192xf32, #tpu.memory_space<hbm>>
    %dma_start3A_6 = arith.constant 0 : i32
    %dma_start3A_7 = tpu.memref_slice %arg2[%mul3A_3, %dma_start3A_6] : memref<128x8192xf32, #tpu.memory_space<hbm>> -> memref<1x8192xf32, #tpu.memory_space<hbm>>
    %dma_start3A_8 = tpu.memref_squeeze %dma_start3A_7 : memref<1x8192xf32, #tpu.memory_space<hbm>> -> memref<8192xf32, #tpu.memory_space<hbm>>
    tpu.enqueue_dma source(%dma_start3A_8 : memref<8192xf32, #tpu.memory_space<hbm>>) target(%arg4 : memref<8192xf32, #tpu.memory_space<vmem>>) target_semaphore(%arg8 : memref<!tpu.dma_semaphore, #tpu.memory_space<semaphore_mem>>)
    %dma_wait3A = arith.constant 0 : i32
    %dma_wait3A_9 = tpu.memref_slice %arg2[%mul3A_3, %dma_wait3A] : memref<128x8192xf32, #tpu.memory_space<hbm>> -> memref<1x8192xf32, #tpu.memory_space<hbm>>
    %dma_wait3A_10 = tpu.memref_squeeze %dma_wait3A_9 : memref<1x8192xf32, #tpu.memory_space<hbm>> -> memref<8192xf32, #tpu.memory_space<hbm>>
    %dma_wait3A_11 = arith.constant 0 : i32
    %dma_wait3A_12 = tpu.memref_slice %arg2[%mul3A_3, %dma_wait3A_11] : memref<128x8192xf32, #tpu.memory_space<hbm>> -> memref<1x8192xf32, #tpu.memory_space<hbm>>
    %dma_wait3A_13 = tpu.memref_squeeze %dma_wait3A_12 : memref<1x8192xf32, #tpu.memory_space<hbm>> -> memref<8192xf32, #tpu.memory_space<hbm>>
    tpu.wait_dma2 semaphore(%arg8 : memref<!tpu.dma_semaphore, #tpu.memory_space<semaphore_mem>>) src(%dma_wait3A_13 : memref<8192xf32, #tpu.memory_space<hbm>>) dst(%arg4 : memref<8192xf32, #tpu.memory_space<vmem>>)
    %add3A_14 = arith.constant 0 : i32
    %add3A_15 = arith.addi %mul3A_3, %add3A_14 : i32
    %add3A_16 = arith.constant 1 : i32
    %add3A_17 = arith.addi %add3A_15, %add3A_16 : i32
    %dma_start3A_18 = arith.constant 0 : i32
    %dma_start3A_19 = tpu.memref_slice %arg2[%add3A_17, %dma_start3A_18] : memref<128x8192xf32, #tpu.memory_space<hbm>> -> memref<1x8192xf32, #tpu.memory_space<hbm>>
    %dma_start3A_20 = tpu.memref_squeeze %dma_start3A_19 : memref<1x8192xf32, #tpu.memory_space<hbm>> -> memref<8192xf32, #tpu.memory_space<hbm>>
    %dma_start3A_21 = arith.constant 0 : i32
    %dma_start3A_22 = tpu.memref_slice %arg2[%add3A_17, %dma_start3A_21] : memref<128x8192xf32, #tpu.memory_space<hbm>> -> memref<1x8192xf32, #tpu.memory_space<hbm>>
    %dma_start3A_23 = tpu.memref_squeeze %dma_start3A_22 : memref<1x8192xf32, #tpu.memory_space<hbm>> -> memref<8192xf32, #tpu.memory_space<hbm>>
    tpu.enqueue_dma source(%dma_start3A_23 : memref<8192xf32, #tpu.memory_space<hbm>>) target(%arg5 : memref<8192xf32, #tpu.memory_space<vmem>>) target_semaphore(%arg9 : memref<!tpu.dma_semaphore, #tpu.memory_space<semaphore_mem>>)
    %parallel_loop3A = arith.constant 0 : i32
    %parallel_loop3A_24 = arith.constant 64 : i32
    %parallel_loop3A_25 = arith.constant 1 : i32
    %parallel_loop3A_26:8 = scf.for %parallel_loop3A_1219 = %parallel_loop3A to %parallel_loop3A_24 step %parallel_loop3A_25 iter_args(%parallel_loop3A_1220 = %broadcast_in_dim3A_1, %parallel_loop3A_1221 = %broadcast_in_dim3A_1, %parallel_loop3A_1222 = %broadcast_in_dim3A_1, %parallel_loop3A_1223 = %broadcast_in_dim3A_1, %parallel_loop3A_1224 = %broadcast_in_dim3A_1, %parallel_loop3A_1225 = %broadcast_in_dim3A_1, %parallel_loop3A_1226 = %broadcast_in_dim3A_1, %parallel_loop3A_1227 = %broadcast_in_dim3A_1) -> (vector<16xf32>, vector<16xf32>, vector<16xf32>, vector<16xf32>, vector<16xf32>, vector<16xf32>, vector<16xf32>, vector<16xf32>)  : i32 {
      %parallel_loop3A_1228 = arith.constant 128 : i32
      %parallel_loop3A_1229 = arith.muli %parallel_loop3A_1219, %parallel_loop3A_1228 : i32
      %parallel_loop3A_1230 = arith.constant 0 : i32
      %parallel_loop3A_1231 = arith.addi %parallel_loop3A_1229, %parallel_loop3A_1230 : i32
      %parallel_loop3A_1232 = arith.index_cast %parallel_loop3A_1231 : i32 to index
      %parallel_loop3A_1233 = tpu.vector_load %arg4[%parallel_loop3A_1232] {strides = array<i32>} : memref<8192xf32, #tpu.memory_space<vmem>>, vector<16xf32>,
      %parallel_loop3A_1234 = arith.maximumf %parallel_loop3A_1220, %parallel_loop3A_1233 : vector<16xf32>
      %parallel_loop3A_1235 = arith.constant 16 : i32
      %parallel_loop3A_1236 = arith.addi %parallel_loop3A_1229, %parallel_loop3A_1235 : i32
      %parallel_loop3A_1237 = arith.index_cast %parallel_loop3A_1236 : i32 to index
      %parallel_loop3A_1238 = tpu.vector_load %arg4[%parallel_loop3A_1237] {strides = array<i32>} : memref<8192xf32, #tpu.memory_space<vmem>>, vector<16xf32>,
      %parallel_loop3A_1239 = arith.maximumf %parallel_loop3A_1221, %parallel_loop3A_1238 : vector<16xf32>
      %parallel_loop3A_1240 = arith.constant 32 : i32
      %parallel_loop3A_1241 = arith.addi %parallel_loop3A_1229, %parallel_loop3A_1240 : i32
      %parallel_loop3A_1242 = arith.index_cast %parallel_loop3A_1241 : i32 to index
      %parallel_loop3A_1243 = tpu.vector_load %arg4[%parallel_loop3A_1242] {strides = array<i32>} : memref<8192xf32, #tpu.memory_space<vmem>>, vector<16xf32>,
      %parallel_loop3A_1244 = arith.maximumf %parallel_loop3A_1222, %parallel_loop3A_1243 : vector<16xf32>
      %parallel_loop3A_1245 = arith.constant 48 : i32
      %parallel_loop3A_1246 = arith.addi %parallel_loop3A_1229, %parallel_loop3A_1245 : i32
      %parallel_loop3A_1247 = arith.index_cast %parallel_loop3A_1246 : i32 to index
      %parallel_loop3A_1248 = tpu.vector_load %arg4[%parallel_loop3A_1247] {strides = array<i32>} : memref<8192xf32, #tpu.memory_space<vmem>>, vector<16xf32>,
      %parallel_loop3A_1249 = arith.maximumf %parallel_loop3A_1223, %parallel_loop3A_1248 : vector<16xf32>
      %parallel_loop3A_1250 = arith.constant 64 : i32
      %parallel_loop3A_1251 = arith.addi %parallel_loop3A_1229, %parallel_loop3A_1250 : i32
      %parallel_loop3A_1252 = arith.index_cast %parallel_loop3A_1251 : i32 to index
      %parallel_loop3A_1253 = tpu.vector_load %arg4[%parallel_loop3A_1252] {strides = array<i32>} : memref<8192xf32, #tpu.memory_space<vmem>>, vector<16xf32>,
      %parallel_loop3A_1254 = arith.maximumf %parallel_loop3A_1224, %parallel_loop3A_1253 : vector<16xf32>
      %parallel_loop3A_1255 = arith.constant 80 : i32
      %parallel_loop3A_1256 = arith.addi %parallel_loop3A_1229, %parallel_loop3A_1255 : i32
      %parallel_loop3A_1257 = arith.index_cast %parallel_loop3A_1256 : i32 to index
      %parallel_loop3A_1258 = tpu.vector_load %arg4[%parallel_loop3A_1257] {strides = array<i32>} : memref<8192xf32, #tpu.memory_space<vmem>>, vector<16xf32>,
      %parallel_loop3A_1259 = arith.maximumf %parallel_loop3A_1225, %parallel_loop3A_1258 : vector<16xf32>
      %parallel_loop3A_1260 = arith.constant 96 : i32
      %parallel_loop3A_1261 = arith.addi %parallel_loop3A_1229, %parallel_loop3A_1260 : i32
      %parallel_loop3A_1262 = arith.index_cast %parallel_loop3A_1261 : i32 to index
      %parallel_loop3A_1263 = tpu.vector_load %arg4[%parallel_loop3A_1262] {strides = array<i32>} : memref<8192xf32, #tpu.memory_space<vmem>>, vector<16xf32>,
      %parallel_loop3A_1264 = arith.maximumf %parallel_loop3A_1226, %parallel_loop3A_1263 : vector<16xf32>
      %parallel_loop3A_1265 = arith.constant 112 : i32
      %parallel_loop3A_1266 = arith.addi %parallel_loop3A_1229, %parallel_loop3A_1265 : i32
      %parallel_loop3A_1267 = arith.index_cast %parallel_loop3A_1266 : i32 to index
      %parallel_loop3A_1268 = tpu.vector_load %arg4[%parallel_loop3A_1267] {strides = array<i32>} : memref<8192xf32, #tpu.memory_space<vmem>>, vector<16xf32>,
      %parallel_loop3A_1269 = arith.maximumf %parallel_loop3A_1227, %parallel_loop3A_1268 : vector<16xf32>
      scf.yield %parallel_loop3A_1234, %parallel_loop3A_1239, %parallel_loop3A_1244, %parallel_loop3A_1249, %parallel_loop3A_1254, %parallel_loop3A_1259, %parallel_loop3A_1264, %parallel_loop3A_1269 : vector<16xf32>, vector<16xf32>, vector<16xf32>, vector<16xf32>, vector<16xf32>, vector<16xf32>, vector<16xf32>, vector<16xf32>
    } {sc.loop_unroll_factor = 4 : i64, sc.parallel_access}
    %sort3A = arith.constant dense<true> : vector<16xi1>
    %sort3A_27, %sort3A_28, %sort3A_29 = tpu.sort %parallel_loop3A_26#0, %parallel_loop3A_26#0 masked %sort3A : (vector<16xf32>, vector<16xf32>, vector<16xi1>) -> (vector<16xi1>, vector<16xf32>, vector<16xf32>)
    %sort3A_30 = arith.constant dense<true> : vector<16xi1>
    %sort3A_31, %sort3A_32, %sort3A_33 = tpu.sort %parallel_loop3A_26#1, %parallel_loop3A_26#1 masked %sort3A_30 : (vector<16xf32>, vector<16xf32>, vector<16xi1>) -> (vector<16xi1>, vector<16xf32>, vector<16xf32>)
    %rev3A = arith.constant 15 : i32
    %rev3A_34 = vector.broadcast %rev3A : i32 to vector<16xi32>
    %rev3A_35 = tpu.iota {dimensions = array<i32: 0>} : vector<16xi32>
    %rev3A_36 = arith.subi %rev3A_34, %rev3A_35 : vector<16xi32>
    %rev3A_37 = tpu.dynamic_gather %sort3A_32[%rev3A_36] in [0] : vector<16xf32>, vector<16xi32> -> vector<16xf32>
    %min3A = arith.minimumf %sort3A_28, %rev3A_37 : vector<16xf32>
    %sort3A_38 = arith.constant dense<true> : vector<16xi1>
    %sort3A_39, %sort3A_40, %sort3A_41 = tpu.sort %min3A, %min3A masked %sort3A_38 : (vector<16xf32>, vector<16xf32>, vector<16xi1>) -> (vector<16xi1>, vector<16xf32>, vector<16xf32>)
    %max3A = arith.maximumf %sort3A_28, %rev3A_37 : vector<16xf32>
    %sort3A_42 = arith.constant dense<true> : vector<16xi1>
    %sort3A_43, %sort3A_44, %sort3A_45 = tpu.sort %max3A, %max3A masked %sort3A_42 : (vector<16xf32>, vector<16xf32>, vector<16xi1>) -> (vector<16xi1>, vector<16xf32>, vector<16xf32>)
    %sort3A_46 = arith.constant dense<true> : vector<16xi1>
    %sort3A_47, %sort3A_48, %sort3A_49 = tpu.sort %parallel_loop3A_26#2, %parallel_loop3A_26#2 masked %sort3A_46 : (vector<16xf32>, vector<16xf32>, vector<16xi1>) -> (vector<16xi1>, vector<16xf32>, vector<16xf32>)
    %sort3A_50 = arith.constant dense<true> : vector<16xi1>
    %sort3A_51, %sort3A_52, %sort3A_53 = tpu.sort %parallel_loop3A_26#3, %parallel_loop3A_26#3 masked %sort3A_50 : (vector<16xf32>, vector<16xf32>, vector<16xi1>) -> (vector<16xi1>, vector<16xf32>, vector<16xf32>)
    %rev3A_54 = arith.constant 15 : i32
    %rev3A_55 = vector.broadcast %rev3A_54 : i32 to vector<16xi32>
    %rev3A_56 = tpu.iota {dimensions = array<i32: 0>} : vector<16xi32>
    %rev3A_57 = arith.subi %rev3A_55, %rev3A_56 : vector<16xi32>
    %rev3A_58 = tpu.dynamic_gather %sort3A_52[%rev3A_57] in [0] : vector<16xf32>, vector<16xi32> -> vector<16xf32>
    %min3A_59 = arith.minimumf %sort3A_48, %rev3A_58 : vector<16xf32>
    %sort3A_60 = arith.constant dense<true> : vector<16xi1>
    %sort3A_61, %sort3A_62, %sort3A_63 = tpu.sort %min3A_59, %min3A_59 masked %sort3A_60 : (vector<16xf32>, vector<16xf32>, vector<16xi1>) -> (vector<16xi1>, vector<16xf32>, vector<16xf32>)
    %max3A_64 = arith.maximumf %sort3A_48, %rev3A_58 : vector<16xf32>
    %sort3A_65 = arith.constant dense<true> : vector<16xi1>
    %sort3A_66, %sort3A_67, %sort3A_68 = tpu.sort %max3A_64, %max3A_64 masked %sort3A_65 : (vector<16xf32>, vector<16xf32>, vector<16xi1>) -> (vector<16xi1>, vector<16xf32>, vector<16xf32>)
    %rev3A_69 = arith.constant 15 : i32
    %rev3A_70 = vector.broadcast %rev3A_69 : i32 to vector<16xi32>
    %rev3A_71 = tpu.iota {dimensions = array<i32: 0>} : vector<16xi32>
    %rev3A_72 = arith.subi %rev3A_70, %rev3A_71 : vector<16xi32>
    %rev3A_73 = tpu.dynamic_gather %sort3A_67[%rev3A_72] in [0] : vector<16xf32>, vector<16xi32> -> vector<16xf32>
    %rev3A_74 = arith.constant 15 : i32
    %rev3A_75 = vector.broadcast %rev3A_74 : i32 to vector<16xi32>
    %rev3A_76 = tpu.iota {dimensions = array<i32: 0>} : vector<16xi32>
    %rev3A_77 = arith.subi %rev3A_75, %rev3A_76 : vector<16xi32>
    %rev3A_78 = tpu.dynamic_gather %sort3A_62[%rev3A_77] in [0] : vector<16xf32>, vector<16xi32> -> vector<16xf32>
    %min3A_79 = arith.minimumf %sort3A_40, %rev3A_73 : vector<16xf32>
    %min3A_80 = arith.minimumf %sort3A_44, %rev3A_78 : vector<16xf32>
    %max3A_81 = arith.maximumf %sort3A_40, %rev3A_73 : vector<16xf32>
    %max3A_82 = arith.maximumf %sort3A_44, %rev3A_78 : vector<16xf32>
    %min3A_83 = arith.minimumf %min3A_79, %min3A_80 : vector<16xf32>
    %sort3A_84 = arith.constant dense<true> : vector<16xi1>
    %sort3A_85, %sort3A_86, %sort3A_87 = tpu.sort %min3A_83, %min3A_83 masked %sort3A_84 : (vector<16xf32>, vector<16xf32>, vector<16xi1>) -> (vector<16xi1>, vector<16xf32>, vector<16xf32>)
    %max3A_88 = arith.maximumf %min3A_79, %min3A_80 : vector<16xf32>
    %sort3A_89 = arith.constant dense<true> : vector<16xi1>
    %sort3A_90, %sort3A_91, %sort3A_92 = tpu.sort %max3A_88, %max3A_88 masked %sort3A_89 : (vector<16xf32>, vector<16xf32>, vector<16xi1>) -> (vector<16xi1>, vector<16xf32>, vector<16xf32>)
    %min3A_93 = arith.minimumf %max3A_81, %max3A_82 : vector<16xf32>
    %sort3A_94 = arith.constant dense<true> : vector<16xi1>
    %sort3A_95, %sort3A_96, %sort3A_97 = tpu.sort %min3A_93, %min3A_93 masked %sort3A_94 : (vector<16xf32>, vector<16xf32>, vector<16xi1>) -> (vector<16xi1>, vector<16xf32>, vector<16xf32>)
    %max3A_98 = arith.maximumf %max3A_81, %max3A_82 : vector<16xf32>
    %sort3A_99 = arith.constant dense<true> : vector<16xi1>
    %sort3A_100, %sort3A_101, %sort3A_102 = tpu.sort %max3A_98, %max3A_98 masked %sort3A_99 : (vector<16xf32>, vector<16xf32>, vector<16xi1>) -> (vector<16xi1>, vector<16xf32>, vector<16xf32>)
    %sort3A_103 = arith.constant dense<true> : vector<16xi1>
    %sort3A_104, %sort3A_105, %sort3A_106 = tpu.sort %parallel_loop3A_26#4, %parallel_loop3A_26#4 masked %sort3A_103 : (vector<16xf32>, vector<16xf32>, vector<16xi1>) -> (vector<16xi1>, vector<16xf32>, vector<16xf32>)
    %sort3A_107 = arith.constant dense<true> : vector<16xi1>
    %sort3A_108, %sort3A_109, %sort3A_110 = tpu.sort %parallel_loop3A_26#5, %parallel_loop3A_26#5 masked %sort3A_107 : (vector<16xf32>, vector<16xf32>, vector<16xi1>) -> (vector<16xi1>, vector<16xf32>, vector<16xf32>)
    %rev3A_111 = arith.constant 15 : i32
    %rev3A_112 = vector.broadcast %rev3A_111 : i32 to vector<16xi32>
    %rev3A_113 = tpu.iota {dimensions = array<i32: 0>} : vector<16xi32>
    %rev3A_114 = arith.subi %rev3A_112, %rev3A_113 : vector<16xi32>
    %rev3A_115 = tpu.dynamic_gather %sort3A_109[%rev3A_114] in [0] : vector<16xf32>, vector<16xi32> -> vector<16xf32>
    %min3A_116 = arith.minimumf %sort3A_105, %rev3A_115 : vector<16xf32>
    %sort3A_117 = arith.constant dense<true> : vector<16xi1>
    %sort3A_118, %sort3A_119, %sort3A_120 = tpu.sort %min3A_116, %min3A_116 masked %sort3A_117 : (vector<16xf32>, vector<16xf32>, vector<16xi1>) -> (vector<16xi1>, vector<16xf32>, vector<16xf32>)
    %max3A_121 = arith.maximumf %sort3A_105, %rev3A_115 : vector<16xf32>
    %sort3A_122 = arith.constant dense<true> : vector<16xi1>
    %sort3A_123, %sort3A_124, %sort3A_125 = tpu.sort %max3A_121, %max3A_121 masked %sort3A_122 : (vector<16xf32>, vector<16xf32>, vector<16xi1>) -> (vector<16xi1>, vector<16xf32>, vector<16xf32>)
    %sort3A_126 = arith.constant dense<true> : vector<16xi1>
    %sort3A_127, %sort3A_128, %sort3A_129 = tpu.sort %parallel_loop3A_26#6, %parallel_loop3A_26#6 masked %sort3A_126 : (vector<16xf32>, vector<16xf32>, vector<16xi1>) -> (vector<16xi1>, vector<16xf32>, vector<16xf32>)
    %sort3A_130 = arith.constant dense<true> : vector<16xi1>
    %sort3A_131, %sort3A_132, %sort3A_133 = tpu.sort %parallel_loop3A_26#7, %parallel_loop3A_26#7 masked %sort3A_130 : (vector<16xf32>, vector<16xf32>, vector<16xi1>) -> (vector<16xi1>, vector<16xf32>, vector<16xf32>)
    %rev3A_134 = arith.constant 15 : i32
    %rev3A_135 = vector.broadcast %rev3A_134 : i32 to vector<16xi32>
    %rev3A_136 = tpu.iota {dimensions = array<i32: 0>} : vector<16xi32>
    %rev3A_137 = arith.subi %rev3A_135, %rev3A_136 : vector<16xi32>
    %rev3A_138 = tpu.dynamic_gather %sort3A_132[%rev3A_137] in [0] : vector<16xf32>, vector<16xi32> -> vector<16xf32>
    %min3A_139 = arith.minimumf %sort3A_128, %rev3A_138 : vector<16xf32>
    %sort3A_140 = arith.constant dense<true> : vector<16xi1>
    %sort3A_141, %sort3A_142, %sort3A_143 = tpu.sort %min3A_139, %min3A_139 masked %sort3A_140 : (vector<16xf32>, vector<16xf32>, vector<16xi1>) -> (vector<16xi1>, vector<16xf32>, vector<16xf32>)
    %max3A_144 = arith.maximumf %sort3A_128, %rev3A_138 : vector<16xf32>
    %sort3A_145 = arith.constant dense<true> : vector<16xi1>
    %sort3A_146, %sort3A_147, %sort3A_148 = tpu.sort %max3A_144, %max3A_144 masked %sort3A_145 : (vector<16xf32>, vector<16xf32>, vector<16xi1>) -> (vector<16xi1>, vector<16xf32>, vector<16xf32>)
    %rev3A_149 = arith.constant 15 : i32
    %rev3A_150 = vector.broadcast %rev3A_149 : i32 to vector<16xi32>
    %rev3A_151 = tpu.iota {dimensions = array<i32: 0>} : vector<16xi32>
    %rev3A_152 = arith.subi %rev3A_150, %rev3A_151 : vector<16xi32>
    %rev3A_153 = tpu.dynamic_gather %sort3A_147[%rev3A_152] in [0] : vector<16xf32>, vector<16xi32> -> vector<16xf32>
    %rev3A_154 = arith.constant 15 : i32
    %rev3A_155 = vector.broadcast %rev3A_154 : i32 to vector<16xi32>
    %rev3A_156 = tpu.iota {dimensions = array<i32: 0>} : vector<16xi32>
    %rev3A_157 = arith.subi %rev3A_155, %rev3A_156 : vector<16xi32>
    %rev3A_158 = tpu.dynamic_gather %sort3A_142[%rev3A_157] in [0] : vector<16xf32>, vector<16xi32> -> vector<16xf32>
    %min3A_159 = arith.minimumf %sort3A_119, %rev3A_153 : vector<16xf32>
    %min3A_160 = arith.minimumf %sort3A_124, %rev3A_158 : vector<16xf32>
    %max3A_161 = arith.maximumf %sort3A_119, %rev3A_153 : vector<16xf32>
    %max3A_162 = arith.maximumf %sort3A_124, %rev3A_158 : vector<16xf32>
    %min3A_163 = arith.minimumf %min3A_159, %min3A_160 : vector<16xf32>
    %sort3A_164 = arith.constant dense<true> : vector<16xi1>
    %sort3A_165, %sort3A_166, %sort3A_167 = tpu.sort %min3A_163, %min3A_163 masked %sort3A_164 : (vector<16xf32>, vector<16xf32>, vector<16xi1>) -> (vector<16xi1>, vector<16xf32>, vector<16xf32>)
    %max3A_168 = arith.maximumf %min3A_159, %min3A_160 : vector<16xf32>
    %sort3A_169 = arith.constant dense<true> : vector<16xi1>
    %sort3A_170, %sort3A_171, %sort3A_172 = tpu.sort %max3A_168, %max3A_168 masked %sort3A_169 : (vector<16xf32>, vector<16xf32>, vector<16xi1>) -> (vector<16xi1>, vector<16xf32>, vector<16xf32>)
    %min3A_173 = arith.minimumf %max3A_161, %max3A_162 : vector<16xf32>
    %sort3A_174 = arith.constant dense<true> : vector<16xi1>
    %sort3A_175, %sort3A_176, %sort3A_177 = tpu.sort %min3A_173, %min3A_173 masked %sort3A_174 : (vector<16xf32>, vector<16xf32>, vector<16xi1>) -> (vector<16xi1>, vector<16xf32>, vector<16xf32>)
    %max3A_178 = arith.maximumf %max3A_161, %max3A_162 : vector<16xf32>
    %sort3A_179 = arith.constant dense<true> : vector<16xi1>
    %sort3A_180, %sort3A_181, %sort3A_182 = tpu.sort %max3A_178, %max3A_178 masked %sort3A_179 : (vector<16xf32>, vector<16xf32>, vector<16xi1>) -> (vector<16xi1>, vector<16xf32>, vector<16xf32>)
    %rev3A_183 = arith.constant 15 : i32
    %rev3A_184 = vector.broadcast %rev3A_183 : i32 to vector<16xi32>
    %rev3A_185 = tpu.iota {dimensions = array<i32: 0>} : vector<16xi32>
    %rev3A_186 = arith.subi %rev3A_184, %rev3A_185 : vector<16xi32>
    %rev3A_187 = tpu.dynamic_gather %sort3A_181[%rev3A_186] in [0] : vector<16xf32>, vector<16xi32> -> vector<16xf32>
    %max3A_188 = arith.maximumf %sort3A_86, %rev3A_187 : vector<16xf32>
    %rev3A_189 = arith.constant 15 : i32
    %rev3A_190 = vector.broadcast %rev3A_189 : i32 to vector<16xi32>
    %rev3A_191 = tpu.iota {dimensions = array<i32: 0>} : vector<16xi32>
    %rev3A_192 = arith.subi %rev3A_190, %rev3A_191 : vector<16xi32>
    %rev3A_193 = tpu.dynamic_gather %sort3A_176[%rev3A_192] in [0] : vector<16xf32>, vector<16xi32> -> vector<16xf32>
    %max3A_194 = arith.maximumf %sort3A_91, %rev3A_193 : vector<16xf32>
    %rev3A_195 = arith.constant 15 : i32
    %rev3A_196 = vector.broadcast %rev3A_195 : i32 to vector<16xi32>
    %rev3A_197 = tpu.iota {dimensions = array<i32: 0>} : vector<16xi32>
    %rev3A_198 = arith.subi %rev3A_196, %rev3A_197 : vector<16xi32>
    %rev3A_199 = tpu.dynamic_gather %sort3A_171[%rev3A_198] in [0] : vector<16xf32>, vector<16xi32> -> vector<16xf32>
    %max3A_200 = arith.maximumf %sort3A_96, %rev3A_199 : vector<16xf32>
    %rev3A_201 = arith.constant 15 : i32
    %rev3A_202 = vector.broadcast %rev3A_201 : i32 to vector<16xi32>
    %rev3A_203 = tpu.iota {dimensions = array<i32: 0>} : vector<16xi32>
    %rev3A_204 = arith.subi %rev3A_202, %rev3A_203 : vector<16xi32>
    %rev3A_205 = tpu.dynamic_gather %sort3A_166[%rev3A_204] in [0] : vector<16xf32>, vector<16xi32> -> vector<16xf32>
    %max3A_206 = arith.maximumf %sort3A_101, %rev3A_205 : vector<16xf32>
    %min3A_207 = arith.minimumf %max3A_188, %max3A_200 : vector<16xf32>
    %min3A_208 = arith.minimumf %max3A_194, %max3A_206 : vector<16xf32>
    %max3A_209 = arith.maximumf %max3A_188, %max3A_200 : vector<16xf32>
    %max3A_210 = arith.maximumf %max3A_194, %max3A_206 : vector<16xf32>
    %min3A_211 = arith.minimumf %min3A_207, %min3A_208 : vector<16xf32>
    %sort3A_212 = arith.constant dense<true> : vector<16xi1>
    %sort3A_213, %sort3A_214, %sort3A_215 = tpu.sort %min3A_211, %min3A_211 masked %sort3A_212 : (vector<16xf32>, vector<16xf32>, vector<16xi1>) -> (vector<16xi1>, vector<16xf32>, vector<16xf32>)
    %max3A_216 = arith.maximumf %min3A_207, %min3A_208 : vector<16xf32>
    %sort3A_217 = arith.constant dense<true> : vector<16xi1>
    %sort3A_218, %sort3A_219, %sort3A_220 = tpu.sort %max3A_216, %max3A_216 masked %sort3A_217 : (vector<16xf32>, vector<16xf32>, vector<16xi1>) -> (vector<16xi1>, vector<16xf32>, vector<16xf32>)
    %min3A_221 = arith.minimumf %max3A_209, %max3A_210 : vector<16xf32>
    %sort3A_222 = arith.constant dense<true> : vector<16xi1>
    %sort3A_223, %sort3A_224, %sort3A_225 = tpu.sort %min3A_221, %min3A_221 masked %sort3A_222 : (vector<16xf32>, vector<16xf32>, vector<16xi1>) -> (vector<16xi1>, vector<16xf32>, vector<16xf32>)
    %max3A_226 = arith.maximumf %max3A_209, %max3A_210 : vector<16xf32>
    %sort3A_227 = arith.constant dense<true> : vector<16xi1>
    %sort3A_228, %sort3A_229, %sort3A_230 = tpu.sort %max3A_226, %max3A_226 masked %sort3A_227 : (vector<16xf32>, vector<16xf32>, vector<16xi1>) -> (vector<16xi1>, vector<16xf32>, vector<16xf32>)
    %reduce_min3A = arith.constant true
    %reduce_min3A_231 = vector.broadcast %reduce_min3A : i1 to vector<16xi1>
    %reduce_min3A_232 = tpu.scan <min>, %sort3A_214 masked %reduce_min3A_231 : vector<16xf32>, vector<16xi1> -> vector<16xf32>
    %reduce_min3A_233 = vector.extract %reduce_min3A_232[15] : f32 from vector<16xf32>
    %broadcast_in_dim3A_234 = vector.broadcast %reduce_min3A_233 : f32 to vector<16xf32>
    %mul3A_235 = arith.constant 512 : i32
    %mul3A_236 = vector.broadcast %mul3A_235 : i32 to vector<16xi32>
    %mul3A_237 = arith.muli %iota3A, %mul3A_236 : vector<16xi32>
    %parallel_loop3A_238 = arith.constant 0 : i32
    %parallel_loop3A_239 = arith.constant 512 : i32
    %parallel_loop3A_240 = arith.constant 1 : i32
    %parallel_loop3A_241 = scf.for %parallel_loop3A_1219 = %parallel_loop3A_238 to %parallel_loop3A_239 step %parallel_loop3A_240 iter_args(%parallel_loop3A_1220 = %mul3A_237) -> (vector<16xi32>)  : i32 {
      %parallel_loop3A_1221 = arith.constant 16 : i32
      %parallel_loop3A_1222 = arith.muli %parallel_loop3A_1219, %parallel_loop3A_1221 : i32
      %parallel_loop3A_1223 = arith.index_cast %parallel_loop3A_1222 : i32 to index
      %parallel_loop3A_1224 = tpu.vector_load %arg4[%parallel_loop3A_1223] {strides = array<i32>} : memref<8192xf32, #tpu.memory_space<vmem>>, vector<16xf32>,
      %parallel_loop3A_1225 = arith.cmpf oge, %parallel_loop3A_1224, %broadcast_in_dim3A_234 : vector<16xf32>
      tpu.vector_store_idx %arg6[%parallel_loop3A_1220], %parallel_loop3A_1224 masked %parallel_loop3A_1225 : memref<8256xf32, #tpu.memory_space<vmem>>[vector<16xi32>], vector<16xf32>, vector<16xi1>
      %parallel_loop3A_1226 = arith.extui %parallel_loop3A_1225 : vector<16xi1> to vector<16xi32>
      %parallel_loop3A_1227 = arith.addi %parallel_loop3A_1220, %parallel_loop3A_1226 : vector<16xi32>
      scf.yield %parallel_loop3A_1227 : vector<16xi32>
    } {sc.loop_unroll_factor = 8 : i64, sc.parallel_access}
    %sub3A = arith.subi %parallel_loop3A_241, %mul3A_237 : vector<16xi32>
    %reduce_max3A = arith.constant true
    %reduce_max3A_242 = vector.broadcast %reduce_max3A : i1 to vector<16xi1>
    %reduce_max3A_243 = arith.constant -2147483648 : i32
    %reduce_max3A_244 = vector.broadcast %reduce_max3A_243 : i32 to vector<16xi32>
    %reduce_max3A_245 = arith.xori %sub3A, %reduce_max3A_244 : vector<16xi32>
    %reduce_max3A_246 = tpu.scan <max>, %reduce_max3A_245 masked %reduce_max3A_242 : vector<16xi32>, vector<16xi1> -> vector<16xi32>
    %reduce_max3A_247 = arith.xori %reduce_max3A_246, %reduce_max3A_244 : vector<16xi32>
    %reduce_max3A_248 = vector.extract %reduce_max3A_247[15] : i32 from vector<16xi32>
    %add3A_249 = arith.constant 3 : i32
    %add3A_250 = arith.addi %reduce_max3A_248, %add3A_249 : i32
    %shift_right_logical3A = arith.constant 2 : i32
    %shift_right_logical3A_251 = arith.shrui %add3A_250, %shift_right_logical3A : i32
    %while3A = arith.constant 0 : i32
    %while3A_252 = arith.subi %shift_right_logical3A_251, %while3A : i32
    %while3A_253 = arith.addi %while3A, %while3A_252 : i32
    %while3A_254 = arith.constant 1 : i32
    %while3A_255 = arith.divsi %while3A_252, %while3A_254 : i32
    %while3A_256 = arith.muli %while3A_255, %while3A_254 : i32
    %while3A_257 = arith.addi %while3A, %while3A_256 : i32
    %while3A_258 = arith.constant 1 : i32
    %while3A_259:4 = scf.for %while3A_1219 = %while3A to %while3A_257 step %while3A_258 iter_args(%while3A_1220 = %broadcast_in_dim3A_1, %while3A_1221 = %broadcast_in_dim3A_1, %while3A_1222 = %broadcast_in_dim3A_1, %while3A_1223 = %broadcast_in_dim3A_1) -> (vector<16xf32>, vector<16xf32>, vector<16xf32>, vector<16xf32>)  : i32 {
      %mul3A_1224 = arith.constant 4 : i32
      %mul3A_1225 = arith.muli %while3A_1219, %mul3A_1224 : i32
      %add3A_1226 = arith.constant 0 : i32
      %add3A_1227 = arith.addi %mul3A_1225, %add3A_1226 : i32
      %add3A_1228 = vector.broadcast %add3A_1227 : i32 to vector<16xi32>
      %add3A_1229 = arith.addi %mul3A_237, %add3A_1228 : vector<16xi32>
      %gather3A = tpu.vector_load_idx %arg6[%add3A_1229] : memref<8256xf32, #tpu.memory_space<vmem>>[vector<16xi32>], vector<16xf32>,
      %lt3A = vector.broadcast %add3A_1227 : i32 to vector<16xi32>
      %lt3A_1230 = arith.cmpi slt, %lt3A, %sub3A : vector<16xi32>
      %select_n3A = arith.select %lt3A_1230, %gather3A, %broadcast_in_dim3A_1 : vector<16xi1>, vector<16xf32>
      %add3A_1231 = arith.constant 1 : i32
      %add3A_1232 = arith.addi %mul3A_1225, %add3A_1231 : i32
      %add3A_1233 = vector.broadcast %add3A_1232 : i32 to vector<16xi32>
      %add3A_1234 = arith.addi %mul3A_237, %add3A_1233 : vector<16xi32>
      %gather3A_1235 = tpu.vector_load_idx %arg6[%add3A_1234] : memref<8256xf32, #tpu.memory_space<vmem>>[vector<16xi32>], vector<16xf32>,
      %lt3A_1236 = vector.broadcast %add3A_1232 : i32 to vector<16xi32>
      %lt3A_1237 = arith.cmpi slt, %lt3A_1236, %sub3A : vector<16xi32>
      %select_n3A_1238 = arith.select %lt3A_1237, %gather3A_1235, %broadcast_in_dim3A_1 : vector<16xi1>, vector<16xf32>
      %add3A_1239 = arith.constant 2 : i32
      %add3A_1240 = arith.addi %mul3A_1225, %add3A_1239 : i32
      %add3A_1241 = vector.broadcast %add3A_1240 : i32 to vector<16xi32>
      %add3A_1242 = arith.addi %mul3A_237, %add3A_1241 : vector<16xi32>
      %gather3A_1243 = tpu.vector_load_idx %arg6[%add3A_1242] : memref<8256xf32, #tpu.memory_space<vmem>>[vector<16xi32>], vector<16xf32>,
      %lt3A_1244 = vector.broadcast %add3A_1240 : i32 to vector<16xi32>
      %lt3A_1245 = arith.cmpi slt, %lt3A_1244, %sub3A : vector<16xi32>
      %select_n3A_1246 = arith.select %lt3A_1245, %gather3A_1243, %broadcast_in_dim3A_1 : vector<16xi1>, vector<16xf32>
      %add3A_1247 = arith.constant 3 : i32
      %add3A_1248 = arith.addi %mul3A_1225, %add3A_1247 : i32
      %add3A_1249 = vector.broadcast %add3A_1248 : i32 to vector<16xi32>
      %add3A_1250 = arith.addi %mul3A_237, %add3A_1249 : vector<16xi32>
      %gather3A_1251 = tpu.vector_load_idx %arg6[%add3A_1250] : memref<8256xf32, #tpu.memory_space<vmem>>[vector<16xi32>], vector<16xf32>,
      %lt3A_1252 = vector.broadcast %add3A_1248 : i32 to vector<16xi32>
      %lt3A_1253 = arith.cmpi slt, %lt3A_1252, %sub3A : vector<16xi32>
      %select_n3A_1254 = arith.select %lt3A_1253, %gather3A_1251, %broadcast_in_dim3A_1 : vector<16xi1>, vector<16xf32>
      %sort3A_1255 = arith.constant dense<true> : vector<16xi1>
      %sort3A_1256, %sort3A_1257, %sort3A_1258 = tpu.sort %select_n3A, %select_n3A masked %sort3A_1255 : (vector<16xf32>, vector<16xf32>, vector<16xi1>) -> (vector<16xi1>, vector<16xf32>, vector<16xf32>)
      %sort3A_1259 = arith.constant dense<true> : vector<16xi1>
      %sort3A_1260, %sort3A_1261, %sort3A_1262 = tpu.sort %select_n3A_1238, %select_n3A_1238 masked %sort3A_1259 : (vector<16xf32>, vector<16xf32>, vector<16xi1>) -> (vector<16xi1>, vector<16xf32>, vector<16xf32>)
      %rev3A_1263 = arith.constant 15 : i32
      %rev3A_1264 = vector.broadcast %rev3A_1263 : i32 to vector<16xi32>
      %rev3A_1265 = tpu.iota {dimensions = array<i32: 0>} : vector<16xi32>
      %rev3A_1266 = arith.subi %rev3A_1264, %rev3A_1265 : vector<16xi32>
      %rev3A_1267 = tpu.dynamic_gather %sort3A_1261[%rev3A_1266] in [0] : vector<16xf32>, vector<16xi32> -> vector<16xf32>
      %min3A_1268 = arith.minimumf %sort3A_1257, %rev3A_1267 : vector<16xf32>
      %sort3A_1269 = arith.constant dense<true> : vector<16xi1>
      %sort3A_1270, %sort3A_1271, %sort3A_1272 = tpu.sort %min3A_1268, %min3A_1268 masked %sort3A_1269 : (vector<16xf32>, vector<16xf32>, vector<16xi1>) -> (vector<16xi1>, vector<16xf32>, vector<16xf32>)
      %max3A_1273 = arith.maximumf %sort3A_1257, %rev3A_1267 : vector<16xf32>
      %sort3A_1274 = arith.constant dense<true> : vector<16xi1>
      %sort3A_1275, %sort3A_1276, %sort3A_1277 = tpu.sort %max3A_1273, %max3A_1273 masked %sort3A_1274 : (vector<16xf32>, vector<16xf32>, vector<16xi1>) -> (vector<16xi1>, vector<16xf32>, vector<16xf32>)
      %sort3A_1278 = arith.constant dense<true> : vector<16xi1>
      %sort3A_1279, %sort3A_1280, %sort3A_1281 = tpu.sort %select_n3A_1246, %select_n3A_1246 masked %sort3A_1278 : (vector<16xf32>, vector<16xf32>, vector<16xi1>) -> (vector<16xi1>, vector<16xf32>, vector<16xf32>)
      %sort3A_1282 = arith.constant dense<true> : vector<16xi1>
      %sort3A_1283, %sort3A_1284, %sort3A_1285 = tpu.sort %select_n3A_1254, %select_n3A_1254 masked %sort3A_1282 : (vector<16xf32>, vector<16xf32>, vector<16xi1>) -> (vector<16xi1>, vector<16xf32>, vector<16xf32>)
      %rev3A_1286 = arith.constant 15 : i32
      %rev3A_1287 = vector.broadcast %rev3A_1286 : i32 to vector<16xi32>
      %rev3A_1288 = tpu.iota {dimensions = array<i32: 0>} : vector<16xi32>
      %rev3A_1289 = arith.subi %rev3A_1287, %rev3A_1288 : vector<16xi32>
      %rev3A_1290 = tpu.dynamic_gather %sort3A_1284[%rev3A_1289] in [0] : vector<16xf32>, vector<16xi32> -> vector<16xf32>
      %min3A_1291 = arith.minimumf %sort3A_1280, %rev3A_1290 : vector<16xf32>
      %sort3A_1292 = arith.constant dense<true> : vector<16xi1>
      %sort3A_1293, %sort3A_1294, %sort3A_1295 = tpu.sort %min3A_1291, %min3A_1291 masked %sort3A_1292 : (vector<16xf32>, vector<16xf32>, vector<16xi1>) -> (vector<16xi1>, vector<16xf32>, vector<16xf32>)
      %max3A_1296 = arith.maximumf %sort3A_1280, %rev3A_1290 : vector<16xf32>
      %sort3A_1297 = arith.constant dense<true> : vector<16xi1>
      %sort3A_1298, %sort3A_1299, %sort3A_1300 = tpu.sort %max3A_1296, %max3A_1296 masked %sort3A_1297 : (vector<16xf32>, vector<16xf32>, vector<16xi1>) -> (vector<16xi1>, vector<16xf32>, vector<16xf32>)
      %rev3A_1301 = arith.constant 15 : i32
      %rev3A_1302 = vector.broadcast %rev3A_1301 : i32 to vector<16xi32>
      %rev3A_1303 = tpu.iota {dimensions = array<i32: 0>} : vector<16xi32>
      %rev3A_1304 = arith.subi %rev3A_1302, %rev3A_1303 : vector<16xi32>
      %rev3A_1305 = tpu.dynamic_gather %sort3A_1299[%rev3A_1304] in [0] : vector<16xf32>, vector<16xi32> -> vector<16xf32>
      %rev3A_1306 = arith.constant 15 : i32
      %rev3A_1307 = vector.broadcast %rev3A_1306 : i32 to vector<16xi32>
      %rev3A_1308 = tpu.iota {dimensions = array<i32: 0>} : vector<16xi32>
      %rev3A_1309 = arith.subi %rev3A_1307, %rev3A_1308 : vector<16xi32>
      %rev3A_1310 = tpu.dynamic_gather %sort3A_1294[%rev3A_1309] in [0] : vector<16xf32>, vector<16xi32> -> vector<16xf32>
      %min3A_1311 = arith.minimumf %sort3A_1271, %rev3A_1305 : vector<16xf32>
      %min3A_1312 = arith.minimumf %sort3A_1276, %rev3A_1310 : vector<16xf32>
      %max3A_1313 = arith.maximumf %sort3A_1271, %rev3A_1305 : vector<16xf32>
      %max3A_1314 = arith.maximumf %sort3A_1276, %rev3A_1310 : vector<16xf32>
      %min3A_1315 = arith.minimumf %min3A_1311, %min3A_1312 : vector<16xf32>
      %sort3A_1316 = arith.constant dense<true> : vector<16xi1>
      %sort3A_1317, %sort3A_1318, %sort3A_1319 = tpu.sort %min3A_1315, %min3A_1315 masked %sort3A_1316 : (vector<16xf32>, vector<16xf32>, vector<16xi1>) -> (vector<16xi1>, vector<16xf32>, vector<16xf32>)
      %max3A_1320 = arith.maximumf %min3A_1311, %min3A_1312 : vector<16xf32>
      %sort3A_1321 = arith.constant dense<true> : vector<16xi1>
      %sort3A_1322, %sort3A_1323, %sort3A_1324 = tpu.sort %max3A_1320, %max3A_1320 masked %sort3A_1321 : (vector<16xf32>, vector<16xf32>, vector<16xi1>) -> (vector<16xi1>, vector<16xf32>, vector<16xf32>)
      %min3A_1325 = arith.minimumf %max3A_1313, %max3A_1314 : vector<16xf32>
      %sort3A_1326 = arith.constant dense<true> : vector<16xi1>
      %sort3A_1327, %sort3A_1328, %sort3A_1329 = tpu.sort %min3A_1325, %min3A_1325 masked %sort3A_1326 : (vector<16xf32>, vector<16xf32>, vector<16xi1>) -> (vector<16xi1>, vector<16xf32>, vector<16xf32>)
      %max3A_1330 = arith.maximumf %max3A_1313, %max3A_1314 : vector<16xf32>
      %sort3A_1331 = arith.constant dense<true> : vector<16xi1>
      %sort3A_1332, %sort3A_1333, %sort3A_1334 = tpu.sort %max3A_1330, %max3A_1330 masked %sort3A_1331 : (vector<16xf32>, vector<16xf32>, vector<16xi1>) -> (vector<16xi1>, vector<16xf32>, vector<16xf32>)
      %rev3A_1335 = arith.constant 15 : i32
      %rev3A_1336 = vector.broadcast %rev3A_1335 : i32 to vector<16xi32>
      %rev3A_1337 = tpu.iota {dimensions = array<i32: 0>} : vector<16xi32>
      %rev3A_1338 = arith.subi %rev3A_1336, %rev3A_1337 : vector<16xi32>
      %rev3A_1339 = tpu.dynamic_gather %sort3A_1333[%rev3A_1338] in [0] : vector<16xf32>, vector<16xi32> -> vector<16xf32>
      %max3A_1340 = arith.maximumf %while3A_1220, %rev3A_1339 : vector<16xf32>
      %rev3A_1341 = arith.constant 15 : i32
      %rev3A_1342 = vector.broadcast %rev3A_1341 : i32 to vector<16xi32>
      %rev3A_1343 = tpu.iota {dimensions = array<i32: 0>} : vector<16xi32>
      %rev3A_1344 = arith.subi %rev3A_1342, %rev3A_1343 : vector<16xi32>
      %rev3A_1345 = tpu.dynamic_gather %sort3A_1328[%rev3A_1344] in [0] : vector<16xf32>, vector<16xi32> -> vector<16xf32>
      %max3A_1346 = arith.maximumf %while3A_1221, %rev3A_1345 : vector<16xf32>
      %rev3A_1347 = arith.constant 15 : i32
      %rev3A_1348 = vector.broadcast %rev3A_1347 : i32 to vector<16xi32>
      %rev3A_1349 = tpu.iota {dimensions = array<i32: 0>} : vector<16xi32>
      %rev3A_1350 = arith.subi %rev3A_1348, %rev3A_1349 : vector<16xi32>
      %rev3A_1351 = tpu.dynamic_gather %sort3A_1323[%rev3A_1350] in [0] : vector<16xf32>, vector<16xi32> -> vector<16xf32>
      %max3A_1352 = arith.maximumf %while3A_1222, %rev3A_1351 : vector<16xf32>
      %rev3A_1353 = arith.constant 15 : i32
      %rev3A_1354 = vector.broadcast %rev3A_1353 : i32 to vector<16xi32>
      %rev3A_1355 = tpu.iota {dimensions = array<i32: 0>} : vector<16xi32>
      %rev3A_1356 = arith.subi %rev3A_1354, %rev3A_1355 : vector<16xi32>
      %rev3A_1357 = tpu.dynamic_gather %sort3A_1318[%rev3A_1356] in [0] : vector<16xf32>, vector<16xi32> -> vector<16xf32>
      %max3A_1358 = arith.maximumf %while3A_1223, %rev3A_1357 : vector<16xf32>
      %min3A_1359 = arith.minimumf %max3A_1340, %max3A_1352 : vector<16xf32>
      %min3A_1360 = arith.minimumf %max3A_1346, %max3A_1358 : vector<16xf32>
      %max3A_1361 = arith.maximumf %max3A_1340, %max3A_1352 : vector<16xf32>
      %max3A_1362 = arith.maximumf %max3A_1346, %max3A_1358 : vector<16xf32>
      %min3A_1363 = arith.minimumf %min3A_1359, %min3A_1360 : vector<16xf32>
      %sort3A_1364 = arith.constant dense<true> : vector<16xi1>
      %sort3A_1365, %sort3A_1366, %sort3A_1367 = tpu.sort %min3A_1363, %min3A_1363 masked %sort3A_1364 : (vector<16xf32>, vector<16xf32>, vector<16xi1>) -> (vector<16xi1>, vector<16xf32>, vector<16xf32>)
      %max3A_1368 = arith.maximumf %min3A_1359, %min3A_1360 : vector<16xf32>
      %sort3A_1369 = arith.constant dense<true> : vector<16xi1>
      %sort3A_1370, %sort3A_1371, %sort3A_1372 = tpu.sort %max3A_1368, %max3A_1368 masked %sort3A_1369 : (vector<16xf32>, vector<16xf32>, vector<16xi1>) -> (vector<16xi1>, vector<16xf32>, vector<16xf32>)
      %min3A_1373 = arith.minimumf %max3A_1361, %max3A_1362 : vector<16xf32>
      %sort3A_1374 = arith.constant dense<true> : vector<16xi1>
      %sort3A_1375, %sort3A_1376, %sort3A_1377 = tpu.sort %min3A_1373, %min3A_1373 masked %sort3A_1374 : (vector<16xf32>, vector<16xf32>, vector<16xi1>) -> (vector<16xi1>, vector<16xf32>, vector<16xf32>)
      %max3A_1378 = arith.maximumf %max3A_1361, %max3A_1362 : vector<16xf32>
      %sort3A_1379 = arith.constant dense<true> : vector<16xi1>
      %sort3A_1380, %sort3A_1381, %sort3A_1382 = tpu.sort %max3A_1378, %max3A_1378 masked %sort3A_1379 : (vector<16xf32>, vector<16xf32>, vector<16xi1>) -> (vector<16xi1>, vector<16xf32>, vector<16xf32>)
      scf.yield %sort3A_1366, %sort3A_1371, %sort3A_1376, %sort3A_1381 : vector<16xf32>, vector<16xf32>, vector<16xf32>, vector<16xf32>
    }
    %while3A_260 = arith.constant 1 : i32
    %while3A_261:4 = scf.for %while3A_1219 = %while3A_257 to %while3A_253 step %while3A_260 iter_args(%while3A_1220 = %while3A_259#0, %while3A_1221 = %while3A_259#1, %while3A_1222 = %while3A_259#2, %while3A_1223 = %while3A_259#3) -> (vector<16xf32>, vector<16xf32>, vector<16xf32>, vector<16xf32>)  : i32 {
      %mul3A_1224 = arith.constant 4 : i32
      %mul3A_1225 = arith.muli %while3A_1219, %mul3A_1224 : i32
      %add3A_1226 = arith.constant 0 : i32
      %add3A_1227 = arith.addi %mul3A_1225, %add3A_1226 : i32
      %add3A_1228 = vector.broadcast %add3A_1227 : i32 to vector<16xi32>
      %add3A_1229 = arith.addi %mul3A_237, %add3A_1228 : vector<16xi32>
      %gather3A = tpu.vector_load_idx %arg6[%add3A_1229] : memref<8256xf32, #tpu.memory_space<vmem>>[vector<16xi32>], vector<16xf32>,
      %lt3A = vector.broadcast %add3A_1227 : i32 to vector<16xi32>
      %lt3A_1230 = arith.cmpi slt, %lt3A, %sub3A : vector<16xi32>
      %select_n3A = arith.select %lt3A_1230, %gather3A, %broadcast_in_dim3A_1 : vector<16xi1>, vector<16xf32>
      %add3A_1231 = arith.constant 1 : i32
      %add3A_1232 = arith.addi %mul3A_1225, %add3A_1231 : i32
      %add3A_1233 = vector.broadcast %add3A_1232 : i32 to vector<16xi32>
      %add3A_1234 = arith.addi %mul3A_237, %add3A_1233 : vector<16xi32>
      %gather3A_1235 = tpu.vector_load_idx %arg6[%add3A_1234] : memref<8256xf32, #tpu.memory_space<vmem>>[vector<16xi32>], vector<16xf32>,
      %lt3A_1236 = vector.broadcast %add3A_1232 : i32 to vector<16xi32>
      %lt3A_1237 = arith.cmpi slt, %lt3A_1236, %sub3A : vector<16xi32>
      %select_n3A_1238 = arith.select %lt3A_1237, %gather3A_1235, %broadcast_in_dim3A_1 : vector<16xi1>, vector<16xf32>
      %add3A_1239 = arith.constant 2 : i32
      %add3A_1240 = arith.addi %mul3A_1225, %add3A_1239 : i32
      %add3A_1241 = vector.broadcast %add3A_1240 : i32 to vector<16xi32>
      %add3A_1242 = arith.addi %mul3A_237, %add3A_1241 : vector<16xi32>
      %gather3A_1243 = tpu.vector_load_idx %arg6[%add3A_1242] : memref<8256xf32, #tpu.memory_space<vmem>>[vector<16xi32>], vector<16xf32>,
      %lt3A_1244 = vector.broadcast %add3A_1240 : i32 to vector<16xi32>
      %lt3A_1245 = arith.cmpi slt, %lt3A_1244, %sub3A : vector<16xi32>
      %select_n3A_1246 = arith.select %lt3A_1245, %gather3A_1243, %broadcast_in_dim3A_1 : vector<16xi1>, vector<16xf32>
      %add3A_1247 = arith.constant 3 : i32
      %add3A_1248 = arith.addi %mul3A_1225, %add3A_1247 : i32
      %add3A_1249 = vector.broadcast %add3A_1248 : i32 to vector<16xi32>
      %add3A_1250 = arith.addi %mul3A_237, %add3A_1249 : vector<16xi32>
      %gather3A_1251 = tpu.vector_load_idx %arg6[%add3A_1250] : memref<8256xf32, #tpu.memory_space<vmem>>[vector<16xi32>], vector<16xf32>,
      %lt3A_1252 = vector.broadcast %add3A_1248 : i32 to vector<16xi32>
      %lt3A_1253 = arith.cmpi slt, %lt3A_1252, %sub3A : vector<16xi32>
      %select_n3A_1254 = arith.select %lt3A_1253, %gather3A_1251, %broadcast_in_dim3A_1 : vector<16xi1>, vector<16xf32>
      %sort3A_1255 = arith.constant dense<true> : vector<16xi1>
      %sort3A_1256, %sort3A_1257, %sort3A_1258 = tpu.sort %select_n3A, %select_n3A masked %sort3A_1255 : (vector<16xf32>, vector<16xf32>, vector<16xi1>) -> (vector<16xi1>, vector<16xf32>, vector<16xf32>)
      %sort3A_1259 = arith.constant dense<true> : vector<16xi1>
      %sort3A_1260, %sort3A_1261, %sort3A_1262 = tpu.sort %select_n3A_1238, %select_n3A_1238 masked %sort3A_1259 : (vector<16xf32>, vector<16xf32>, vector<16xi1>) -> (vector<16xi1>, vector<16xf32>, vector<16xf32>)
      %rev3A_1263 = arith.constant 15 : i32
      %rev3A_1264 = vector.broadcast %rev3A_1263 : i32 to vector<16xi32>
      %rev3A_1265 = tpu.iota {dimensions = array<i32: 0>} : vector<16xi32>
      %rev3A_1266 = arith.subi %rev3A_1264, %rev3A_1265 : vector<16xi32>
      %rev3A_1267 = tpu.dynamic_gather %sort3A_1261[%rev3A_1266] in [0] : vector<16xf32>, vector<16xi32> -> vector<16xf32>
      %min3A_1268 = arith.minimumf %sort3A_1257, %rev3A_1267 : vector<16xf32>
      %sort3A_1269 = arith.constant dense<true> : vector<16xi1>
      %sort3A_1270, %sort3A_1271, %sort3A_1272 = tpu.sort %min3A_1268, %min3A_1268 masked %sort3A_1269 : (vector<16xf32>, vector<16xf32>, vector<16xi1>) -> (vector<16xi1>, vector<16xf32>, vector<16xf32>)
      %max3A_1273 = arith.maximumf %sort3A_1257, %rev3A_1267 : vector<16xf32>
      %sort3A_1274 = arith.constant dense<true> : vector<16xi1>
      %sort3A_1275, %sort3A_1276, %sort3A_1277 = tpu.sort %max3A_1273, %max3A_1273 masked %sort3A_1274 : (vector<16xf32>, vector<16xf32>, vector<16xi1>) -> (vector<16xi1>, vector<16xf32>, vector<16xf32>)
      %sort3A_1278 = arith.constant dense<true> : vector<16xi1>
      %sort3A_1279, %sort3A_1280, %sort3A_1281 = tpu.sort %select_n3A_1246, %select_n3A_1246 masked %sort3A_1278 : (vector<16xf32>, vector<16xf32>, vector<16xi1>) -> (vector<16xi1>, vector<16xf32>, vector<16xf32>)
      %sort3A_1282 = arith.constant dense<true> : vector<16xi1>
      %sort3A_1283, %sort3A_1284, %sort3A_1285 = tpu.sort %select_n3A_1254, %select_n3A_1254 masked %sort3A_1282 : (vector<16xf32>, vector<16xf32>, vector<16xi1>) -> (vector<16xi1>, vector<16xf32>, vector<16xf32>)
      %rev3A_1286 = arith.constant 15 : i32
      %rev3A_1287 = vector.broadcast %rev3A_1286 : i32 to vector<16xi32>
      %rev3A_1288 = tpu.iota {dimensions = array<i32: 0>} : vector<16xi32>
      %rev3A_1289 = arith.subi %rev3A_1287, %rev3A_1288 : vector<16xi32>
      %rev3A_1290 = tpu.dynamic_gather %sort3A_1284[%rev3A_1289] in [0] : vector<16xf32>, vector<16xi32> -> vector<16xf32>
      %min3A_1291 = arith.minimumf %sort3A_1280, %rev3A_1290 : vector<16xf32>
      %sort3A_1292 = arith.constant dense<true> : vector<16xi1>
      %sort3A_1293, %sort3A_1294, %sort3A_1295 = tpu.sort %min3A_1291, %min3A_1291 masked %sort3A_1292 : (vector<16xf32>, vector<16xf32>, vector<16xi1>) -> (vector<16xi1>, vector<16xf32>, vector<16xf32>)
      %max3A_1296 = arith.maximumf %sort3A_1280, %rev3A_1290 : vector<16xf32>
      %sort3A_1297 = arith.constant dense<true> : vector<16xi1>
      %sort3A_1298, %sort3A_1299, %sort3A_1300 = tpu.sort %max3A_1296, %max3A_1296 masked %sort3A_1297 : (vector<16xf32>, vector<16xf32>, vector<16xi1>) -> (vector<16xi1>, vector<16xf32>, vector<16xf32>)
      %rev3A_1301 = arith.constant 15 : i32
      %rev3A_1302 = vector.broadcast %rev3A_1301 : i32 to vector<16xi32>
      %rev3A_1303 = tpu.iota {dimensions = array<i32: 0>} : vector<16xi32>
      %rev3A_1304 = arith.subi %rev3A_1302, %rev3A_1303 : vector<16xi32>
      %rev3A_1305 = tpu.dynamic_gather %sort3A_1299[%rev3A_1304] in [0] : vector<16xf32>, vector<16xi32> -> vector<16xf32>
      %rev3A_1306 = arith.constant 15 : i32
      %rev3A_1307 = vector.broadcast %rev3A_1306 : i32 to vector<16xi32>
      %rev3A_1308 = tpu.iota {dimensions = array<i32: 0>} : vector<16xi32>
      %rev3A_1309 = arith.subi %rev3A_1307, %rev3A_1308 : vector<16xi32>
      %rev3A_1310 = tpu.dynamic_gather %sort3A_1294[%rev3A_1309] in [0] : vector<16xf32>, vector<16xi32> -> vector<16xf32>
      %min3A_1311 = arith.minimumf %sort3A_1271, %rev3A_1305 : vector<16xf32>
      %min3A_1312 = arith.minimumf %sort3A_1276, %rev3A_1310 : vector<16xf32>
      %max3A_1313 = arith.maximumf %sort3A_1271, %rev3A_1305 : vector<16xf32>
      %max3A_1314 = arith.maximumf %sort3A_1276, %rev3A_1310 : vector<16xf32>
      %min3A_1315 = arith.minimumf %min3A_1311, %min3A_1312 : vector<16xf32>
      %sort3A_1316 = arith.constant dense<true> : vector<16xi1>
      %sort3A_1317, %sort3A_1318, %sort3A_1319 = tpu.sort %min3A_1315, %min3A_1315 masked %sort3A_1316 : (vector<16xf32>, vector<16xf32>, vector<16xi1>) -> (vector<16xi1>, vector<16xf32>, vector<16xf32>)
      %max3A_1320 = arith.maximumf %min3A_1311, %min3A_1312 : vector<16xf32>
      %sort3A_1321 = arith.constant dense<true> : vector<16xi1>
      %sort3A_1322, %sort3A_1323, %sort3A_1324 = tpu.sort %max3A_1320, %max3A_1320 masked %sort3A_1321 : (vector<16xf32>, vector<16xf32>, vector<16xi1>) -> (vector<16xi1>, vector<16xf32>, vector<16xf32>)
      %min3A_1325 = arith.minimumf %max3A_1313, %max3A_1314 : vector<16xf32>
      %sort3A_1326 = arith.constant dense<true> : vector<16xi1>
      %sort3A_1327, %sort3A_1328, %sort3A_1329 = tpu.sort %min3A_1325, %min3A_1325 masked %sort3A_1326 : (vector<16xf32>, vector<16xf32>, vector<16xi1>) -> (vector<16xi1>, vector<16xf32>, vector<16xf32>)
      %max3A_1330 = arith.maximumf %max3A_1313, %max3A_1314 : vector<16xf32>
      %sort3A_1331 = arith.constant dense<true> : vector<16xi1>
      %sort3A_1332, %sort3A_1333, %sort3A_1334 = tpu.sort %max3A_1330, %max3A_1330 masked %sort3A_1331 : (vector<16xf32>, vector<16xf32>, vector<16xi1>) -> (vector<16xi1>, vector<16xf32>, vector<16xf32>)
      %rev3A_1335 = arith.constant 15 : i32
      %rev3A_1336 = vector.broadcast %rev3A_1335 : i32 to vector<16xi32>
      %rev3A_1337 = tpu.iota {dimensions = array<i32: 0>} : vector<16xi32>
      %rev3A_1338 = arith.subi %rev3A_1336, %rev3A_1337 : vector<16xi32>
      %rev3A_1339 = tpu.dynamic_gather %sort3A_1333[%rev3A_1338] in [0] : vector<16xf32>, vector<16xi32> -> vector<16xf32>
      %max3A_1340 = arith.maximumf %while3A_1220, %rev3A_1339 : vector<16xf32>
      %rev3A_1341 = arith.constant 15 : i32
      %rev3A_1342 = vector.broadcast %rev3A_1341 : i32 to vector<16xi32>
      %rev3A_1343 = tpu.iota {dimensions = array<i32: 0>} : vector<16xi32>
      %rev3A_1344 = arith.subi %rev3A_1342, %rev3A_1343 : vector<16xi32>
      %rev3A_1345 = tpu.dynamic_gather %sort3A_1328[%rev3A_1344] in [0] : vector<16xf32>, vector<16xi32> -> vector<16xf32>
      %max3A_1346 = arith.maximumf %while3A_1221, %rev3A_1345 : vector<16xf32>
      %rev3A_1347 = arith.constant 15 : i32
      %rev3A_1348 = vector.broadcast %rev3A_1347 : i32 to vector<16xi32>
      %rev3A_1349 = tpu.iota {dimensions = array<i32: 0>} : vector<16xi32>
      %rev3A_1350 = arith.subi %rev3A_1348, %rev3A_1349 : vector<16xi32>
      %rev3A_1351 = tpu.dynamic_gather %sort3A_1323[%rev3A_1350] in [0] : vector<16xf32>, vector<16xi32> -> vector<16xf32>
      %max3A_1352 = arith.maximumf %while3A_1222, %rev3A_1351 : vector<16xf32>
      %rev3A_1353 = arith.constant 15 : i32
      %rev3A_1354 = vector.broadcast %rev3A_1353 : i32 to vector<16xi32>
      %rev3A_1355 = tpu.iota {dimensions = array<i32: 0>} : vector<16xi32>
      %rev3A_1356 = arith.subi %rev3A_1354, %rev3A_1355 : vector<16xi32>
      %rev3A_1357 = tpu.dynamic_gather %sort3A_1318[%rev3A_1356] in [0] : vector<16xf32>, vector<16xi32> -> vector<16xf32>
      %max3A_1358 = arith.maximumf %while3A_1223, %rev3A_1357 : vector<16xf32>
      %min3A_1359 = arith.minimumf %max3A_1340, %max3A_1352 : vector<16xf32>
      %min3A_1360 = arith.minimumf %max3A_1346, %max3A_1358 : vector<16xf32>
      %max3A_1361 = arith.maximumf %max3A_1340, %max3A_1352 : vector<16xf32>
      %max3A_1362 = arith.maximumf %max3A_1346, %max3A_1358 : vector<16xf32>
      %min3A_1363 = arith.minimumf %min3A_1359, %min3A_1360 : vector<16xf32>
      %sort3A_1364 = arith.constant dense<true> : vector<16xi1>
      %sort3A_1365, %sort3A_1366, %sort3A_1367 = tpu.sort %min3A_1363, %min3A_1363 masked %sort3A_1364 : (vector<16xf32>, vector<16xf32>, vector<16xi1>) -> (vector<16xi1>, vector<16xf32>, vector<16xf32>)
      %max3A_1368 = arith.maximumf %min3A_1359, %min3A_1360 : vector<16xf32>
      %sort3A_1369 = arith.constant dense<true> : vector<16xi1>
      %sort3A_1370, %sort3A_1371, %sort3A_1372 = tpu.sort %max3A_1368, %max3A_1368 masked %sort3A_1369 : (vector<16xf32>, vector<16xf32>, vector<16xi1>) -> (vector<16xi1>, vector<16xf32>, vector<16xf32>)
      %min3A_1373 = arith.minimumf %max3A_1361, %max3A_1362 : vector<16xf32>
      %sort3A_1374 = arith.constant dense<true> : vector<16xi1>
      %sort3A_1375, %sort3A_1376, %sort3A_1377 = tpu.sort %min3A_1373, %min3A_1373 masked %sort3A_1374 : (vector<16xf32>, vector<16xf32>, vector<16xi1>) -> (vector<16xi1>, vector<16xf32>, vector<16xf32>)
      %max3A_1378 = arith.maximumf %max3A_1361, %max3A_1362 : vector<16xf32>
      %sort3A_1379 = arith.constant dense<true> : vector<16xi1>
      %sort3A_1380, %sort3A_1381, %sort3A_1382 = tpu.sort %max3A_1378, %max3A_1378 masked %sort3A_1379 : (vector<16xf32>, vector<16xf32>, vector<16xi1>) -> (vector<16xi1>, vector<16xf32>, vector<16xf32>)
      scf.yield %sort3A_1366, %sort3A_1371, %sort3A_1376, %sort3A_1381 : vector<16xf32>, vector<16xf32>, vector<16xf32>, vector<16xf32>
    }
    %rev3A_262 = arith.constant 15 : i32
    %rev3A_263 = vector.broadcast %rev3A_262 : i32 to vector<16xi32>
    %rev3A_264 = tpu.iota {dimensions = array<i32: 0>} : vector<16xi32>
    %rev3A_265 = arith.subi %rev3A_263, %rev3A_264 : vector<16xi32>
    %rev3A_266 = tpu.dynamic_gather %while3A_261#3[%rev3A_265] in [0] : vector<16xf32>, vector<16xi32> -> vector<16xf32>
    %swap3A = arith.constant 0 : i32
    %swap3A_267 = arith.constant 0 : i32
    %swap3A_268 = tpu.memref_slice %arg7[%swap3A, %swap3A_267] : memref<4x64xf32, #tpu.memory_space<vmem>> -> memref<1x64xf32, #tpu.memory_space<vmem>>
    %swap3A_269 = tpu.memref_squeeze %swap3A_268 : memref<1x64xf32, #tpu.memory_space<vmem>> -> memref<64xf32, #tpu.memory_space<vmem>>
    %swap3A_270 = arith.constant 0 : index
    %swap3A_271 = tpu.vector_load %swap3A_269[%swap3A_270] {strides = array<i32>} : memref<64xf32, #tpu.memory_space<vmem>>, vector<16xf32>,
    tpu.vector_store %swap3A_269[%swap3A_270], %rev3A_266 {strides = array<i32>} : memref<64xf32, #tpu.memory_space<vmem>>, vector<16xf32>,
    %rev3A_272 = arith.constant 15 : i32
    %rev3A_273 = vector.broadcast %rev3A_272 : i32 to vector<16xi32>
    %rev3A_274 = tpu.iota {dimensions = array<i32: 0>} : vector<16xi32>
    %rev3A_275 = arith.subi %rev3A_273, %rev3A_274 : vector<16xi32>
    %rev3A_276 = tpu.dynamic_gather %while3A_261#2[%rev3A_275] in [0] : vector<16xf32>, vector<16xi32> -> vector<16xf32>
    %swap3A_277 = arith.constant 0 : i32
    %swap3A_278 = arith.constant 0 : i32
    %swap3A_279 = tpu.memref_slice %arg7[%swap3A_277, %swap3A_278] : memref<4x64xf32, #tpu.memory_space<vmem>> -> memref<1x64xf32, #tpu.memory_space<vmem>>
    %swap3A_280 = tpu.memref_squeeze %swap3A_279 : memref<1x64xf32, #tpu.memory_space<vmem>> -> memref<64xf32, #tpu.memory_space<vmem>>
    %swap3A_281 = arith.constant 16 : index
    %swap3A_282 = tpu.vector_load %swap3A_280[%swap3A_281] {strides = array<i32>} : memref<64xf32, #tpu.memory_space<vmem>>, vector<16xf32>,
    tpu.vector_store %swap3A_280[%swap3A_281], %rev3A_276 {strides = array<i32>} : memref<64xf32, #tpu.memory_space<vmem>>, vector<16xf32>,
    %rev3A_283 = arith.constant 15 : i32
    %rev3A_284 = vector.broadcast %rev3A_283 : i32 to vector<16xi32>
    %rev3A_285 = tpu.iota {dimensions = array<i32: 0>} : vector<16xi32>
    %rev3A_286 = arith.subi %rev3A_284, %rev3A_285 : vector<16xi32>
    %rev3A_287 = tpu.dynamic_gather %while3A_261#1[%rev3A_286] in [0] : vector<16xf32>, vector<16xi32> -> vector<16xf32>
    %swap3A_288 = arith.constant 0 : i32
    %swap3A_289 = arith.constant 0 : i32
    %swap3A_290 = tpu.memref_slice %arg7[%swap3A_288, %swap3A_289] : memref<4x64xf32, #tpu.memory_space<vmem>> -> memref<1x64xf32, #tpu.memory_space<vmem>>
    %swap3A_291 = tpu.memref_squeeze %swap3A_290 : memref<1x64xf32, #tpu.memory_space<vmem>> -> memref<64xf32, #tpu.memory_space<vmem>>
    %swap3A_292 = arith.constant 32 : index
    %swap3A_293 = tpu.vector_load %swap3A_291[%swap3A_292] {strides = array<i32>} : memref<64xf32, #tpu.memory_space<vmem>>, vector<16xf32>,
    tpu.vector_store %swap3A_291[%swap3A_292], %rev3A_287 {strides = array<i32>} : memref<64xf32, #tpu.memory_space<vmem>>, vector<16xf32>,
    %rev3A_294 = arith.constant 15 : i32
    %rev3A_295 = vector.broadcast %rev3A_294 : i32 to vector<16xi32>
    %rev3A_296 = tpu.iota {dimensions = array<i32: 0>} : vector<16xi32>
    %rev3A_297 = arith.subi %rev3A_295, %rev3A_296 : vector<16xi32>
    %rev3A_298 = tpu.dynamic_gather %while3A_261#0[%rev3A_297] in [0] : vector<16xf32>, vector<16xi32> -> vector<16xf32>
    %swap3A_299 = arith.constant 0 : i32
    %swap3A_300 = arith.constant 0 : i32
    %swap3A_301 = tpu.memref_slice %arg7[%swap3A_299, %swap3A_300] : memref<4x64xf32, #tpu.memory_space<vmem>> -> memref<1x64xf32, #tpu.memory_space<vmem>>
    %swap3A_302 = tpu.memref_squeeze %swap3A_301 : memref<1x64xf32, #tpu.memory_space<vmem>> -> memref<64xf32, #tpu.memory_space<vmem>>
    %swap3A_303 = arith.constant 48 : index
    %swap3A_304 = tpu.vector_load %swap3A_302[%swap3A_303] {strides = array<i32>} : memref<64xf32, #tpu.memory_space<vmem>>, vector<16xf32>,
    tpu.vector_store %swap3A_302[%swap3A_303], %rev3A_298 {strides = array<i32>} : memref<64xf32, #tpu.memory_space<vmem>>, vector<16xf32>,
    %dma_wait3A_305 = arith.constant 0 : i32
    %dma_wait3A_306 = tpu.memref_slice %arg2[%add3A_17, %dma_wait3A_305] : memref<128x8192xf32, #tpu.memory_space<hbm>> -> memref<1x8192xf32, #tpu.memory_space<hbm>>
    %dma_wait3A_307 = tpu.memref_squeeze %dma_wait3A_306 : memref<1x8192xf32, #tpu.memory_space<hbm>> -> memref<8192xf32, #tpu.memory_space<hbm>>
    %dma_wait3A_308 = arith.constant 0 : i32
    %dma_wait3A_309 = tpu.memref_slice %arg2[%add3A_17, %dma_wait3A_308] : memref<128x8192xf32, #tpu.memory_space<hbm>> -> memref<1x8192xf32, #tpu.memory_space<hbm>>
    %dma_wait3A_310 = tpu.memref_squeeze %dma_wait3A_309 : memref<1x8192xf32, #tpu.memory_space<hbm>> -> memref<8192xf32, #tpu.memory_space<hbm>>
    tpu.wait_dma2 semaphore(%arg9 : memref<!tpu.dma_semaphore, #tpu.memory_space<semaphore_mem>>) src(%dma_wait3A_310 : memref<8192xf32, #tpu.memory_space<hbm>>) dst(%arg5 : memref<8192xf32, #tpu.memory_space<vmem>>)
    %add3A_311 = arith.constant 1 : i32
    %add3A_312 = arith.addi %mul3A_3, %add3A_311 : i32
    %add3A_313 = arith.constant 1 : i32
    %add3A_314 = arith.addi %add3A_312, %add3A_313 : i32
    %dma_start3A_315 = arith.constant 0 : i32
    %dma_start3A_316 = tpu.memref_slice %arg2[%add3A_314, %dma_start3A_315] : memref<128x8192xf32, #tpu.memory_space<hbm>> -> memref<1x8192xf32, #tpu.memory_space<hbm>>
    %dma_start3A_317 = tpu.memref_squeeze %dma_start3A_316 : memref<1x8192xf32, #tpu.memory_space<hbm>> -> memref<8192xf32, #tpu.memory_space<hbm>>
    %dma_start3A_318 = arith.constant 0 : i32
    %dma_start3A_319 = tpu.memref_slice %arg2[%add3A_314, %dma_start3A_318] : memref<128x8192xf32, #tpu.memory_space<hbm>> -> memref<1x8192xf32, #tpu.memory_space<hbm>>
    %dma_start3A_320 = tpu.memref_squeeze %dma_start3A_319 : memref<1x8192xf32, #tpu.memory_space<hbm>> -> memref<8192xf32, #tpu.memory_space<hbm>>
    tpu.enqueue_dma source(%dma_start3A_320 : memref<8192xf32, #tpu.memory_space<hbm>>) target(%arg4 : memref<8192xf32, #tpu.memory_space<vmem>>) target_semaphore(%arg8 : memref<!tpu.dma_semaphore, #tpu.memory_space<semaphore_mem>>)
    %parallel_loop3A_321 = arith.constant 0 : i32
    %parallel_loop3A_322 = arith.constant 64 : i32
    %parallel_loop3A_323 = arith.constant 1 : i32
    %parallel_loop3A_324:8 = scf.for %parallel_loop3A_1219 = %parallel_loop3A_321 to %parallel_loop3A_322 step %parallel_loop3A_323 iter_args(%parallel_loop3A_1220 = %broadcast_in_dim3A_1, %parallel_loop3A_1221 = %broadcast_in_dim3A_1, %parallel_loop3A_1222 = %broadcast_in_dim3A_1, %parallel_loop3A_1223 = %broadcast_in_dim3A_1, %parallel_loop3A_1224 = %broadcast_in_dim3A_1, %parallel_loop3A_1225 = %broadcast_in_dim3A_1, %parallel_loop3A_1226 = %broadcast_in_dim3A_1, %parallel_loop3A_1227 = %broadcast_in_dim3A_1) -> (vector<16xf32>, vector<16xf32>, vector<16xf32>, vector<16xf32>, vector<16xf32>, vector<16xf32>, vector<16xf32>, vector<16xf32>)  : i32 {
      %parallel_loop3A_1228 = arith.constant 128 : i32
      %parallel_loop3A_1229 = arith.muli %parallel_loop3A_1219, %parallel_loop3A_1228 : i32
      %parallel_loop3A_1230 = arith.constant 0 : i32
      %parallel_loop3A_1231 = arith.addi %parallel_loop3A_1229, %parallel_loop3A_1230 : i32
      %parallel_loop3A_1232 = arith.index_cast %parallel_loop3A_1231 : i32 to index
      %parallel_loop3A_1233 = tpu.vector_load %arg5[%parallel_loop3A_1232] {strides = array<i32>} : memref<8192xf32, #tpu.memory_space<vmem>>, vector<16xf32>,
      %parallel_loop3A_1234 = arith.maximumf %parallel_loop3A_1220, %parallel_loop3A_1233 : vector<16xf32>
      %parallel_loop3A_1235 = arith.constant 16 : i32
      %parallel_loop3A_1236 = arith.addi %parallel_loop3A_1229, %parallel_loop3A_1235 : i32
      %parallel_loop3A_1237 = arith.index_cast %parallel_loop3A_1236 : i32 to index
      %parallel_loop3A_1238 = tpu.vector_load %arg5[%parallel_loop3A_1237] {strides = array<i32>} : memref<8192xf32, #tpu.memory_space<vmem>>, vector<16xf32>,
      %parallel_loop3A_1239 = arith.maximumf %parallel_loop3A_1221, %parallel_loop3A_1238 : vector<16xf32>
      %parallel_loop3A_1240 = arith.constant 32 : i32
      %parallel_loop3A_1241 = arith.addi %parallel_loop3A_1229, %parallel_loop3A_1240 : i32
      %parallel_loop3A_1242 = arith.index_cast %parallel_loop3A_1241 : i32 to index
      %parallel_loop3A_1243 = tpu.vector_load %arg5[%parallel_loop3A_1242] {strides = array<i32>} : memref<8192xf32, #tpu.memory_space<vmem>>, vector<16xf32>,
      %parallel_loop3A_1244 = arith.maximumf %parallel_loop3A_1222, %parallel_loop3A_1243 : vector<16xf32>
      %parallel_loop3A_1245 = arith.constant 48 : i32
      %parallel_loop3A_1246 = arith.addi %parallel_loop3A_1229, %parallel_loop3A_1245 : i32
      %parallel_loop3A_1247 = arith.index_cast %parallel_loop3A_1246 : i32 to index
      %parallel_loop3A_1248 = tpu.vector_load %arg5[%parallel_loop3A_1247] {strides = array<i32>} : memref<8192xf32, #tpu.memory_space<vmem>>, vector<16xf32>,
      %parallel_loop3A_1249 = arith.maximumf %parallel_loop3A_1223, %parallel_loop3A_1248 : vector<16xf32>
      %parallel_loop3A_1250 = arith.constant 64 : i32
      %parallel_loop3A_1251 = arith.addi %parallel_loop3A_1229, %parallel_loop3A_1250 : i32
      %parallel_loop3A_1252 = arith.index_cast %parallel_loop3A_1251 : i32 to index
      %parallel_loop3A_1253 = tpu.vector_load %arg5[%parallel_loop3A_1252] {strides = array<i32>} : memref<8192xf32, #tpu.memory_space<vmem>>, vector<16xf32>,
      %parallel_loop3A_1254 = arith.maximumf %parallel_loop3A_1224, %parallel_loop3A_1253 : vector<16xf32>
      %parallel_loop3A_1255 = arith.constant 80 : i32
      %parallel_loop3A_1256 = arith.addi %parallel_loop3A_1229, %parallel_loop3A_1255 : i32
      %parallel_loop3A_1257 = arith.index_cast %parallel_loop3A_1256 : i32 to index
      %parallel_loop3A_1258 = tpu.vector_load %arg5[%parallel_loop3A_1257] {strides = array<i32>} : memref<8192xf32, #tpu.memory_space<vmem>>, vector<16xf32>,
      %parallel_loop3A_1259 = arith.maximumf %parallel_loop3A_1225, %parallel_loop3A_1258 : vector<16xf32>
      %parallel_loop3A_1260 = arith.constant 96 : i32
      %parallel_loop3A_1261 = arith.addi %parallel_loop3A_1229, %parallel_loop3A_1260 : i32
      %parallel_loop3A_1262 = arith.index_cast %parallel_loop3A_1261 : i32 to index
      %parallel_loop3A_1263 = tpu.vector_load %arg5[%parallel_loop3A_1262] {strides = array<i32>} : memref<8192xf32, #tpu.memory_space<vmem>>, vector<16xf32>,
      %parallel_loop3A_1264 = arith.maximumf %parallel_loop3A_1226, %parallel_loop3A_1263 : vector<16xf32>
      %parallel_loop3A_1265 = arith.constant 112 : i32
      %parallel_loop3A_1266 = arith.addi %parallel_loop3A_1229, %parallel_loop3A_1265 : i32
      %parallel_loop3A_1267 = arith.index_cast %parallel_loop3A_1266 : i32 to index
      %parallel_loop3A_1268 = tpu.vector_load %arg5[%parallel_loop3A_1267] {strides = array<i32>} : memref<8192xf32, #tpu.memory_space<vmem>>, vector<16xf32>,
      %parallel_loop3A_1269 = arith.maximumf %parallel_loop3A_1227, %parallel_loop3A_1268 : vector<16xf32>
      scf.yield %parallel_loop3A_1234, %parallel_loop3A_1239, %parallel_loop3A_1244, %parallel_loop3A_1249, %parallel_loop3A_1254, %parallel_loop3A_1259, %parallel_loop3A_1264, %parallel_loop3A_1269 : vector<16xf32>, vector<16xf32>, vector<16xf32>, vector<16xf32>, vector<16xf32>, vector<16xf32>, vector<16xf32>, vector<16xf32>
    } {sc.loop_unroll_factor = 4 : i64, sc.parallel_access}
    %sort3A_325 = arith.constant dense<true> : vector<16xi1>
    %sort3A_326, %sort3A_327, %sort3A_328 = tpu.sort %parallel_loop3A_324#0, %parallel_loop3A_324#0 masked %sort3A_325 : (vector<16xf32>, vector<16xf32>, vector<16xi1>) -> (vector<16xi1>, vector<16xf32>, vector<16xf32>)
    %sort3A_329 = arith.constant dense<true> : vector<16xi1>
    %sort3A_330, %sort3A_331, %sort3A_332 = tpu.sort %parallel_loop3A_324#1, %parallel_loop3A_324#1 masked %sort3A_329 : (vector<16xf32>, vector<16xf32>, vector<16xi1>) -> (vector<16xi1>, vector<16xf32>, vector<16xf32>)
    %rev3A_333 = arith.constant 15 : i32
    %rev3A_334 = vector.broadcast %rev3A_333 : i32 to vector<16xi32>
    %rev3A_335 = tpu.iota {dimensions = array<i32: 0>} : vector<16xi32>
    %rev3A_336 = arith.subi %rev3A_334, %rev3A_335 : vector<16xi32>
    %rev3A_337 = tpu.dynamic_gather %sort3A_331[%rev3A_336] in [0] : vector<16xf32>, vector<16xi32> -> vector<16xf32>
    %min3A_338 = arith.minimumf %sort3A_327, %rev3A_337 : vector<16xf32>
    %sort3A_339 = arith.constant dense<true> : vector<16xi1>
    %sort3A_340, %sort3A_341, %sort3A_342 = tpu.sort %min3A_338, %min3A_338 masked %sort3A_339 : (vector<16xf32>, vector<16xf32>, vector<16xi1>) -> (vector<16xi1>, vector<16xf32>, vector<16xf32>)
    %max3A_343 = arith.maximumf %sort3A_327, %rev3A_337 : vector<16xf32>
    %sort3A_344 = arith.constant dense<true> : vector<16xi1>
    %sort3A_345, %sort3A_346, %sort3A_347 = tpu.sort %max3A_343, %max3A_343 masked %sort3A_344 : (vector<16xf32>, vector<16xf32>, vector<16xi1>) -> (vector<16xi1>, vector<16xf32>, vector<16xf32>)
    %sort3A_348 = arith.constant dense<true> : vector<16xi1>
    %sort3A_349, %sort3A_350, %sort3A_351 = tpu.sort %parallel_loop3A_324#2, %parallel_loop3A_324#2 masked %sort3A_348 : (vector<16xf32>, vector<16xf32>, vector<16xi1>) -> (vector<16xi1>, vector<16xf32>, vector<16xf32>)
    %sort3A_352 = arith.constant dense<true> : vector<16xi1>
    %sort3A_353, %sort3A_354, %sort3A_355 = tpu.sort %parallel_loop3A_324#3, %parallel_loop3A_324#3 masked %sort3A_352 : (vector<16xf32>, vector<16xf32>, vector<16xi1>) -> (vector<16xi1>, vector<16xf32>, vector<16xf32>)
    %rev3A_356 = arith.constant 15 : i32
    %rev3A_357 = vector.broadcast %rev3A_356 : i32 to vector<16xi32>
    %rev3A_358 = tpu.iota {dimensions = array<i32: 0>} : vector<16xi32>
    %rev3A_359 = arith.subi %rev3A_357, %rev3A_358 : vector<16xi32>
    %rev3A_360 = tpu.dynamic_gather %sort3A_354[%rev3A_359] in [0] : vector<16xf32>, vector<16xi32> -> vector<16xf32>
    %min3A_361 = arith.minimumf %sort3A_350, %rev3A_360 : vector<16xf32>
    %sort3A_362 = arith.constant dense<true> : vector<16xi1>
    %sort3A_363, %sort3A_364, %sort3A_365 = tpu.sort %min3A_361, %min3A_361 masked %sort3A_362 : (vector<16xf32>, vector<16xf32>, vector<16xi1>) -> (vector<16xi1>, vector<16xf32>, vector<16xf32>)
    %max3A_366 = arith.maximumf %sort3A_350, %rev3A_360 : vector<16xf32>
    %sort3A_367 = arith.constant dense<true> : vector<16xi1>
    %sort3A_368, %sort3A_369, %sort3A_370 = tpu.sort %max3A_366, %max3A_366 masked %sort3A_367 : (vector<16xf32>, vector<16xf32>, vector<16xi1>) -> (vector<16xi1>, vector<16xf32>, vector<16xf32>)
    %rev3A_371 = arith.constant 15 : i32
    %rev3A_372 = vector.broadcast %rev3A_371 : i32 to vector<16xi32>
    %rev3A_373 = tpu.iota {dimensions = array<i32: 0>} : vector<16xi32>
    %rev3A_374 = arith.subi %rev3A_372, %rev3A_373 : vector<16xi32>
    %rev3A_375 = tpu.dynamic_gather %sort3A_369[%rev3A_374] in [0] : vector<16xf32>, vector<16xi32> -> vector<16xf32>
    %rev3A_376 = arith.constant 15 : i32
    %rev3A_377 = vector.broadcast %rev3A_376 : i32 to vector<16xi32>
    %rev3A_378 = tpu.iota {dimensions = array<i32: 0>} : vector<16xi32>
    %rev3A_379 = arith.subi %rev3A_377, %rev3A_378 : vector<16xi32>
    %rev3A_380 = tpu.dynamic_gather %sort3A_364[%rev3A_379] in [0] : vector<16xf32>, vector<16xi32> -> vector<16xf32>
    %min3A_381 = arith.minimumf %sort3A_341, %rev3A_375 : vector<16xf32>
    %min3A_382 = arith.minimumf %sort3A_346, %rev3A_380 : vector<16xf32>
    %max3A_383 = arith.maximumf %sort3A_341, %rev3A_375 : vector<16xf32>
    %max3A_384 = arith.maximumf %sort3A_346, %rev3A_380 : vector<16xf32>
    %min3A_385 = arith.minimumf %min3A_381, %min3A_382 : vector<16xf32>
    %sort3A_386 = arith.constant dense<true> : vector<16xi1>
    %sort3A_387, %sort3A_388, %sort3A_389 = tpu.sort %min3A_385, %min3A_385 masked %sort3A_386 : (vector<16xf32>, vector<16xf32>, vector<16xi1>) -> (vector<16xi1>, vector<16xf32>, vector<16xf32>)
    %max3A_390 = arith.maximumf %min3A_381, %min3A_382 : vector<16xf32>
    %sort3A_391 = arith.constant dense<true> : vector<16xi1>
    %sort3A_392, %sort3A_393, %sort3A_394 = tpu.sort %max3A_390, %max3A_390 masked %sort3A_391 : (vector<16xf32>, vector<16xf32>, vector<16xi1>) -> (vector<16xi1>, vector<16xf32>, vector<16xf32>)
    %min3A_395 = arith.minimumf %max3A_383, %max3A_384 : vector<16xf32>
    %sort3A_396 = arith.constant dense<true> : vector<16xi1>
    %sort3A_397, %sort3A_398, %sort3A_399 = tpu.sort %min3A_395, %min3A_395 masked %sort3A_396 : (vector<16xf32>, vector<16xf32>, vector<16xi1>) -> (vector<16xi1>, vector<16xf32>, vector<16xf32>)
    %max3A_400 = arith.maximumf %max3A_383, %max3A_384 : vector<16xf32>
    %sort3A_401 = arith.constant dense<true> : vector<16xi1>
    %sort3A_402, %sort3A_403, %sort3A_404 = tpu.sort %max3A_400, %max3A_400 masked %sort3A_401 : (vector<16xf32>, vector<16xf32>, vector<16xi1>) -> (vector<16xi1>, vector<16xf32>, vector<16xf32>)
    %sort3A_405 = arith.constant dense<true> : vector<16xi1>
    %sort3A_406, %sort3A_407, %sort3A_408 = tpu.sort %parallel_loop3A_324#4, %parallel_loop3A_324#4 masked %sort3A_405 : (vector<16xf32>, vector<16xf32>, vector<16xi1>) -> (vector<16xi1>, vector<16xf32>, vector<16xf32>)
    %sort3A_409 = arith.constant dense<true> : vector<16xi1>
    %sort3A_410, %sort3A_411, %sort3A_412 = tpu.sort %parallel_loop3A_324#5, %parallel_loop3A_324#5 masked %sort3A_409 : (vector<16xf32>, vector<16xf32>, vector<16xi1>) -> (vector<16xi1>, vector<16xf32>, vector<16xf32>)
    %rev3A_413 = arith.constant 15 : i32
    %rev3A_414 = vector.broadcast %rev3A_413 : i32 to vector<16xi32>
    %rev3A_415 = tpu.iota {dimensions = array<i32: 0>} : vector<16xi32>
    %rev3A_416 = arith.subi %rev3A_414, %rev3A_415 : vector<16xi32>
    %rev3A_417 = tpu.dynamic_gather %sort3A_411[%rev3A_416] in [0] : vector<16xf32>, vector<16xi32> -> vector<16xf32>
    %min3A_418 = arith.minimumf %sort3A_407, %rev3A_417 : vector<16xf32>
    %sort3A_419 = arith.constant dense<true> : vector<16xi1>
    %sort3A_420, %sort3A_421, %sort3A_422 = tpu.sort %min3A_418, %min3A_418 masked %sort3A_419 : (vector<16xf32>, vector<16xf32>, vector<16xi1>) -> (vector<16xi1>, vector<16xf32>, vector<16xf32>)
    %max3A_423 = arith.maximumf %sort3A_407, %rev3A_417 : vector<16xf32>
    %sort3A_424 = arith.constant dense<true> : vector<16xi1>
    %sort3A_425, %sort3A_426, %sort3A_427 = tpu.sort %max3A_423, %max3A_423 masked %sort3A_424 : (vector<16xf32>, vector<16xf32>, vector<16xi1>) -> (vector<16xi1>, vector<16xf32>, vector<16xf32>)
    %sort3A_428 = arith.constant dense<true> : vector<16xi1>
    %sort3A_429, %sort3A_430, %sort3A_431 = tpu.sort %parallel_loop3A_324#6, %parallel_loop3A_324#6 masked %sort3A_428 : (vector<16xf32>, vector<16xf32>, vector<16xi1>) -> (vector<16xi1>, vector<16xf32>, vector<16xf32>)
    %sort3A_432 = arith.constant dense<true> : vector<16xi1>
    %sort3A_433, %sort3A_434, %sort3A_435 = tpu.sort %parallel_loop3A_324#7, %parallel_loop3A_324#7 masked %sort3A_432 : (vector<16xf32>, vector<16xf32>, vector<16xi1>) -> (vector<16xi1>, vector<16xf32>, vector<16xf32>)
    %rev3A_436 = arith.constant 15 : i32
    %rev3A_437 = vector.broadcast %rev3A_436 : i32 to vector<16xi32>
    %rev3A_438 = tpu.iota {dimensions = array<i32: 0>} : vector<16xi32>
    %rev3A_439 = arith.subi %rev3A_437, %rev3A_438 : vector<16xi32>
    %rev3A_440 = tpu.dynamic_gather %sort3A_434[%rev3A_439] in [0] : vector<16xf32>, vector<16xi32> -> vector<16xf32>
    %min3A_441 = arith.minimumf %sort3A_430, %rev3A_440 : vector<16xf32>
    %sort3A_442 = arith.constant dense<true> : vector<16xi1>
    %sort3A_443, %sort3A_444, %sort3A_445 = tpu.sort %min3A_441, %min3A_441 masked %sort3A_442 : (vector<16xf32>, vector<16xf32>, vector<16xi1>) -> (vector<16xi1>, vector<16xf32>, vector<16xf32>)
    %max3A_446 = arith.maximumf %sort3A_430, %rev3A_440 : vector<16xf32>
    %sort3A_447 = arith.constant dense<true> : vector<16xi1>
    %sort3A_448, %sort3A_449, %sort3A_450 = tpu.sort %max3A_446, %max3A_446 masked %sort3A_447 : (vector<16xf32>, vector<16xf32>, vector<16xi1>) -> (vector<16xi1>, vector<16xf32>, vector<16xf32>)
    %rev3A_451 = arith.constant 15 : i32
    %rev3A_452 = vector.broadcast %rev3A_451 : i32 to vector<16xi32>
    %rev3A_453 = tpu.iota {dimensions = array<i32: 0>} : vector<16xi32>
    %rev3A_454 = arith.subi %rev3A_452, %rev3A_453 : vector<16xi32>
    %rev3A_455 = tpu.dynamic_gather %sort3A_449[%rev3A_454] in [0] : vector<16xf32>, vector<16xi32> -> vector<16xf32>
    %rev3A_456 = arith.constant 15 : i32
    %rev3A_457 = vector.broadcast %rev3A_456 : i32 to vector<16xi32>
    %rev3A_458 = tpu.iota {dimensions = array<i32: 0>} : vector<16xi32>
    %rev3A_459 = arith.subi %rev3A_457, %rev3A_458 : vector<16xi32>
    %rev3A_460 = tpu.dynamic_gather %sort3A_444[%rev3A_459] in [0] : vector<16xf32>, vector<16xi32> -> vector<16xf32>
    %min3A_461 = arith.minimumf %sort3A_421, %rev3A_455 : vector<16xf32>
    %min3A_462 = arith.minimumf %sort3A_426, %rev3A_460 : vector<16xf32>
    %max3A_463 = arith.maximumf %sort3A_421, %rev3A_455 : vector<16xf32>
    %max3A_464 = arith.maximumf %sort3A_426, %rev3A_460 : vector<16xf32>
    %min3A_465 = arith.minimumf %min3A_461, %min3A_462 : vector<16xf32>
    %sort3A_466 = arith.constant dense<true> : vector<16xi1>
    %sort3A_467, %sort3A_468, %sort3A_469 = tpu.sort %min3A_465, %min3A_465 masked %sort3A_466 : (vector<16xf32>, vector<16xf32>, vector<16xi1>) -> (vector<16xi1>, vector<16xf32>, vector<16xf32>)
    %max3A_470 = arith.maximumf %min3A_461, %min3A_462 : vector<16xf32>
    %sort3A_471 = arith.constant dense<true> : vector<16xi1>
    %sort3A_472, %sort3A_473, %sort3A_474 = tpu.sort %max3A_470, %max3A_470 masked %sort3A_471 : (vector<16xf32>, vector<16xf32>, vector<16xi1>) -> (vector<16xi1>, vector<16xf32>, vector<16xf32>)
    %min3A_475 = arith.minimumf %max3A_463, %max3A_464 : vector<16xf32>
    %sort3A_476 = arith.constant dense<true> : vector<16xi1>
    %sort3A_477, %sort3A_478, %sort3A_479 = tpu.sort %min3A_475, %min3A_475 masked %sort3A_476 : (vector<16xf32>, vector<16xf32>, vector<16xi1>) -> (vector<16xi1>, vector<16xf32>, vector<16xf32>)
    %max3A_480 = arith.maximumf %max3A_463, %max3A_464 : vector<16xf32>
    %sort3A_481 = arith.constant dense<true> : vector<16xi1>
    %sort3A_482, %sort3A_483, %sort3A_484 = tpu.sort %max3A_480, %max3A_480 masked %sort3A_481 : (vector<16xf32>, vector<16xf32>, vector<16xi1>) -> (vector<16xi1>, vector<16xf32>, vector<16xf32>)
    %rev3A_485 = arith.constant 15 : i32
    %rev3A_486 = vector.broadcast %rev3A_485 : i32 to vector<16xi32>
    %rev3A_487 = tpu.iota {dimensions = array<i32: 0>} : vector<16xi32>
    %rev3A_488 = arith.subi %rev3A_486, %rev3A_487 : vector<16xi32>
    %rev3A_489 = tpu.dynamic_gather %sort3A_483[%rev3A_488] in [0] : vector<16xf32>, vector<16xi32> -> vector<16xf32>
    %max3A_490 = arith.maximumf %sort3A_388, %rev3A_489 : vector<16xf32>
    %rev3A_491 = arith.constant 15 : i32
    %rev3A_492 = vector.broadcast %rev3A_491 : i32 to vector<16xi32>
    %rev3A_493 = tpu.iota {dimensions = array<i32: 0>} : vector<16xi32>
    %rev3A_494 = arith.subi %rev3A_492, %rev3A_493 : vector<16xi32>
    %rev3A_495 = tpu.dynamic_gather %sort3A_478[%rev3A_494] in [0] : vector<16xf32>, vector<16xi32> -> vector<16xf32>
    %max3A_496 = arith.maximumf %sort3A_393, %rev3A_495 : vector<16xf32>
    %rev3A_497 = arith.constant 15 : i32
    %rev3A_498 = vector.broadcast %rev3A_497 : i32 to vector<16xi32>
    %rev3A_499 = tpu.iota {dimensions = array<i32: 0>} : vector<16xi32>
    %rev3A_500 = arith.subi %rev3A_498, %rev3A_499 : vector<16xi32>
    %rev3A_501 = tpu.dynamic_gather %sort3A_473[%rev3A_500] in [0] : vector<16xf32>, vector<16xi32> -> vector<16xf32>
    %max3A_502 = arith.maximumf %sort3A_398, %rev3A_501 : vector<16xf32>
    %rev3A_503 = arith.constant 15 : i32
    %rev3A_504 = vector.broadcast %rev3A_503 : i32 to vector<16xi32>
    %rev3A_505 = tpu.iota {dimensions = array<i32: 0>} : vector<16xi32>
    %rev3A_506 = arith.subi %rev3A_504, %rev3A_505 : vector<16xi32>
    %rev3A_507 = tpu.dynamic_gather %sort3A_468[%rev3A_506] in [0] : vector<16xf32>, vector<16xi32> -> vector<16xf32>
    %max3A_508 = arith.maximumf %sort3A_403, %rev3A_507 : vector<16xf32>
    %min3A_509 = arith.minimumf %max3A_490, %max3A_502 : vector<16xf32>
    %min3A_510 = arith.minimumf %max3A_496, %max3A_508 : vector<16xf32>
    %max3A_511 = arith.maximumf %max3A_490, %max3A_502 : vector<16xf32>
    %max3A_512 = arith.maximumf %max3A_496, %max3A_508 : vector<16xf32>
    %min3A_513 = arith.minimumf %min3A_509, %min3A_510 : vector<16xf32>
    %sort3A_514 = arith.constant dense<true> : vector<16xi1>
    %sort3A_515, %sort3A_516, %sort3A_517 = tpu.sort %min3A_513, %min3A_513 masked %sort3A_514 : (vector<16xf32>, vector<16xf32>, vector<16xi1>) -> (vector<16xi1>, vector<16xf32>, vector<16xf32>)
    %max3A_518 = arith.maximumf %min3A_509, %min3A_510 : vector<16xf32>
    %sort3A_519 = arith.constant dense<true> : vector<16xi1>
    %sort3A_520, %sort3A_521, %sort3A_522 = tpu.sort %max3A_518, %max3A_518 masked %sort3A_519 : (vector<16xf32>, vector<16xf32>, vector<16xi1>) -> (vector<16xi1>, vector<16xf32>, vector<16xf32>)
    %min3A_523 = arith.minimumf %max3A_511, %max3A_512 : vector<16xf32>
    %sort3A_524 = arith.constant dense<true> : vector<16xi1>
    %sort3A_525, %sort3A_526, %sort3A_527 = tpu.sort %min3A_523, %min3A_523 masked %sort3A_524 : (vector<16xf32>, vector<16xf32>, vector<16xi1>) -> (vector<16xi1>, vector<16xf32>, vector<16xf32>)
    %max3A_528 = arith.maximumf %max3A_511, %max3A_512 : vector<16xf32>
    %sort3A_529 = arith.constant dense<true> : vector<16xi1>
    %sort3A_530, %sort3A_531, %sort3A_532 = tpu.sort %max3A_528, %max3A_528 masked %sort3A_529 : (vector<16xf32>, vector<16xf32>, vector<16xi1>) -> (vector<16xi1>, vector<16xf32>, vector<16xf32>)
    %reduce_min3A_533 = arith.constant true
    %reduce_min3A_534 = vector.broadcast %reduce_min3A_533 : i1 to vector<16xi1>
    %reduce_min3A_535 = tpu.scan <min>, %sort3A_516 masked %reduce_min3A_534 : vector<16xf32>, vector<16xi1> -> vector<16xf32>
    %reduce_min3A_536 = vector.extract %reduce_min3A_535[15] : f32 from vector<16xf32>
    %broadcast_in_dim3A_537 = vector.broadcast %reduce_min3A_536 : f32 to vector<16xf32>
    %mul3A_538 = arith.constant 512 : i32
    %mul3A_539 = vector.broadcast %mul3A_538 : i32 to vector<16xi32>
    %mul3A_540 = arith.muli %iota3A, %mul3A_539 : vector<16xi32>
    %parallel_loop3A_541 = arith.constant 0 : i32
    %parallel_loop3A_542 = arith.constant 512 : i32
    %parallel_loop3A_543 = arith.constant 1 : i32
    %parallel_loop3A_544 = scf.for %parallel_loop3A_1219 = %parallel_loop3A_541 to %parallel_loop3A_542 step %parallel_loop3A_543 iter_args(%parallel_loop3A_1220 = %mul3A_540) -> (vector<16xi32>)  : i32 {
      %parallel_loop3A_1221 = arith.constant 16 : i32
      %parallel_loop3A_1222 = arith.muli %parallel_loop3A_1219, %parallel_loop3A_1221 : i32
      %parallel_loop3A_1223 = arith.index_cast %parallel_loop3A_1222 : i32 to index
      %parallel_loop3A_1224 = tpu.vector_load %arg5[%parallel_loop3A_1223] {strides = array<i32>} : memref<8192xf32, #tpu.memory_space<vmem>>, vector<16xf32>,
      %parallel_loop3A_1225 = arith.cmpf oge, %parallel_loop3A_1224, %broadcast_in_dim3A_537 : vector<16xf32>
      tpu.vector_store_idx %arg6[%parallel_loop3A_1220], %parallel_loop3A_1224 masked %parallel_loop3A_1225 : memref<8256xf32, #tpu.memory_space<vmem>>[vector<16xi32>], vector<16xf32>, vector<16xi1>
      %parallel_loop3A_1226 = arith.extui %parallel_loop3A_1225 : vector<16xi1> to vector<16xi32>
      %parallel_loop3A_1227 = arith.addi %parallel_loop3A_1220, %parallel_loop3A_1226 : vector<16xi32>
      scf.yield %parallel_loop3A_1227 : vector<16xi32>
    } {sc.loop_unroll_factor = 8 : i64, sc.parallel_access}
    %sub3A_545 = arith.subi %parallel_loop3A_544, %mul3A_540 : vector<16xi32>
    %reduce_max3A_546 = arith.constant true
    %reduce_max3A_547 = vector.broadcast %reduce_max3A_546 : i1 to vector<16xi1>
    %reduce_max3A_548 = arith.constant -2147483648 : i32
    %reduce_max3A_549 = vector.broadcast %reduce_max3A_548 : i32 to vector<16xi32>
    %reduce_max3A_550 = arith.xori %sub3A_545, %reduce_max3A_549 : vector<16xi32>
    %reduce_max3A_551 = tpu.scan <max>, %reduce_max3A_550 masked %reduce_max3A_547 : vector<16xi32>, vector<16xi1> -> vector<16xi32>
    %reduce_max3A_552 = arith.xori %reduce_max3A_551, %reduce_max3A_549 : vector<16xi32>
    %reduce_max3A_553 = vector.extract %reduce_max3A_552[15] : i32 from vector<16xi32>
    %add3A_554 = arith.constant 3 : i32
    %add3A_555 = arith.addi %reduce_max3A_553, %add3A_554 : i32
    %shift_right_logical3A_556 = arith.constant 2 : i32
    %shift_right_logical3A_557 = arith.shrui %add3A_555, %shift_right_logical3A_556 : i32
    %while3A_558 = arith.constant 0 : i32
    %while3A_559 = arith.subi %shift_right_logical3A_557, %while3A_558 : i32
    %while3A_560 = arith.addi %while3A_558, %while3A_559 : i32
    %while3A_561 = arith.constant 1 : i32
    %while3A_562 = arith.divsi %while3A_559, %while3A_561 : i32
    %while3A_563 = arith.muli %while3A_562, %while3A_561 : i32
    %while3A_564 = arith.addi %while3A_558, %while3A_563 : i32
    %while3A_565 = arith.constant 1 : i32
    %while3A_566:4 = scf.for %while3A_1219 = %while3A_558 to %while3A_564 step %while3A_565 iter_args(%while3A_1220 = %broadcast_in_dim3A_1, %while3A_1221 = %broadcast_in_dim3A_1, %while3A_1222 = %broadcast_in_dim3A_1, %while3A_1223 = %broadcast_in_dim3A_1) -> (vector<16xf32>, vector<16xf32>, vector<16xf32>, vector<16xf32>)  : i32 {
      %mul3A_1224 = arith.constant 4 : i32
      %mul3A_1225 = arith.muli %while3A_1219, %mul3A_1224 : i32
      %add3A_1226 = arith.constant 0 : i32
      %add3A_1227 = arith.addi %mul3A_1225, %add3A_1226 : i32
      %add3A_1228 = vector.broadcast %add3A_1227 : i32 to vector<16xi32>
      %add3A_1229 = arith.addi %mul3A_540, %add3A_1228 : vector<16xi32>
      %gather3A = tpu.vector_load_idx %arg6[%add3A_1229] : memref<8256xf32, #tpu.memory_space<vmem>>[vector<16xi32>], vector<16xf32>,
      %lt3A = vector.broadcast %add3A_1227 : i32 to vector<16xi32>
      %lt3A_1230 = arith.cmpi slt, %lt3A, %sub3A_545 : vector<16xi32>
      %select_n3A = arith.select %lt3A_1230, %gather3A, %broadcast_in_dim3A_1 : vector<16xi1>, vector<16xf32>
      %add3A_1231 = arith.constant 1 : i32
      %add3A_1232 = arith.addi %mul3A_1225, %add3A_1231 : i32
      %add3A_1233 = vector.broadcast %add3A_1232 : i32 to vector<16xi32>
      %add3A_1234 = arith.addi %mul3A_540, %add3A_1233 : vector<16xi32>
      %gather3A_1235 = tpu.vector_load_idx %arg6[%add3A_1234] : memref<8256xf32, #tpu.memory_space<vmem>>[vector<16xi32>], vector<16xf32>,
      %lt3A_1236 = vector.broadcast %add3A_1232 : i32 to vector<16xi32>
      %lt3A_1237 = arith.cmpi slt, %lt3A_1236, %sub3A_545 : vector<16xi32>
      %select_n3A_1238 = arith.select %lt3A_1237, %gather3A_1235, %broadcast_in_dim3A_1 : vector<16xi1>, vector<16xf32>
      %add3A_1239 = arith.constant 2 : i32
      %add3A_1240 = arith.addi %mul3A_1225, %add3A_1239 : i32
      %add3A_1241 = vector.broadcast %add3A_1240 : i32 to vector<16xi32>
      %add3A_1242 = arith.addi %mul3A_540, %add3A_1241 : vector<16xi32>
      %gather3A_1243 = tpu.vector_load_idx %arg6[%add3A_1242] : memref<8256xf32, #tpu.memory_space<vmem>>[vector<16xi32>], vector<16xf32>,
      %lt3A_1244 = vector.broadcast %add3A_1240 : i32 to vector<16xi32>
      %lt3A_1245 = arith.cmpi slt, %lt3A_1244, %sub3A_545 : vector<16xi32>
      %select_n3A_1246 = arith.select %lt3A_1245, %gather3A_1243, %broadcast_in_dim3A_1 : vector<16xi1>, vector<16xf32>
      %add3A_1247 = arith.constant 3 : i32
      %add3A_1248 = arith.addi %mul3A_1225, %add3A_1247 : i32
      %add3A_1249 = vector.broadcast %add3A_1248 : i32 to vector<16xi32>
      %add3A_1250 = arith.addi %mul3A_540, %add3A_1249 : vector<16xi32>
      %gather3A_1251 = tpu.vector_load_idx %arg6[%add3A_1250] : memref<8256xf32, #tpu.memory_space<vmem>>[vector<16xi32>], vector<16xf32>,
      %lt3A_1252 = vector.broadcast %add3A_1248 : i32 to vector<16xi32>
      %lt3A_1253 = arith.cmpi slt, %lt3A_1252, %sub3A_545 : vector<16xi32>
      %select_n3A_1254 = arith.select %lt3A_1253, %gather3A_1251, %broadcast_in_dim3A_1 : vector<16xi1>, vector<16xf32>
      %sort3A_1255 = arith.constant dense<true> : vector<16xi1>
      %sort3A_1256, %sort3A_1257, %sort3A_1258 = tpu.sort %select_n3A, %select_n3A masked %sort3A_1255 : (vector<16xf32>, vector<16xf32>, vector<16xi1>) -> (vector<16xi1>, vector<16xf32>, vector<16xf32>)
      %sort3A_1259 = arith.constant dense<true> : vector<16xi1>
      %sort3A_1260, %sort3A_1261, %sort3A_1262 = tpu.sort %select_n3A_1238, %select_n3A_1238 masked %sort3A_1259 : (vector<16xf32>, vector<16xf32>, vector<16xi1>) -> (vector<16xi1>, vector<16xf32>, vector<16xf32>)
      %rev3A_1263 = arith.constant 15 : i32
      %rev3A_1264 = vector.broadcast %rev3A_1263 : i32 to vector<16xi32>
      %rev3A_1265 = tpu.iota {dimensions = array<i32: 0>} : vector<16xi32>
      %rev3A_1266 = arith.subi %rev3A_1264, %rev3A_1265 : vector<16xi32>
      %rev3A_1267 = tpu.dynamic_gather %sort3A_1261[%rev3A_1266] in [0] : vector<16xf32>, vector<16xi32> -> vector<16xf32>
      %min3A_1268 = arith.minimumf %sort3A_1257, %rev3A_1267 : vector<16xf32>
      %sort3A_1269 = arith.constant dense<true> : vector<16xi1>
      %sort3A_1270, %sort3A_1271, %sort3A_1272 = tpu.sort %min3A_1268, %min3A_1268 masked %sort3A_1269 : (vector<16xf32>, vector<16xf32>, vector<16xi1>) -> (vector<16xi1>, vector<16xf32>, vector<16xf32>)
      %max3A_1273 = arith.maximumf %sort3A_1257, %rev3A_1267 : vector<16xf32>
      %sort3A_1274 = arith.constant dense<true> : vector<16xi1>
      %sort3A_1275, %sort3A_1276, %sort3A_1277 = tpu.sort %max3A_1273, %max3A_1273 masked %sort3A_1274 : (vector<16xf32>, vector<16xf32>, vector<16xi1>) -> (vector<16xi1>, vector<16xf32>, vector<16xf32>)
      %sort3A_1278 = arith.constant dense<true> : vector<16xi1>
      %sort3A_1279, %sort3A_1280, %sort3A_1281 = tpu.sort %select_n3A_1246, %select_n3A_1246 masked %sort3A_1278 : (vector<16xf32>, vector<16xf32>, vector<16xi1>) -> (vector<16xi1>, vector<16xf32>, vector<16xf32>)
      %sort3A_1282 = arith.constant dense<true> : vector<16xi1>
      %sort3A_1283, %sort3A_1284, %sort3A_1285 = tpu.sort %select_n3A_1254, %select_n3A_1254 masked %sort3A_1282 : (vector<16xf32>, vector<16xf32>, vector<16xi1>) -> (vector<16xi1>, vector<16xf32>, vector<16xf32>)
      %rev3A_1286 = arith.constant 15 : i32
      %rev3A_1287 = vector.broadcast %rev3A_1286 : i32 to vector<16xi32>
      %rev3A_1288 = tpu.iota {dimensions = array<i32: 0>} : vector<16xi32>
      %rev3A_1289 = arith.subi %rev3A_1287, %rev3A_1288 : vector<16xi32>
      %rev3A_1290 = tpu.dynamic_gather %sort3A_1284[%rev3A_1289] in [0] : vector<16xf32>, vector<16xi32> -> vector<16xf32>
      %min3A_1291 = arith.minimumf %sort3A_1280, %rev3A_1290 : vector<16xf32>
      %sort3A_1292 = arith.constant dense<true> : vector<16xi1>
      %sort3A_1293, %sort3A_1294, %sort3A_1295 = tpu.sort %min3A_1291, %min3A_1291 masked %sort3A_1292 : (vector<16xf32>, vector<16xf32>, vector<16xi1>) -> (vector<16xi1>, vector<16xf32>, vector<16xf32>)
      %max3A_1296 = arith.maximumf %sort3A_1280, %rev3A_1290 : vector<16xf32>
      %sort3A_1297 = arith.constant dense<true> : vector<16xi1>
      %sort3A_1298, %sort3A_1299, %sort3A_1300 = tpu.sort %max3A_1296, %max3A_1296 masked %sort3A_1297 : (vector<16xf32>, vector<16xf32>, vector<16xi1>) -> (vector<16xi1>, vector<16xf32>, vector<16xf32>)
      %rev3A_1301 = arith.constant 15 : i32
      %rev3A_1302 = vector.broadcast %rev3A_1301 : i32 to vector<16xi32>
      %rev3A_1303 = tpu.iota {dimensions = array<i32: 0>} : vector<16xi32>
      %rev3A_1304 = arith.subi %rev3A_1302, %rev3A_1303 : vector<16xi32>
      %rev3A_1305 = tpu.dynamic_gather %sort3A_1299[%rev3A_1304] in [0] : vector<16xf32>, vector<16xi32> -> vector<16xf32>
      %rev3A_1306 = arith.constant 15 : i32
      %rev3A_1307 = vector.broadcast %rev3A_1306 : i32 to vector<16xi32>
      %rev3A_1308 = tpu.iota {dimensions = array<i32: 0>} : vector<16xi32>
      %rev3A_1309 = arith.subi %rev3A_1307, %rev3A_1308 : vector<16xi32>
      %rev3A_1310 = tpu.dynamic_gather %sort3A_1294[%rev3A_1309] in [0] : vector<16xf32>, vector<16xi32> -> vector<16xf32>
      %min3A_1311 = arith.minimumf %sort3A_1271, %rev3A_1305 : vector<16xf32>
      %min3A_1312 = arith.minimumf %sort3A_1276, %rev3A_1310 : vector<16xf32>
      %max3A_1313 = arith.maximumf %sort3A_1271, %rev3A_1305 : vector<16xf32>
      %max3A_1314 = arith.maximumf %sort3A_1276, %rev3A_1310 : vector<16xf32>
      %min3A_1315 = arith.minimumf %min3A_1311, %min3A_1312 : vector<16xf32>
      %sort3A_1316 = arith.constant dense<true> : vector<16xi1>
      %sort3A_1317, %sort3A_1318, %sort3A_1319 = tpu.sort %min3A_1315, %min3A_1315 masked %sort3A_1316 : (vector<16xf32>, vector<16xf32>, vector<16xi1>) -> (vector<16xi1>, vector<16xf32>, vector<16xf32>)
      %max3A_1320 = arith.maximumf %min3A_1311, %min3A_1312 : vector<16xf32>
      %sort3A_1321 = arith.constant dense<true> : vector<16xi1>
      %sort3A_1322, %sort3A_1323, %sort3A_1324 = tpu.sort %max3A_1320, %max3A_1320 masked %sort3A_1321 : (vector<16xf32>, vector<16xf32>, vector<16xi1>) -> (vector<16xi1>, vector<16xf32>, vector<16xf32>)
      %min3A_1325 = arith.minimumf %max3A_1313, %max3A_1314 : vector<16xf32>
      %sort3A_1326 = arith.constant dense<true> : vector<16xi1>
      %sort3A_1327, %sort3A_1328, %sort3A_1329 = tpu.sort %min3A_1325, %min3A_1325 masked %sort3A_1326 : (vector<16xf32>, vector<16xf32>, vector<16xi1>) -> (vector<16xi1>, vector<16xf32>, vector<16xf32>)
      %max3A_1330 = arith.maximumf %max3A_1313, %max3A_1314 : vector<16xf32>
      %sort3A_1331 = arith.constant dense<true> : vector<16xi1>
      %sort3A_1332, %sort3A_1333, %sort3A_1334 = tpu.sort %max3A_1330, %max3A_1330 masked %sort3A_1331 : (vector<16xf32>, vector<16xf32>, vector<16xi1>) -> (vector<16xi1>, vector<16xf32>, vector<16xf32>)
      %rev3A_1335 = arith.constant 15 : i32
      %rev3A_1336 = vector.broadcast %rev3A_1335 : i32 to vector<16xi32>
      %rev3A_1337 = tpu.iota {dimensions = array<i32: 0>} : vector<16xi32>
      %rev3A_1338 = arith.subi %rev3A_1336, %rev3A_1337 : vector<16xi32>
      %rev3A_1339 = tpu.dynamic_gather %sort3A_1333[%rev3A_1338] in [0] : vector<16xf32>, vector<16xi32> -> vector<16xf32>
      %max3A_1340 = arith.maximumf %while3A_1220, %rev3A_1339 : vector<16xf32>
      %rev3A_1341 = arith.constant 15 : i32
      %rev3A_1342 = vector.broadcast %rev3A_1341 : i32 to vector<16xi32>
      %rev3A_1343 = tpu.iota {dimensions = array<i32: 0>} : vector<16xi32>
      %rev3A_1344 = arith.subi %rev3A_1342, %rev3A_1343 : vector<16xi32>
      %rev3A_1345 = tpu.dynamic_gather %sort3A_1328[%rev3A_1344] in [0] : vector<16xf32>, vector<16xi32> -> vector<16xf32>
      %max3A_1346 = arith.maximumf %while3A_1221, %rev3A_1345 : vector<16xf32>
      %rev3A_1347 = arith.constant 15 : i32
      %rev3A_1348 = vector.broadcast %rev3A_1347 : i32 to vector<16xi32>
      %rev3A_1349 = tpu.iota {dimensions = array<i32: 0>} : vector<16xi32>
      %rev3A_1350 = arith.subi %rev3A_1348, %rev3A_1349 : vector<16xi32>
      %rev3A_1351 = tpu.dynamic_gather %sort3A_1323[%rev3A_1350] in [0] : vector<16xf32>, vector<16xi32> -> vector<16xf32>
      %max3A_1352 = arith.maximumf %while3A_1222, %rev3A_1351 : vector<16xf32>
      %rev3A_1353 = arith.constant 15 : i32
      %rev3A_1354 = vector.broadcast %rev3A_1353 : i32 to vector<16xi32>
      %rev3A_1355 = tpu.iota {dimensions = array<i32: 0>} : vector<16xi32>
      %rev3A_1356 = arith.subi %rev3A_1354, %rev3A_1355 : vector<16xi32>
      %rev3A_1357 = tpu.dynamic_gather %sort3A_1318[%rev3A_1356] in [0] : vector<16xf32>, vector<16xi32> -> vector<16xf32>
      %max3A_1358 = arith.maximumf %while3A_1223, %rev3A_1357 : vector<16xf32>
      %min3A_1359 = arith.minimumf %max3A_1340, %max3A_1352 : vector<16xf32>
      %min3A_1360 = arith.minimumf %max3A_1346, %max3A_1358 : vector<16xf32>
      %max3A_1361 = arith.maximumf %max3A_1340, %max3A_1352 : vector<16xf32>
      %max3A_1362 = arith.maximumf %max3A_1346, %max3A_1358 : vector<16xf32>
      %min3A_1363 = arith.minimumf %min3A_1359, %min3A_1360 : vector<16xf32>
      %sort3A_1364 = arith.constant dense<true> : vector<16xi1>
      %sort3A_1365, %sort3A_1366, %sort3A_1367 = tpu.sort %min3A_1363, %min3A_1363 masked %sort3A_1364 : (vector<16xf32>, vector<16xf32>, vector<16xi1>) -> (vector<16xi1>, vector<16xf32>, vector<16xf32>)
      %max3A_1368 = arith.maximumf %min3A_1359, %min3A_1360 : vector<16xf32>
      %sort3A_1369 = arith.constant dense<true> : vector<16xi1>
      %sort3A_1370, %sort3A_1371, %sort3A_1372 = tpu.sort %max3A_1368, %max3A_1368 masked %sort3A_1369 : (vector<16xf32>, vector<16xf32>, vector<16xi1>) -> (vector<16xi1>, vector<16xf32>, vector<16xf32>)
      %min3A_1373 = arith.minimumf %max3A_1361, %max3A_1362 : vector<16xf32>
      %sort3A_1374 = arith.constant dense<true> : vector<16xi1>
      %sort3A_1375, %sort3A_1376, %sort3A_1377 = tpu.sort %min3A_1373, %min3A_1373 masked %sort3A_1374 : (vector<16xf32>, vector<16xf32>, vector<16xi1>) -> (vector<16xi1>, vector<16xf32>, vector<16xf32>)
      %max3A_1378 = arith.maximumf %max3A_1361, %max3A_1362 : vector<16xf32>
      %sort3A_1379 = arith.constant dense<true> : vector<16xi1>
      %sort3A_1380, %sort3A_1381, %sort3A_1382 = tpu.sort %max3A_1378, %max3A_1378 masked %sort3A_1379 : (vector<16xf32>, vector<16xf32>, vector<16xi1>) -> (vector<16xi1>, vector<16xf32>, vector<16xf32>)
      scf.yield %sort3A_1366, %sort3A_1371, %sort3A_1376, %sort3A_1381 : vector<16xf32>, vector<16xf32>, vector<16xf32>, vector<16xf32>
    }
    %while3A_567 = arith.constant 1 : i32
    %while3A_568:4 = scf.for %while3A_1219 = %while3A_564 to %while3A_560 step %while3A_567 iter_args(%while3A_1220 = %while3A_566#0, %while3A_1221 = %while3A_566#1, %while3A_1222 = %while3A_566#2, %while3A_1223 = %while3A_566#3) -> (vector<16xf32>, vector<16xf32>, vector<16xf32>, vector<16xf32>)  : i32 {
      %mul3A_1224 = arith.constant 4 : i32
      %mul3A_1225 = arith.muli %while3A_1219, %mul3A_1224 : i32
      %add3A_1226 = arith.constant 0 : i32
      %add3A_1227 = arith.addi %mul3A_1225, %add3A_1226 : i32
      %add3A_1228 = vector.broadcast %add3A_1227 : i32 to vector<16xi32>
      %add3A_1229 = arith.addi %mul3A_540, %add3A_1228 : vector<16xi32>
      %gather3A = tpu.vector_load_idx %arg6[%add3A_1229] : memref<8256xf32, #tpu.memory_space<vmem>>[vector<16xi32>], vector<16xf32>,
      %lt3A = vector.broadcast %add3A_1227 : i32 to vector<16xi32>
      %lt3A_1230 = arith.cmpi slt, %lt3A, %sub3A_545 : vector<16xi32>
      %select_n3A = arith.select %lt3A_1230, %gather3A, %broadcast_in_dim3A_1 : vector<16xi1>, vector<16xf32>
      %add3A_1231 = arith.constant 1 : i32
      %add3A_1232 = arith.addi %mul3A_1225, %add3A_1231 : i32
      %add3A_1233 = vector.broadcast %add3A_1232 : i32 to vector<16xi32>
      %add3A_1234 = arith.addi %mul3A_540, %add3A_1233 : vector<16xi32>
      %gather3A_1235 = tpu.vector_load_idx %arg6[%add3A_1234] : memref<8256xf32, #tpu.memory_space<vmem>>[vector<16xi32>], vector<16xf32>,
      %lt3A_1236 = vector.broadcast %add3A_1232 : i32 to vector<16xi32>
      %lt3A_1237 = arith.cmpi slt, %lt3A_1236, %sub3A_545 : vector<16xi32>
      %select_n3A_1238 = arith.select %lt3A_1237, %gather3A_1235, %broadcast_in_dim3A_1 : vector<16xi1>, vector<16xf32>
      %add3A_1239 = arith.constant 2 : i32
      %add3A_1240 = arith.addi %mul3A_1225, %add3A_1239 : i32
      %add3A_1241 = vector.broadcast %add3A_1240 : i32 to vector<16xi32>
      %add3A_1242 = arith.addi %mul3A_540, %add3A_1241 : vector<16xi32>
      %gather3A_1243 = tpu.vector_load_idx %arg6[%add3A_1242] : memref<8256xf32, #tpu.memory_space<vmem>>[vector<16xi32>], vector<16xf32>,
      %lt3A_1244 = vector.broadcast %add3A_1240 : i32 to vector<16xi32>
      %lt3A_1245 = arith.cmpi slt, %lt3A_1244, %sub3A_545 : vector<16xi32>
      %select_n3A_1246 = arith.select %lt3A_1245, %gather3A_1243, %broadcast_in_dim3A_1 : vector<16xi1>, vector<16xf32>
      %add3A_1247 = arith.constant 3 : i32
      %add3A_1248 = arith.addi %mul3A_1225, %add3A_1247 : i32
      %add3A_1249 = vector.broadcast %add3A_1248 : i32 to vector<16xi32>
      %add3A_1250 = arith.addi %mul3A_540, %add3A_1249 : vector<16xi32>
      %gather3A_1251 = tpu.vector_load_idx %arg6[%add3A_1250] : memref<8256xf32, #tpu.memory_space<vmem>>[vector<16xi32>], vector<16xf32>,
      %lt3A_1252 = vector.broadcast %add3A_1248 : i32 to vector<16xi32>
      %lt3A_1253 = arith.cmpi slt, %lt3A_1252, %sub3A_545 : vector<16xi32>
      %select_n3A_1254 = arith.select %lt3A_1253, %gather3A_1251, %broadcast_in_dim3A_1 : vector<16xi1>, vector<16xf32>
      %sort3A_1255 = arith.constant dense<true> : vector<16xi1>
      %sort3A_1256, %sort3A_1257, %sort3A_1258 = tpu.sort %select_n3A, %select_n3A masked %sort3A_1255 : (vector<16xf32>, vector<16xf32>, vector<16xi1>) -> (vector<16xi1>, vector<16xf32>, vector<16xf32>)
      %sort3A_1259 = arith.constant dense<true> : vector<16xi1>
      %sort3A_1260, %sort3A_1261, %sort3A_1262 = tpu.sort %select_n3A_1238, %select_n3A_1238 masked %sort3A_1259 : (vector<16xf32>, vector<16xf32>, vector<16xi1>) -> (vector<16xi1>, vector<16xf32>, vector<16xf32>)
      %rev3A_1263 = arith.constant 15 : i32
      %rev3A_1264 = vector.broadcast %rev3A_1263 : i32 to vector<16xi32>
      %rev3A_1265 = tpu.iota {dimensions = array<i32: 0>} : vector<16xi32>
      %rev3A_1266 = arith.subi %rev3A_1264, %rev3A_1265 : vector<16xi32>
      %rev3A_1267 = tpu.dynamic_gather %sort3A_1261[%rev3A_1266] in [0] : vector<16xf32>, vector<16xi32> -> vector<16xf32>
      %min3A_1268 = arith.minimumf %sort3A_1257, %rev3A_1267 : vector<16xf32>
      %sort3A_1269 = arith.constant dense<true> : vector<16xi1>
      %sort3A_1270, %sort3A_1271, %sort3A_1272 = tpu.sort %min3A_1268, %min3A_1268 masked %sort3A_1269 : (vector<16xf32>, vector<16xf32>, vector<16xi1>) -> (vector<16xi1>, vector<16xf32>, vector<16xf32>)
      %max3A_1273 = arith.maximumf %sort3A_1257, %rev3A_1267 : vector<16xf32>
      %sort3A_1274 = arith.constant dense<true> : vector<16xi1>
      %sort3A_1275, %sort3A_1276, %sort3A_1277 = tpu.sort %max3A_1273, %max3A_1273 masked %sort3A_1274 : (vector<16xf32>, vector<16xf32>, vector<16xi1>) -> (vector<16xi1>, vector<16xf32>, vector<16xf32>)
      %sort3A_1278 = arith.constant dense<true> : vector<16xi1>
      %sort3A_1279, %sort3A_1280, %sort3A_1281 = tpu.sort %select_n3A_1246, %select_n3A_1246 masked %sort3A_1278 : (vector<16xf32>, vector<16xf32>, vector<16xi1>) -> (vector<16xi1>, vector<16xf32>, vector<16xf32>)
      %sort3A_1282 = arith.constant dense<true> : vector<16xi1>
      %sort3A_1283, %sort3A_1284, %sort3A_1285 = tpu.sort %select_n3A_1254, %select_n3A_1254 masked %sort3A_1282 : (vector<16xf32>, vector<16xf32>, vector<16xi1>) -> (vector<16xi1>, vector<16xf32>, vector<16xf32>)
      %rev3A_1286 = arith.constant 15 : i32
      %rev3A_1287 = vector.broadcast %rev3A_1286 : i32 to vector<16xi32>
      %rev3A_1288 = tpu.iota {dimensions = array<i32: 0>} : vector<16xi32>
      %rev3A_1289 = arith.subi %rev3A_1287, %rev3A_1288 : vector<16xi32>
      %rev3A_1290 = tpu.dynamic_gather %sort3A_1284[%rev3A_1289] in [0] : vector<16xf32>, vector<16xi32> -> vector<16xf32>
      %min3A_1291 = arith.minimumf %sort3A_1280, %rev3A_1290 : vector<16xf32>
      %sort3A_1292 = arith.constant dense<true> : vector<16xi1>
      %sort3A_1293, %sort3A_1294, %sort3A_1295 = tpu.sort %min3A_1291, %min3A_1291 masked %sort3A_1292 : (vector<16xf32>, vector<16xf32>, vector<16xi1>) -> (vector<16xi1>, vector<16xf32>, vector<16xf32>)
      %max3A_1296 = arith.maximumf %sort3A_1280, %rev3A_1290 : vector<16xf32>
      %sort3A_1297 = arith.constant dense<true> : vector<16xi1>
      %sort3A_1298, %sort3A_1299, %sort3A_1300 = tpu.sort %max3A_1296, %max3A_1296 masked %sort3A_1297 : (vector<16xf32>, vector<16xf32>, vector<16xi1>) -> (vector<16xi1>, vector<16xf32>, vector<16xf32>)
      %rev3A_1301 = arith.constant 15 : i32
      %rev3A_1302 = vector.broadcast %rev3A_1301 : i32 to vector<16xi32>
      %rev3A_1303 = tpu.iota {dimensions = array<i32: 0>} : vector<16xi32>
      %rev3A_1304 = arith.subi %rev3A_1302, %rev3A_1303 : vector<16xi32>
      %rev3A_1305 = tpu.dynamic_gather %sort3A_1299[%rev3A_1304] in [0] : vector<16xf32>, vector<16xi32> -> vector<16xf32>
      %rev3A_1306 = arith.constant 15 : i32
      %rev3A_1307 = vector.broadcast %rev3A_1306 : i32 to vector<16xi32>
      %rev3A_1308 = tpu.iota {dimensions = array<i32: 0>} : vector<16xi32>
      %rev3A_1309 = arith.subi %rev3A_1307, %rev3A_1308 : vector<16xi32>
      %rev3A_1310 = tpu.dynamic_gather %sort3A_1294[%rev3A_1309] in [0] : vector<16xf32>, vector<16xi32> -> vector<16xf32>
      %min3A_1311 = arith.minimumf %sort3A_1271, %rev3A_1305 : vector<16xf32>
      %min3A_1312 = arith.minimumf %sort3A_1276, %rev3A_1310 : vector<16xf32>
      %max3A_1313 = arith.maximumf %sort3A_1271, %rev3A_1305 : vector<16xf32>
      %max3A_1314 = arith.maximumf %sort3A_1276, %rev3A_1310 : vector<16xf32>
      %min3A_1315 = arith.minimumf %min3A_1311, %min3A_1312 : vector<16xf32>
      %sort3A_1316 = arith.constant dense<true> : vector<16xi1>
      %sort3A_1317, %sort3A_1318, %sort3A_1319 = tpu.sort %min3A_1315, %min3A_1315 masked %sort3A_1316 : (vector<16xf32>, vector<16xf32>, vector<16xi1>) -> (vector<16xi1>, vector<16xf32>, vector<16xf32>)
      %max3A_1320 = arith.maximumf %min3A_1311, %min3A_1312 : vector<16xf32>
      %sort3A_1321 = arith.constant dense<true> : vector<16xi1>
      %sort3A_1322, %sort3A_1323, %sort3A_1324 = tpu.sort %max3A_1320, %max3A_1320 masked %sort3A_1321 : (vector<16xf32>, vector<16xf32>, vector<16xi1>) -> (vector<16xi1>, vector<16xf32>, vector<16xf32>)
      %min3A_1325 = arith.minimumf %max3A_1313, %max3A_1314 : vector<16xf32>
      %sort3A_1326 = arith.constant dense<true> : vector<16xi1>
      %sort3A_1327, %sort3A_1328, %sort3A_1329 = tpu.sort %min3A_1325, %min3A_1325 masked %sort3A_1326 : (vector<16xf32>, vector<16xf32>, vector<16xi1>) -> (vector<16xi1>, vector<16xf32>, vector<16xf32>)
      %max3A_1330 = arith.maximumf %max3A_1313, %max3A_1314 : vector<16xf32>
      %sort3A_1331 = arith.constant dense<true> : vector<16xi1>
      %sort3A_1332, %sort3A_1333, %sort3A_1334 = tpu.sort %max3A_1330, %max3A_1330 masked %sort3A_1331 : (vector<16xf32>, vector<16xf32>, vector<16xi1>) -> (vector<16xi1>, vector<16xf32>, vector<16xf32>)
      %rev3A_1335 = arith.constant 15 : i32
      %rev3A_1336 = vector.broadcast %rev3A_1335 : i32 to vector<16xi32>
      %rev3A_1337 = tpu.iota {dimensions = array<i32: 0>} : vector<16xi32>
      %rev3A_1338 = arith.subi %rev3A_1336, %rev3A_1337 : vector<16xi32>
      %rev3A_1339 = tpu.dynamic_gather %sort3A_1333[%rev3A_1338] in [0] : vector<16xf32>, vector<16xi32> -> vector<16xf32>
      %max3A_1340 = arith.maximumf %while3A_1220, %rev3A_1339 : vector<16xf32>
      %rev3A_1341 = arith.constant 15 : i32
      %rev3A_1342 = vector.broadcast %rev3A_1341 : i32 to vector<16xi32>
      %rev3A_1343 = tpu.iota {dimensions = array<i32: 0>} : vector<16xi32>
      %rev3A_1344 = arith.subi %rev3A_1342, %rev3A_1343 : vector<16xi32>
      %rev3A_1345 = tpu.dynamic_gather %sort3A_1328[%rev3A_1344] in [0] : vector<16xf32>, vector<16xi32> -> vector<16xf32>
      %max3A_1346 = arith.maximumf %while3A_1221, %rev3A_1345 : vector<16xf32>
      %rev3A_1347 = arith.constant 15 : i32
      %rev3A_1348 = vector.broadcast %rev3A_1347 : i32 to vector<16xi32>
      %rev3A_1349 = tpu.iota {dimensions = array<i32: 0>} : vector<16xi32>
      %rev3A_1350 = arith.subi %rev3A_1348, %rev3A_1349 : vector<16xi32>
      %rev3A_1351 = tpu.dynamic_gather %sort3A_1323[%rev3A_1350] in [0] : vector<16xf32>, vector<16xi32> -> vector<16xf32>
      %max3A_1352 = arith.maximumf %while3A_1222, %rev3A_1351 : vector<16xf32>
      %rev3A_1353 = arith.constant 15 : i32
      %rev3A_1354 = vector.broadcast %rev3A_1353 : i32 to vector<16xi32>
      %rev3A_1355 = tpu.iota {dimensions = array<i32: 0>} : vector<16xi32>
      %rev3A_1356 = arith.subi %rev3A_1354, %rev3A_1355 : vector<16xi32>
      %rev3A_1357 = tpu.dynamic_gather %sort3A_1318[%rev3A_1356] in [0] : vector<16xf32>, vector<16xi32> -> vector<16xf32>
      %max3A_1358 = arith.maximumf %while3A_1223, %rev3A_1357 : vector<16xf32>
      %min3A_1359 = arith.minimumf %max3A_1340, %max3A_1352 : vector<16xf32>
      %min3A_1360 = arith.minimumf %max3A_1346, %max3A_1358 : vector<16xf32>
      %max3A_1361 = arith.maximumf %max3A_1340, %max3A_1352 : vector<16xf32>
      %max3A_1362 = arith.maximumf %max3A_1346, %max3A_1358 : vector<16xf32>
      %min3A_1363 = arith.minimumf %min3A_1359, %min3A_1360 : vector<16xf32>
      %sort3A_1364 = arith.constant dense<true> : vector<16xi1>
      %sort3A_1365, %sort3A_1366, %sort3A_1367 = tpu.sort %min3A_1363, %min3A_1363 masked %sort3A_1364 : (vector<16xf32>, vector<16xf32>, vector<16xi1>) -> (vector<16xi1>, vector<16xf32>, vector<16xf32>)
      %max3A_1368 = arith.maximumf %min3A_1359, %min3A_1360 : vector<16xf32>
      %sort3A_1369 = arith.constant dense<true> : vector<16xi1>
      %sort3A_1370, %sort3A_1371, %sort3A_1372 = tpu.sort %max3A_1368, %max3A_1368 masked %sort3A_1369 : (vector<16xf32>, vector<16xf32>, vector<16xi1>) -> (vector<16xi1>, vector<16xf32>, vector<16xf32>)
      %min3A_1373 = arith.minimumf %max3A_1361, %max3A_1362 : vector<16xf32>
      %sort3A_1374 = arith.constant dense<true> : vector<16xi1>
      %sort3A_1375, %sort3A_1376, %sort3A_1377 = tpu.sort %min3A_1373, %min3A_1373 masked %sort3A_1374 : (vector<16xf32>, vector<16xf32>, vector<16xi1>) -> (vector<16xi1>, vector<16xf32>, vector<16xf32>)
      %max3A_1378 = arith.maximumf %max3A_1361, %max3A_1362 : vector<16xf32>
      %sort3A_1379 = arith.constant dense<true> : vector<16xi1>
      %sort3A_1380, %sort3A_1381, %sort3A_1382 = tpu.sort %max3A_1378, %max3A_1378 masked %sort3A_1379 : (vector<16xf32>, vector<16xf32>, vector<16xi1>) -> (vector<16xi1>, vector<16xf32>, vector<16xf32>)
      scf.yield %sort3A_1366, %sort3A_1371, %sort3A_1376, %sort3A_1381 : vector<16xf32>, vector<16xf32>, vector<16xf32>, vector<16xf32>
    }
    %rev3A_569 = arith.constant 15 : i32
    %rev3A_570 = vector.broadcast %rev3A_569 : i32 to vector<16xi32>
    %rev3A_571 = tpu.iota {dimensions = array<i32: 0>} : vector<16xi32>
    %rev3A_572 = arith.subi %rev3A_570, %rev3A_571 : vector<16xi32>
    %rev3A_573 = tpu.dynamic_gather %while3A_568#3[%rev3A_572] in [0] : vector<16xf32>, vector<16xi32> -> vector<16xf32>
    %swap3A_574 = arith.constant 1 : i32
    %swap3A_575 = arith.constant 0 : i32
    %swap3A_576 = tpu.memref_slice %arg7[%swap3A_574, %swap3A_575] : memref<4x64xf32, #tpu.memory_space<vmem>> -> memref<1x64xf32, #tpu.memory_space<vmem>>
    %swap3A_577 = tpu.memref_squeeze %swap3A_576 : memref<1x64xf32, #tpu.memory_space<vmem>> -> memref<64xf32, #tpu.memory_space<vmem>>
    %swap3A_578 = arith.constant 0 : index
    %swap3A_579 = tpu.vector_load %swap3A_577[%swap3A_578] {strides = array<i32>} : memref<64xf32, #tpu.memory_space<vmem>>, vector<16xf32>,
    tpu.vector_store %swap3A_577[%swap3A_578], %rev3A_573 {strides = array<i32>} : memref<64xf32, #tpu.memory_space<vmem>>, vector<16xf32>,
    %rev3A_580 = arith.constant 15 : i32
    %rev3A_581 = vector.broadcast %rev3A_580 : i32 to vector<16xi32>
    %rev3A_582 = tpu.iota {dimensions = array<i32: 0>} : vector<16xi32>
    %rev3A_583 = arith.subi %rev3A_581, %rev3A_582 : vector<16xi32>
    %rev3A_584 = tpu.dynamic_gather %while3A_568#2[%rev3A_583] in [0] : vector<16xf32>, vector<16xi32> -> vector<16xf32>
    %swap3A_585 = arith.constant 1 : i32
    %swap3A_586 = arith.constant 0 : i32
    %swap3A_587 = tpu.memref_slice %arg7[%swap3A_585, %swap3A_586] : memref<4x64xf32, #tpu.memory_space<vmem>> -> memref<1x64xf32, #tpu.memory_space<vmem>>
    %swap3A_588 = tpu.memref_squeeze %swap3A_587 : memref<1x64xf32, #tpu.memory_space<vmem>> -> memref<64xf32, #tpu.memory_space<vmem>>
    %swap3A_589 = arith.constant 16 : index
    %swap3A_590 = tpu.vector_load %swap3A_588[%swap3A_589] {strides = array<i32>} : memref<64xf32, #tpu.memory_space<vmem>>, vector<16xf32>,
    tpu.vector_store %swap3A_588[%swap3A_589], %rev3A_584 {strides = array<i32>} : memref<64xf32, #tpu.memory_space<vmem>>, vector<16xf32>,
    %rev3A_591 = arith.constant 15 : i32
    %rev3A_592 = vector.broadcast %rev3A_591 : i32 to vector<16xi32>
    %rev3A_593 = tpu.iota {dimensions = array<i32: 0>} : vector<16xi32>
    %rev3A_594 = arith.subi %rev3A_592, %rev3A_593 : vector<16xi32>
    %rev3A_595 = tpu.dynamic_gather %while3A_568#1[%rev3A_594] in [0] : vector<16xf32>, vector<16xi32> -> vector<16xf32>
    %swap3A_596 = arith.constant 1 : i32
    %swap3A_597 = arith.constant 0 : i32
    %swap3A_598 = tpu.memref_slice %arg7[%swap3A_596, %swap3A_597] : memref<4x64xf32, #tpu.memory_space<vmem>> -> memref<1x64xf32, #tpu.memory_space<vmem>>
    %swap3A_599 = tpu.memref_squeeze %swap3A_598 : memref<1x64xf32, #tpu.memory_space<vmem>> -> memref<64xf32, #tpu.memory_space<vmem>>
    %swap3A_600 = arith.constant 32 : index
    %swap3A_601 = tpu.vector_load %swap3A_599[%swap3A_600] {strides = array<i32>} : memref<64xf32, #tpu.memory_space<vmem>>, vector<16xf32>,
    tpu.vector_store %swap3A_599[%swap3A_600], %rev3A_595 {strides = array<i32>} : memref<64xf32, #tpu.memory_space<vmem>>, vector<16xf32>,
    %rev3A_602 = arith.constant 15 : i32
    %rev3A_603 = vector.broadcast %rev3A_602 : i32 to vector<16xi32>
    %rev3A_604 = tpu.iota {dimensions = array<i32: 0>} : vector<16xi32>
    %rev3A_605 = arith.subi %rev3A_603, %rev3A_604 : vector<16xi32>
    %rev3A_606 = tpu.dynamic_gather %while3A_568#0[%rev3A_605] in [0] : vector<16xf32>, vector<16xi32> -> vector<16xf32>
    %swap3A_607 = arith.constant 1 : i32
    %swap3A_608 = arith.constant 0 : i32
    %swap3A_609 = tpu.memref_slice %arg7[%swap3A_607, %swap3A_608] : memref<4x64xf32, #tpu.memory_space<vmem>> -> memref<1x64xf32, #tpu.memory_space<vmem>>
    %swap3A_610 = tpu.memref_squeeze %swap3A_609 : memref<1x64xf32, #tpu.memory_space<vmem>> -> memref<64xf32, #tpu.memory_space<vmem>>
    %swap3A_611 = arith.constant 48 : index
    %swap3A_612 = tpu.vector_load %swap3A_610[%swap3A_611] {strides = array<i32>} : memref<64xf32, #tpu.memory_space<vmem>>, vector<16xf32>,
    tpu.vector_store %swap3A_610[%swap3A_611], %rev3A_606 {strides = array<i32>} : memref<64xf32, #tpu.memory_space<vmem>>, vector<16xf32>,
    %dma_wait3A_613 = arith.constant 0 : i32
    %dma_wait3A_614 = tpu.memref_slice %arg2[%add3A_314, %dma_wait3A_613] : memref<128x8192xf32, #tpu.memory_space<hbm>> -> memref<1x8192xf32, #tpu.memory_space<hbm>>
    %dma_wait3A_615 = tpu.memref_squeeze %dma_wait3A_614 : memref<1x8192xf32, #tpu.memory_space<hbm>> -> memref<8192xf32, #tpu.memory_space<hbm>>
    %dma_wait3A_616 = arith.constant 0 : i32
    %dma_wait3A_617 = tpu.memref_slice %arg2[%add3A_314, %dma_wait3A_616] : memref<128x8192xf32, #tpu.memory_space<hbm>> -> memref<1x8192xf32, #tpu.memory_space<hbm>>
    %dma_wait3A_618 = tpu.memref_squeeze %dma_wait3A_617 : memref<1x8192xf32, #tpu.memory_space<hbm>> -> memref<8192xf32, #tpu.memory_space<hbm>>
    tpu.wait_dma2 semaphore(%arg8 : memref<!tpu.dma_semaphore, #tpu.memory_space<semaphore_mem>>) src(%dma_wait3A_618 : memref<8192xf32, #tpu.memory_space<hbm>>) dst(%arg4 : memref<8192xf32, #tpu.memory_space<vmem>>)
    %add3A_619 = arith.constant 2 : i32
    %add3A_620 = arith.addi %mul3A_3, %add3A_619 : i32
    %add3A_621 = arith.constant 1 : i32
    %add3A_622 = arith.addi %add3A_620, %add3A_621 : i32
    %dma_start3A_623 = arith.constant 0 : i32
    %dma_start3A_624 = tpu.memref_slice %arg2[%add3A_622, %dma_start3A_623] : memref<128x8192xf32, #tpu.memory_space<hbm>> -> memref<1x8192xf32, #tpu.memory_space<hbm>>
    %dma_start3A_625 = tpu.memref_squeeze %dma_start3A_624 : memref<1x8192xf32, #tpu.memory_space<hbm>> -> memref<8192xf32, #tpu.memory_space<hbm>>
    %dma_start3A_626 = arith.constant 0 : i32
    %dma_start3A_627 = tpu.memref_slice %arg2[%add3A_622, %dma_start3A_626] : memref<128x8192xf32, #tpu.memory_space<hbm>> -> memref<1x8192xf32, #tpu.memory_space<hbm>>
    %dma_start3A_628 = tpu.memref_squeeze %dma_start3A_627 : memref<1x8192xf32, #tpu.memory_space<hbm>> -> memref<8192xf32, #tpu.memory_space<hbm>>
    tpu.enqueue_dma source(%dma_start3A_628 : memref<8192xf32, #tpu.memory_space<hbm>>) target(%arg5 : memref<8192xf32, #tpu.memory_space<vmem>>) target_semaphore(%arg9 : memref<!tpu.dma_semaphore, #tpu.memory_space<semaphore_mem>>)
    %parallel_loop3A_629 = arith.constant 0 : i32
    %parallel_loop3A_630 = arith.constant 64 : i32
    %parallel_loop3A_631 = arith.constant 1 : i32
    %parallel_loop3A_632:8 = scf.for %parallel_loop3A_1219 = %parallel_loop3A_629 to %parallel_loop3A_630 step %parallel_loop3A_631 iter_args(%parallel_loop3A_1220 = %broadcast_in_dim3A_1, %parallel_loop3A_1221 = %broadcast_in_dim3A_1, %parallel_loop3A_1222 = %broadcast_in_dim3A_1, %parallel_loop3A_1223 = %broadcast_in_dim3A_1, %parallel_loop3A_1224 = %broadcast_in_dim3A_1, %parallel_loop3A_1225 = %broadcast_in_dim3A_1, %parallel_loop3A_1226 = %broadcast_in_dim3A_1, %parallel_loop3A_1227 = %broadcast_in_dim3A_1) -> (vector<16xf32>, vector<16xf32>, vector<16xf32>, vector<16xf32>, vector<16xf32>, vector<16xf32>, vector<16xf32>, vector<16xf32>)  : i32 {
      %parallel_loop3A_1228 = arith.constant 128 : i32
      %parallel_loop3A_1229 = arith.muli %parallel_loop3A_1219, %parallel_loop3A_1228 : i32
      %parallel_loop3A_1230 = arith.constant 0 : i32
      %parallel_loop3A_1231 = arith.addi %parallel_loop3A_1229, %parallel_loop3A_1230 : i32
      %parallel_loop3A_1232 = arith.index_cast %parallel_loop3A_1231 : i32 to index
      %parallel_loop3A_1233 = tpu.vector_load %arg4[%parallel_loop3A_1232] {strides = array<i32>} : memref<8192xf32, #tpu.memory_space<vmem>>, vector<16xf32>,
      %parallel_loop3A_1234 = arith.maximumf %parallel_loop3A_1220, %parallel_loop3A_1233 : vector<16xf32>
      %parallel_loop3A_1235 = arith.constant 16 : i32
      %parallel_loop3A_1236 = arith.addi %parallel_loop3A_1229, %parallel_loop3A_1235 : i32
      %parallel_loop3A_1237 = arith.index_cast %parallel_loop3A_1236 : i32 to index
      %parallel_loop3A_1238 = tpu.vector_load %arg4[%parallel_loop3A_1237] {strides = array<i32>} : memref<8192xf32, #tpu.memory_space<vmem>>, vector<16xf32>,
      %parallel_loop3A_1239 = arith.maximumf %parallel_loop3A_1221, %parallel_loop3A_1238 : vector<16xf32>
      %parallel_loop3A_1240 = arith.constant 32 : i32
      %parallel_loop3A_1241 = arith.addi %parallel_loop3A_1229, %parallel_loop3A_1240 : i32
      %parallel_loop3A_1242 = arith.index_cast %parallel_loop3A_1241 : i32 to index
      %parallel_loop3A_1243 = tpu.vector_load %arg4[%parallel_loop3A_1242] {strides = array<i32>} : memref<8192xf32, #tpu.memory_space<vmem>>, vector<16xf32>,
      %parallel_loop3A_1244 = arith.maximumf %parallel_loop3A_1222, %parallel_loop3A_1243 : vector<16xf32>
      %parallel_loop3A_1245 = arith.constant 48 : i32
      %parallel_loop3A_1246 = arith.addi %parallel_loop3A_1229, %parallel_loop3A_1245 : i32
      %parallel_loop3A_1247 = arith.index_cast %parallel_loop3A_1246 : i32 to index
      %parallel_loop3A_1248 = tpu.vector_load %arg4[%parallel_loop3A_1247] {strides = array<i32>} : memref<8192xf32, #tpu.memory_space<vmem>>, vector<16xf32>,
      %parallel_loop3A_1249 = arith.maximumf %parallel_loop3A_1223, %parallel_loop3A_1248 : vector<16xf32>
      %parallel_loop3A_1250 = arith.constant 64 : i32
      %parallel_loop3A_1251 = arith.addi %parallel_loop3A_1229, %parallel_loop3A_1250 : i32
      %parallel_loop3A_1252 = arith.index_cast %parallel_loop3A_1251 : i32 to index
      %parallel_loop3A_1253 = tpu.vector_load %arg4[%parallel_loop3A_1252] {strides = array<i32>} : memref<8192xf32, #tpu.memory_space<vmem>>, vector<16xf32>,
      %parallel_loop3A_1254 = arith.maximumf %parallel_loop3A_1224, %parallel_loop3A_1253 : vector<16xf32>
      %parallel_loop3A_1255 = arith.constant 80 : i32
      %parallel_loop3A_1256 = arith.addi %parallel_loop3A_1229, %parallel_loop3A_1255 : i32
      %parallel_loop3A_1257 = arith.index_cast %parallel_loop3A_1256 : i32 to index
      %parallel_loop3A_1258 = tpu.vector_load %arg4[%parallel_loop3A_1257] {strides = array<i32>} : memref<8192xf32, #tpu.memory_space<vmem>>, vector<16xf32>,
      %parallel_loop3A_1259 = arith.maximumf %parallel_loop3A_1225, %parallel_loop3A_1258 : vector<16xf32>
      %parallel_loop3A_1260 = arith.constant 96 : i32
      %parallel_loop3A_1261 = arith.addi %parallel_loop3A_1229, %parallel_loop3A_1260 : i32
      %parallel_loop3A_1262 = arith.index_cast %parallel_loop3A_1261 : i32 to index
      %parallel_loop3A_1263 = tpu.vector_load %arg4[%parallel_loop3A_1262] {strides = array<i32>} : memref<8192xf32, #tpu.memory_space<vmem>>, vector<16xf32>,
      %parallel_loop3A_1264 = arith.maximumf %parallel_loop3A_1226, %parallel_loop3A_1263 : vector<16xf32>
      %parallel_loop3A_1265 = arith.constant 112 : i32
      %parallel_loop3A_1266 = arith.addi %parallel_loop3A_1229, %parallel_loop3A_1265 : i32
      %parallel_loop3A_1267 = arith.index_cast %parallel_loop3A_1266 : i32 to index
      %parallel_loop3A_1268 = tpu.vector_load %arg4[%parallel_loop3A_1267] {strides = array<i32>} : memref<8192xf32, #tpu.memory_space<vmem>>, vector<16xf32>,
      %parallel_loop3A_1269 = arith.maximumf %parallel_loop3A_1227, %parallel_loop3A_1268 : vector<16xf32>
      scf.yield %parallel_loop3A_1234, %parallel_loop3A_1239, %parallel_loop3A_1244, %parallel_loop3A_1249, %parallel_loop3A_1254, %parallel_loop3A_1259, %parallel_loop3A_1264, %parallel_loop3A_1269 : vector<16xf32>, vector<16xf32>, vector<16xf32>, vector<16xf32>, vector<16xf32>, vector<16xf32>, vector<16xf32>, vector<16xf32>
    } {sc.loop_unroll_factor = 4 : i64, sc.parallel_access}
    %sort3A_633 = arith.constant dense<true> : vector<16xi1>
    %sort3A_634, %sort3A_635, %sort3A_636 = tpu.sort %parallel_loop3A_632#0, %parallel_loop3A_632#0 masked %sort3A_633 : (vector<16xf32>, vector<16xf32>, vector<16xi1>) -> (vector<16xi1>, vector<16xf32>, vector<16xf32>)
    %sort3A_637 = arith.constant dense<true> : vector<16xi1>
    %sort3A_638, %sort3A_639, %sort3A_640 = tpu.sort %parallel_loop3A_632#1, %parallel_loop3A_632#1 masked %sort3A_637 : (vector<16xf32>, vector<16xf32>, vector<16xi1>) -> (vector<16xi1>, vector<16xf32>, vector<16xf32>)
    %rev3A_641 = arith.constant 15 : i32
    %rev3A_642 = vector.broadcast %rev3A_641 : i32 to vector<16xi32>
    %rev3A_643 = tpu.iota {dimensions = array<i32: 0>} : vector<16xi32>
    %rev3A_644 = arith.subi %rev3A_642, %rev3A_643 : vector<16xi32>
    %rev3A_645 = tpu.dynamic_gather %sort3A_639[%rev3A_644] in [0] : vector<16xf32>, vector<16xi32> -> vector<16xf32>
    %min3A_646 = arith.minimumf %sort3A_635, %rev3A_645 : vector<16xf32>
    %sort3A_647 = arith.constant dense<true> : vector<16xi1>
    %sort3A_648, %sort3A_649, %sort3A_650 = tpu.sort %min3A_646, %min3A_646 masked %sort3A_647 : (vector<16xf32>, vector<16xf32>, vector<16xi1>) -> (vector<16xi1>, vector<16xf32>, vector<16xf32>)
    %max3A_651 = arith.maximumf %sort3A_635, %rev3A_645 : vector<16xf32>
    %sort3A_652 = arith.constant dense<true> : vector<16xi1>
    %sort3A_653, %sort3A_654, %sort3A_655 = tpu.sort %max3A_651, %max3A_651 masked %sort3A_652 : (vector<16xf32>, vector<16xf32>, vector<16xi1>) -> (vector<16xi1>, vector<16xf32>, vector<16xf32>)
    %sort3A_656 = arith.constant dense<true> : vector<16xi1>
    %sort3A_657, %sort3A_658, %sort3A_659 = tpu.sort %parallel_loop3A_632#2, %parallel_loop3A_632#2 masked %sort3A_656 : (vector<16xf32>, vector<16xf32>, vector<16xi1>) -> (vector<16xi1>, vector<16xf32>, vector<16xf32>)
    %sort3A_660 = arith.constant dense<true> : vector<16xi1>
    %sort3A_661, %sort3A_662, %sort3A_663 = tpu.sort %parallel_loop3A_632#3, %parallel_loop3A_632#3 masked %sort3A_660 : (vector<16xf32>, vector<16xf32>, vector<16xi1>) -> (vector<16xi1>, vector<16xf32>, vector<16xf32>)
    %rev3A_664 = arith.constant 15 : i32
    %rev3A_665 = vector.broadcast %rev3A_664 : i32 to vector<16xi32>
    %rev3A_666 = tpu.iota {dimensions = array<i32: 0>} : vector<16xi32>
    %rev3A_667 = arith.subi %rev3A_665, %rev3A_666 : vector<16xi32>
    %rev3A_668 = tpu.dynamic_gather %sort3A_662[%rev3A_667] in [0] : vector<16xf32>, vector<16xi32> -> vector<16xf32>
    %min3A_669 = arith.minimumf %sort3A_658, %rev3A_668 : vector<16xf32>
    %sort3A_670 = arith.constant dense<true> : vector<16xi1>
    %sort3A_671, %sort3A_672, %sort3A_673 = tpu.sort %min3A_669, %min3A_669 masked %sort3A_670 : (vector<16xf32>, vector<16xf32>, vector<16xi1>) -> (vector<16xi1>, vector<16xf32>, vector<16xf32>)
    %max3A_674 = arith.maximumf %sort3A_658, %rev3A_668 : vector<16xf32>
    %sort3A_675 = arith.constant dense<true> : vector<16xi1>
    %sort3A_676, %sort3A_677, %sort3A_678 = tpu.sort %max3A_674, %max3A_674 masked %sort3A_675 : (vector<16xf32>, vector<16xf32>, vector<16xi1>) -> (vector<16xi1>, vector<16xf32>, vector<16xf32>)
    %rev3A_679 = arith.constant 15 : i32
    %rev3A_680 = vector.broadcast %rev3A_679 : i32 to vector<16xi32>
    %rev3A_681 = tpu.iota {dimensions = array<i32: 0>} : vector<16xi32>
    %rev3A_682 = arith.subi %rev3A_680, %rev3A_681 : vector<16xi32>
    %rev3A_683 = tpu.dynamic_gather %sort3A_677[%rev3A_682] in [0] : vector<16xf32>, vector<16xi32> -> vector<16xf32>
    %rev3A_684 = arith.constant 15 : i32
    %rev3A_685 = vector.broadcast %rev3A_684 : i32 to vector<16xi32>
    %rev3A_686 = tpu.iota {dimensions = array<i32: 0>} : vector<16xi32>
    %rev3A_687 = arith.subi %rev3A_685, %rev3A_686 : vector<16xi32>
    %rev3A_688 = tpu.dynamic_gather %sort3A_672[%rev3A_687] in [0] : vector<16xf32>, vector<16xi32> -> vector<16xf32>
    %min3A_689 = arith.minimumf %sort3A_649, %rev3A_683 : vector<16xf32>
    %min3A_690 = arith.minimumf %sort3A_654, %rev3A_688 : vector<16xf32>
    %max3A_691 = arith.maximumf %sort3A_649, %rev3A_683 : vector<16xf32>
    %max3A_692 = arith.maximumf %sort3A_654, %rev3A_688 : vector<16xf32>
    %min3A_693 = arith.minimumf %min3A_689, %min3A_690 : vector<16xf32>
    %sort3A_694 = arith.constant dense<true> : vector<16xi1>
    %sort3A_695, %sort3A_696, %sort3A_697 = tpu.sort %min3A_693, %min3A_693 masked %sort3A_694 : (vector<16xf32>, vector<16xf32>, vector<16xi1>) -> (vector<16xi1>, vector<16xf32>, vector<16xf32>)
    %max3A_698 = arith.maximumf %min3A_689, %min3A_690 : vector<16xf32>
    %sort3A_699 = arith.constant dense<true> : vector<16xi1>
    %sort3A_700, %sort3A_701, %sort3A_702 = tpu.sort %max3A_698, %max3A_698 masked %sort3A_699 : (vector<16xf32>, vector<16xf32>, vector<16xi1>) -> (vector<16xi1>, vector<16xf32>, vector<16xf32>)
    %min3A_703 = arith.minimumf %max3A_691, %max3A_692 : vector<16xf32>
    %sort3A_704 = arith.constant dense<true> : vector<16xi1>
    %sort3A_705, %sort3A_706, %sort3A_707 = tpu.sort %min3A_703, %min3A_703 masked %sort3A_704 : (vector<16xf32>, vector<16xf32>, vector<16xi1>) -> (vector<16xi1>, vector<16xf32>, vector<16xf32>)
    %max3A_708 = arith.maximumf %max3A_691, %max3A_692 : vector<16xf32>
    %sort3A_709 = arith.constant dense<true> : vector<16xi1>
    %sort3A_710, %sort3A_711, %sort3A_712 = tpu.sort %max3A_708, %max3A_708 masked %sort3A_709 : (vector<16xf32>, vector<16xf32>, vector<16xi1>) -> (vector<16xi1>, vector<16xf32>, vector<16xf32>)
    %sort3A_713 = arith.constant dense<true> : vector<16xi1>
    %sort3A_714, %sort3A_715, %sort3A_716 = tpu.sort %parallel_loop3A_632#4, %parallel_loop3A_632#4 masked %sort3A_713 : (vector<16xf32>, vector<16xf32>, vector<16xi1>) -> (vector<16xi1>, vector<16xf32>, vector<16xf32>)
    %sort3A_717 = arith.constant dense<true> : vector<16xi1>
    %sort3A_718, %sort3A_719, %sort3A_720 = tpu.sort %parallel_loop3A_632#5, %parallel_loop3A_632#5 masked %sort3A_717 : (vector<16xf32>, vector<16xf32>, vector<16xi1>) -> (vector<16xi1>, vector<16xf32>, vector<16xf32>)
    %rev3A_721 = arith.constant 15 : i32
    %rev3A_722 = vector.broadcast %rev3A_721 : i32 to vector<16xi32>
    %rev3A_723 = tpu.iota {dimensions = array<i32: 0>} : vector<16xi32>
    %rev3A_724 = arith.subi %rev3A_722, %rev3A_723 : vector<16xi32>
    %rev3A_725 = tpu.dynamic_gather %sort3A_719[%rev3A_724] in [0] : vector<16xf32>, vector<16xi32> -> vector<16xf32>
    %min3A_726 = arith.minimumf %sort3A_715, %rev3A_725 : vector<16xf32>
    %sort3A_727 = arith.constant dense<true> : vector<16xi1>
    %sort3A_728, %sort3A_729, %sort3A_730 = tpu.sort %min3A_726, %min3A_726 masked %sort3A_727 : (vector<16xf32>, vector<16xf32>, vector<16xi1>) -> (vector<16xi1>, vector<16xf32>, vector<16xf32>)
    %max3A_731 = arith.maximumf %sort3A_715, %rev3A_725 : vector<16xf32>
    %sort3A_732 = arith.constant dense<true> : vector<16xi1>
    %sort3A_733, %sort3A_734, %sort3A_735 = tpu.sort %max3A_731, %max3A_731 masked %sort3A_732 : (vector<16xf32>, vector<16xf32>, vector<16xi1>) -> (vector<16xi1>, vector<16xf32>, vector<16xf32>)
    %sort3A_736 = arith.constant dense<true> : vector<16xi1>
    %sort3A_737, %sort3A_738, %sort3A_739 = tpu.sort %parallel_loop3A_632#6, %parallel_loop3A_632#6 masked %sort3A_736 : (vector<16xf32>, vector<16xf32>, vector<16xi1>) -> (vector<16xi1>, vector<16xf32>, vector<16xf32>)
    %sort3A_740 = arith.constant dense<true> : vector<16xi1>
    %sort3A_741, %sort3A_742, %sort3A_743 = tpu.sort %parallel_loop3A_632#7, %parallel_loop3A_632#7 masked %sort3A_740 : (vector<16xf32>, vector<16xf32>, vector<16xi1>) -> (vector<16xi1>, vector<16xf32>, vector<16xf32>)
    %rev3A_744 = arith.constant 15 : i32
    %rev3A_745 = vector.broadcast %rev3A_744 : i32 to vector<16xi32>
    %rev3A_746 = tpu.iota {dimensions = array<i32: 0>} : vector<16xi32>
    %rev3A_747 = arith.subi %rev3A_745, %rev3A_746 : vector<16xi32>
    %rev3A_748 = tpu.dynamic_gather %sort3A_742[%rev3A_747] in [0] : vector<16xf32>, vector<16xi32> -> vector<16xf32>
    %min3A_749 = arith.minimumf %sort3A_738, %rev3A_748 : vector<16xf32>
    %sort3A_750 = arith.constant dense<true> : vector<16xi1>
    %sort3A_751, %sort3A_752, %sort3A_753 = tpu.sort %min3A_749, %min3A_749 masked %sort3A_750 : (vector<16xf32>, vector<16xf32>, vector<16xi1>) -> (vector<16xi1>, vector<16xf32>, vector<16xf32>)
    %max3A_754 = arith.maximumf %sort3A_738, %rev3A_748 : vector<16xf32>
    %sort3A_755 = arith.constant dense<true> : vector<16xi1>
    %sort3A_756, %sort3A_757, %sort3A_758 = tpu.sort %max3A_754, %max3A_754 masked %sort3A_755 : (vector<16xf32>, vector<16xf32>, vector<16xi1>) -> (vector<16xi1>, vector<16xf32>, vector<16xf32>)
    %rev3A_759 = arith.constant 15 : i32
    %rev3A_760 = vector.broadcast %rev3A_759 : i32 to vector<16xi32>
    %rev3A_761 = tpu.iota {dimensions = array<i32: 0>} : vector<16xi32>
    %rev3A_762 = arith.subi %rev3A_760, %rev3A_761 : vector<16xi32>
    %rev3A_763 = tpu.dynamic_gather %sort3A_757[%rev3A_762] in [0] : vector<16xf32>, vector<16xi32> -> vector<16xf32>
    %rev3A_764 = arith.constant 15 : i32
    %rev3A_765 = vector.broadcast %rev3A_764 : i32 to vector<16xi32>
    %rev3A_766 = tpu.iota {dimensions = array<i32: 0>} : vector<16xi32>
    %rev3A_767 = arith.subi %rev3A_765, %rev3A_766 : vector<16xi32>
    %rev3A_768 = tpu.dynamic_gather %sort3A_752[%rev3A_767] in [0] : vector<16xf32>, vector<16xi32> -> vector<16xf32>
    %min3A_769 = arith.minimumf %sort3A_729, %rev3A_763 : vector<16xf32>
    %min3A_770 = arith.minimumf %sort3A_734, %rev3A_768 : vector<16xf32>
    %max3A_771 = arith.maximumf %sort3A_729, %rev3A_763 : vector<16xf32>
    %max3A_772 = arith.maximumf %sort3A_734, %rev3A_768 : vector<16xf32>
    %min3A_773 = arith.minimumf %min3A_769, %min3A_770 : vector<16xf32>
    %sort3A_774 = arith.constant dense<true> : vector<16xi1>
    %sort3A_775, %sort3A_776, %sort3A_777 = tpu.sort %min3A_773, %min3A_773 masked %sort3A_774 : (vector<16xf32>, vector<16xf32>, vector<16xi1>) -> (vector<16xi1>, vector<16xf32>, vector<16xf32>)
    %max3A_778 = arith.maximumf %min3A_769, %min3A_770 : vector<16xf32>
    %sort3A_779 = arith.constant dense<true> : vector<16xi1>
    %sort3A_780, %sort3A_781, %sort3A_782 = tpu.sort %max3A_778, %max3A_778 masked %sort3A_779 : (vector<16xf32>, vector<16xf32>, vector<16xi1>) -> (vector<16xi1>, vector<16xf32>, vector<16xf32>)
    %min3A_783 = arith.minimumf %max3A_771, %max3A_772 : vector<16xf32>
    %sort3A_784 = arith.constant dense<true> : vector<16xi1>
    %sort3A_785, %sort3A_786, %sort3A_787 = tpu.sort %min3A_783, %min3A_783 masked %sort3A_784 : (vector<16xf32>, vector<16xf32>, vector<16xi1>) -> (vector<16xi1>, vector<16xf32>, vector<16xf32>)
    %max3A_788 = arith.maximumf %max3A_771, %max3A_772 : vector<16xf32>
    %sort3A_789 = arith.constant dense<true> : vector<16xi1>
    %sort3A_790, %sort3A_791, %sort3A_792 = tpu.sort %max3A_788, %max3A_788 masked %sort3A_789 : (vector<16xf32>, vector<16xf32>, vector<16xi1>) -> (vector<16xi1>, vector<16xf32>, vector<16xf32>)
    %rev3A_793 = arith.constant 15 : i32
    %rev3A_794 = vector.broadcast %rev3A_793 : i32 to vector<16xi32>
    %rev3A_795 = tpu.iota {dimensions = array<i32: 0>} : vector<16xi32>
    %rev3A_796 = arith.subi %rev3A_794, %rev3A_795 : vector<16xi32>
    %rev3A_797 = tpu.dynamic_gather %sort3A_791[%rev3A_796] in [0] : vector<16xf32>, vector<16xi32> -> vector<16xf32>
    %max3A_798 = arith.maximumf %sort3A_696, %rev3A_797 : vector<16xf32>
    %rev3A_799 = arith.constant 15 : i32
    %rev3A_800 = vector.broadcast %rev3A_799 : i32 to vector<16xi32>
    %rev3A_801 = tpu.iota {dimensions = array<i32: 0>} : vector<16xi32>
    %rev3A_802 = arith.subi %rev3A_800, %rev3A_801 : vector<16xi32>
    %rev3A_803 = tpu.dynamic_gather %sort3A_786[%rev3A_802] in [0] : vector<16xf32>, vector<16xi32> -> vector<16xf32>
    %max3A_804 = arith.maximumf %sort3A_701, %rev3A_803 : vector<16xf32>
    %rev3A_805 = arith.constant 15 : i32
    %rev3A_806 = vector.broadcast %rev3A_805 : i32 to vector<16xi32>
    %rev3A_807 = tpu.iota {dimensions = array<i32: 0>} : vector<16xi32>
    %rev3A_808 = arith.subi %rev3A_806, %rev3A_807 : vector<16xi32>
    %rev3A_809 = tpu.dynamic_gather %sort3A_781[%rev3A_808] in [0] : vector<16xf32>, vector<16xi32> -> vector<16xf32>
    %max3A_810 = arith.maximumf %sort3A_706, %rev3A_809 : vector<16xf32>
    %rev3A_811 = arith.constant 15 : i32
    %rev3A_812 = vector.broadcast %rev3A_811 : i32 to vector<16xi32>
    %rev3A_813 = tpu.iota {dimensions = array<i32: 0>} : vector<16xi32>
    %rev3A_814 = arith.subi %rev3A_812, %rev3A_813 : vector<16xi32>
    %rev3A_815 = tpu.dynamic_gather %sort3A_776[%rev3A_814] in [0] : vector<16xf32>, vector<16xi32> -> vector<16xf32>
    %max3A_816 = arith.maximumf %sort3A_711, %rev3A_815 : vector<16xf32>
    %min3A_817 = arith.minimumf %max3A_798, %max3A_810 : vector<16xf32>
    %min3A_818 = arith.minimumf %max3A_804, %max3A_816 : vector<16xf32>
    %max3A_819 = arith.maximumf %max3A_798, %max3A_810 : vector<16xf32>
    %max3A_820 = arith.maximumf %max3A_804, %max3A_816 : vector<16xf32>
    %min3A_821 = arith.minimumf %min3A_817, %min3A_818 : vector<16xf32>
    %sort3A_822 = arith.constant dense<true> : vector<16xi1>
    %sort3A_823, %sort3A_824, %sort3A_825 = tpu.sort %min3A_821, %min3A_821 masked %sort3A_822 : (vector<16xf32>, vector<16xf32>, vector<16xi1>) -> (vector<16xi1>, vector<16xf32>, vector<16xf32>)
    %max3A_826 = arith.maximumf %min3A_817, %min3A_818 : vector<16xf32>
    %sort3A_827 = arith.constant dense<true> : vector<16xi1>
    %sort3A_828, %sort3A_829, %sort3A_830 = tpu.sort %max3A_826, %max3A_826 masked %sort3A_827 : (vector<16xf32>, vector<16xf32>, vector<16xi1>) -> (vector<16xi1>, vector<16xf32>, vector<16xf32>)
    %min3A_831 = arith.minimumf %max3A_819, %max3A_820 : vector<16xf32>
    %sort3A_832 = arith.constant dense<true> : vector<16xi1>
    %sort3A_833, %sort3A_834, %sort3A_835 = tpu.sort %min3A_831, %min3A_831 masked %sort3A_832 : (vector<16xf32>, vector<16xf32>, vector<16xi1>) -> (vector<16xi1>, vector<16xf32>, vector<16xf32>)
    %max3A_836 = arith.maximumf %max3A_819, %max3A_820 : vector<16xf32>
    %sort3A_837 = arith.constant dense<true> : vector<16xi1>
    %sort3A_838, %sort3A_839, %sort3A_840 = tpu.sort %max3A_836, %max3A_836 masked %sort3A_837 : (vector<16xf32>, vector<16xf32>, vector<16xi1>) -> (vector<16xi1>, vector<16xf32>, vector<16xf32>)
    %reduce_min3A_841 = arith.constant true
    %reduce_min3A_842 = vector.broadcast %reduce_min3A_841 : i1 to vector<16xi1>
    %reduce_min3A_843 = tpu.scan <min>, %sort3A_824 masked %reduce_min3A_842 : vector<16xf32>, vector<16xi1> -> vector<16xf32>
    %reduce_min3A_844 = vector.extract %reduce_min3A_843[15] : f32 from vector<16xf32>
    %broadcast_in_dim3A_845 = vector.broadcast %reduce_min3A_844 : f32 to vector<16xf32>
    %mul3A_846 = arith.constant 512 : i32
    %mul3A_847 = vector.broadcast %mul3A_846 : i32 to vector<16xi32>
    %mul3A_848 = arith.muli %iota3A, %mul3A_847 : vector<16xi32>
    %parallel_loop3A_849 = arith.constant 0 : i32
    %parallel_loop3A_850 = arith.constant 512 : i32
    %parallel_loop3A_851 = arith.constant 1 : i32
    %parallel_loop3A_852 = scf.for %parallel_loop3A_1219 = %parallel_loop3A_849 to %parallel_loop3A_850 step %parallel_loop3A_851 iter_args(%parallel_loop3A_1220 = %mul3A_848) -> (vector<16xi32>)  : i32 {
      %parallel_loop3A_1221 = arith.constant 16 : i32
      %parallel_loop3A_1222 = arith.muli %parallel_loop3A_1219, %parallel_loop3A_1221 : i32
      %parallel_loop3A_1223 = arith.index_cast %parallel_loop3A_1222 : i32 to index
      %parallel_loop3A_1224 = tpu.vector_load %arg4[%parallel_loop3A_1223] {strides = array<i32>} : memref<8192xf32, #tpu.memory_space<vmem>>, vector<16xf32>,
      %parallel_loop3A_1225 = arith.cmpf oge, %parallel_loop3A_1224, %broadcast_in_dim3A_845 : vector<16xf32>
      tpu.vector_store_idx %arg6[%parallel_loop3A_1220], %parallel_loop3A_1224 masked %parallel_loop3A_1225 : memref<8256xf32, #tpu.memory_space<vmem>>[vector<16xi32>], vector<16xf32>, vector<16xi1>
      %parallel_loop3A_1226 = arith.extui %parallel_loop3A_1225 : vector<16xi1> to vector<16xi32>
      %parallel_loop3A_1227 = arith.addi %parallel_loop3A_1220, %parallel_loop3A_1226 : vector<16xi32>
      scf.yield %parallel_loop3A_1227 : vector<16xi32>
    } {sc.loop_unroll_factor = 8 : i64, sc.parallel_access}
    %sub3A_853 = arith.subi %parallel_loop3A_852, %mul3A_848 : vector<16xi32>
    %reduce_max3A_854 = arith.constant true
    %reduce_max3A_855 = vector.broadcast %reduce_max3A_854 : i1 to vector<16xi1>
    %reduce_max3A_856 = arith.constant -2147483648 : i32
    %reduce_max3A_857 = vector.broadcast %reduce_max3A_856 : i32 to vector<16xi32>
    %reduce_max3A_858 = arith.xori %sub3A_853, %reduce_max3A_857 : vector<16xi32>
    %reduce_max3A_859 = tpu.scan <max>, %reduce_max3A_858 masked %reduce_max3A_855 : vector<16xi32>, vector<16xi1> -> vector<16xi32>
    %reduce_max3A_860 = arith.xori %reduce_max3A_859, %reduce_max3A_857 : vector<16xi32>
    %reduce_max3A_861 = vector.extract %reduce_max3A_860[15] : i32 from vector<16xi32>
    %add3A_862 = arith.constant 3 : i32
    %add3A_863 = arith.addi %reduce_max3A_861, %add3A_862 : i32
    %shift_right_logical3A_864 = arith.constant 2 : i32
    %shift_right_logical3A_865 = arith.shrui %add3A_863, %shift_right_logical3A_864 : i32
    %while3A_866 = arith.constant 0 : i32
    %while3A_867 = arith.subi %shift_right_logical3A_865, %while3A_866 : i32
    %while3A_868 = arith.addi %while3A_866, %while3A_867 : i32
    %while3A_869 = arith.constant 1 : i32
    %while3A_870 = arith.divsi %while3A_867, %while3A_869 : i32
    %while3A_871 = arith.muli %while3A_870, %while3A_869 : i32
    %while3A_872 = arith.addi %while3A_866, %while3A_871 : i32
    %while3A_873 = arith.constant 1 : i32
    %while3A_874:4 = scf.for %while3A_1219 = %while3A_866 to %while3A_872 step %while3A_873 iter_args(%while3A_1220 = %broadcast_in_dim3A_1, %while3A_1221 = %broadcast_in_dim3A_1, %while3A_1222 = %broadcast_in_dim3A_1, %while3A_1223 = %broadcast_in_dim3A_1) -> (vector<16xf32>, vector<16xf32>, vector<16xf32>, vector<16xf32>)  : i32 {
      %mul3A_1224 = arith.constant 4 : i32
      %mul3A_1225 = arith.muli %while3A_1219, %mul3A_1224 : i32
      %add3A_1226 = arith.constant 0 : i32
      %add3A_1227 = arith.addi %mul3A_1225, %add3A_1226 : i32
      %add3A_1228 = vector.broadcast %add3A_1227 : i32 to vector<16xi32>
      %add3A_1229 = arith.addi %mul3A_848, %add3A_1228 : vector<16xi32>
      %gather3A = tpu.vector_load_idx %arg6[%add3A_1229] : memref<8256xf32, #tpu.memory_space<vmem>>[vector<16xi32>], vector<16xf32>,
      %lt3A = vector.broadcast %add3A_1227 : i32 to vector<16xi32>
      %lt3A_1230 = arith.cmpi slt, %lt3A, %sub3A_853 : vector<16xi32>
      %select_n3A = arith.select %lt3A_1230, %gather3A, %broadcast_in_dim3A_1 : vector<16xi1>, vector<16xf32>
      %add3A_1231 = arith.constant 1 : i32
      %add3A_1232 = arith.addi %mul3A_1225, %add3A_1231 : i32
      %add3A_1233 = vector.broadcast %add3A_1232 : i32 to vector<16xi32>
      %add3A_1234 = arith.addi %mul3A_848, %add3A_1233 : vector<16xi32>
      %gather3A_1235 = tpu.vector_load_idx %arg6[%add3A_1234] : memref<8256xf32, #tpu.memory_space<vmem>>[vector<16xi32>], vector<16xf32>,
      %lt3A_1236 = vector.broadcast %add3A_1232 : i32 to vector<16xi32>
      %lt3A_1237 = arith.cmpi slt, %lt3A_1236, %sub3A_853 : vector<16xi32>
      %select_n3A_1238 = arith.select %lt3A_1237, %gather3A_1235, %broadcast_in_dim3A_1 : vector<16xi1>, vector<16xf32>
      %add3A_1239 = arith.constant 2 : i32
      %add3A_1240 = arith.addi %mul3A_1225, %add3A_1239 : i32
      %add3A_1241 = vector.broadcast %add3A_1240 : i32 to vector<16xi32>
      %add3A_1242 = arith.addi %mul3A_848, %add3A_1241 : vector<16xi32>
      %gather3A_1243 = tpu.vector_load_idx %arg6[%add3A_1242] : memref<8256xf32, #tpu.memory_space<vmem>>[vector<16xi32>], vector<16xf32>,
      %lt3A_1244 = vector.broadcast %add3A_1240 : i32 to vector<16xi32>
      %lt3A_1245 = arith.cmpi slt, %lt3A_1244, %sub3A_853 : vector<16xi32>
      %select_n3A_1246 = arith.select %lt3A_1245, %gather3A_1243, %broadcast_in_dim3A_1 : vector<16xi1>, vector<16xf32>
      %add3A_1247 = arith.constant 3 : i32
      %add3A_1248 = arith.addi %mul3A_1225, %add3A_1247 : i32
      %add3A_1249 = vector.broadcast %add3A_1248 : i32 to vector<16xi32>
      %add3A_1250 = arith.addi %mul3A_848, %add3A_1249 : vector<16xi32>
      %gather3A_1251 = tpu.vector_load_idx %arg6[%add3A_1250] : memref<8256xf32, #tpu.memory_space<vmem>>[vector<16xi32>], vector<16xf32>,
      %lt3A_1252 = vector.broadcast %add3A_1248 : i32 to vector<16xi32>
      %lt3A_1253 = arith.cmpi slt, %lt3A_1252, %sub3A_853 : vector<16xi32>
      %select_n3A_1254 = arith.select %lt3A_1253, %gather3A_1251, %broadcast_in_dim3A_1 : vector<16xi1>, vector<16xf32>
      %sort3A_1255 = arith.constant dense<true> : vector<16xi1>
      %sort3A_1256, %sort3A_1257, %sort3A_1258 = tpu.sort %select_n3A, %select_n3A masked %sort3A_1255 : (vector<16xf32>, vector<16xf32>, vector<16xi1>) -> (vector<16xi1>, vector<16xf32>, vector<16xf32>)
      %sort3A_1259 = arith.constant dense<true> : vector<16xi1>
      %sort3A_1260, %sort3A_1261, %sort3A_1262 = tpu.sort %select_n3A_1238, %select_n3A_1238 masked %sort3A_1259 : (vector<16xf32>, vector<16xf32>, vector<16xi1>) -> (vector<16xi1>, vector<16xf32>, vector<16xf32>)
      %rev3A_1263 = arith.constant 15 : i32
      %rev3A_1264 = vector.broadcast %rev3A_1263 : i32 to vector<16xi32>
      %rev3A_1265 = tpu.iota {dimensions = array<i32: 0>} : vector<16xi32>
      %rev3A_1266 = arith.subi %rev3A_1264, %rev3A_1265 : vector<16xi32>
      %rev3A_1267 = tpu.dynamic_gather %sort3A_1261[%rev3A_1266] in [0] : vector<16xf32>, vector<16xi32> -> vector<16xf32>
      %min3A_1268 = arith.minimumf %sort3A_1257, %rev3A_1267 : vector<16xf32>
      %sort3A_1269 = arith.constant dense<true> : vector<16xi1>
      %sort3A_1270, %sort3A_1271, %sort3A_1272 = tpu.sort %min3A_1268, %min3A_1268 masked %sort3A_1269 : (vector<16xf32>, vector<16xf32>, vector<16xi1>) -> (vector<16xi1>, vector<16xf32>, vector<16xf32>)
      %max3A_1273 = arith.maximumf %sort3A_1257, %rev3A_1267 : vector<16xf32>
      %sort3A_1274 = arith.constant dense<true> : vector<16xi1>
      %sort3A_1275, %sort3A_1276, %sort3A_1277 = tpu.sort %max3A_1273, %max3A_1273 masked %sort3A_1274 : (vector<16xf32>, vector<16xf32>, vector<16xi1>) -> (vector<16xi1>, vector<16xf32>, vector<16xf32>)
      %sort3A_1278 = arith.constant dense<true> : vector<16xi1>
      %sort3A_1279, %sort3A_1280, %sort3A_1281 = tpu.sort %select_n3A_1246, %select_n3A_1246 masked %sort3A_1278 : (vector<16xf32>, vector<16xf32>, vector<16xi1>) -> (vector<16xi1>, vector<16xf32>, vector<16xf32>)
      %sort3A_1282 = arith.constant dense<true> : vector<16xi1>
      %sort3A_1283, %sort3A_1284, %sort3A_1285 = tpu.sort %select_n3A_1254, %select_n3A_1254 masked %sort3A_1282 : (vector<16xf32>, vector<16xf32>, vector<16xi1>) -> (vector<16xi1>, vector<16xf32>, vector<16xf32>)
      %rev3A_1286 = arith.constant 15 : i32
      %rev3A_1287 = vector.broadcast %rev3A_1286 : i32 to vector<16xi32>
      %rev3A_1288 = tpu.iota {dimensions = array<i32: 0>} : vector<16xi32>
      %rev3A_1289 = arith.subi %rev3A_1287, %rev3A_1288 : vector<16xi32>
      %rev3A_1290 = tpu.dynamic_gather %sort3A_1284[%rev3A_1289] in [0] : vector<16xf32>, vector<16xi32> -> vector<16xf32>
      %min3A_1291 = arith.minimumf %sort3A_1280, %rev3A_1290 : vector<16xf32>
      %sort3A_1292 = arith.constant dense<true> : vector<16xi1>
      %sort3A_1293, %sort3A_1294, %sort3A_1295 = tpu.sort %min3A_1291, %min3A_1291 masked %sort3A_1292 : (vector<16xf32>, vector<16xf32>, vector<16xi1>) -> (vector<16xi1>, vector<16xf32>, vector<16xf32>)
      %max3A_1296 = arith.maximumf %sort3A_1280, %rev3A_1290 : vector<16xf32>
      %sort3A_1297 = arith.constant dense<true> : vector<16xi1>
      %sort3A_1298, %sort3A_1299, %sort3A_1300 = tpu.sort %max3A_1296, %max3A_1296 masked %sort3A_1297 : (vector<16xf32>, vector<16xf32>, vector<16xi1>) -> (vector<16xi1>, vector<16xf32>, vector<16xf32>)
      %rev3A_1301 = arith.constant 15 : i32
      %rev3A_1302 = vector.broadcast %rev3A_1301 : i32 to vector<16xi32>
      %rev3A_1303 = tpu.iota {dimensions = array<i32: 0>} : vector<16xi32>
      %rev3A_1304 = arith.subi %rev3A_1302, %rev3A_1303 : vector<16xi32>
      %rev3A_1305 = tpu.dynamic_gather %sort3A_1299[%rev3A_1304] in [0] : vector<16xf32>, vector<16xi32> -> vector<16xf32>
      %rev3A_1306 = arith.constant 15 : i32
      %rev3A_1307 = vector.broadcast %rev3A_1306 : i32 to vector<16xi32>
      %rev3A_1308 = tpu.iota {dimensions = array<i32: 0>} : vector<16xi32>
      %rev3A_1309 = arith.subi %rev3A_1307, %rev3A_1308 : vector<16xi32>
      %rev3A_1310 = tpu.dynamic_gather %sort3A_1294[%rev3A_1309] in [0] : vector<16xf32>, vector<16xi32> -> vector<16xf32>
      %min3A_1311 = arith.minimumf %sort3A_1271, %rev3A_1305 : vector<16xf32>
      %min3A_1312 = arith.minimumf %sort3A_1276, %rev3A_1310 : vector<16xf32>
      %max3A_1313 = arith.maximumf %sort3A_1271, %rev3A_1305 : vector<16xf32>
      %max3A_1314 = arith.maximumf %sort3A_1276, %rev3A_1310 : vector<16xf32>
      %min3A_1315 = arith.minimumf %min3A_1311, %min3A_1312 : vector<16xf32>
      %sort3A_1316 = arith.constant dense<true> : vector<16xi1>
      %sort3A_1317, %sort3A_1318, %sort3A_1319 = tpu.sort %min3A_1315, %min3A_1315 masked %sort3A_1316 : (vector<16xf32>, vector<16xf32>, vector<16xi1>) -> (vector<16xi1>, vector<16xf32>, vector<16xf32>)
      %max3A_1320 = arith.maximumf %min3A_1311, %min3A_1312 : vector<16xf32>
      %sort3A_1321 = arith.constant dense<true> : vector<16xi1>
      %sort3A_1322, %sort3A_1323, %sort3A_1324 = tpu.sort %max3A_1320, %max3A_1320 masked %sort3A_1321 : (vector<16xf32>, vector<16xf32>, vector<16xi1>) -> (vector<16xi1>, vector<16xf32>, vector<16xf32>)
      %min3A_1325 = arith.minimumf %max3A_1313, %max3A_1314 : vector<16xf32>
      %sort3A_1326 = arith.constant dense<true> : vector<16xi1>
      %sort3A_1327, %sort3A_1328, %sort3A_1329 = tpu.sort %min3A_1325, %min3A_1325 masked %sort3A_1326 : (vector<16xf32>, vector<16xf32>, vector<16xi1>) -> (vector<16xi1>, vector<16xf32>, vector<16xf32>)
      %max3A_1330 = arith.maximumf %max3A_1313, %max3A_1314 : vector<16xf32>
      %sort3A_1331 = arith.constant dense<true> : vector<16xi1>
      %sort3A_1332, %sort3A_1333, %sort3A_1334 = tpu.sort %max3A_1330, %max3A_1330 masked %sort3A_1331 : (vector<16xf32>, vector<16xf32>, vector<16xi1>) -> (vector<16xi1>, vector<16xf32>, vector<16xf32>)
      %rev3A_1335 = arith.constant 15 : i32
      %rev3A_1336 = vector.broadcast %rev3A_1335 : i32 to vector<16xi32>
      %rev3A_1337 = tpu.iota {dimensions = array<i32: 0>} : vector<16xi32>
      %rev3A_1338 = arith.subi %rev3A_1336, %rev3A_1337 : vector<16xi32>
      %rev3A_1339 = tpu.dynamic_gather %sort3A_1333[%rev3A_1338] in [0] : vector<16xf32>, vector<16xi32> -> vector<16xf32>
      %max3A_1340 = arith.maximumf %while3A_1220, %rev3A_1339 : vector<16xf32>
      %rev3A_1341 = arith.constant 15 : i32
      %rev3A_1342 = vector.broadcast %rev3A_1341 : i32 to vector<16xi32>
      %rev3A_1343 = tpu.iota {dimensions = array<i32: 0>} : vector<16xi32>
      %rev3A_1344 = arith.subi %rev3A_1342, %rev3A_1343 : vector<16xi32>
      %rev3A_1345 = tpu.dynamic_gather %sort3A_1328[%rev3A_1344] in [0] : vector<16xf32>, vector<16xi32> -> vector<16xf32>
      %max3A_1346 = arith.maximumf %while3A_1221, %rev3A_1345 : vector<16xf32>
      %rev3A_1347 = arith.constant 15 : i32
      %rev3A_1348 = vector.broadcast %rev3A_1347 : i32 to vector<16xi32>
      %rev3A_1349 = tpu.iota {dimensions = array<i32: 0>} : vector<16xi32>
      %rev3A_1350 = arith.subi %rev3A_1348, %rev3A_1349 : vector<16xi32>
      %rev3A_1351 = tpu.dynamic_gather %sort3A_1323[%rev3A_1350] in [0] : vector<16xf32>, vector<16xi32> -> vector<16xf32>
      %max3A_1352 = arith.maximumf %while3A_1222, %rev3A_1351 : vector<16xf32>
      %rev3A_1353 = arith.constant 15 : i32
      %rev3A_1354 = vector.broadcast %rev3A_1353 : i32 to vector<16xi32>
      %rev3A_1355 = tpu.iota {dimensions = array<i32: 0>} : vector<16xi32>
      %rev3A_1356 = arith.subi %rev3A_1354, %rev3A_1355 : vector<16xi32>
      %rev3A_1357 = tpu.dynamic_gather %sort3A_1318[%rev3A_1356] in [0] : vector<16xf32>, vector<16xi32> -> vector<16xf32>
      %max3A_1358 = arith.maximumf %while3A_1223, %rev3A_1357 : vector<16xf32>
      %min3A_1359 = arith.minimumf %max3A_1340, %max3A_1352 : vector<16xf32>
      %min3A_1360 = arith.minimumf %max3A_1346, %max3A_1358 : vector<16xf32>
      %max3A_1361 = arith.maximumf %max3A_1340, %max3A_1352 : vector<16xf32>
      %max3A_1362 = arith.maximumf %max3A_1346, %max3A_1358 : vector<16xf32>
      %min3A_1363 = arith.minimumf %min3A_1359, %min3A_1360 : vector<16xf32>
      %sort3A_1364 = arith.constant dense<true> : vector<16xi1>
      %sort3A_1365, %sort3A_1366, %sort3A_1367 = tpu.sort %min3A_1363, %min3A_1363 masked %sort3A_1364 : (vector<16xf32>, vector<16xf32>, vector<16xi1>) -> (vector<16xi1>, vector<16xf32>, vector<16xf32>)
      %max3A_1368 = arith.maximumf %min3A_1359, %min3A_1360 : vector<16xf32>
      %sort3A_1369 = arith.constant dense<true> : vector<16xi1>
      %sort3A_1370, %sort3A_1371, %sort3A_1372 = tpu.sort %max3A_1368, %max3A_1368 masked %sort3A_1369 : (vector<16xf32>, vector<16xf32>, vector<16xi1>) -> (vector<16xi1>, vector<16xf32>, vector<16xf32>)
      %min3A_1373 = arith.minimumf %max3A_1361, %max3A_1362 : vector<16xf32>
      %sort3A_1374 = arith.constant dense<true> : vector<16xi1>
      %sort3A_1375, %sort3A_1376, %sort3A_1377 = tpu.sort %min3A_1373, %min3A_1373 masked %sort3A_1374 : (vector<16xf32>, vector<16xf32>, vector<16xi1>) -> (vector<16xi1>, vector<16xf32>, vector<16xf32>)
      %max3A_1378 = arith.maximumf %max3A_1361, %max3A_1362 : vector<16xf32>
      %sort3A_1379 = arith.constant dense<true> : vector<16xi1>
      %sort3A_1380, %sort3A_1381, %sort3A_1382 = tpu.sort %max3A_1378, %max3A_1378 masked %sort3A_1379 : (vector<16xf32>, vector<16xf32>, vector<16xi1>) -> (vector<16xi1>, vector<16xf32>, vector<16xf32>)
      scf.yield %sort3A_1366, %sort3A_1371, %sort3A_1376, %sort3A_1381 : vector<16xf32>, vector<16xf32>, vector<16xf32>, vector<16xf32>
    }
    %while3A_875 = arith.constant 1 : i32
    %while3A_876:4 = scf.for %while3A_1219 = %while3A_872 to %while3A_868 step %while3A_875 iter_args(%while3A_1220 = %while3A_874#0, %while3A_1221 = %while3A_874#1, %while3A_1222 = %while3A_874#2, %while3A_1223 = %while3A_874#3) -> (vector<16xf32>, vector<16xf32>, vector<16xf32>, vector<16xf32>)  : i32 {
      %mul3A_1224 = arith.constant 4 : i32
      %mul3A_1225 = arith.muli %while3A_1219, %mul3A_1224 : i32
      %add3A_1226 = arith.constant 0 : i32
      %add3A_1227 = arith.addi %mul3A_1225, %add3A_1226 : i32
      %add3A_1228 = vector.broadcast %add3A_1227 : i32 to vector<16xi32>
      %add3A_1229 = arith.addi %mul3A_848, %add3A_1228 : vector<16xi32>
      %gather3A = tpu.vector_load_idx %arg6[%add3A_1229] : memref<8256xf32, #tpu.memory_space<vmem>>[vector<16xi32>], vector<16xf32>,
      %lt3A = vector.broadcast %add3A_1227 : i32 to vector<16xi32>
      %lt3A_1230 = arith.cmpi slt, %lt3A, %sub3A_853 : vector<16xi32>
      %select_n3A = arith.select %lt3A_1230, %gather3A, %broadcast_in_dim3A_1 : vector<16xi1>, vector<16xf32>
      %add3A_1231 = arith.constant 1 : i32
      %add3A_1232 = arith.addi %mul3A_1225, %add3A_1231 : i32
      %add3A_1233 = vector.broadcast %add3A_1232 : i32 to vector<16xi32>
      %add3A_1234 = arith.addi %mul3A_848, %add3A_1233 : vector<16xi32>
      %gather3A_1235 = tpu.vector_load_idx %arg6[%add3A_1234] : memref<8256xf32, #tpu.memory_space<vmem>>[vector<16xi32>], vector<16xf32>,
      %lt3A_1236 = vector.broadcast %add3A_1232 : i32 to vector<16xi32>
      %lt3A_1237 = arith.cmpi slt, %lt3A_1236, %sub3A_853 : vector<16xi32>
      %select_n3A_1238 = arith.select %lt3A_1237, %gather3A_1235, %broadcast_in_dim3A_1 : vector<16xi1>, vector<16xf32>
      %add3A_1239 = arith.constant 2 : i32
      %add3A_1240 = arith.addi %mul3A_1225, %add3A_1239 : i32
      %add3A_1241 = vector.broadcast %add3A_1240 : i32 to vector<16xi32>
      %add3A_1242 = arith.addi %mul3A_848, %add3A_1241 : vector<16xi32>
      %gather3A_1243 = tpu.vector_load_idx %arg6[%add3A_1242] : memref<8256xf32, #tpu.memory_space<vmem>>[vector<16xi32>], vector<16xf32>,
      %lt3A_1244 = vector.broadcast %add3A_1240 : i32 to vector<16xi32>
      %lt3A_1245 = arith.cmpi slt, %lt3A_1244, %sub3A_853 : vector<16xi32>
      %select_n3A_1246 = arith.select %lt3A_1245, %gather3A_1243, %broadcast_in_dim3A_1 : vector<16xi1>, vector<16xf32>
      %add3A_1247 = arith.constant 3 : i32
      %add3A_1248 = arith.addi %mul3A_1225, %add3A_1247 : i32
      %add3A_1249 = vector.broadcast %add3A_1248 : i32 to vector<16xi32>
      %add3A_1250 = arith.addi %mul3A_848, %add3A_1249 : vector<16xi32>
      %gather3A_1251 = tpu.vector_load_idx %arg6[%add3A_1250] : memref<8256xf32, #tpu.memory_space<vmem>>[vector<16xi32>], vector<16xf32>,
      %lt3A_1252 = vector.broadcast %add3A_1248 : i32 to vector<16xi32>
      %lt3A_1253 = arith.cmpi slt, %lt3A_1252, %sub3A_853 : vector<16xi32>
      %select_n3A_1254 = arith.select %lt3A_1253, %gather3A_1251, %broadcast_in_dim3A_1 : vector<16xi1>, vector<16xf32>
      %sort3A_1255 = arith.constant dense<true> : vector<16xi1>
      %sort3A_1256, %sort3A_1257, %sort3A_1258 = tpu.sort %select_n3A, %select_n3A masked %sort3A_1255 : (vector<16xf32>, vector<16xf32>, vector<16xi1>) -> (vector<16xi1>, vector<16xf32>, vector<16xf32>)
      %sort3A_1259 = arith.constant dense<true> : vector<16xi1>
      %sort3A_1260, %sort3A_1261, %sort3A_1262 = tpu.sort %select_n3A_1238, %select_n3A_1238 masked %sort3A_1259 : (vector<16xf32>, vector<16xf32>, vector<16xi1>) -> (vector<16xi1>, vector<16xf32>, vector<16xf32>)
      %rev3A_1263 = arith.constant 15 : i32
      %rev3A_1264 = vector.broadcast %rev3A_1263 : i32 to vector<16xi32>
      %rev3A_1265 = tpu.iota {dimensions = array<i32: 0>} : vector<16xi32>
      %rev3A_1266 = arith.subi %rev3A_1264, %rev3A_1265 : vector<16xi32>
      %rev3A_1267 = tpu.dynamic_gather %sort3A_1261[%rev3A_1266] in [0] : vector<16xf32>, vector<16xi32> -> vector<16xf32>
      %min3A_1268 = arith.minimumf %sort3A_1257, %rev3A_1267 : vector<16xf32>
      %sort3A_1269 = arith.constant dense<true> : vector<16xi1>
      %sort3A_1270, %sort3A_1271, %sort3A_1272 = tpu.sort %min3A_1268, %min3A_1268 masked %sort3A_1269 : (vector<16xf32>, vector<16xf32>, vector<16xi1>) -> (vector<16xi1>, vector<16xf32>, vector<16xf32>)
      %max3A_1273 = arith.maximumf %sort3A_1257, %rev3A_1267 : vector<16xf32>
      %sort3A_1274 = arith.constant dense<true> : vector<16xi1>
      %sort3A_1275, %sort3A_1276, %sort3A_1277 = tpu.sort %max3A_1273, %max3A_1273 masked %sort3A_1274 : (vector<16xf32>, vector<16xf32>, vector<16xi1>) -> (vector<16xi1>, vector<16xf32>, vector<16xf32>)
      %sort3A_1278 = arith.constant dense<true> : vector<16xi1>
      %sort3A_1279, %sort3A_1280, %sort3A_1281 = tpu.sort %select_n3A_1246, %select_n3A_1246 masked %sort3A_1278 : (vector<16xf32>, vector<16xf32>, vector<16xi1>) -> (vector<16xi1>, vector<16xf32>, vector<16xf32>)
      %sort3A_1282 = arith.constant dense<true> : vector<16xi1>
      %sort3A_1283, %sort3A_1284, %sort3A_1285 = tpu.sort %select_n3A_1254, %select_n3A_1254 masked %sort3A_1282 : (vector<16xf32>, vector<16xf32>, vector<16xi1>) -> (vector<16xi1>, vector<16xf32>, vector<16xf32>)
      %rev3A_1286 = arith.constant 15 : i32
      %rev3A_1287 = vector.broadcast %rev3A_1286 : i32 to vector<16xi32>
      %rev3A_1288 = tpu.iota {dimensions = array<i32: 0>} : vector<16xi32>
      %rev3A_1289 = arith.subi %rev3A_1287, %rev3A_1288 : vector<16xi32>
      %rev3A_1290 = tpu.dynamic_gather %sort3A_1284[%rev3A_1289] in [0] : vector<16xf32>, vector<16xi32> -> vector<16xf32>
      %min3A_1291 = arith.minimumf %sort3A_1280, %rev3A_1290 : vector<16xf32>
      %sort3A_1292 = arith.constant dense<true> : vector<16xi1>
      %sort3A_1293, %sort3A_1294, %sort3A_1295 = tpu.sort %min3A_1291, %min3A_1291 masked %sort3A_1292 : (vector<16xf32>, vector<16xf32>, vector<16xi1>) -> (vector<16xi1>, vector<16xf32>, vector<16xf32>)
      %max3A_1296 = arith.maximumf %sort3A_1280, %rev3A_1290 : vector<16xf32>
      %sort3A_1297 = arith.constant dense<true> : vector<16xi1>
      %sort3A_1298, %sort3A_1299, %sort3A_1300 = tpu.sort %max3A_1296, %max3A_1296 masked %sort3A_1297 : (vector<16xf32>, vector<16xf32>, vector<16xi1>) -> (vector<16xi1>, vector<16xf32>, vector<16xf32>)
      %rev3A_1301 = arith.constant 15 : i32
      %rev3A_1302 = vector.broadcast %rev3A_1301 : i32 to vector<16xi32>
      %rev3A_1303 = tpu.iota {dimensions = array<i32: 0>} : vector<16xi32>
      %rev3A_1304 = arith.subi %rev3A_1302, %rev3A_1303 : vector<16xi32>
      %rev3A_1305 = tpu.dynamic_gather %sort3A_1299[%rev3A_1304] in [0] : vector<16xf32>, vector<16xi32> -> vector<16xf32>
      %rev3A_1306 = arith.constant 15 : i32
      %rev3A_1307 = vector.broadcast %rev3A_1306 : i32 to vector<16xi32>
      %rev3A_1308 = tpu.iota {dimensions = array<i32: 0>} : vector<16xi32>
      %rev3A_1309 = arith.subi %rev3A_1307, %rev3A_1308 : vector<16xi32>
      %rev3A_1310 = tpu.dynamic_gather %sort3A_1294[%rev3A_1309] in [0] : vector<16xf32>, vector<16xi32> -> vector<16xf32>
      %min3A_1311 = arith.minimumf %sort3A_1271, %rev3A_1305 : vector<16xf32>
      %min3A_1312 = arith.minimumf %sort3A_1276, %rev3A_1310 : vector<16xf32>
      %max3A_1313 = arith.maximumf %sort3A_1271, %rev3A_1305 : vector<16xf32>
      %max3A_1314 = arith.maximumf %sort3A_1276, %rev3A_1310 : vector<16xf32>
      %min3A_1315 = arith.minimumf %min3A_1311, %min3A_1312 : vector<16xf32>
      %sort3A_1316 = arith.constant dense<true> : vector<16xi1>
      %sort3A_1317, %sort3A_1318, %sort3A_1319 = tpu.sort %min3A_1315, %min3A_1315 masked %sort3A_1316 : (vector<16xf32>, vector<16xf32>, vector<16xi1>) -> (vector<16xi1>, vector<16xf32>, vector<16xf32>)
      %max3A_1320 = arith.maximumf %min3A_1311, %min3A_1312 : vector<16xf32>
      %sort3A_1321 = arith.constant dense<true> : vector<16xi1>
      %sort3A_1322, %sort3A_1323, %sort3A_1324 = tpu.sort %max3A_1320, %max3A_1320 masked %sort3A_1321 : (vector<16xf32>, vector<16xf32>, vector<16xi1>) -> (vector<16xi1>, vector<16xf32>, vector<16xf32>)
      %min3A_1325 = arith.minimumf %max3A_1313, %max3A_1314 : vector<16xf32>
      %sort3A_1326 = arith.constant dense<true> : vector<16xi1>
      %sort3A_1327, %sort3A_1328, %sort3A_1329 = tpu.sort %min3A_1325, %min3A_1325 masked %sort3A_1326 : (vector<16xf32>, vector<16xf32>, vector<16xi1>) -> (vector<16xi1>, vector<16xf32>, vector<16xf32>)
      %max3A_1330 = arith.maximumf %max3A_1313, %max3A_1314 : vector<16xf32>
      %sort3A_1331 = arith.constant dense<true> : vector<16xi1>
      %sort3A_1332, %sort3A_1333, %sort3A_1334 = tpu.sort %max3A_1330, %max3A_1330 masked %sort3A_1331 : (vector<16xf32>, vector<16xf32>, vector<16xi1>) -> (vector<16xi1>, vector<16xf32>, vector<16xf32>)
      %rev3A_1335 = arith.constant 15 : i32
      %rev3A_1336 = vector.broadcast %rev3A_1335 : i32 to vector<16xi32>
      %rev3A_1337 = tpu.iota {dimensions = array<i32: 0>} : vector<16xi32>
      %rev3A_1338 = arith.subi %rev3A_1336, %rev3A_1337 : vector<16xi32>
      %rev3A_1339 = tpu.dynamic_gather %sort3A_1333[%rev3A_1338] in [0] : vector<16xf32>, vector<16xi32> -> vector<16xf32>
      %max3A_1340 = arith.maximumf %while3A_1220, %rev3A_1339 : vector<16xf32>
      %rev3A_1341 = arith.constant 15 : i32
      %rev3A_1342 = vector.broadcast %rev3A_1341 : i32 to vector<16xi32>
      %rev3A_1343 = tpu.iota {dimensions = array<i32: 0>} : vector<16xi32>
      %rev3A_1344 = arith.subi %rev3A_1342, %rev3A_1343 : vector<16xi32>
      %rev3A_1345 = tpu.dynamic_gather %sort3A_1328[%rev3A_1344] in [0] : vector<16xf32>, vector<16xi32> -> vector<16xf32>
      %max3A_1346 = arith.maximumf %while3A_1221, %rev3A_1345 : vector<16xf32>
      %rev3A_1347 = arith.constant 15 : i32
      %rev3A_1348 = vector.broadcast %rev3A_1347 : i32 to vector<16xi32>
      %rev3A_1349 = tpu.iota {dimensions = array<i32: 0>} : vector<16xi32>
      %rev3A_1350 = arith.subi %rev3A_1348, %rev3A_1349 : vector<16xi32>
      %rev3A_1351 = tpu.dynamic_gather %sort3A_1323[%rev3A_1350] in [0] : vector<16xf32>, vector<16xi32> -> vector<16xf32>
      %max3A_1352 = arith.maximumf %while3A_1222, %rev3A_1351 : vector<16xf32>
      %rev3A_1353 = arith.constant 15 : i32
      %rev3A_1354 = vector.broadcast %rev3A_1353 : i32 to vector<16xi32>
      %rev3A_1355 = tpu.iota {dimensions = array<i32: 0>} : vector<16xi32>
      %rev3A_1356 = arith.subi %rev3A_1354, %rev3A_1355 : vector<16xi32>
      %rev3A_1357 = tpu.dynamic_gather %sort3A_1318[%rev3A_1356] in [0] : vector<16xf32>, vector<16xi32> -> vector<16xf32>
      %max3A_1358 = arith.maximumf %while3A_1223, %rev3A_1357 : vector<16xf32>
      %min3A_1359 = arith.minimumf %max3A_1340, %max3A_1352 : vector<16xf32>
      %min3A_1360 = arith.minimumf %max3A_1346, %max3A_1358 : vector<16xf32>
      %max3A_1361 = arith.maximumf %max3A_1340, %max3A_1352 : vector<16xf32>
      %max3A_1362 = arith.maximumf %max3A_1346, %max3A_1358 : vector<16xf32>
      %min3A_1363 = arith.minimumf %min3A_1359, %min3A_1360 : vector<16xf32>
      %sort3A_1364 = arith.constant dense<true> : vector<16xi1>
      %sort3A_1365, %sort3A_1366, %sort3A_1367 = tpu.sort %min3A_1363, %min3A_1363 masked %sort3A_1364 : (vector<16xf32>, vector<16xf32>, vector<16xi1>) -> (vector<16xi1>, vector<16xf32>, vector<16xf32>)
      %max3A_1368 = arith.maximumf %min3A_1359, %min3A_1360 : vector<16xf32>
      %sort3A_1369 = arith.constant dense<true> : vector<16xi1>
      %sort3A_1370, %sort3A_1371, %sort3A_1372 = tpu.sort %max3A_1368, %max3A_1368 masked %sort3A_1369 : (vector<16xf32>, vector<16xf32>, vector<16xi1>) -> (vector<16xi1>, vector<16xf32>, vector<16xf32>)
      %min3A_1373 = arith.minimumf %max3A_1361, %max3A_1362 : vector<16xf32>
      %sort3A_1374 = arith.constant dense<true> : vector<16xi1>
      %sort3A_1375, %sort3A_1376, %sort3A_1377 = tpu.sort %min3A_1373, %min3A_1373 masked %sort3A_1374 : (vector<16xf32>, vector<16xf32>, vector<16xi1>) -> (vector<16xi1>, vector<16xf32>, vector<16xf32>)
      %max3A_1378 = arith.maximumf %max3A_1361, %max3A_1362 : vector<16xf32>
      %sort3A_1379 = arith.constant dense<true> : vector<16xi1>
      %sort3A_1380, %sort3A_1381, %sort3A_1382 = tpu.sort %max3A_1378, %max3A_1378 masked %sort3A_1379 : (vector<16xf32>, vector<16xf32>, vector<16xi1>) -> (vector<16xi1>, vector<16xf32>, vector<16xf32>)
      scf.yield %sort3A_1366, %sort3A_1371, %sort3A_1376, %sort3A_1381 : vector<16xf32>, vector<16xf32>, vector<16xf32>, vector<16xf32>
    }
    %rev3A_877 = arith.constant 15 : i32
    %rev3A_878 = vector.broadcast %rev3A_877 : i32 to vector<16xi32>
    %rev3A_879 = tpu.iota {dimensions = array<i32: 0>} : vector<16xi32>
    %rev3A_880 = arith.subi %rev3A_878, %rev3A_879 : vector<16xi32>
    %rev3A_881 = tpu.dynamic_gather %while3A_876#3[%rev3A_880] in [0] : vector<16xf32>, vector<16xi32> -> vector<16xf32>
    %swap3A_882 = arith.constant 2 : i32
    %swap3A_883 = arith.constant 0 : i32
    %swap3A_884 = tpu.memref_slice %arg7[%swap3A_882, %swap3A_883] : memref<4x64xf32, #tpu.memory_space<vmem>> -> memref<1x64xf32, #tpu.memory_space<vmem>>
    %swap3A_885 = tpu.memref_squeeze %swap3A_884 : memref<1x64xf32, #tpu.memory_space<vmem>> -> memref<64xf32, #tpu.memory_space<vmem>>
    %swap3A_886 = arith.constant 0 : index
    %swap3A_887 = tpu.vector_load %swap3A_885[%swap3A_886] {strides = array<i32>} : memref<64xf32, #tpu.memory_space<vmem>>, vector<16xf32>,
    tpu.vector_store %swap3A_885[%swap3A_886], %rev3A_881 {strides = array<i32>} : memref<64xf32, #tpu.memory_space<vmem>>, vector<16xf32>,
    %rev3A_888 = arith.constant 15 : i32
    %rev3A_889 = vector.broadcast %rev3A_888 : i32 to vector<16xi32>
    %rev3A_890 = tpu.iota {dimensions = array<i32: 0>} : vector<16xi32>
    %rev3A_891 = arith.subi %rev3A_889, %rev3A_890 : vector<16xi32>
    %rev3A_892 = tpu.dynamic_gather %while3A_876#2[%rev3A_891] in [0] : vector<16xf32>, vector<16xi32> -> vector<16xf32>
    %swap3A_893 = arith.constant 2 : i32
    %swap3A_894 = arith.constant 0 : i32
    %swap3A_895 = tpu.memref_slice %arg7[%swap3A_893, %swap3A_894] : memref<4x64xf32, #tpu.memory_space<vmem>> -> memref<1x64xf32, #tpu.memory_space<vmem>>
    %swap3A_896 = tpu.memref_squeeze %swap3A_895 : memref<1x64xf32, #tpu.memory_space<vmem>> -> memref<64xf32, #tpu.memory_space<vmem>>
    %swap3A_897 = arith.constant 16 : index
    %swap3A_898 = tpu.vector_load %swap3A_896[%swap3A_897] {strides = array<i32>} : memref<64xf32, #tpu.memory_space<vmem>>, vector<16xf32>,
    tpu.vector_store %swap3A_896[%swap3A_897], %rev3A_892 {strides = array<i32>} : memref<64xf32, #tpu.memory_space<vmem>>, vector<16xf32>,
    %rev3A_899 = arith.constant 15 : i32
    %rev3A_900 = vector.broadcast %rev3A_899 : i32 to vector<16xi32>
    %rev3A_901 = tpu.iota {dimensions = array<i32: 0>} : vector<16xi32>
    %rev3A_902 = arith.subi %rev3A_900, %rev3A_901 : vector<16xi32>
    %rev3A_903 = tpu.dynamic_gather %while3A_876#1[%rev3A_902] in [0] : vector<16xf32>, vector<16xi32> -> vector<16xf32>
    %swap3A_904 = arith.constant 2 : i32
    %swap3A_905 = arith.constant 0 : i32
    %swap3A_906 = tpu.memref_slice %arg7[%swap3A_904, %swap3A_905] : memref<4x64xf32, #tpu.memory_space<vmem>> -> memref<1x64xf32, #tpu.memory_space<vmem>>
    %swap3A_907 = tpu.memref_squeeze %swap3A_906 : memref<1x64xf32, #tpu.memory_space<vmem>> -> memref<64xf32, #tpu.memory_space<vmem>>
    %swap3A_908 = arith.constant 32 : index
    %swap3A_909 = tpu.vector_load %swap3A_907[%swap3A_908] {strides = array<i32>} : memref<64xf32, #tpu.memory_space<vmem>>, vector<16xf32>,
    tpu.vector_store %swap3A_907[%swap3A_908], %rev3A_903 {strides = array<i32>} : memref<64xf32, #tpu.memory_space<vmem>>, vector<16xf32>,
    %rev3A_910 = arith.constant 15 : i32
    %rev3A_911 = vector.broadcast %rev3A_910 : i32 to vector<16xi32>
    %rev3A_912 = tpu.iota {dimensions = array<i32: 0>} : vector<16xi32>
    %rev3A_913 = arith.subi %rev3A_911, %rev3A_912 : vector<16xi32>
    %rev3A_914 = tpu.dynamic_gather %while3A_876#0[%rev3A_913] in [0] : vector<16xf32>, vector<16xi32> -> vector<16xf32>
    %swap3A_915 = arith.constant 2 : i32
    %swap3A_916 = arith.constant 0 : i32
    %swap3A_917 = tpu.memref_slice %arg7[%swap3A_915, %swap3A_916] : memref<4x64xf32, #tpu.memory_space<vmem>> -> memref<1x64xf32, #tpu.memory_space<vmem>>
    %swap3A_918 = tpu.memref_squeeze %swap3A_917 : memref<1x64xf32, #tpu.memory_space<vmem>> -> memref<64xf32, #tpu.memory_space<vmem>>
    %swap3A_919 = arith.constant 48 : index
    %swap3A_920 = tpu.vector_load %swap3A_918[%swap3A_919] {strides = array<i32>} : memref<64xf32, #tpu.memory_space<vmem>>, vector<16xf32>,
    tpu.vector_store %swap3A_918[%swap3A_919], %rev3A_914 {strides = array<i32>} : memref<64xf32, #tpu.memory_space<vmem>>, vector<16xf32>,
    %dma_wait3A_921 = arith.constant 0 : i32
    %dma_wait3A_922 = tpu.memref_slice %arg2[%add3A_622, %dma_wait3A_921] : memref<128x8192xf32, #tpu.memory_space<hbm>> -> memref<1x8192xf32, #tpu.memory_space<hbm>>
    %dma_wait3A_923 = tpu.memref_squeeze %dma_wait3A_922 : memref<1x8192xf32, #tpu.memory_space<hbm>> -> memref<8192xf32, #tpu.memory_space<hbm>>
    %dma_wait3A_924 = arith.constant 0 : i32
    %dma_wait3A_925 = tpu.memref_slice %arg2[%add3A_622, %dma_wait3A_924] : memref<128x8192xf32, #tpu.memory_space<hbm>> -> memref<1x8192xf32, #tpu.memory_space<hbm>>
    %dma_wait3A_926 = tpu.memref_squeeze %dma_wait3A_925 : memref<1x8192xf32, #tpu.memory_space<hbm>> -> memref<8192xf32, #tpu.memory_space<hbm>>
    tpu.wait_dma2 semaphore(%arg9 : memref<!tpu.dma_semaphore, #tpu.memory_space<semaphore_mem>>) src(%dma_wait3A_926 : memref<8192xf32, #tpu.memory_space<hbm>>) dst(%arg5 : memref<8192xf32, #tpu.memory_space<vmem>>)
    %parallel_loop3A_927 = arith.constant 0 : i32
    %parallel_loop3A_928 = arith.constant 64 : i32
    %parallel_loop3A_929 = arith.constant 1 : i32
    %parallel_loop3A_930:8 = scf.for %parallel_loop3A_1219 = %parallel_loop3A_927 to %parallel_loop3A_928 step %parallel_loop3A_929 iter_args(%parallel_loop3A_1220 = %broadcast_in_dim3A_1, %parallel_loop3A_1221 = %broadcast_in_dim3A_1, %parallel_loop3A_1222 = %broadcast_in_dim3A_1, %parallel_loop3A_1223 = %broadcast_in_dim3A_1, %parallel_loop3A_1224 = %broadcast_in_dim3A_1, %parallel_loop3A_1225 = %broadcast_in_dim3A_1, %parallel_loop3A_1226 = %broadcast_in_dim3A_1, %parallel_loop3A_1227 = %broadcast_in_dim3A_1) -> (vector<16xf32>, vector<16xf32>, vector<16xf32>, vector<16xf32>, vector<16xf32>, vector<16xf32>, vector<16xf32>, vector<16xf32>)  : i32 {
      %parallel_loop3A_1228 = arith.constant 128 : i32
      %parallel_loop3A_1229 = arith.muli %parallel_loop3A_1219, %parallel_loop3A_1228 : i32
      %parallel_loop3A_1230 = arith.constant 0 : i32
      %parallel_loop3A_1231 = arith.addi %parallel_loop3A_1229, %parallel_loop3A_1230 : i32
      %parallel_loop3A_1232 = arith.index_cast %parallel_loop3A_1231 : i32 to index
      %parallel_loop3A_1233 = tpu.vector_load %arg5[%parallel_loop3A_1232] {strides = array<i32>} : memref<8192xf32, #tpu.memory_space<vmem>>, vector<16xf32>,
      %parallel_loop3A_1234 = arith.maximumf %parallel_loop3A_1220, %parallel_loop3A_1233 : vector<16xf32>
      %parallel_loop3A_1235 = arith.constant 16 : i32
      %parallel_loop3A_1236 = arith.addi %parallel_loop3A_1229, %parallel_loop3A_1235 : i32
      %parallel_loop3A_1237 = arith.index_cast %parallel_loop3A_1236 : i32 to index
      %parallel_loop3A_1238 = tpu.vector_load %arg5[%parallel_loop3A_1237] {strides = array<i32>} : memref<8192xf32, #tpu.memory_space<vmem>>, vector<16xf32>,
      %parallel_loop3A_1239 = arith.maximumf %parallel_loop3A_1221, %parallel_loop3A_1238 : vector<16xf32>
      %parallel_loop3A_1240 = arith.constant 32 : i32
      %parallel_loop3A_1241 = arith.addi %parallel_loop3A_1229, %parallel_loop3A_1240 : i32
      %parallel_loop3A_1242 = arith.index_cast %parallel_loop3A_1241 : i32 to index
      %parallel_loop3A_1243 = tpu.vector_load %arg5[%parallel_loop3A_1242] {strides = array<i32>} : memref<8192xf32, #tpu.memory_space<vmem>>, vector<16xf32>,
      %parallel_loop3A_1244 = arith.maximumf %parallel_loop3A_1222, %parallel_loop3A_1243 : vector<16xf32>
      %parallel_loop3A_1245 = arith.constant 48 : i32
      %parallel_loop3A_1246 = arith.addi %parallel_loop3A_1229, %parallel_loop3A_1245 : i32
      %parallel_loop3A_1247 = arith.index_cast %parallel_loop3A_1246 : i32 to index
      %parallel_loop3A_1248 = tpu.vector_load %arg5[%parallel_loop3A_1247] {strides = array<i32>} : memref<8192xf32, #tpu.memory_space<vmem>>, vector<16xf32>,
      %parallel_loop3A_1249 = arith.maximumf %parallel_loop3A_1223, %parallel_loop3A_1248 : vector<16xf32>
      %parallel_loop3A_1250 = arith.constant 64 : i32
      %parallel_loop3A_1251 = arith.addi %parallel_loop3A_1229, %parallel_loop3A_1250 : i32
      %parallel_loop3A_1252 = arith.index_cast %parallel_loop3A_1251 : i32 to index
      %parallel_loop3A_1253 = tpu.vector_load %arg5[%parallel_loop3A_1252] {strides = array<i32>} : memref<8192xf32, #tpu.memory_space<vmem>>, vector<16xf32>,
      %parallel_loop3A_1254 = arith.maximumf %parallel_loop3A_1224, %parallel_loop3A_1253 : vector<16xf32>
      %parallel_loop3A_1255 = arith.constant 80 : i32
      %parallel_loop3A_1256 = arith.addi %parallel_loop3A_1229, %parallel_loop3A_1255 : i32
      %parallel_loop3A_1257 = arith.index_cast %parallel_loop3A_1256 : i32 to index
      %parallel_loop3A_1258 = tpu.vector_load %arg5[%parallel_loop3A_1257] {strides = array<i32>} : memref<8192xf32, #tpu.memory_space<vmem>>, vector<16xf32>,
      %parallel_loop3A_1259 = arith.maximumf %parallel_loop3A_1225, %parallel_loop3A_1258 : vector<16xf32>
      %parallel_loop3A_1260 = arith.constant 96 : i32
      %parallel_loop3A_1261 = arith.addi %parallel_loop3A_1229, %parallel_loop3A_1260 : i32
      %parallel_loop3A_1262 = arith.index_cast %parallel_loop3A_1261 : i32 to index
      %parallel_loop3A_1263 = tpu.vector_load %arg5[%parallel_loop3A_1262] {strides = array<i32>} : memref<8192xf32, #tpu.memory_space<vmem>>, vector<16xf32>,
      %parallel_loop3A_1264 = arith.maximumf %parallel_loop3A_1226, %parallel_loop3A_1263 : vector<16xf32>
      %parallel_loop3A_1265 = arith.constant 112 : i32
      %parallel_loop3A_1266 = arith.addi %parallel_loop3A_1229, %parallel_loop3A_1265 : i32
      %parallel_loop3A_1267 = arith.index_cast %parallel_loop3A_1266 : i32 to index
      %parallel_loop3A_1268 = tpu.vector_load %arg5[%parallel_loop3A_1267] {strides = array<i32>} : memref<8192xf32, #tpu.memory_space<vmem>>, vector<16xf32>,
      %parallel_loop3A_1269 = arith.maximumf %parallel_loop3A_1227, %parallel_loop3A_1268 : vector<16xf32>
      scf.yield %parallel_loop3A_1234, %parallel_loop3A_1239, %parallel_loop3A_1244, %parallel_loop3A_1249, %parallel_loop3A_1254, %parallel_loop3A_1259, %parallel_loop3A_1264, %parallel_loop3A_1269 : vector<16xf32>, vector<16xf32>, vector<16xf32>, vector<16xf32>, vector<16xf32>, vector<16xf32>, vector<16xf32>, vector<16xf32>
    } {sc.loop_unroll_factor = 4 : i64, sc.parallel_access}
    %sort3A_931 = arith.constant dense<true> : vector<16xi1>
    %sort3A_932, %sort3A_933, %sort3A_934 = tpu.sort %parallel_loop3A_930#0, %parallel_loop3A_930#0 masked %sort3A_931 : (vector<16xf32>, vector<16xf32>, vector<16xi1>) -> (vector<16xi1>, vector<16xf32>, vector<16xf32>)
    %sort3A_935 = arith.constant dense<true> : vector<16xi1>
    %sort3A_936, %sort3A_937, %sort3A_938 = tpu.sort %parallel_loop3A_930#1, %parallel_loop3A_930#1 masked %sort3A_935 : (vector<16xf32>, vector<16xf32>, vector<16xi1>) -> (vector<16xi1>, vector<16xf32>, vector<16xf32>)
    %rev3A_939 = arith.constant 15 : i32
    %rev3A_940 = vector.broadcast %rev3A_939 : i32 to vector<16xi32>
    %rev3A_941 = tpu.iota {dimensions = array<i32: 0>} : vector<16xi32>
    %rev3A_942 = arith.subi %rev3A_940, %rev3A_941 : vector<16xi32>
    %rev3A_943 = tpu.dynamic_gather %sort3A_937[%rev3A_942] in [0] : vector<16xf32>, vector<16xi32> -> vector<16xf32>
    %min3A_944 = arith.minimumf %sort3A_933, %rev3A_943 : vector<16xf32>
    %sort3A_945 = arith.constant dense<true> : vector<16xi1>
    %sort3A_946, %sort3A_947, %sort3A_948 = tpu.sort %min3A_944, %min3A_944 masked %sort3A_945 : (vector<16xf32>, vector<16xf32>, vector<16xi1>) -> (vector<16xi1>, vector<16xf32>, vector<16xf32>)
    %max3A_949 = arith.maximumf %sort3A_933, %rev3A_943 : vector<16xf32>
    %sort3A_950 = arith.constant dense<true> : vector<16xi1>
    %sort3A_951, %sort3A_952, %sort3A_953 = tpu.sort %max3A_949, %max3A_949 masked %sort3A_950 : (vector<16xf32>, vector<16xf32>, vector<16xi1>) -> (vector<16xi1>, vector<16xf32>, vector<16xf32>)
    %sort3A_954 = arith.constant dense<true> : vector<16xi1>
    %sort3A_955, %sort3A_956, %sort3A_957 = tpu.sort %parallel_loop3A_930#2, %parallel_loop3A_930#2 masked %sort3A_954 : (vector<16xf32>, vector<16xf32>, vector<16xi1>) -> (vector<16xi1>, vector<16xf32>, vector<16xf32>)
    %sort3A_958 = arith.constant dense<true> : vector<16xi1>
    %sort3A_959, %sort3A_960, %sort3A_961 = tpu.sort %parallel_loop3A_930#3, %parallel_loop3A_930#3 masked %sort3A_958 : (vector<16xf32>, vector<16xf32>, vector<16xi1>) -> (vector<16xi1>, vector<16xf32>, vector<16xf32>)
    %rev3A_962 = arith.constant 15 : i32
    %rev3A_963 = vector.broadcast %rev3A_962 : i32 to vector<16xi32>
    %rev3A_964 = tpu.iota {dimensions = array<i32: 0>} : vector<16xi32>
    %rev3A_965 = arith.subi %rev3A_963, %rev3A_964 : vector<16xi32>
    %rev3A_966 = tpu.dynamic_gather %sort3A_960[%rev3A_965] in [0] : vector<16xf32>, vector<16xi32> -> vector<16xf32>
    %min3A_967 = arith.minimumf %sort3A_956, %rev3A_966 : vector<16xf32>
    %sort3A_968 = arith.constant dense<true> : vector<16xi1>
    %sort3A_969, %sort3A_970, %sort3A_971 = tpu.sort %min3A_967, %min3A_967 masked %sort3A_968 : (vector<16xf32>, vector<16xf32>, vector<16xi1>) -> (vector<16xi1>, vector<16xf32>, vector<16xf32>)
    %max3A_972 = arith.maximumf %sort3A_956, %rev3A_966 : vector<16xf32>
    %sort3A_973 = arith.constant dense<true> : vector<16xi1>
    %sort3A_974, %sort3A_975, %sort3A_976 = tpu.sort %max3A_972, %max3A_972 masked %sort3A_973 : (vector<16xf32>, vector<16xf32>, vector<16xi1>) -> (vector<16xi1>, vector<16xf32>, vector<16xf32>)
    %rev3A_977 = arith.constant 15 : i32
    %rev3A_978 = vector.broadcast %rev3A_977 : i32 to vector<16xi32>
    %rev3A_979 = tpu.iota {dimensions = array<i32: 0>} : vector<16xi32>
    %rev3A_980 = arith.subi %rev3A_978, %rev3A_979 : vector<16xi32>
    %rev3A_981 = tpu.dynamic_gather %sort3A_975[%rev3A_980] in [0] : vector<16xf32>, vector<16xi32> -> vector<16xf32>
    %rev3A_982 = arith.constant 15 : i32
    %rev3A_983 = vector.broadcast %rev3A_982 : i32 to vector<16xi32>
    %rev3A_984 = tpu.iota {dimensions = array<i32: 0>} : vector<16xi32>
    %rev3A_985 = arith.subi %rev3A_983, %rev3A_984 : vector<16xi32>
    %rev3A_986 = tpu.dynamic_gather %sort3A_970[%rev3A_985] in [0] : vector<16xf32>, vector<16xi32> -> vector<16xf32>
    %min3A_987 = arith.minimumf %sort3A_947, %rev3A_981 : vector<16xf32>
    %min3A_988 = arith.minimumf %sort3A_952, %rev3A_986 : vector<16xf32>
    %max3A_989 = arith.maximumf %sort3A_947, %rev3A_981 : vector<16xf32>
    %max3A_990 = arith.maximumf %sort3A_952, %rev3A_986 : vector<16xf32>
    %min3A_991 = arith.minimumf %min3A_987, %min3A_988 : vector<16xf32>
    %sort3A_992 = arith.constant dense<true> : vector<16xi1>
    %sort3A_993, %sort3A_994, %sort3A_995 = tpu.sort %min3A_991, %min3A_991 masked %sort3A_992 : (vector<16xf32>, vector<16xf32>, vector<16xi1>) -> (vector<16xi1>, vector<16xf32>, vector<16xf32>)
    %max3A_996 = arith.maximumf %min3A_987, %min3A_988 : vector<16xf32>
    %sort3A_997 = arith.constant dense<true> : vector<16xi1>
    %sort3A_998, %sort3A_999, %sort3A_1000 = tpu.sort %max3A_996, %max3A_996 masked %sort3A_997 : (vector<16xf32>, vector<16xf32>, vector<16xi1>) -> (vector<16xi1>, vector<16xf32>, vector<16xf32>)
    %min3A_1001 = arith.minimumf %max3A_989, %max3A_990 : vector<16xf32>
    %sort3A_1002 = arith.constant dense<true> : vector<16xi1>
    %sort3A_1003, %sort3A_1004, %sort3A_1005 = tpu.sort %min3A_1001, %min3A_1001 masked %sort3A_1002 : (vector<16xf32>, vector<16xf32>, vector<16xi1>) -> (vector<16xi1>, vector<16xf32>, vector<16xf32>)
    %max3A_1006 = arith.maximumf %max3A_989, %max3A_990 : vector<16xf32>
    %sort3A_1007 = arith.constant dense<true> : vector<16xi1>
    %sort3A_1008, %sort3A_1009, %sort3A_1010 = tpu.sort %max3A_1006, %max3A_1006 masked %sort3A_1007 : (vector<16xf32>, vector<16xf32>, vector<16xi1>) -> (vector<16xi1>, vector<16xf32>, vector<16xf32>)
    %sort3A_1011 = arith.constant dense<true> : vector<16xi1>
    %sort3A_1012, %sort3A_1013, %sort3A_1014 = tpu.sort %parallel_loop3A_930#4, %parallel_loop3A_930#4 masked %sort3A_1011 : (vector<16xf32>, vector<16xf32>, vector<16xi1>) -> (vector<16xi1>, vector<16xf32>, vector<16xf32>)
    %sort3A_1015 = arith.constant dense<true> : vector<16xi1>
    %sort3A_1016, %sort3A_1017, %sort3A_1018 = tpu.sort %parallel_loop3A_930#5, %parallel_loop3A_930#5 masked %sort3A_1015 : (vector<16xf32>, vector<16xf32>, vector<16xi1>) -> (vector<16xi1>, vector<16xf32>, vector<16xf32>)
    %rev3A_1019 = arith.constant 15 : i32
    %rev3A_1020 = vector.broadcast %rev3A_1019 : i32 to vector<16xi32>
    %rev3A_1021 = tpu.iota {dimensions = array<i32: 0>} : vector<16xi32>
    %rev3A_1022 = arith.subi %rev3A_1020, %rev3A_1021 : vector<16xi32>
    %rev3A_1023 = tpu.dynamic_gather %sort3A_1017[%rev3A_1022] in [0] : vector<16xf32>, vector<16xi32> -> vector<16xf32>
    %min3A_1024 = arith.minimumf %sort3A_1013, %rev3A_1023 : vector<16xf32>
    %sort3A_1025 = arith.constant dense<true> : vector<16xi1>
    %sort3A_1026, %sort3A_1027, %sort3A_1028 = tpu.sort %min3A_1024, %min3A_1024 masked %sort3A_1025 : (vector<16xf32>, vector<16xf32>, vector<16xi1>) -> (vector<16xi1>, vector<16xf32>, vector<16xf32>)
    %max3A_1029 = arith.maximumf %sort3A_1013, %rev3A_1023 : vector<16xf32>
    %sort3A_1030 = arith.constant dense<true> : vector<16xi1>
    %sort3A_1031, %sort3A_1032, %sort3A_1033 = tpu.sort %max3A_1029, %max3A_1029 masked %sort3A_1030 : (vector<16xf32>, vector<16xf32>, vector<16xi1>) -> (vector<16xi1>, vector<16xf32>, vector<16xf32>)
    %sort3A_1034 = arith.constant dense<true> : vector<16xi1>
    %sort3A_1035, %sort3A_1036, %sort3A_1037 = tpu.sort %parallel_loop3A_930#6, %parallel_loop3A_930#6 masked %sort3A_1034 : (vector<16xf32>, vector<16xf32>, vector<16xi1>) -> (vector<16xi1>, vector<16xf32>, vector<16xf32>)
    %sort3A_1038 = arith.constant dense<true> : vector<16xi1>
    %sort3A_1039, %sort3A_1040, %sort3A_1041 = tpu.sort %parallel_loop3A_930#7, %parallel_loop3A_930#7 masked %sort3A_1038 : (vector<16xf32>, vector<16xf32>, vector<16xi1>) -> (vector<16xi1>, vector<16xf32>, vector<16xf32>)
    %rev3A_1042 = arith.constant 15 : i32
    %rev3A_1043 = vector.broadcast %rev3A_1042 : i32 to vector<16xi32>
    %rev3A_1044 = tpu.iota {dimensions = array<i32: 0>} : vector<16xi32>
    %rev3A_1045 = arith.subi %rev3A_1043, %rev3A_1044 : vector<16xi32>
    %rev3A_1046 = tpu.dynamic_gather %sort3A_1040[%rev3A_1045] in [0] : vector<16xf32>, vector<16xi32> -> vector<16xf32>
    %min3A_1047 = arith.minimumf %sort3A_1036, %rev3A_1046 : vector<16xf32>
    %sort3A_1048 = arith.constant dense<true> : vector<16xi1>
    %sort3A_1049, %sort3A_1050, %sort3A_1051 = tpu.sort %min3A_1047, %min3A_1047 masked %sort3A_1048 : (vector<16xf32>, vector<16xf32>, vector<16xi1>) -> (vector<16xi1>, vector<16xf32>, vector<16xf32>)
    %max3A_1052 = arith.maximumf %sort3A_1036, %rev3A_1046 : vector<16xf32>
    %sort3A_1053 = arith.constant dense<true> : vector<16xi1>
    %sort3A_1054, %sort3A_1055, %sort3A_1056 = tpu.sort %max3A_1052, %max3A_1052 masked %sort3A_1053 : (vector<16xf32>, vector<16xf32>, vector<16xi1>) -> (vector<16xi1>, vector<16xf32>, vector<16xf32>)
    %rev3A_1057 = arith.constant 15 : i32
    %rev3A_1058 = vector.broadcast %rev3A_1057 : i32 to vector<16xi32>
    %rev3A_1059 = tpu.iota {dimensions = array<i32: 0>} : vector<16xi32>
    %rev3A_1060 = arith.subi %rev3A_1058, %rev3A_1059 : vector<16xi32>
    %rev3A_1061 = tpu.dynamic_gather %sort3A_1055[%rev3A_1060] in [0] : vector<16xf32>, vector<16xi32> -> vector<16xf32>
    %rev3A_1062 = arith.constant 15 : i32
    %rev3A_1063 = vector.broadcast %rev3A_1062 : i32 to vector<16xi32>
    %rev3A_1064 = tpu.iota {dimensions = array<i32: 0>} : vector<16xi32>
    %rev3A_1065 = arith.subi %rev3A_1063, %rev3A_1064 : vector<16xi32>
    %rev3A_1066 = tpu.dynamic_gather %sort3A_1050[%rev3A_1065] in [0] : vector<16xf32>, vector<16xi32> -> vector<16xf32>
    %min3A_1067 = arith.minimumf %sort3A_1027, %rev3A_1061 : vector<16xf32>
    %min3A_1068 = arith.minimumf %sort3A_1032, %rev3A_1066 : vector<16xf32>
    %max3A_1069 = arith.maximumf %sort3A_1027, %rev3A_1061 : vector<16xf32>
    %max3A_1070 = arith.maximumf %sort3A_1032, %rev3A_1066 : vector<16xf32>
    %min3A_1071 = arith.minimumf %min3A_1067, %min3A_1068 : vector<16xf32>
    %sort3A_1072 = arith.constant dense<true> : vector<16xi1>
    %sort3A_1073, %sort3A_1074, %sort3A_1075 = tpu.sort %min3A_1071, %min3A_1071 masked %sort3A_1072 : (vector<16xf32>, vector<16xf32>, vector<16xi1>) -> (vector<16xi1>, vector<16xf32>, vector<16xf32>)
    %max3A_1076 = arith.maximumf %min3A_1067, %min3A_1068 : vector<16xf32>
    %sort3A_1077 = arith.constant dense<true> : vector<16xi1>
    %sort3A_1078, %sort3A_1079, %sort3A_1080 = tpu.sort %max3A_1076, %max3A_1076 masked %sort3A_1077 : (vector<16xf32>, vector<16xf32>, vector<16xi1>) -> (vector<16xi1>, vector<16xf32>, vector<16xf32>)
    %min3A_1081 = arith.minimumf %max3A_1069, %max3A_1070 : vector<16xf32>
    %sort3A_1082 = arith.constant dense<true> : vector<16xi1>
    %sort3A_1083, %sort3A_1084, %sort3A_1085 = tpu.sort %min3A_1081, %min3A_1081 masked %sort3A_1082 : (vector<16xf32>, vector<16xf32>, vector<16xi1>) -> (vector<16xi1>, vector<16xf32>, vector<16xf32>)
    %max3A_1086 = arith.maximumf %max3A_1069, %max3A_1070 : vector<16xf32>
    %sort3A_1087 = arith.constant dense<true> : vector<16xi1>
    %sort3A_1088, %sort3A_1089, %sort3A_1090 = tpu.sort %max3A_1086, %max3A_1086 masked %sort3A_1087 : (vector<16xf32>, vector<16xf32>, vector<16xi1>) -> (vector<16xi1>, vector<16xf32>, vector<16xf32>)
    %rev3A_1091 = arith.constant 15 : i32
    %rev3A_1092 = vector.broadcast %rev3A_1091 : i32 to vector<16xi32>
    %rev3A_1093 = tpu.iota {dimensions = array<i32: 0>} : vector<16xi32>
    %rev3A_1094 = arith.subi %rev3A_1092, %rev3A_1093 : vector<16xi32>
    %rev3A_1095 = tpu.dynamic_gather %sort3A_1089[%rev3A_1094] in [0] : vector<16xf32>, vector<16xi32> -> vector<16xf32>
    %max3A_1096 = arith.maximumf %sort3A_994, %rev3A_1095 : vector<16xf32>
    %rev3A_1097 = arith.constant 15 : i32
    %rev3A_1098 = vector.broadcast %rev3A_1097 : i32 to vector<16xi32>
    %rev3A_1099 = tpu.iota {dimensions = array<i32: 0>} : vector<16xi32>
    %rev3A_1100 = arith.subi %rev3A_1098, %rev3A_1099 : vector<16xi32>
    %rev3A_1101 = tpu.dynamic_gather %sort3A_1084[%rev3A_1100] in [0] : vector<16xf32>, vector<16xi32> -> vector<16xf32>
    %max3A_1102 = arith.maximumf %sort3A_999, %rev3A_1101 : vector<16xf32>
    %rev3A_1103 = arith.constant 15 : i32
    %rev3A_1104 = vector.broadcast %rev3A_1103 : i32 to vector<16xi32>
    %rev3A_1105 = tpu.iota {dimensions = array<i32: 0>} : vector<16xi32>
    %rev3A_1106 = arith.subi %rev3A_1104, %rev3A_1105 : vector<16xi32>
    %rev3A_1107 = tpu.dynamic_gather %sort3A_1079[%rev3A_1106] in [0] : vector<16xf32>, vector<16xi32> -> vector<16xf32>
    %max3A_1108 = arith.maximumf %sort3A_1004, %rev3A_1107 : vector<16xf32>
    %rev3A_1109 = arith.constant 15 : i32
    %rev3A_1110 = vector.broadcast %rev3A_1109 : i32 to vector<16xi32>
    %rev3A_1111 = tpu.iota {dimensions = array<i32: 0>} : vector<16xi32>
    %rev3A_1112 = arith.subi %rev3A_1110, %rev3A_1111 : vector<16xi32>
    %rev3A_1113 = tpu.dynamic_gather %sort3A_1074[%rev3A_1112] in [0] : vector<16xf32>, vector<16xi32> -> vector<16xf32>
    %max3A_1114 = arith.maximumf %sort3A_1009, %rev3A_1113 : vector<16xf32>
    %min3A_1115 = arith.minimumf %max3A_1096, %max3A_1108 : vector<16xf32>
    %min3A_1116 = arith.minimumf %max3A_1102, %max3A_1114 : vector<16xf32>
    %max3A_1117 = arith.maximumf %max3A_1096, %max3A_1108 : vector<16xf32>
    %max3A_1118 = arith.maximumf %max3A_1102, %max3A_1114 : vector<16xf32>
    %min3A_1119 = arith.minimumf %min3A_1115, %min3A_1116 : vector<16xf32>
    %sort3A_1120 = arith.constant dense<true> : vector<16xi1>
    %sort3A_1121, %sort3A_1122, %sort3A_1123 = tpu.sort %min3A_1119, %min3A_1119 masked %sort3A_1120 : (vector<16xf32>, vector<16xf32>, vector<16xi1>) -> (vector<16xi1>, vector<16xf32>, vector<16xf32>)
    %max3A_1124 = arith.maximumf %min3A_1115, %min3A_1116 : vector<16xf32>
    %sort3A_1125 = arith.constant dense<true> : vector<16xi1>
    %sort3A_1126, %sort3A_1127, %sort3A_1128 = tpu.sort %max3A_1124, %max3A_1124 masked %sort3A_1125 : (vector<16xf32>, vector<16xf32>, vector<16xi1>) -> (vector<16xi1>, vector<16xf32>, vector<16xf32>)
    %min3A_1129 = arith.minimumf %max3A_1117, %max3A_1118 : vector<16xf32>
    %sort3A_1130 = arith.constant dense<true> : vector<16xi1>
    %sort3A_1131, %sort3A_1132, %sort3A_1133 = tpu.sort %min3A_1129, %min3A_1129 masked %sort3A_1130 : (vector<16xf32>, vector<16xf32>, vector<16xi1>) -> (vector<16xi1>, vector<16xf32>, vector<16xf32>)
    %max3A_1134 = arith.maximumf %max3A_1117, %max3A_1118 : vector<16xf32>
    %sort3A_1135 = arith.constant dense<true> : vector<16xi1>
    %sort3A_1136, %sort3A_1137, %sort3A_1138 = tpu.sort %max3A_1134, %max3A_1134 masked %sort3A_1135 : (vector<16xf32>, vector<16xf32>, vector<16xi1>) -> (vector<16xi1>, vector<16xf32>, vector<16xf32>)
    %reduce_min3A_1139 = arith.constant true
    %reduce_min3A_1140 = vector.broadcast %reduce_min3A_1139 : i1 to vector<16xi1>
    %reduce_min3A_1141 = tpu.scan <min>, %sort3A_1122 masked %reduce_min3A_1140 : vector<16xf32>, vector<16xi1> -> vector<16xf32>
    %reduce_min3A_1142 = vector.extract %reduce_min3A_1141[15] : f32 from vector<16xf32>
    %broadcast_in_dim3A_1143 = vector.broadcast %reduce_min3A_1142 : f32 to vector<16xf32>
    %mul3A_1144 = arith.constant 512 : i32
    %mul3A_1145 = vector.broadcast %mul3A_1144 : i32 to vector<16xi32>
    %mul3A_1146 = arith.muli %iota3A, %mul3A_1145 : vector<16xi32>
    %parallel_loop3A_1147 = arith.constant 0 : i32
    %parallel_loop3A_1148 = arith.constant 512 : i32
    %parallel_loop3A_1149 = arith.constant 1 : i32
    %parallel_loop3A_1150 = scf.for %parallel_loop3A_1219 = %parallel_loop3A_1147 to %parallel_loop3A_1148 step %parallel_loop3A_1149 iter_args(%parallel_loop3A_1220 = %mul3A_1146) -> (vector<16xi32>)  : i32 {
      %parallel_loop3A_1221 = arith.constant 16 : i32
      %parallel_loop3A_1222 = arith.muli %parallel_loop3A_1219, %parallel_loop3A_1221 : i32
      %parallel_loop3A_1223 = arith.index_cast %parallel_loop3A_1222 : i32 to index
      %parallel_loop3A_1224 = tpu.vector_load %arg5[%parallel_loop3A_1223] {strides = array<i32>} : memref<8192xf32, #tpu.memory_space<vmem>>, vector<16xf32>,
      %parallel_loop3A_1225 = arith.cmpf oge, %parallel_loop3A_1224, %broadcast_in_dim3A_1143 : vector<16xf32>
      tpu.vector_store_idx %arg6[%parallel_loop3A_1220], %parallel_loop3A_1224 masked %parallel_loop3A_1225 : memref<8256xf32, #tpu.memory_space<vmem>>[vector<16xi32>], vector<16xf32>, vector<16xi1>
      %parallel_loop3A_1226 = arith.extui %parallel_loop3A_1225 : vector<16xi1> to vector<16xi32>
      %parallel_loop3A_1227 = arith.addi %parallel_loop3A_1220, %parallel_loop3A_1226 : vector<16xi32>
      scf.yield %parallel_loop3A_1227 : vector<16xi32>
    } {sc.loop_unroll_factor = 8 : i64, sc.parallel_access}
    %sub3A_1151 = arith.subi %parallel_loop3A_1150, %mul3A_1146 : vector<16xi32>
    %reduce_max3A_1152 = arith.constant true
    %reduce_max3A_1153 = vector.broadcast %reduce_max3A_1152 : i1 to vector<16xi1>
    %reduce_max3A_1154 = arith.constant -2147483648 : i32
    %reduce_max3A_1155 = vector.broadcast %reduce_max3A_1154 : i32 to vector<16xi32>
    %reduce_max3A_1156 = arith.xori %sub3A_1151, %reduce_max3A_1155 : vector<16xi32>
    %reduce_max3A_1157 = tpu.scan <max>, %reduce_max3A_1156 masked %reduce_max3A_1153 : vector<16xi32>, vector<16xi1> -> vector<16xi32>
    %reduce_max3A_1158 = arith.xori %reduce_max3A_1157, %reduce_max3A_1155 : vector<16xi32>
    %reduce_max3A_1159 = vector.extract %reduce_max3A_1158[15] : i32 from vector<16xi32>
    %add3A_1160 = arith.constant 3 : i32
    %add3A_1161 = arith.addi %reduce_max3A_1159, %add3A_1160 : i32
    %shift_right_logical3A_1162 = arith.constant 2 : i32
    %shift_right_logical3A_1163 = arith.shrui %add3A_1161, %shift_right_logical3A_1162 : i32
    %while3A_1164 = arith.constant 0 : i32
    %while3A_1165 = arith.subi %shift_right_logical3A_1163, %while3A_1164 : i32
    %while3A_1166 = arith.addi %while3A_1164, %while3A_1165 : i32
    %while3A_1167 = arith.constant 1 : i32
    %while3A_1168 = arith.divsi %while3A_1165, %while3A_1167 : i32
    %while3A_1169 = arith.muli %while3A_1168, %while3A_1167 : i32
    %while3A_1170 = arith.addi %while3A_1164, %while3A_1169 : i32
    %while3A_1171 = arith.constant 1 : i32
    %while3A_1172:4 = scf.for %while3A_1219 = %while3A_1164 to %while3A_1170 step %while3A_1171 iter_args(%while3A_1220 = %broadcast_in_dim3A_1, %while3A_1221 = %broadcast_in_dim3A_1, %while3A_1222 = %broadcast_in_dim3A_1, %while3A_1223 = %broadcast_in_dim3A_1) -> (vector<16xf32>, vector<16xf32>, vector<16xf32>, vector<16xf32>)  : i32 {
      %mul3A_1224 = arith.constant 4 : i32
      %mul3A_1225 = arith.muli %while3A_1219, %mul3A_1224 : i32
      %add3A_1226 = arith.constant 0 : i32
      %add3A_1227 = arith.addi %mul3A_1225, %add3A_1226 : i32
      %add3A_1228 = vector.broadcast %add3A_1227 : i32 to vector<16xi32>
      %add3A_1229 = arith.addi %mul3A_1146, %add3A_1228 : vector<16xi32>
      %gather3A = tpu.vector_load_idx %arg6[%add3A_1229] : memref<8256xf32, #tpu.memory_space<vmem>>[vector<16xi32>], vector<16xf32>,
      %lt3A = vector.broadcast %add3A_1227 : i32 to vector<16xi32>
      %lt3A_1230 = arith.cmpi slt, %lt3A, %sub3A_1151 : vector<16xi32>
      %select_n3A = arith.select %lt3A_1230, %gather3A, %broadcast_in_dim3A_1 : vector<16xi1>, vector<16xf32>
      %add3A_1231 = arith.constant 1 : i32
      %add3A_1232 = arith.addi %mul3A_1225, %add3A_1231 : i32
      %add3A_1233 = vector.broadcast %add3A_1232 : i32 to vector<16xi32>
      %add3A_1234 = arith.addi %mul3A_1146, %add3A_1233 : vector<16xi32>
      %gather3A_1235 = tpu.vector_load_idx %arg6[%add3A_1234] : memref<8256xf32, #tpu.memory_space<vmem>>[vector<16xi32>], vector<16xf32>,
      %lt3A_1236 = vector.broadcast %add3A_1232 : i32 to vector<16xi32>
      %lt3A_1237 = arith.cmpi slt, %lt3A_1236, %sub3A_1151 : vector<16xi32>
      %select_n3A_1238 = arith.select %lt3A_1237, %gather3A_1235, %broadcast_in_dim3A_1 : vector<16xi1>, vector<16xf32>
      %add3A_1239 = arith.constant 2 : i32
      %add3A_1240 = arith.addi %mul3A_1225, %add3A_1239 : i32
      %add3A_1241 = vector.broadcast %add3A_1240 : i32 to vector<16xi32>
      %add3A_1242 = arith.addi %mul3A_1146, %add3A_1241 : vector<16xi32>
      %gather3A_1243 = tpu.vector_load_idx %arg6[%add3A_1242] : memref<8256xf32, #tpu.memory_space<vmem>>[vector<16xi32>], vector<16xf32>,
      %lt3A_1244 = vector.broadcast %add3A_1240 : i32 to vector<16xi32>
      %lt3A_1245 = arith.cmpi slt, %lt3A_1244, %sub3A_1151 : vector<16xi32>
      %select_n3A_1246 = arith.select %lt3A_1245, %gather3A_1243, %broadcast_in_dim3A_1 : vector<16xi1>, vector<16xf32>
      %add3A_1247 = arith.constant 3 : i32
      %add3A_1248 = arith.addi %mul3A_1225, %add3A_1247 : i32
      %add3A_1249 = vector.broadcast %add3A_1248 : i32 to vector<16xi32>
      %add3A_1250 = arith.addi %mul3A_1146, %add3A_1249 : vector<16xi32>
      %gather3A_1251 = tpu.vector_load_idx %arg6[%add3A_1250] : memref<8256xf32, #tpu.memory_space<vmem>>[vector<16xi32>], vector<16xf32>,
      %lt3A_1252 = vector.broadcast %add3A_1248 : i32 to vector<16xi32>
      %lt3A_1253 = arith.cmpi slt, %lt3A_1252, %sub3A_1151 : vector<16xi32>
      %select_n3A_1254 = arith.select %lt3A_1253, %gather3A_1251, %broadcast_in_dim3A_1 : vector<16xi1>, vector<16xf32>
      %sort3A_1255 = arith.constant dense<true> : vector<16xi1>
      %sort3A_1256, %sort3A_1257, %sort3A_1258 = tpu.sort %select_n3A, %select_n3A masked %sort3A_1255 : (vector<16xf32>, vector<16xf32>, vector<16xi1>) -> (vector<16xi1>, vector<16xf32>, vector<16xf32>)
      %sort3A_1259 = arith.constant dense<true> : vector<16xi1>
      %sort3A_1260, %sort3A_1261, %sort3A_1262 = tpu.sort %select_n3A_1238, %select_n3A_1238 masked %sort3A_1259 : (vector<16xf32>, vector<16xf32>, vector<16xi1>) -> (vector<16xi1>, vector<16xf32>, vector<16xf32>)
      %rev3A_1263 = arith.constant 15 : i32
      %rev3A_1264 = vector.broadcast %rev3A_1263 : i32 to vector<16xi32>
      %rev3A_1265 = tpu.iota {dimensions = array<i32: 0>} : vector<16xi32>
      %rev3A_1266 = arith.subi %rev3A_1264, %rev3A_1265 : vector<16xi32>
      %rev3A_1267 = tpu.dynamic_gather %sort3A_1261[%rev3A_1266] in [0] : vector<16xf32>, vector<16xi32> -> vector<16xf32>
      %min3A_1268 = arith.minimumf %sort3A_1257, %rev3A_1267 : vector<16xf32>
      %sort3A_1269 = arith.constant dense<true> : vector<16xi1>
      %sort3A_1270, %sort3A_1271, %sort3A_1272 = tpu.sort %min3A_1268, %min3A_1268 masked %sort3A_1269 : (vector<16xf32>, vector<16xf32>, vector<16xi1>) -> (vector<16xi1>, vector<16xf32>, vector<16xf32>)
      %max3A_1273 = arith.maximumf %sort3A_1257, %rev3A_1267 : vector<16xf32>
      %sort3A_1274 = arith.constant dense<true> : vector<16xi1>
      %sort3A_1275, %sort3A_1276, %sort3A_1277 = tpu.sort %max3A_1273, %max3A_1273 masked %sort3A_1274 : (vector<16xf32>, vector<16xf32>, vector<16xi1>) -> (vector<16xi1>, vector<16xf32>, vector<16xf32>)
      %sort3A_1278 = arith.constant dense<true> : vector<16xi1>
      %sort3A_1279, %sort3A_1280, %sort3A_1281 = tpu.sort %select_n3A_1246, %select_n3A_1246 masked %sort3A_1278 : (vector<16xf32>, vector<16xf32>, vector<16xi1>) -> (vector<16xi1>, vector<16xf32>, vector<16xf32>)
      %sort3A_1282 = arith.constant dense<true> : vector<16xi1>
      %sort3A_1283, %sort3A_1284, %sort3A_1285 = tpu.sort %select_n3A_1254, %select_n3A_1254 masked %sort3A_1282 : (vector<16xf32>, vector<16xf32>, vector<16xi1>) -> (vector<16xi1>, vector<16xf32>, vector<16xf32>)
      %rev3A_1286 = arith.constant 15 : i32
      %rev3A_1287 = vector.broadcast %rev3A_1286 : i32 to vector<16xi32>
      %rev3A_1288 = tpu.iota {dimensions = array<i32: 0>} : vector<16xi32>
      %rev3A_1289 = arith.subi %rev3A_1287, %rev3A_1288 : vector<16xi32>
      %rev3A_1290 = tpu.dynamic_gather %sort3A_1284[%rev3A_1289] in [0] : vector<16xf32>, vector<16xi32> -> vector<16xf32>
      %min3A_1291 = arith.minimumf %sort3A_1280, %rev3A_1290 : vector<16xf32>
      %sort3A_1292 = arith.constant dense<true> : vector<16xi1>
      %sort3A_1293, %sort3A_1294, %sort3A_1295 = tpu.sort %min3A_1291, %min3A_1291 masked %sort3A_1292 : (vector<16xf32>, vector<16xf32>, vector<16xi1>) -> (vector<16xi1>, vector<16xf32>, vector<16xf32>)
      %max3A_1296 = arith.maximumf %sort3A_1280, %rev3A_1290 : vector<16xf32>
      %sort3A_1297 = arith.constant dense<true> : vector<16xi1>
      %sort3A_1298, %sort3A_1299, %sort3A_1300 = tpu.sort %max3A_1296, %max3A_1296 masked %sort3A_1297 : (vector<16xf32>, vector<16xf32>, vector<16xi1>) -> (vector<16xi1>, vector<16xf32>, vector<16xf32>)
      %rev3A_1301 = arith.constant 15 : i32
      %rev3A_1302 = vector.broadcast %rev3A_1301 : i32 to vector<16xi32>
      %rev3A_1303 = tpu.iota {dimensions = array<i32: 0>} : vector<16xi32>
      %rev3A_1304 = arith.subi %rev3A_1302, %rev3A_1303 : vector<16xi32>
      %rev3A_1305 = tpu.dynamic_gather %sort3A_1299[%rev3A_1304] in [0] : vector<16xf32>, vector<16xi32> -> vector<16xf32>
      %rev3A_1306 = arith.constant 15 : i32
      %rev3A_1307 = vector.broadcast %rev3A_1306 : i32 to vector<16xi32>
      %rev3A_1308 = tpu.iota {dimensions = array<i32: 0>} : vector<16xi32>
      %rev3A_1309 = arith.subi %rev3A_1307, %rev3A_1308 : vector<16xi32>
      %rev3A_1310 = tpu.dynamic_gather %sort3A_1294[%rev3A_1309] in [0] : vector<16xf32>, vector<16xi32> -> vector<16xf32>
      %min3A_1311 = arith.minimumf %sort3A_1271, %rev3A_1305 : vector<16xf32>
      %min3A_1312 = arith.minimumf %sort3A_1276, %rev3A_1310 : vector<16xf32>
      %max3A_1313 = arith.maximumf %sort3A_1271, %rev3A_1305 : vector<16xf32>
      %max3A_1314 = arith.maximumf %sort3A_1276, %rev3A_1310 : vector<16xf32>
      %min3A_1315 = arith.minimumf %min3A_1311, %min3A_1312 : vector<16xf32>
      %sort3A_1316 = arith.constant dense<true> : vector<16xi1>
      %sort3A_1317, %sort3A_1318, %sort3A_1319 = tpu.sort %min3A_1315, %min3A_1315 masked %sort3A_1316 : (vector<16xf32>, vector<16xf32>, vector<16xi1>) -> (vector<16xi1>, vector<16xf32>, vector<16xf32>)
      %max3A_1320 = arith.maximumf %min3A_1311, %min3A_1312 : vector<16xf32>
      %sort3A_1321 = arith.constant dense<true> : vector<16xi1>
      %sort3A_1322, %sort3A_1323, %sort3A_1324 = tpu.sort %max3A_1320, %max3A_1320 masked %sort3A_1321 : (vector<16xf32>, vector<16xf32>, vector<16xi1>) -> (vector<16xi1>, vector<16xf32>, vector<16xf32>)
      %min3A_1325 = arith.minimumf %max3A_1313, %max3A_1314 : vector<16xf32>
      %sort3A_1326 = arith.constant dense<true> : vector<16xi1>
      %sort3A_1327, %sort3A_1328, %sort3A_1329 = tpu.sort %min3A_1325, %min3A_1325 masked %sort3A_1326 : (vector<16xf32>, vector<16xf32>, vector<16xi1>) -> (vector<16xi1>, vector<16xf32>, vector<16xf32>)
      %max3A_1330 = arith.maximumf %max3A_1313, %max3A_1314 : vector<16xf32>
      %sort3A_1331 = arith.constant dense<true> : vector<16xi1>
      %sort3A_1332, %sort3A_1333, %sort3A_1334 = tpu.sort %max3A_1330, %max3A_1330 masked %sort3A_1331 : (vector<16xf32>, vector<16xf32>, vector<16xi1>) -> (vector<16xi1>, vector<16xf32>, vector<16xf32>)
      %rev3A_1335 = arith.constant 15 : i32
      %rev3A_1336 = vector.broadcast %rev3A_1335 : i32 to vector<16xi32>
      %rev3A_1337 = tpu.iota {dimensions = array<i32: 0>} : vector<16xi32>
      %rev3A_1338 = arith.subi %rev3A_1336, %rev3A_1337 : vector<16xi32>
      %rev3A_1339 = tpu.dynamic_gather %sort3A_1333[%rev3A_1338] in [0] : vector<16xf32>, vector<16xi32> -> vector<16xf32>
      %max3A_1340 = arith.maximumf %while3A_1220, %rev3A_1339 : vector<16xf32>
      %rev3A_1341 = arith.constant 15 : i32
      %rev3A_1342 = vector.broadcast %rev3A_1341 : i32 to vector<16xi32>
      %rev3A_1343 = tpu.iota {dimensions = array<i32: 0>} : vector<16xi32>
      %rev3A_1344 = arith.subi %rev3A_1342, %rev3A_1343 : vector<16xi32>
      %rev3A_1345 = tpu.dynamic_gather %sort3A_1328[%rev3A_1344] in [0] : vector<16xf32>, vector<16xi32> -> vector<16xf32>
      %max3A_1346 = arith.maximumf %while3A_1221, %rev3A_1345 : vector<16xf32>
      %rev3A_1347 = arith.constant 15 : i32
      %rev3A_1348 = vector.broadcast %rev3A_1347 : i32 to vector<16xi32>
      %rev3A_1349 = tpu.iota {dimensions = array<i32: 0>} : vector<16xi32>
      %rev3A_1350 = arith.subi %rev3A_1348, %rev3A_1349 : vector<16xi32>
      %rev3A_1351 = tpu.dynamic_gather %sort3A_1323[%rev3A_1350] in [0] : vector<16xf32>, vector<16xi32> -> vector<16xf32>
      %max3A_1352 = arith.maximumf %while3A_1222, %rev3A_1351 : vector<16xf32>
      %rev3A_1353 = arith.constant 15 : i32
      %rev3A_1354 = vector.broadcast %rev3A_1353 : i32 to vector<16xi32>
      %rev3A_1355 = tpu.iota {dimensions = array<i32: 0>} : vector<16xi32>
      %rev3A_1356 = arith.subi %rev3A_1354, %rev3A_1355 : vector<16xi32>
      %rev3A_1357 = tpu.dynamic_gather %sort3A_1318[%rev3A_1356] in [0] : vector<16xf32>, vector<16xi32> -> vector<16xf32>
      %max3A_1358 = arith.maximumf %while3A_1223, %rev3A_1357 : vector<16xf32>
      %min3A_1359 = arith.minimumf %max3A_1340, %max3A_1352 : vector<16xf32>
      %min3A_1360 = arith.minimumf %max3A_1346, %max3A_1358 : vector<16xf32>
      %max3A_1361 = arith.maximumf %max3A_1340, %max3A_1352 : vector<16xf32>
      %max3A_1362 = arith.maximumf %max3A_1346, %max3A_1358 : vector<16xf32>
      %min3A_1363 = arith.minimumf %min3A_1359, %min3A_1360 : vector<16xf32>
      %sort3A_1364 = arith.constant dense<true> : vector<16xi1>
      %sort3A_1365, %sort3A_1366, %sort3A_1367 = tpu.sort %min3A_1363, %min3A_1363 masked %sort3A_1364 : (vector<16xf32>, vector<16xf32>, vector<16xi1>) -> (vector<16xi1>, vector<16xf32>, vector<16xf32>)
      %max3A_1368 = arith.maximumf %min3A_1359, %min3A_1360 : vector<16xf32>
      %sort3A_1369 = arith.constant dense<true> : vector<16xi1>
      %sort3A_1370, %sort3A_1371, %sort3A_1372 = tpu.sort %max3A_1368, %max3A_1368 masked %sort3A_1369 : (vector<16xf32>, vector<16xf32>, vector<16xi1>) -> (vector<16xi1>, vector<16xf32>, vector<16xf32>)
      %min3A_1373 = arith.minimumf %max3A_1361, %max3A_1362 : vector<16xf32>
      %sort3A_1374 = arith.constant dense<true> : vector<16xi1>
      %sort3A_1375, %sort3A_1376, %sort3A_1377 = tpu.sort %min3A_1373, %min3A_1373 masked %sort3A_1374 : (vector<16xf32>, vector<16xf32>, vector<16xi1>) -> (vector<16xi1>, vector<16xf32>, vector<16xf32>)
      %max3A_1378 = arith.maximumf %max3A_1361, %max3A_1362 : vector<16xf32>
      %sort3A_1379 = arith.constant dense<true> : vector<16xi1>
      %sort3A_1380, %sort3A_1381, %sort3A_1382 = tpu.sort %max3A_1378, %max3A_1378 masked %sort3A_1379 : (vector<16xf32>, vector<16xf32>, vector<16xi1>) -> (vector<16xi1>, vector<16xf32>, vector<16xf32>)
      scf.yield %sort3A_1366, %sort3A_1371, %sort3A_1376, %sort3A_1381 : vector<16xf32>, vector<16xf32>, vector<16xf32>, vector<16xf32>
    }
    %while3A_1173 = arith.constant 1 : i32
    %while3A_1174:4 = scf.for %while3A_1219 = %while3A_1170 to %while3A_1166 step %while3A_1173 iter_args(%while3A_1220 = %while3A_1172#0, %while3A_1221 = %while3A_1172#1, %while3A_1222 = %while3A_1172#2, %while3A_1223 = %while3A_1172#3) -> (vector<16xf32>, vector<16xf32>, vector<16xf32>, vector<16xf32>)  : i32 {
      %mul3A_1224 = arith.constant 4 : i32
      %mul3A_1225 = arith.muli %while3A_1219, %mul3A_1224 : i32
      %add3A_1226 = arith.constant 0 : i32
      %add3A_1227 = arith.addi %mul3A_1225, %add3A_1226 : i32
      %add3A_1228 = vector.broadcast %add3A_1227 : i32 to vector<16xi32>
      %add3A_1229 = arith.addi %mul3A_1146, %add3A_1228 : vector<16xi32>
      %gather3A = tpu.vector_load_idx %arg6[%add3A_1229] : memref<8256xf32, #tpu.memory_space<vmem>>[vector<16xi32>], vector<16xf32>,
      %lt3A = vector.broadcast %add3A_1227 : i32 to vector<16xi32>
      %lt3A_1230 = arith.cmpi slt, %lt3A, %sub3A_1151 : vector<16xi32>
      %select_n3A = arith.select %lt3A_1230, %gather3A, %broadcast_in_dim3A_1 : vector<16xi1>, vector<16xf32>
      %add3A_1231 = arith.constant 1 : i32
      %add3A_1232 = arith.addi %mul3A_1225, %add3A_1231 : i32
      %add3A_1233 = vector.broadcast %add3A_1232 : i32 to vector<16xi32>
      %add3A_1234 = arith.addi %mul3A_1146, %add3A_1233 : vector<16xi32>
      %gather3A_1235 = tpu.vector_load_idx %arg6[%add3A_1234] : memref<8256xf32, #tpu.memory_space<vmem>>[vector<16xi32>], vector<16xf32>,
      %lt3A_1236 = vector.broadcast %add3A_1232 : i32 to vector<16xi32>
      %lt3A_1237 = arith.cmpi slt, %lt3A_1236, %sub3A_1151 : vector<16xi32>
      %select_n3A_1238 = arith.select %lt3A_1237, %gather3A_1235, %broadcast_in_dim3A_1 : vector<16xi1>, vector<16xf32>
      %add3A_1239 = arith.constant 2 : i32
      %add3A_1240 = arith.addi %mul3A_1225, %add3A_1239 : i32
      %add3A_1241 = vector.broadcast %add3A_1240 : i32 to vector<16xi32>
      %add3A_1242 = arith.addi %mul3A_1146, %add3A_1241 : vector<16xi32>
      %gather3A_1243 = tpu.vector_load_idx %arg6[%add3A_1242] : memref<8256xf32, #tpu.memory_space<vmem>>[vector<16xi32>], vector<16xf32>,
      %lt3A_1244 = vector.broadcast %add3A_1240 : i32 to vector<16xi32>
      %lt3A_1245 = arith.cmpi slt, %lt3A_1244, %sub3A_1151 : vector<16xi32>
      %select_n3A_1246 = arith.select %lt3A_1245, %gather3A_1243, %broadcast_in_dim3A_1 : vector<16xi1>, vector<16xf32>
      %add3A_1247 = arith.constant 3 : i32
      %add3A_1248 = arith.addi %mul3A_1225, %add3A_1247 : i32
      %add3A_1249 = vector.broadcast %add3A_1248 : i32 to vector<16xi32>
      %add3A_1250 = arith.addi %mul3A_1146, %add3A_1249 : vector<16xi32>
      %gather3A_1251 = tpu.vector_load_idx %arg6[%add3A_1250] : memref<8256xf32, #tpu.memory_space<vmem>>[vector<16xi32>], vector<16xf32>,
      %lt3A_1252 = vector.broadcast %add3A_1248 : i32 to vector<16xi32>
      %lt3A_1253 = arith.cmpi slt, %lt3A_1252, %sub3A_1151 : vector<16xi32>
      %select_n3A_1254 = arith.select %lt3A_1253, %gather3A_1251, %broadcast_in_dim3A_1 : vector<16xi1>, vector<16xf32>
      %sort3A_1255 = arith.constant dense<true> : vector<16xi1>
      %sort3A_1256, %sort3A_1257, %sort3A_1258 = tpu.sort %select_n3A, %select_n3A masked %sort3A_1255 : (vector<16xf32>, vector<16xf32>, vector<16xi1>) -> (vector<16xi1>, vector<16xf32>, vector<16xf32>)
      %sort3A_1259 = arith.constant dense<true> : vector<16xi1>
      %sort3A_1260, %sort3A_1261, %sort3A_1262 = tpu.sort %select_n3A_1238, %select_n3A_1238 masked %sort3A_1259 : (vector<16xf32>, vector<16xf32>, vector<16xi1>) -> (vector<16xi1>, vector<16xf32>, vector<16xf32>)
      %rev3A_1263 = arith.constant 15 : i32
      %rev3A_1264 = vector.broadcast %rev3A_1263 : i32 to vector<16xi32>
      %rev3A_1265 = tpu.iota {dimensions = array<i32: 0>} : vector<16xi32>
      %rev3A_1266 = arith.subi %rev3A_1264, %rev3A_1265 : vector<16xi32>
      %rev3A_1267 = tpu.dynamic_gather %sort3A_1261[%rev3A_1266] in [0] : vector<16xf32>, vector<16xi32> -> vector<16xf32>
      %min3A_1268 = arith.minimumf %sort3A_1257, %rev3A_1267 : vector<16xf32>
      %sort3A_1269 = arith.constant dense<true> : vector<16xi1>
      %sort3A_1270, %sort3A_1271, %sort3A_1272 = tpu.sort %min3A_1268, %min3A_1268 masked %sort3A_1269 : (vector<16xf32>, vector<16xf32>, vector<16xi1>) -> (vector<16xi1>, vector<16xf32>, vector<16xf32>)
      %max3A_1273 = arith.maximumf %sort3A_1257, %rev3A_1267 : vector<16xf32>
      %sort3A_1274 = arith.constant dense<true> : vector<16xi1>
      %sort3A_1275, %sort3A_1276, %sort3A_1277 = tpu.sort %max3A_1273, %max3A_1273 masked %sort3A_1274 : (vector<16xf32>, vector<16xf32>, vector<16xi1>) -> (vector<16xi1>, vector<16xf32>, vector<16xf32>)
      %sort3A_1278 = arith.constant dense<true> : vector<16xi1>
      %sort3A_1279, %sort3A_1280, %sort3A_1281 = tpu.sort %select_n3A_1246, %select_n3A_1246 masked %sort3A_1278 : (vector<16xf32>, vector<16xf32>, vector<16xi1>) -> (vector<16xi1>, vector<16xf32>, vector<16xf32>)
      %sort3A_1282 = arith.constant dense<true> : vector<16xi1>
      %sort3A_1283, %sort3A_1284, %sort3A_1285 = tpu.sort %select_n3A_1254, %select_n3A_1254 masked %sort3A_1282 : (vector<16xf32>, vector<16xf32>, vector<16xi1>) -> (vector<16xi1>, vector<16xf32>, vector<16xf32>)
      %rev3A_1286 = arith.constant 15 : i32
      %rev3A_1287 = vector.broadcast %rev3A_1286 : i32 to vector<16xi32>
      %rev3A_1288 = tpu.iota {dimensions = array<i32: 0>} : vector<16xi32>
      %rev3A_1289 = arith.subi %rev3A_1287, %rev3A_1288 : vector<16xi32>
      %rev3A_1290 = tpu.dynamic_gather %sort3A_1284[%rev3A_1289] in [0] : vector<16xf32>, vector<16xi32> -> vector<16xf32>
      %min3A_1291 = arith.minimumf %sort3A_1280, %rev3A_1290 : vector<16xf32>
      %sort3A_1292 = arith.constant dense<true> : vector<16xi1>
      %sort3A_1293, %sort3A_1294, %sort3A_1295 = tpu.sort %min3A_1291, %min3A_1291 masked %sort3A_1292 : (vector<16xf32>, vector<16xf32>, vector<16xi1>) -> (vector<16xi1>, vector<16xf32>, vector<16xf32>)
      %max3A_1296 = arith.maximumf %sort3A_1280, %rev3A_1290 : vector<16xf32>
      %sort3A_1297 = arith.constant dense<true> : vector<16xi1>
      %sort3A_1298, %sort3A_1299, %sort3A_1300 = tpu.sort %max3A_1296, %max3A_1296 masked %sort3A_1297 : (vector<16xf32>, vector<16xf32>, vector<16xi1>) -> (vector<16xi1>, vector<16xf32>, vector<16xf32>)
      %rev3A_1301 = arith.constant 15 : i32
      %rev3A_1302 = vector.broadcast %rev3A_1301 : i32 to vector<16xi32>
      %rev3A_1303 = tpu.iota {dimensions = array<i32: 0>} : vector<16xi32>
      %rev3A_1304 = arith.subi %rev3A_1302, %rev3A_1303 : vector<16xi32>
      %rev3A_1305 = tpu.dynamic_gather %sort3A_1299[%rev3A_1304] in [0] : vector<16xf32>, vector<16xi32> -> vector<16xf32>
      %rev3A_1306 = arith.constant 15 : i32
      %rev3A_1307 = vector.broadcast %rev3A_1306 : i32 to vector<16xi32>
      %rev3A_1308 = tpu.iota {dimensions = array<i32: 0>} : vector<16xi32>
      %rev3A_1309 = arith.subi %rev3A_1307, %rev3A_1308 : vector<16xi32>
      %rev3A_1310 = tpu.dynamic_gather %sort3A_1294[%rev3A_1309] in [0] : vector<16xf32>, vector<16xi32> -> vector<16xf32>
      %min3A_1311 = arith.minimumf %sort3A_1271, %rev3A_1305 : vector<16xf32>
      %min3A_1312 = arith.minimumf %sort3A_1276, %rev3A_1310 : vector<16xf32>
      %max3A_1313 = arith.maximumf %sort3A_1271, %rev3A_1305 : vector<16xf32>
      %max3A_1314 = arith.maximumf %sort3A_1276, %rev3A_1310 : vector<16xf32>
      %min3A_1315 = arith.minimumf %min3A_1311, %min3A_1312 : vector<16xf32>
      %sort3A_1316 = arith.constant dense<true> : vector<16xi1>
      %sort3A_1317, %sort3A_1318, %sort3A_1319 = tpu.sort %min3A_1315, %min3A_1315 masked %sort3A_1316 : (vector<16xf32>, vector<16xf32>, vector<16xi1>) -> (vector<16xi1>, vector<16xf32>, vector<16xf32>)
      %max3A_1320 = arith.maximumf %min3A_1311, %min3A_1312 : vector<16xf32>
      %sort3A_1321 = arith.constant dense<true> : vector<16xi1>
      %sort3A_1322, %sort3A_1323, %sort3A_1324 = tpu.sort %max3A_1320, %max3A_1320 masked %sort3A_1321 : (vector<16xf32>, vector<16xf32>, vector<16xi1>) -> (vector<16xi1>, vector<16xf32>, vector<16xf32>)
      %min3A_1325 = arith.minimumf %max3A_1313, %max3A_1314 : vector<16xf32>
      %sort3A_1326 = arith.constant dense<true> : vector<16xi1>
      %sort3A_1327, %sort3A_1328, %sort3A_1329 = tpu.sort %min3A_1325, %min3A_1325 masked %sort3A_1326 : (vector<16xf32>, vector<16xf32>, vector<16xi1>) -> (vector<16xi1>, vector<16xf32>, vector<16xf32>)
      %max3A_1330 = arith.maximumf %max3A_1313, %max3A_1314 : vector<16xf32>
      %sort3A_1331 = arith.constant dense<true> : vector<16xi1>
      %sort3A_1332, %sort3A_1333, %sort3A_1334 = tpu.sort %max3A_1330, %max3A_1330 masked %sort3A_1331 : (vector<16xf32>, vector<16xf32>, vector<16xi1>) -> (vector<16xi1>, vector<16xf32>, vector<16xf32>)
      %rev3A_1335 = arith.constant 15 : i32
      %rev3A_1336 = vector.broadcast %rev3A_1335 : i32 to vector<16xi32>
      %rev3A_1337 = tpu.iota {dimensions = array<i32: 0>} : vector<16xi32>
      %rev3A_1338 = arith.subi %rev3A_1336, %rev3A_1337 : vector<16xi32>
      %rev3A_1339 = tpu.dynamic_gather %sort3A_1333[%rev3A_1338] in [0] : vector<16xf32>, vector<16xi32> -> vector<16xf32>
      %max3A_1340 = arith.maximumf %while3A_1220, %rev3A_1339 : vector<16xf32>
      %rev3A_1341 = arith.constant 15 : i32
      %rev3A_1342 = vector.broadcast %rev3A_1341 : i32 to vector<16xi32>
      %rev3A_1343 = tpu.iota {dimensions = array<i32: 0>} : vector<16xi32>
      %rev3A_1344 = arith.subi %rev3A_1342, %rev3A_1343 : vector<16xi32>
      %rev3A_1345 = tpu.dynamic_gather %sort3A_1328[%rev3A_1344] in [0] : vector<16xf32>, vector<16xi32> -> vector<16xf32>
      %max3A_1346 = arith.maximumf %while3A_1221, %rev3A_1345 : vector<16xf32>
      %rev3A_1347 = arith.constant 15 : i32
      %rev3A_1348 = vector.broadcast %rev3A_1347 : i32 to vector<16xi32>
      %rev3A_1349 = tpu.iota {dimensions = array<i32: 0>} : vector<16xi32>
      %rev3A_1350 = arith.subi %rev3A_1348, %rev3A_1349 : vector<16xi32>
      %rev3A_1351 = tpu.dynamic_gather %sort3A_1323[%rev3A_1350] in [0] : vector<16xf32>, vector<16xi32> -> vector<16xf32>
      %max3A_1352 = arith.maximumf %while3A_1222, %rev3A_1351 : vector<16xf32>
      %rev3A_1353 = arith.constant 15 : i32
      %rev3A_1354 = vector.broadcast %rev3A_1353 : i32 to vector<16xi32>
      %rev3A_1355 = tpu.iota {dimensions = array<i32: 0>} : vector<16xi32>
      %rev3A_1356 = arith.subi %rev3A_1354, %rev3A_1355 : vector<16xi32>
      %rev3A_1357 = tpu.dynamic_gather %sort3A_1318[%rev3A_1356] in [0] : vector<16xf32>, vector<16xi32> -> vector<16xf32>
      %max3A_1358 = arith.maximumf %while3A_1223, %rev3A_1357 : vector<16xf32>
      %min3A_1359 = arith.minimumf %max3A_1340, %max3A_1352 : vector<16xf32>
      %min3A_1360 = arith.minimumf %max3A_1346, %max3A_1358 : vector<16xf32>
      %max3A_1361 = arith.maximumf %max3A_1340, %max3A_1352 : vector<16xf32>
      %max3A_1362 = arith.maximumf %max3A_1346, %max3A_1358 : vector<16xf32>
      %min3A_1363 = arith.minimumf %min3A_1359, %min3A_1360 : vector<16xf32>
      %sort3A_1364 = arith.constant dense<true> : vector<16xi1>
      %sort3A_1365, %sort3A_1366, %sort3A_1367 = tpu.sort %min3A_1363, %min3A_1363 masked %sort3A_1364 : (vector<16xf32>, vector<16xf32>, vector<16xi1>) -> (vector<16xi1>, vector<16xf32>, vector<16xf32>)
      %max3A_1368 = arith.maximumf %min3A_1359, %min3A_1360 : vector<16xf32>
      %sort3A_1369 = arith.constant dense<true> : vector<16xi1>
      %sort3A_1370, %sort3A_1371, %sort3A_1372 = tpu.sort %max3A_1368, %max3A_1368 masked %sort3A_1369 : (vector<16xf32>, vector<16xf32>, vector<16xi1>) -> (vector<16xi1>, vector<16xf32>, vector<16xf32>)
      %min3A_1373 = arith.minimumf %max3A_1361, %max3A_1362 : vector<16xf32>
      %sort3A_1374 = arith.constant dense<true> : vector<16xi1>
      %sort3A_1375, %sort3A_1376, %sort3A_1377 = tpu.sort %min3A_1373, %min3A_1373 masked %sort3A_1374 : (vector<16xf32>, vector<16xf32>, vector<16xi1>) -> (vector<16xi1>, vector<16xf32>, vector<16xf32>)
      %max3A_1378 = arith.maximumf %max3A_1361, %max3A_1362 : vector<16xf32>
      %sort3A_1379 = arith.constant dense<true> : vector<16xi1>
      %sort3A_1380, %sort3A_1381, %sort3A_1382 = tpu.sort %max3A_1378, %max3A_1378 masked %sort3A_1379 : (vector<16xf32>, vector<16xf32>, vector<16xi1>) -> (vector<16xi1>, vector<16xf32>, vector<16xf32>)
      scf.yield %sort3A_1366, %sort3A_1371, %sort3A_1376, %sort3A_1381 : vector<16xf32>, vector<16xf32>, vector<16xf32>, vector<16xf32>
    }
    %rev3A_1175 = arith.constant 15 : i32
    %rev3A_1176 = vector.broadcast %rev3A_1175 : i32 to vector<16xi32>
    %rev3A_1177 = tpu.iota {dimensions = array<i32: 0>} : vector<16xi32>
    %rev3A_1178 = arith.subi %rev3A_1176, %rev3A_1177 : vector<16xi32>
    %rev3A_1179 = tpu.dynamic_gather %while3A_1174#3[%rev3A_1178] in [0] : vector<16xf32>, vector<16xi32> -> vector<16xf32>
    %swap3A_1180 = arith.constant 3 : i32
    %swap3A_1181 = arith.constant 0 : i32
    %swap3A_1182 = tpu.memref_slice %arg7[%swap3A_1180, %swap3A_1181] : memref<4x64xf32, #tpu.memory_space<vmem>> -> memref<1x64xf32, #tpu.memory_space<vmem>>
    %swap3A_1183 = tpu.memref_squeeze %swap3A_1182 : memref<1x64xf32, #tpu.memory_space<vmem>> -> memref<64xf32, #tpu.memory_space<vmem>>
    %swap3A_1184 = arith.constant 0 : index
    %swap3A_1185 = tpu.vector_load %swap3A_1183[%swap3A_1184] {strides = array<i32>} : memref<64xf32, #tpu.memory_space<vmem>>, vector<16xf32>,
    tpu.vector_store %swap3A_1183[%swap3A_1184], %rev3A_1179 {strides = array<i32>} : memref<64xf32, #tpu.memory_space<vmem>>, vector<16xf32>,
    %rev3A_1186 = arith.constant 15 : i32
    %rev3A_1187 = vector.broadcast %rev3A_1186 : i32 to vector<16xi32>
    %rev3A_1188 = tpu.iota {dimensions = array<i32: 0>} : vector<16xi32>
    %rev3A_1189 = arith.subi %rev3A_1187, %rev3A_1188 : vector<16xi32>
    %rev3A_1190 = tpu.dynamic_gather %while3A_1174#2[%rev3A_1189] in [0] : vector<16xf32>, vector<16xi32> -> vector<16xf32>
    %swap3A_1191 = arith.constant 3 : i32
    %swap3A_1192 = arith.constant 0 : i32
    %swap3A_1193 = tpu.memref_slice %arg7[%swap3A_1191, %swap3A_1192] : memref<4x64xf32, #tpu.memory_space<vmem>> -> memref<1x64xf32, #tpu.memory_space<vmem>>
    %swap3A_1194 = tpu.memref_squeeze %swap3A_1193 : memref<1x64xf32, #tpu.memory_space<vmem>> -> memref<64xf32, #tpu.memory_space<vmem>>
    %swap3A_1195 = arith.constant 16 : index
    %swap3A_1196 = tpu.vector_load %swap3A_1194[%swap3A_1195] {strides = array<i32>} : memref<64xf32, #tpu.memory_space<vmem>>, vector<16xf32>,
    tpu.vector_store %swap3A_1194[%swap3A_1195], %rev3A_1190 {strides = array<i32>} : memref<64xf32, #tpu.memory_space<vmem>>, vector<16xf32>,
    %rev3A_1197 = arith.constant 15 : i32
    %rev3A_1198 = vector.broadcast %rev3A_1197 : i32 to vector<16xi32>
    %rev3A_1199 = tpu.iota {dimensions = array<i32: 0>} : vector<16xi32>
    %rev3A_1200 = arith.subi %rev3A_1198, %rev3A_1199 : vector<16xi32>
    %rev3A_1201 = tpu.dynamic_gather %while3A_1174#1[%rev3A_1200] in [0] : vector<16xf32>, vector<16xi32> -> vector<16xf32>
    %swap3A_1202 = arith.constant 3 : i32
    %swap3A_1203 = arith.constant 0 : i32
    %swap3A_1204 = tpu.memref_slice %arg7[%swap3A_1202, %swap3A_1203] : memref<4x64xf32, #tpu.memory_space<vmem>> -> memref<1x64xf32, #tpu.memory_space<vmem>>
    %swap3A_1205 = tpu.memref_squeeze %swap3A_1204 : memref<1x64xf32, #tpu.memory_space<vmem>> -> memref<64xf32, #tpu.memory_space<vmem>>
    %swap3A_1206 = arith.constant 32 : index
    %swap3A_1207 = tpu.vector_load %swap3A_1205[%swap3A_1206] {strides = array<i32>} : memref<64xf32, #tpu.memory_space<vmem>>, vector<16xf32>,
    tpu.vector_store %swap3A_1205[%swap3A_1206], %rev3A_1201 {strides = array<i32>} : memref<64xf32, #tpu.memory_space<vmem>>, vector<16xf32>,
    %rev3A_1208 = arith.constant 15 : i32
    %rev3A_1209 = vector.broadcast %rev3A_1208 : i32 to vector<16xi32>
    %rev3A_1210 = tpu.iota {dimensions = array<i32: 0>} : vector<16xi32>
    %rev3A_1211 = arith.subi %rev3A_1209, %rev3A_1210 : vector<16xi32>
    %rev3A_1212 = tpu.dynamic_gather %while3A_1174#0[%rev3A_1211] in [0] : vector<16xf32>, vector<16xi32> -> vector<16xf32>
    %swap3A_1213 = arith.constant 3 : i32
    %swap3A_1214 = arith.constant 0 : i32
    %swap3A_1215 = tpu.memref_slice %arg7[%swap3A_1213, %swap3A_1214] : memref<4x64xf32, #tpu.memory_space<vmem>> -> memref<1x64xf32, #tpu.memory_space<vmem>>
    %swap3A_1216 = tpu.memref_squeeze %swap3A_1215 : memref<1x64xf32, #tpu.memory_space<vmem>> -> memref<64xf32, #tpu.memory_space<vmem>>
    %swap3A_1217 = arith.constant 48 : index
    %swap3A_1218 = tpu.vector_load %swap3A_1216[%swap3A_1217] {strides = array<i32>} : memref<64xf32, #tpu.memory_space<vmem>>, vector<16xf32>,
    tpu.vector_store %swap3A_1216[%swap3A_1217], %rev3A_1212 {strides = array<i32>} : memref<64xf32, #tpu.memory_space<vmem>>, vector<16xf32>,
    "tpu.region"() ({
      %run_scoped3A = tpu.sem_alloc : memref<!tpu.dma_semaphore, #tpu.memory_space<semaphore_mem>>
      %dma_start3A_1219 = arith.constant 0 : i32
      %dma_start3A_1220 = tpu.memref_slice %arg3[%mul3A_3, %dma_start3A_1219] : memref<128x64xf32, #tpu.memory_space<hbm>> -> memref<4x64xf32, #tpu.memory_space<hbm>>
      %dma_start3A_1221 = arith.constant 0 : i32
      %dma_start3A_1222 = tpu.memref_slice %arg3[%mul3A_3, %dma_start3A_1221] : memref<128x64xf32, #tpu.memory_space<hbm>> -> memref<4x64xf32, #tpu.memory_space<hbm>>
      tpu.enqueue_dma source(%arg7 : memref<4x64xf32, #tpu.memory_space<vmem>>) target(%dma_start3A_1222 : memref<4x64xf32, #tpu.memory_space<hbm>>) target_semaphore(%run_scoped3A : memref<!tpu.dma_semaphore, #tpu.memory_space<semaphore_mem>>)
      %dma_wait3A_1223 = arith.constant 0 : i32
      %dma_wait3A_1224 = tpu.memref_slice %arg3[%mul3A_3, %dma_wait3A_1223] : memref<128x64xf32, #tpu.memory_space<hbm>> -> memref<4x64xf32, #tpu.memory_space<hbm>>
      %dma_wait3A_1225 = arith.constant 0 : i32
      %dma_wait3A_1226 = tpu.memref_slice %arg3[%mul3A_3, %dma_wait3A_1225] : memref<128x64xf32, #tpu.memory_space<hbm>> -> memref<4x64xf32, #tpu.memory_space<hbm>>
      tpu.wait_dma2 semaphore(%run_scoped3A : memref<!tpu.dma_semaphore, #tpu.memory_space<semaphore_mem>>) src(%arg7 : memref<4x64xf32, #tpu.memory_space<vmem>>) dst(%dma_wait3A_1226 : memref<4x64xf32, #tpu.memory_space<hbm>>)
      tpu.yield
    }) : () -> ()
    return
  }
}

</mosaic_0001>

<sc_bundles>
// kernel: kernel.3.cloned.1.call-start
scs
__scs_entry_jumppad:
0x0: {  	(pc) =	sbr.rel $0x88, $3  }
0x1: {  	(tag) =	ssettag $0x0;
	lr =	simm.s32 $0x1  }
0x2: {  	[smem:$0x3FA0] =	sst lr;
	_ =	strace $0xD0000000  }
0x3: {  	_ = 	snop  }
0x4: {  	_ = 	snop  }
0x5: {  	_ = 	snop  }
0x6: {  	_ = 	snop  }
0x7: {  	_ = 	snop  }
__scs_overlays_trampoline_lowered:
0x8: {  	[smem:$0x3FAF] =	sst s0  }
0x9: {  	[smem:$0x3FB0] =	sst s1  }
0xa: {  	[smem:$0x3FB1] =	sst s2  }
0xb: {  	[smem:$0x3FB2] =	sst s3  }
0xc: {  	[smem:$0x3FB3] =	sst s4  }
0xd: {  	[smem:$0x3FB4] =	sst s5  }
0xe: {  	[smem:$0x3FB5] =	sst s6  }
0xf: {  	[smem:$0x3FB6] =	sst s7  }
0x10: {  	[smem:$0x3FB7] =	sst s8  }
0x11: {  	[smem:$0x3FB8] =	sst s9;
	s0 =	simm.s32 @!p0 $0x0  }
0x12: {  	s1 =	sld [smem:$0x3F9E];
	s0 =	simm.s32 @p0 $0x1  }
0x13: {  	[smem:$0x3FB9] =	sst s0;
	s0 =	simm.s32 @!p1 $0x0  }
0x14: {  	s2 =	sld [smem:$0x3F9D];
	s0 =	simm.s32 @p1 $0x1  }
0x15: {  	[smem:$0x3FBA] =	sst s0;
	s0 =	simm.s32 @!p2 $0x0  }
0x16: {  	s3 =	sld [smem:$0x3FDB];
	s0 =	simm.s32 @p2 $0x1  }
0x17: {  	s4 =	simm.s32 $0x1BF5;
	[smem:$0x3FBC] =	sst s0  }
0x18: {  	s0 =	sld [smem:$0x3F9F];
	_ =	swait.ge [sflag:s4], $0x0  }
0x19: {  	s7 =	sld [smem:$0x3FA0]  }
0x1a: {  	s8 =	sadd.s32 $0xFFFFE003, lr  }
0x1b: {  	s9 =	sadd.s32 $0xFFFFFEF7, lr;
	s5 =	simm.s32 $0xFFFFFFFF;
	p2 =	slt.u32 s8, $0xFFFFF086  }
0x1c: {  	p1 =	slt.u32 s9, $0xF7A;
	s5 =	simm.s32 @!p2 $0x0  }
0x1d: {  	s5 =	simm.s32 @p1 $0x1;
	p0 =	seq.s32 s7, s2  }
0x1e: {  	s7 =	smul.u32 @!p0 $0xF7A, s2;
	p2 =	seq.s32 @!p0 s5, $0x0  }
0x1f: {  	s9 =	smul.u32 $0xF7A, s1;
	s8 =	simm.s32 @!p0 $0x1BF5;
	p2 =	por !p2, p0  }
0x20: {  	[sflag:s8] =	ssyncset.s32 @!p0 $0xFFFFF086;
	s6 =	sadd.s32 @!p0 s3, s7;
	s7 =	simm.s32 @!p0 $0x108  }
0x21: {  	s3 =	sadd.s32 s3, s9;
	s6 =	sadd.s32 @!p0 $0x88, s6;
	s7 =	simm.s32 @p2 $0x1082  }
0x22: {  	[simem:s7], [sflag:s8] =	dma.local @!p0 [hbm:s6], $0xF7A  }
0x23: {  	s9 =	sor.u32 $0xD0000000, s2;
	s6 =	simm.s32 $0x108;
	_ =	swait.ge @!p0 [sflag:s8], $0x0  }
0x24: {  	s3 =	sadd.s32 $0x88, s3;
	s6 =	simm.s32 @!p1 $0x1082;
	[sflag:s4] =	ssyncset.s32 $0xFFFFF086  }
0x25: {  	[simem:s6], [sflag:s4] =	dma.local [hbm:s3], $0xF7A  }
0x26: {  	[smem:$0x3FA0] =	sst s1;
	(tag) =	ssettag s2;
	_ =	strace s9  }
0x27: {  	s1 =	sld [smem:$0x3FB0]  }
0x28: {  	s2 =	sld [smem:$0x3FB1]  }
0x29: {  	s4 =	sld [smem:$0x3FB3]  }
0x2a: {  	p0 =	seq.s32 s5, $0x0;
	s5 =	sld [smem:$0x3FB4]  }
0x2b: {  	s6 =	sld [smem:$0x3FB5]  }
0x2c: {  	s7 =	sld [smem:$0x3FB6]  }
0x2d: {  	s3 =	simm.s32 $0x108;
	s8 =	sld [smem:$0x3FB7]  }
0x2e: {  	s3 =	simm.s32 @!p0 $0x1082;
	s9 =	sld [smem:$0x3FB8]  }
0x2f: {  	lr =	sadd.s32 s0, s3;
	s0 =	sld [smem:$0x3FAF]  }
0x30: {  	s3 =	sld [smem:$0x3FB2]  }
0x31: {  	[smem:$0x3FBB] =	sst s10  }
0x32: {  	s10 =	sld [smem:$0x3FB9];
	_ =	sdelay $0x3  }
0x33: {  	p0 =	seq.s32 s10, $0x1;
	s10 =	sld [smem:$0x3FBB];
	_ =	sdelay $0x3  }
0x34: {  	[smem:$0x3FBB] =	sst s10  }
0x35: {  	s10 =	sld [smem:$0x3FBA];
	_ =	sdelay $0x3  }
0x36: {  	p1 =	seq.s32 s10, $0x1;
	s10 =	sld [smem:$0x3FBB];
	_ =	sdelay $0x3  }
0x37: {  	[smem:$0x3FBB] =	sst s10  }
0x38: {  	s10 =	sld [smem:$0x3FBC]  }
0x39: {  	_ = 	snop;
	(pc) =	sbr.ind lr, $3  }
0x3a: {  	_ = 	snop  }
0x3b: {  	_ = 	snop  }
0x3c: {  	p2 =	seq.s32 s10, $0x1;
	s10 =	sld [smem:$0x3FBB]  }
0x3d: {  	_ =	shalt  }
0x3e: {  	_ =	shalt  }
0x3f: {  	_ =	shalt  }
0x40: {  	_ =	shalt  }
0x41: {  	_ =	shalt  }
0x42: {  	_ =	shalt  }
0x43: {  	_ =	shalt  }
0x44: {  	_ =	shalt  }
0x45: {  	_ =	shalt  }
0x46: {  	_ =	shalt  }
0x47: {  	_ =	shalt  }
0x48: {  	_ =	shalt  }
0x49: {  	_ =	shalt  }
0x4a: {  	_ =	shalt  }
0x4b: {  	_ =	shalt  }
0x4c: {  	_ =	shalt  }
0x4d: {  	_ =	shalt  }
0x4e: {  	_ =	shalt  }
0x4f: {  	_ =	shalt  }
0x50: {  	_ =	shalt  }
0x51: {  	_ =	shalt  }
0x52: {  	_ =	shalt  }
0x53: {  	_ =	shalt  }
0x54: {  	_ =	shalt  }
0x55: {  	_ =	shalt  }
0x56: {  	_ =	shalt  }
0x57: {  	_ =	shalt  }
0x58: {  	_ =	shalt  }
0x59: {  	_ =	shalt  }
0x5a: {  	_ =	shalt  }
0x5b: {  	_ =	shalt  }
0x5c: {  	_ =	shalt  }
0x5d: {  	_ =	shalt  }
0x5e: {  	_ =	shalt  }
0x5f: {  	_ =	shalt  }
0x60: {  	_ =	shalt  }
0x61: {  	_ =	shalt  }
0x62: {  	_ =	shalt  }
0x63: {  	_ =	shalt  }
0x64: {  	_ =	shalt  }
0x65: {  	_ =	shalt  }
0x66: {  	_ =	shalt  }
0x67: {  	_ =	shalt  }
0x68: {  	_ =	shalt  }
0x69: {  	_ =	shalt  }
0x6a: {  	_ =	shalt  }
0x6b: {  	_ =	shalt  }
0x6c: {  	_ =	shalt  }
0x6d: {  	_ =	shalt  }
0x6e: {  	_ =	shalt  }
0x6f: {  	_ =	shalt  }
0x70: {  	_ =	shalt  }
0x71: {  	_ =	shalt  }
0x72: {  	_ =	shalt  }
0x73: {  	_ =	shalt  }
0x74: {  	_ =	shalt  }
0x75: {  	_ =	shalt  }
0x76: {  	_ =	shalt  }
0x77: {  	_ =	shalt  }
0x78: {  	_ =	shalt  }
0x79: {  	_ =	shalt  }
0x7a: {  	_ =	shalt  }
0x7b: {  	_ =	shalt  }
0x7c: {  	_ =	shalt  }
0x7d: {  	_ =	shalt  }
0x7e: {  	_ =	shalt  }
0x7f: {  	_ =	shalt  }
0x80: {  	_ =	shalt  }
0x81: {  	_ =	shalt  }
0x82: {  	_ =	shalt  }
0x83: {  	_ =	shalt  }
0x84: {  	_ =	shalt  }
0x85: {  	_ =	shalt  }
0x86: {  	_ =	shalt  }
0x87: {  	_ =	shalt  }
.Lfunc_end0:
.L_simem_size_0:
called_computation_lowered:
.L_overlay_start_0:
0x88: {  	s2 =	sld [smem:$0x3FD9]  }
0x89: {  	s3 =	sld [smem:$0x3FFE];
	_ =	sdelay $0x1  }
0x8a: {  	s1 =	srdreg.scid  }
0x8b: {  	s0 =	sand.u32 $0x1, s1  }
0x8c: {  	s17 =	sshll.u32 s0, $0xA;
	s2 =	sadd.s32 s3, s2  }
0x8d: {  	s2 =	sadd.s32 s2, s17  }
0x8e: {  	[smem:$0x3FC7] =	sst s2  }
0x8f: {  	_ = 	snop  }
0x90: {  	s2 =	sld [smem:$0x3FC9];
	(tm) =	ssettm $0x1  }
0x91: {  	s18 =	sld [smem:$0x3FFB];
	_ =	sdelay $0x3  }
0x92: {  	_ =	strace s18  }
0x93: {  	s3 =	sld [smem:$0x3FFC];
	_ =	sdelay $0x3  }
0x94: {  	_ =	strace s3  }
0x95: {  	s3 =	sld [smem:$0x3FFD];
	_ =	sdelay $0x3  }
0x96: {  	_ =	strace s3  }
0x97: {  	_ =	strace $0x8FFFFFFF  }
0x98: {  	s19 =	sld [smem:$0x3FDB];
	_ =	sdelay $0x1  }
0x99: {  	s4 =	simm.s32 $_scs_section_size  }
0x9a: {  	s5 =	simm.s32 $_size__tile_overlayer_lowered;
	s6 =	simm.s32 $_tile_overlayer_lowered  }
0x9b: {  	s22 =	simm.s32 $0x1BFF;
	s21 =	sshll.u32 s6, $0x1;
	s3 =	sadd.s32 s4, s19  }
0x9c: {  	s7 =	simm.s32 $0x0;
	s20 =	sshll.u32 s5, $0x1;
	s5 =	sadd.s32 s21, s3  }
0x9d: {  	[timem:s7], [sflag:s22] =	dma.local [hbm:s5], s20  }
0x9e: {  	_ =	swait.ge [sflag:s22], s20  }
0x9f: {  	s4 =	ssub.s32 $0x0, s20;
	[sflag:s22] =	ssyncset.done $0x0  }
0xa0: {  	[sflag:s22] =	ssyncadd.s32 s4;
	_ =	sdelay $0x1  }
0xa1: {  	s23 =	simm.s32 $0x1B8B  }
0xa2: {  	_ =	swait.ge [sflag:s23], $0x1  }
0xa3: {  	[sflag:s23] =	ssyncset.done $0x0  }
0xa4: {  	s25 =	simm.s32 $0x1B8E;
	s24 =	sld [smem:$0x3FFE];
	[sflag:s23] =	ssyncadd.s32 $0xFFFFFFFF  }
0xa5: {  	s26 =	simm.s32 $execute0_lowered;
	[smem:$0x3FD2] =	sst s25  }
0xa6: {  	s5 =	sshll.u32 s26, $0x1;
	_ =	strace $0x80000046;
	[dreg:$0x1] =	wrdreg $0xFFFFFFFF  }
0xa7: {  	s28 =	simm.s32 $_size_execute0_lowered;
	s3 =	sadd.s32 s3, s5;
	[dreg:$0x0] =	wrdreg $0x0  }
0xa8: {  	s5 =	sshll.u32 s28, $0x1;
	[dreg:$0x2] =	wrdreg s3  }
0xa9: {  	[dreg:$0x3] =	wrdreg s5  }
0xaa: {  	[dreg:$0x4] =	wrdreg $0xC0  }
0xab: {  	_ =	task [dreg:s7], $0x5FFFF  }
0xac: {  	[dreg:$0x1] =	wrdreg $0xFFFFFFFF  }
0xad: {  	[dreg:$0x0] =	wrdreg $0x60  }
0xae: {  	[dreg:$0x2] =	wrdreg s2  }
0xaf: {  	[dreg:$0x3] =	wrdreg s24  }
0xb0: {  	[dreg:$0x4] =	wrdreg $0x9  }
0xb1: {  	_ =	task.clear_ibuf [dreg:s7], $0x5FFFF;
	_ =	strace $0x90000046  }
0xb2: {  	s29 =	simm.s32 $0x9;
	_ =	strace $0x80000048  }
0xb3: {  	_ =	swait.ge [sflag:s29], $0x1  }
0xb4: {  	[sflag:s29] =	ssyncadd.s32 $0xFFFFFFFF  }
0xb5: {  	_ =	strace $0x90000048  }
0xb6: {  	_ =	sfence  }
0xb7: {  	s30 =	sld [smem:$0x0];
	_ =	sdelay $0x2  }
0xb8: {  	s31 =	sshll.u32 s1, $0xD;
	s1 =	sshrl.u32 s1, $0x2  }
0xb9: {  	s3 =	sand.u32 $0x4000, s31;
	s1 =	sadd.s32 s1, s30  }
0xba: {  	s0 =	sor.u32 s3, s0;
	s1 =	sshll.u32 s1, $0x11  }
0xbb: {  	s0 =	sor.u32 s1, s0  }
0xbc: {  	s0 =	sadd.s32 $0x8F2B, s0  }
0xbd: {  	[sflag:s0] =	ssyncadd.remote.s32 $0x1  }
0xbe: {  	_ =	sfence.sel $0xFFFF  }
0xbf: {  	[dreg:$0x0] =	wrdreg $0xFFFFFFFF;
	(pc) =	sbr.abs _section_cstart, $3  }
0xc0: {  	[dreg:$0x1] =	wrdreg $0xFFFFFFFF  }
0xc1: {  	_ =	task.clear_ibuf [dreg:s7], $0x2FFFF;
	_ =	strace $0x9FFFFFFF  }
0xc2: {  	(tm) =	ssettm $0x7FFFFFFF  }
0xc3: {  	_ =	shalt  }
tec
execute0_lowered:
.L_overlay_start_1:
0x0: {  	(tag) =	ssettag $0x1  }
0x1: {  	s3 =	rddreg [dreg:$0x0]  }
0x2: {  	s4 =	rddreg [dreg:$0x1]  }
0x3: {  	s0 =	rddreg [dreg:$0x2]  }
0x4: {  	s2 =	simm.s32 $0x0;
	s5 =	srdreg.scid;
	s1 =	stileid.u32  }
0x5: {  	s9 =	simm.s32 $0x80;
	s10 =	simm.s32 $0x400;
	s11 =	simm.s32 $0x1  }
0x6: {  	s12 =	simm.s32 $0x2000;
	s13 =	simm.s32 $0x4000;
	s14 =	simm.s32 $0x2  }
0x7: {  	s15 =	simm.s32 $0x6080;
	s16 =	simm.s32 $0x3;
	s17 =	simm.s32 $0x0  }
0x8: {  	[smem:$0x7FF] =	sst s2;
	s5 =	sand.u32 $0x1, s5;
	s7 =	sshll.u32 s1, $0xA  }
0x9: {  	s8 =	sshll.u32 s1, $0x10;
	s6 =	sshll.u32 s5, $0x9;
	s5 =	ssub.s32 $0x2, s5  }
.Ltmp0:
0xa: {  	s7 =	sor.u32 s6, s7;
	s6 =	sor.u32 s6, s8;
	(pc) =	sbr.rel .LBB2_1-.Ltmp0, $4  }
0xb: {  	v0 =	vlaneseq.u32;
	_ =	strace $0x80000047;
	s30 =	sshrl.u32 s5, $0x1;
	s6 =	sshrl.u32 s6, $0x3  }
0xc: {  	v1 =	vmul.u32 $0xFFFFFFFF, v0;
	s7 =	sshrl.u32 s7, $0x3;
	s31 =	ssub.s32 s5, s30;
	s3 =	sadd.s32 s3, s6  }
0xd: {  	v2 =	vmul.u32 $0x200, v0;
	s7 =	sadd.s32 s7, s4;
	s8 =	smax.u32 s31, $0x1;
	s4 =	sadd.s32 $0x10, s3  }
0xe: {  	v3 =	vimm.s32 $0x0;
	v1 =	vadd.s32 $0xF, v1;
	s5 =	sadd.s32 $0x20, s3;
	s6 =	sadd.s32 $0x30, s3;
	s7 =	sadd.s32 $0x400, s7  }
.LBB2_66:
0xf: {  	v5 =	vimm.f32 $-Inf;
	v6 =	vimm.f32 $-Inf;
	v7 =	vimm.f32 $-Inf  }
.LBB2_82:
0x10: {  	v7 =	vperm.xlane v7, v1  }
0x11: {  	v6 =	vperm.xlane v6, v1  }
0x12: {  	v5 =	vperm.xlane v5, v1;
	[tilespmem:$0x6200] =	vst v7  }
0x13: {  	v4 =	vperm.xlane v4, v1;
	s17 =	sadd.s32 $0x1, s17;
	[tilespmem:$0x6210] =	vst v6  }
0x14: {  	p0 =	sne.s32 s17, s8;
	[tilespmem:$0x6220] =	vst v5  }
.Ltmp1:
0x15: {  	[tilespmem:$0x6230] =	vst v4;
	(pc) =	sbr.rel @!p0 .LBB2_83-.Ltmp1, $4  }
0x16: {  	[hbm4b:s7+s2] =	stream.linear.scatter [tilespmem:s15], [sflag:$0x3], $0x200, $0x38;
	[tilespmem:$0x6280] =	vst v63  }
0x17: {  	_ =	swait.ge [sflag:s16], $0x200  }
0x18: {  	[sflag:s16] =	ssyncset.done $0x0  }
0x19: {  	[sflag:s16] =	ssyncadd.s32 $0xFFFFFE00  }
.LBB2_1:
0x1a: {  	[tilespmem:s2], [sflag:$0x1] =	stream.strided.gather [hbm4b:s3+s9], $0x2000, s10, s9, $0x38;
	[tilespmem:$0x6280] =	vst v63  }
0x1b: {  	_ =	swait.ge [sflag:s11], $0x2000  }
0x1c: {  	[sflag:s11] =	ssyncset.done $0x0  }
0x1d: {  	s19 =	simm.s32 $0x100;
	[sflag:s11] =	ssyncadd.s32 $0xFFFFE000  }
0x1e: {  	[tilespmem:s12], [sflag:$0x2] =	stream.strided.gather [hbm4b:s4+s9], $0x2000, s10, s9, $0x38;
	[tilespmem:$0x6280] =	vst v63  }
0x1f: {  	v12 =	vld [tilespmem:s19+$0x80]  }
0x20: {  	v13 =	vld [tilespmem:s19+$0x90]  }
0x21: {  	v9 =	vld [tilespmem:s19+$0xA0]  }
0x22: {  	v11 =	vld [tilespmem:s19+$0xB0]  }
0x23: {  	v7 =	vld [tilespmem:s19+$0xC0]  }
0x24: {  	v5 =	vld [tilespmem:s19+$0xD0]  }
0x25: {  	v4 =	vld [tilespmem:s19+$0xE0]  }
0x26: {  	v16 =	vld [tilespmem:s19+$0x0]  }
0x27: {  	v17 =	vld [tilespmem:s19+$0x10]  }
0x28: {  	v23 =	vld [tilespmem:s19+$0x20]  }
0x29: {  	v24 =	vld [tilespmem:s19+$0x30]  }
0x2a: {  	v27 =	vld [tilespmem:s19+$0x40]  }
0x2b: {  	v8 =	vld [tilespmem:s19+$0x50]  }
0x2c: {  	v6 =	vld [tilespmem:s19+$0x60]  }
0x2d: {  	v18 =	vld [tilespmem:s19+$0xFFFFFF80]  }
0x2e: {  	v19 =	vld [tilespmem:s19+$0xFFFFFF90]  }
0x2f: {  	v21 =	vld [tilespmem:s19+$0xFFFFFFA0]  }
0x30: {  	v25 =	vld [tilespmem:s19+$0xFFFFFFB0]  }
0x31: {  	v26 =	vld [tilespmem:s19+$0xFFFFFFC0]  }
0x32: {  	v14 =	vld [tilespmem:s19+$0xFFFFFF00]  }
0x33: {  	v20 =	vld [tilespmem:s19+$0xFFFFFF10]  }
0x34: {  	v15 =	vld [tilespmem:s19+$0xFFFFFFD0]  }
0x35: {  	v28 =	vld [tilespmem:s19+$0xFFFFFF20]  }
0x36: {  	v10 =	vimm.f32 $-Inf;
	v29 =	vld [tilespmem:s19+$0xFFFFFF30]  }
0x37: {  	v30 =	vld [tilespmem:s19+$0xFFFFFF40];
	v22 =	vmax.f32 v10, v14  }
0x38: {  	v20 =	vmax.f32 v10, v20;
	v14 =	vld [tilespmem:s19+$0xFFFFFFE0];
	v18 =	vmax.f32 v22, v18  }
0x39: {  	v22 =	vld [tilespmem:s19+$0xFFFFFF50];
	v19 =	vmax.f32 v20, v19;
	v18 =	vmax.f32 v18, v16  }
0x3a: {  	v16 =	vld [tilespmem:s19+$0xFFFFFF60];
	v20 =	vmax.f32 v19, v17;
	v17 =	vmax.f32 v18, v12  }
0x3b: {  	v19 =	vld [tilespmem:s19+$0xFFFFFF70];
	v18 =	vmax.f32 v20, v13;
	v12 =	vmax.f32 v10, v28;
	v13 =	vmax.f32 v10, v29  }
0x3c: {  	v63 =	vmax.f32 v10, v30;
	v20 =	vld [tilespmem:s19+$0xFFFFFFF0];
	v12 =	vmax.f32 v12, v21;
	v13 =	vmax.f32 v13, v25  }
0x3d: {  	v28 =	vmax.f32 v63, v26;
	v21 =	vld [tilespmem:s19+$0x70];
	v26 =	vmax.f32 v12, v23;
	v25 =	vmax.f32 v13, v24  }
0x3e: {  	s18 =	simm.s32 $0x0;
	v24 =	vmax.f32 v28, v27;
	v23 =	vld [tilespmem:s19+$0xF0];
	s19 =	simm.s32 $0x300;
	v12 =	vimm.f32 $-Inf;
	v13 =	vimm.f32 $-Inf  }
.LBB2_2:
0x3f: {  	v27 =	vld [tilespmem:s19+$0x80];
	v26 =	vmax.f32 v26, v9;
	v25 =	vmax.f32 v25, v11;
	v24 =	vmax.f32 v24, v7  }
0x40: {  	v7 =	vmax.f32 v10, v22;
	v10 =	vmax.f32 v12, v16;
	v28 =	vld [tilespmem:s19+$0x90];
	v11 =	vmax.f32 v13, v19  }
0x41: {  	v7 =	vmax.f32 v7, v15;
	v10 =	vmax.f32 v10, v14;
	v9 =	vld [tilespmem:s19+$0xA0];
	v12 =	vmax.f32 v11, v20  }
0x42: {  	v8 =	vmax.f32 v7, v8;
	v6 =	vmax.f32 v10, v6;
	v11 =	vld [tilespmem:s19+$0xB0];
	v13 =	vmax.f32 v12, v21  }
0x43: {  	v10 =	vmax.f32 v8, v5;
	v12 =	vmax.f32 v6, v4;
	v7 =	vld [tilespmem:s19+$0xC0];
	v13 =	vmax.f32 v13, v23  }
0x44: {  	v5 =	vld [tilespmem:s19+$0xD0]  }
0x45: {  	v4 =	vld [tilespmem:s19+$0xE0]  }
0x46: {  	v19 =	vld [tilespmem:s19+$0x0]  }
0x47: {  	v20 =	vld [tilespmem:s19+$0x10]  }
0x48: {  	v23 =	vld [tilespmem:s19+$0x20]  }
0x49: {  	v29 =	vld [tilespmem:s19+$0x30]  }
0x4a: {  	v30 =	vld [tilespmem:s19+$0x40]  }
0x4b: {  	v8 =	vld [tilespmem:s19+$0x50]  }
0x4c: {  	v6 =	vld [tilespmem:s19+$0x60]  }
0x4d: {  	v16 =	vld [tilespmem:s19+$0xFFFFFF80]  }
0x4e: {  	v21 =	vld [tilespmem:s19+$0xFFFFFF90]  }
0x4f: {  	v31 =	vld [tilespmem:s19+$0xFFFFFFA0]  }
0x50: {  	v32 =	vld [tilespmem:s19+$0xFFFFFFB0]  }
0x51: {  	v33 =	vld [tilespmem:s19+$0xFFFFFFC0]  }
0x52: {  	v14 =	vld [tilespmem:s19+$0xFFFFFF00]  }
0x53: {  	v22 =	vld [tilespmem:s19+$0xFFFFFF10]  }
0x54: {  	v15 =	vld [tilespmem:s19+$0xFFFFFFD0]  }
0x55: {  	v34 =	vld [tilespmem:s19+$0xFFFFFF20]  }
0x56: {  	v35 =	vld [tilespmem:s19+$0xFFFFFF30]  }
0x57: {  	v36 =	vld [tilespmem:s19+$0xFFFFFF40]  }
0x58: {  	s18 =	sadd.s32 $0x4, s18;
	v17 =	vmax.f32 v17, v14;
	v18 =	vmax.f32 v18, v22;
	v14 =	vld [tilespmem:s19+$0xFFFFFFE0]  }
0x59: {  	p0 =	slt.u32 s18, $0x3C;
	v17 =	vmax.f32 v17, v16;
	v22 =	vld [tilespmem:s19+$0xFFFFFF50];
	v18 =	vmax.f32 v18, v21  }
.Ltmp2:
0x5a: {  	v17 =	vmax.f32 v17, v19;
	v16 =	vld [tilespmem:s19+$0xFFFFFF60];
	v18 =	vmax.f32 v18, v20;
	(pc) =	sbr.rel @p0 .LBB2_2-.Ltmp2, $4  }
0x5b: {  	v17 =	vmax.f32 v17, v27;
	v19 =	vld [tilespmem:s19+$0xFFFFFF70];
	v18 =	vmax.f32 v18, v28  }
0x5c: {  	v21 =	vmax.f32 v26, v34;
	v25 =	vmax.f32 v25, v35;
	v24 =	vmax.f32 v24, v36;
	v20 =	vld [tilespmem:s19+$0xFFFFFFF0]  }
0x5d: {  	v26 =	vmax.f32 v21, v31;
	v25 =	vmax.f32 v25, v32;
	v24 =	vmax.f32 v24, v33;
	v21 =	vld [tilespmem:s19+$0x70]  }
0x5e: {  	v26 =	vmax.f32 v26, v23;
	v25 =	vmax.f32 v25, v29;
	v24 =	vmax.f32 v24, v30;
	v23 =	vld [tilespmem:s19+$0xF0];
	s19 =	sadd.s32 $0x200, s19  }
0x5f: {  	(xrf1) =	vsort.ascd.msk.f32 $0xffff, v17, v17  }
0x60: {  	(xrf1) =	vsort.ascd.msk.f32 $0xffff, v18, v18;
	_ =	sdelay $0xc  }
0x61: {  	v17, _, _ =	vpop (xrf1)  }
0x62: {  	v18, _, _ =	vpop (xrf1)  }
0x63: {  	v18 =	vperm.xlane v18, v1;
	_ =	sdelay $0x1  }
0x64: {  	v27 =	vmin.f32 v17, v18  }
0x65: {  	v17 =	vmax.f32 v17, v18;
	(xrf1) =	vsort.ascd.msk.f32 $0xffff, v27, v27  }
0x66: {  	v9 =	vmax.f32 v26, v9;
	(xrf1) =	vsort.ascd.msk.f32 $0xffff, v17, v17  }
0x67: {  	v11 =	vmax.f32 v25, v11;
	(xrf1) =	vsort.ascd.msk.f32 $0xffff, v9, v9  }
0x68: {  	(xrf1) =	vsort.ascd.msk.f32 $0xffff, v11, v11;
	_ =	sdelay $0xa  }
0x69: {  	v9, _, _ =	vpop (xrf1)  }
0x6a: {  	v11, _, _ =	vpop (xrf1)  }
0x6b: {  	v17, _, _ =	vpop (xrf1)  }
0x6c: {  	v18, _, _ =	vpop (xrf1)  }
0x6d: {  	v18 =	vperm.xlane v18, v1;
	_ =	sdelay $0x1  }
0x6e: {  	v60 =	vmin.f32 v17, v18  }
0x6f: {  	v17 =	vmax.f32 v17, v18;
	(xrf1) =	vsort.ascd.msk.f32 $0xffff, v60, v60  }
0x70: {  	(xrf1) =	vsort.ascd.msk.f32 $0xffff, v17, v17;
	_ =	sdelay $0xc  }
0x71: {  	v17, _, _ =	vpop (xrf1)  }
0x72: {  	v18, _, _ =	vpop (xrf1)  }
0x73: {  	v17 =	vperm.xlane v17, v1;
	v18 =	vperm.xlane v18, v1;
	_ =	sdelay $0x1  }
0x74: {  	v62 =	vmin.f32 v11, v17;
	v61 =	vmin.f32 v9, v18  }
0x75: {  	v9 =	vmax.f32 v9, v18;
	v18 =	vmin.f32 v61, v62  }
0x76: {  	v11 =	vmax.f32 v11, v17;
	v17 =	vmax.f32 v61, v62;
	(xrf1) =	vsort.ascd.msk.f32 $0xffff, v18, v18  }
0x77: {  	v10 =	vmax.f32 v10, v22;
	(xrf1) =	vsort.ascd.msk.f32 $0xffff, v17, v17;
	v17 =	vmin.f32 v9, v11  }
0x78: {  	v10 =	vmax.f32 v10, v15;
	v9 =	vmax.f32 v9, v11;
	(xrf1) =	vsort.ascd.msk.f32 $0xffff, v17, v17  }
0x79: {  	v7 =	vmax.f32 v24, v7;
	v8 =	vmax.f32 v10, v8;
	(xrf1) =	vsort.ascd.msk.f32 $0xffff, v9, v9  }
0x7a: {  	v5 =	vmax.f32 v8, v5;
	(xrf1) =	vsort.ascd.msk.f32 $0xffff, v7, v7  }
0x7b: {  	(xrf1) =	vsort.ascd.msk.f32 $0xffff, v5, v5;
	_ =	sdelay $0x8  }
0x7c: {  	v5, _, _ =	vpop (xrf1)  }
0x7d: {  	v7, _, _ =	vpop (xrf1)  }
0x7e: {  	v8, _, _ =	vpop (xrf1)  }
0x7f: {  	v9, _, _ =	vpop (xrf1)  }
0x80: {  	v10, _, _ =	vpop (xrf1)  }
0x81: {  	v11, _, _ =	vpop (xrf1)  }
0x82: {  	v11 =	vperm.xlane v11, v1  }
0x83: {  	v12 =	vmax.f32 v12, v16;
	v13 =	vmax.f32 v13, v19  }
0x84: {  	v12 =	vmax.f32 v12, v14;
	v13 =	vmax.f32 v13, v20;
	v14 =	vmin.f32 v10, v11  }
0x85: {  	v6 =	vmax.f32 v12, v6;
	v10 =	vmax.f32 v10, v11;
	(xrf1) =	vsort.ascd.msk.f32 $0xffff, v14, v14  }
0x86: {  	v4 =	vmax.f32 v6, v4;
	v11 =	vmax.f32 v13, v21;
	(xrf1) =	vsort.ascd.msk.f32 $0xffff, v10, v10  }
0x87: {  	v6 =	vmax.f32 v11, v23;
	(xrf1) =	vsort.ascd.msk.f32 $0xffff, v4, v4  }
0x88: {  	(xrf1) =	vsort.ascd.msk.f32 $0xffff, v6, v6;
	_ =	sdelay $0xa  }
0x89: {  	v4, _, _ =	vpop (xrf1)  }
0x8a: {  	v6, _, _ =	vpop (xrf1)  }
0x8b: {  	v10, _, _ =	vpop (xrf1)  }
0x8c: {  	v11, _, _ =	vpop (xrf1)  }
0x8d: {  	v11 =	vperm.xlane v11, v1;
	_ =	sdelay $0x1  }
0x8e: {  	v12 =	vmin.f32 v10, v11  }
0x8f: {  	v10 =	vmax.f32 v10, v11;
	(xrf1) =	vsort.ascd.msk.f32 $0xffff, v12, v12  }
0x90: {  	(xrf1) =	vsort.ascd.msk.f32 $0xffff, v10, v10;
	_ =	sdelay $0xc  }
0x91: {  	v10, _, _ =	vpop (xrf1)  }
0x92: {  	v11, _, _ =	vpop (xrf1)  }
0x93: {  	v10 =	vperm.xlane v10, v1;
	v11 =	vperm.xlane v11, v1;
	_ =	sdelay $0x1  }
0x94: {  	v13 =	vmin.f32 v6, v10;
	v12 =	vmin.f32 v4, v11  }
0x95: {  	v4 =	vmax.f32 v4, v11;
	v11 =	vmin.f32 v12, v13  }
0x96: {  	v6 =	vmax.f32 v6, v10;
	v10 =	vmax.f32 v12, v13;
	(xrf1) =	vsort.ascd.msk.f32 $0xffff, v11, v11  }
0x97: {  	(xrf1) =	vsort.ascd.msk.f32 $0xffff, v10, v10;
	v10 =	vmin.f32 v4, v6  }
0x98: {  	v4 =	vmax.f32 v4, v6;
	(xrf1) =	vsort.ascd.msk.f32 $0xffff, v10, v10  }
0x99: {  	(xrf1) =	vsort.ascd.msk.f32 $0xffff, v4, v4;
	_ =	sdelay $0xa  }
0x9a: {  	v4, _, _ =	vpop (xrf1)  }
0x9b: {  	v6, _, _ =	vpop (xrf1)  }
0x9c: {  	v10, _, _ =	vpop (xrf1)  }
0x9d: {  	v4 =	vperm.xlane v4, v1;
	v6 =	vperm.xlane v6, v1;
	v11, _, _ =	vpop (xrf1)  }
0x9e: {  	v10 =	vperm.xlane v10, v1;
	v11 =	vperm.xlane v11, v1  }
0x9f: {  	v4 =	vmax.f32 v9, v4  }
0xa0: {  	v6 =	vmax.f32 v8, v6;
	v7 =	vmax.f32 v7, v10;
	v5 =	vmax.f32 v5, v11  }
0xa1: {  	v4 =	vmin.f32 v7, v4;
	v5 =	vmin.f32 v5, v6  }
0xa2: {  	v4 =	vmin.f32 v5, v4  }
0xa3: {  	(xrf1) =	vsort.ascd.msk.f32 $0xffff, v4, v4;
	_ =	sdelay $0xd  }
0xa4: {  	v4, _, _ =	vpop (xrf1)  }
0xa5: {  	(xrf0) =	vmin.scan.msk.f32 $0xffff, v4;
	_ =	sdelay $0x2  }
0xa6: {  	s18 =	simm.s32 $0x40  }
0xa7: {  	v6 =	vld [tilespmem:s18+$0xFFFFFFC0]  }
0xa8: {  	v12 =	vld [tilespmem:s18+$0xFFFFFFD0]  }
0xa9: {  	v13 =	vld [tilespmem:s18+$0xFFFFFFE0];
	v4, _, _ =	vpop (xrf0)  }
0xaa: {  	v15 =	vld [tilespmem:s18+$0xFFFFFFF0];
	v4 =	vbroadcast v4, $0xF  }
0xab: {  	v19 =	vld [tilespmem:s18+$0x0]  }
0xac: {  	v5 =	vld [tilespmem:s18+$0x10];
	vm1 =	vge.f32 v6, v4  }
0xad: {  	v10 =	vld [tilespmem:s18+$0x20];
	vm2 =	vge.f32 v12, v4;
	v7 =	vsel vm1, $0x1, v3  }
0xae: {  	v9 =	vld [tilespmem:s18+$0x30];
	vm3 =	vge.f32 v13, v4;
	v16 =	vadd.s32 v7, v2;
	v7 =	vsel vm2, $0x1, v3  }
0xaf: {  	vm4 =	vge.f32 v15, v4;
	v17 =	vadd.s32 v7, v16;
	v7 =	vsel vm3, $0x1, v3  }
0xb0: {  	s18 =	simm.s32 $0xC0;
	vm5 =	vge.f32 v19, v4;
	v20 =	vadd.s32 v7, v17;
	v7 =	vsel vm4, $0x1, v3  }
0xb1: {  	v8 =	vld [tilespmem:s18+$0xFFFFFFC0];
	vm0 =	vge.f32 v5, v4;
	v63 =	vadd.s32 v7, v20;
	v7 =	vsel vm5, $0x1, v3  }
0xb2: {  	v11 =	vld [tilespmem:s18+$0xFFFFFFD0];
	[tilespmem:v2+s13+$0x0] =	vst.idx.msk vm1, v6;
	v14 =	vadd.s32 v7, v63;
	v6 =	vsel vm0, $0x1, v3;
	vm1 =	vge.f32 v10, v4  }
0xb3: {  	v7 =	vld [tilespmem:s18+$0xFFFFFFE0];
	[tilespmem:v16+s13+$0x0] =	vst.idx.msk vm2, v12;
	v16 =	vadd.s32 v6, v14;
	v6 =	vsel vm1, $0x1, v3;
	vm2 =	vge.f32 v9, v4  }
0xb4: {  	v12 =	vld [tilespmem:s18+$0xFFFFFFF0];
	[tilespmem:v17+s13+$0x0] =	vst.idx.msk vm3, v13;
	v18 =	vadd.s32 v6, v16  }
0xb5: {  	v6 =	vsel vm2, $0x1, v3;
	v13 =	vld [tilespmem:s18+$0x0];
	[tilespmem:v20+s13+$0x0] =	vst.idx.msk vm4, v15  }
0xb6: {  	s19 =	simm.s32 $0x8;
	vm3 =	vge.f32 v8, v4;
	v17 =	vld [tilespmem:s18+$0x10];
	v15 =	vadd.s32 v6, v18;
	[tilespmem:v63+s13+$0x0] =	vst.idx.msk vm5, v19  }
.LBB2_4:
0xb7: {  	s19 =	sadd.s32 $0x8, s19;
	v6 =	vsel vm3, $0x1, v3;
	vm4 =	vge.f32 v11, v4;
	v19 =	vld [tilespmem:s18+$0x20];
	[tilespmem:v14+s13+$0x0] =	vst.idx.msk vm0, v5;
	v20 =	vmov v11  }
0xb8: {  	p0 =	slt.u32 s19, $0x1F8;
	v6 =	vadd.s32 v6, v15;
	v5 =	vsel vm4, $0x1, v3;
	vm7 =	vge.f32 v7, v4;
	v21 =	vld [tilespmem:s18+$0x30];
	[tilespmem:v16+s13+$0x0] =	vst.idx.msk vm1, v10  }
0xb9: {  	v10 =	vadd.s32 v5, v6;
	v14 =	vsel vm7, $0x1, v3;
	vm5 =	vge.f32 v12, v4;
	[tilespmem:v18+s13+$0x0] =	vst.idx.msk vm2, v9  }
0xba: {  	s18 =	sadd.s32 $0x80, s18;
	v9 =	vmovc v7;
	v23 =	vmovc v12;
	v22 =	vadd.s32 v14, v10;
	v11 =	vsel vm5, $0x1, v3;
	vm6 =	vge.f32 v13, v4  }
0xbb: {  	v26 =	vmovc v13;
	v24 =	vld [tilespmem:s18+$0xFFFFFFC0];
	v25 =	vadd.s32 v11, v22;
	v7 =	vsel vm6, $0x1, v3;
	vm0 =	vge.f32 v17, v4;
	v5 =	vmovc v17  }
.Ltmp3:
0xbc: {  	v11 =	vld [tilespmem:s18+$0xFFFFFFD0];
	[tilespmem:v15+s13+$0x0] =	vst.idx.msk vm3, v8;
	v14 =	vadd.s32 v7, v25;
	v8 =	vsel vm0, $0x1, v3;
	vm1 =	vge.f32 v19, v4;
	(pc) =	sbr.rel @p0 .LBB2_4-.Ltmp3, $4  }
0xbd: {  	v7 =	vld [tilespmem:s18+$0xFFFFFFE0];
	[tilespmem:v6+s13+$0x0] =	vst.idx.msk vm4, v20;
	v16 =	vadd.s32 v8, v14;
	v6 =	vsel vm1, $0x1, v3;
	vm2 =	vge.f32 v21, v4  }
0xbe: {  	v12 =	vld [tilespmem:s18+$0xFFFFFFF0];
	[tilespmem:v10+s13+$0x0] =	vst.idx.msk vm7, v9;
	v18 =	vadd.s32 v6, v16;
	v6 =	vsel vm2, $0x1, v3;
	v10 =	vmovc v19;
	v9 =	vmov v21  }
0xbf: {  	v13 =	vld [tilespmem:s18+$0x0];
	[tilespmem:v22+s13+$0x0] =	vst.idx.msk vm5, v23;
	v15 =	vadd.s32 v6, v18  }
0xc0: {  	vm3 =	vge.f32 v24, v4;
	v17 =	vld [tilespmem:s18+$0x10];
	[tilespmem:v25+s13+$0x0] =	vst.idx.msk vm6, v26;
	v8 =	vmov v24  }
0xc1: {  	v6 =	vsel vm3, $0x1, v3;
	vm4 =	vge.f32 v11, v4;
	v19 =	vld [tilespmem:s18+$0x20]  }
0xc2: {  	v21 =	vld [tilespmem:s18+$0x30];
	v20 =	vadd.s32 v6, v15;
	v6 =	vsel vm4, $0x1, v3;
	vm5 =	vge.f32 v7, v4  }
0xc3: {  	v22 =	vadd.s32 v6, v20;
	v6 =	vsel vm5, $0x1, v3;
	vm6 =	vge.f32 v12, v4  }
0xc4: {  	v23 =	vadd.s32 v6, v22;
	v6 =	vsel vm6, $0x1, v3;
	vm7 =	vge.f32 v13, v4  }
0xc5: {  	v24 =	vadd.s32 v6, v23;
	v6 =	vsel vm7, $0x1, v3;
	vm8 =	vge.f32 v17, v4  }
0xc6: {  	v25 =	vadd.s32 v6, v24;
	v6 =	vsel vm8, $0x1, v3;
	vm9 =	vge.f32 v19, v4  }
0xc7: {  	vm10 =	vge.f32 v21, v4;
	v26 =	vadd.s32 v6, v25;
	v6 =	vsel vm9, $0x1, v3  }
0xc8: {  	v4 =	vmul.u32 $0xFFFFFE00, v0;
	v27 =	vadd.s32 v6, v26;
	v6 =	vsel vm10, $0x1, v3  }
0xc9: {  	v6 =	vadd.s32 v6, v27  }
0xca: {  	v6 =	vadd.s32 v4, v6  }
0xcb: {  	v28 =	vxor.u32 $0x80000000, v6  }
0xcc: {  	(xrf0) =	vmax.scan.msk.u32 $0xffff, v28;
	_ =	sdelay $0x5  }
0xcd: {  	v28, _, _ =	vpop (xrf0)  }
0xce: {  	(v2sf) =	vpush v28, $0xF;
	_ =	sdelay $0xc  }
0xcf: {  	[tilespmem:v14+s13+$0x0] =	vst.idx.msk vm0, v5  }
0xd0: {  	[tilespmem:v16+s13+$0x0] =	vst.idx.msk vm1, v10  }
0xd1: {  	[tilespmem:v18+s13+$0x0] =	vst.idx.msk vm2, v9;
	s31 =	spop (v2sf)  }
0xd2: {  	[tilespmem:v15+s13+$0x0] =	vst.idx.msk vm3, v8;
	s18 =	sadd.s32 $0x80000003, s31  }
0xd3: {  	[tilespmem:v20+s13+$0x0] =	vst.idx.msk vm4, v11;
	s20 =	sshrl.u32 s18, $0x2  }
0xd4: {  	[tilespmem:v22+s13+$0x0] =	vst.idx.msk vm5, v7;
	p0 =	seq.s32 s20, $0x0  }
.Ltmp4:
0xd5: {  	[tilespmem:v23+s13+$0x0] =	vst.idx.msk vm6, v12;
	(pc) =	sbr.rel @p0 .LBB2_21-.Ltmp4, $4  }
0xd6: {  	[tilespmem:v24+s13+$0x0] =	vst.idx.msk vm7, v13  }
0xd7: {  	[tilespmem:v25+s13+$0x0] =	vst.idx.msk vm8, v17  }
0xd8: {  	v5 =	vimm.f32 $-Inf;
	v8 =	vimm.f32 $-Inf;
	[tilespmem:v26+s13+$0x0] =	vst.idx.msk vm9, v19  }
0xd9: {  	v9 =	vimm.f32 $-Inf;
	v10 =	vimm.f32 $-Inf;
	v7 =	vimm.f32 $-Inf;
	[tilespmem:v27+s13+$0x0] =	vst.idx.msk vm10, v21;
	s18 =	simm.s32 $0x3  }
0xda: {  	s22 =	simm.s32 $0x1;
	p6 =	sne.s32 s20, $0x1  }
.Ltmp5:
0xdb: {  	s23 =	simm.s32 $0x2;
	s19 =	simm.s32 $0x0;
	(pc) =	sbr.rel @!p6 .LBB2_7-.Ltmp5, $4  }
0xdc: {  	v12 =	vmov s22;
	v10 =	vmov s23;
	v17 =	vmov s19  }
0xdd: {  	s21 =	sadd.s32 $0xFFFFFFFF, s20;
	s20 =	simm.s32 $0x7;
	v8 =	vadd.s32 s22, v2;
	v9 =	vadd.s32 s23, v2;
	v7 =	vand.u32 $0x7D, v12  }
0xde: {  	p0 =	por $0x0, $0x0;
	p1 =	por $0x0, $0x0;
	p2 =	por $0x0, $0x0;
	v11 =	vand.u32 $0x7E, v10;
	v8 =	vand.u32 $0xFFFFFF80, v8;
	v9 =	vand.u32 $0xFFFFFF80, v9  }
0xdf: {  	p3 =	por $0x0, $0x0;
	p4 =	por $0x0, $0x0;
	p5 =	por $0x0, $0x0;
	v32 =	vand.u32 $0x7C, v17;
	v34 =	vor.u32 v7, v8;
	v18 =	vor.u32 v11, v9  }
0xe0: {  	v7 =	vadd.s32 s19, v2;
	v8 =	vadd.s32 s18, v2  }
0xe1: {  	v7 =	vand.u32 $0xFFFFFF80, v7  }
0xe2: {  	v7 =	vor.u32 v32, v7;
	_ =	sdelay $0x1  }
0xe3: {  	v11 =	vld.idx.msk [tilespmem:v34+s13+$0x0], $0xffff  }
0xe4: {  	v8 =	vld.idx.msk [tilespmem:v8+s13+$0x0], $0xffff  }
0xe5: {  	v14 =	vld.idx.msk [tilespmem:v18+s13+$0x0], $0xffff  }
0xe6: {  	v13 =	vld.idx.msk [tilespmem:v7+s13+$0x0], $0xffff  }
0xe7: {  	s22 =	simm.s32 $0x5;
	v15 =	vmov s18;
	vm0 =	vlt.s32 v12, v6;
	vm14 =	vlt.s32 v10, v6  }
0xe8: {  	s23 =	simm.s32 $0x6;
	vm15 =	vlt.s32 v17, v6;
	p6 =	sne.s32 s21, $0x1;
	v9 =	vmov s22;
	vm1 =	vlt.s32 v15, v6  }
.Ltmp6:
0xe9: {  	v60 =	vadd.s32 s22, v2;
	v61 =	vadd.s32 s23, v2;
	v58 =	vnsel vm1, $0xFF800000, v8;
	(pc) =	sbr.rel @!p6 .LBB2_9-.Ltmp6, $4  }
0xea: {  	v63 =	vand.u32 $0xFFFFFF80, v61;
	v11 =	vnsel vm0, $0xFF800000, v11;
	v7 =	vmov s23;
	(xrf1) =	vsort.ascd.msk.f32 $0xffff, v58, v58  }
0xeb: {  	s19 =	simm.s32 $0x4;
	v59 =	vnsel vm14, $0xFF800000, v14;
	v62 =	vand.u32 $0x7E, v7;
	v10 =	vnsel vm15, $0xFF800000, v13;
	(xrf1) =	vsort.ascd.msk.f32 $0xffff, v11, v11  }
0xec: {  	v8 =	vmov s19;
	v11 =	vand.u32 $0x7D, v9;
	(xrf1) =	vsort.ascd.msk.f32 $0xffff, v10, v10;
	v10 =	vand.u32 $0xFFFFFF80, v60  }
0xed: {  	s21 =	sadd.s32 $0xFFFFFFFF, s21;
	s18 =	simm.s32 $0xB;
	p0 =	por $0x1, $0x1;
	v18 =	vor.u32 v62, v63;
	v32 =	vand.u32 $0x7C, v8;
	(xrf1) =	vsort.ascd.msk.f32 $0xffff, v59, v59;
	v34 =	vor.u32 v11, v10  }
0xee: {  	_ =	sdelay $0x4  }
0xef: {  	v11 =	vadd.s32 s20, v2;
	_ =	sdelay $0x1  }
0xf0: {  	v10 =	vadd.s32 s19, v2  }
0xf1: {  	v10 =	vand.u32 $0xFFFFFF80, v10  }
0xf2: {  	v10 =	vor.u32 v32, v10  }
0xf3: {  	v11 =	vld.idx.msk [tilespmem:v11+s13+$0x0], $0xffff;
	v13, _, _ =	vpop (xrf1)  }
0xf4: {  	v14 =	vld.idx.msk [tilespmem:v34+s13+$0x0], $0xffff;
	v12, _, _ =	vpop (xrf1)  }
0xf5: {  	v16 =	vperm.xlane v12, v1  }
0xf6: {  	v18 =	vld.idx.msk [tilespmem:v18+s13+$0x0], $0xffff;
	v17 =	vmov s20;
	vm1 =	vlt.s32 v9, v6;
	v19, _, _ =	vpop (xrf1)  }
0xf7: {  	s23 =	simm.s32 $0xA;
	vm14 =	vlt.s32 v7, v6;
	vm0 =	vlt.s32 v17, v6;
	v15 =	vld.idx.msk [tilespmem:v10+s13+$0x0], $0xffff;
	v17 =	vmax.f32 v19, v16  }
0xf8: {  	v10 =	vmov s23;
	v9 =	vnsel vm0, $0xFF800000, v11;
	v13 =	vperm.xlane v13, v1;
	(xrf1) =	vsort.ascd.msk.f32 $0xffff, v17, v17  }
0xf9: {  	s22 =	simm.s32 $0x9;
	vm15 =	vlt.s32 v8, v6;
	p6 =	sne.s32 s21, $0x1;
	v11 =	vnsel vm1, $0xFF800000, v14;
	v14 =	vand.u32 $0x7E, v10;
	v7, _, _ =	vpop (xrf1);
	(xrf1) =	vsort.ascd.msk.f32 $0xffff, v9, v9  }
.Ltmp7:
0xfa: {  	s19 =	simm.s32 $0x8;
	v12 =	vmov s22;
	v26 =	vmin.f32 v19, v16;
	v8 =	vmax.f32 v7, v13;
	(xrf1) =	vsort.ascd.msk.f32 $0xffff, v11, v11;
	(pc) =	sbr.rel @!p6 .LBB2_11-.Ltmp7, $4  }
0xfb: {  	v7 =	vmin.f32 v7, v13;
	v13 =	vadd.s32 s23, v2;
	v17 =	vmov s19;
	(xrf1) =	vsort.ascd.msk.f32 $0xffff, v8, v8  }
0xfc: {  	v9 =	vnsel vm15, $0xFF800000, v15;
	v11 =	vnsel vm14, $0xFF800000, v18;
	(xrf1) =	vsort.ascd.msk.f32 $0xffff, v7, v7;
	v7 =	vadd.s32 s22, v2  }
0xfd: {  	v8 =	vand.u32 $0x7D, v12;
	(xrf1) =	vsort.ascd.msk.f32 $0xffff, v9, v9;
	v7 =	vand.u32 $0xFFFFFF80, v7;
	v9 =	vand.u32 $0xFFFFFF80, v13  }
0xfe: {  	s21 =	sadd.s32 $0xFFFFFFFF, s21;
	s20 =	simm.s32 $0xF;
	p1 =	por $0x1, $0x1;
	v32 =	vand.u32 $0x7C, v17;
	(xrf1) =	vsort.ascd.msk.f32 $0xffff, v11, v11;
	v34 =	vor.u32 v8, v7;
	v18 =	vor.u32 v14, v9  }
0xff: {  	_ =	sdelay $0x1  }
0x100: {  	(xrf1) =	vsort.ascd.msk.f32 $0xffff, v26, v26;
	_ =	sdelay $0x1  }
0x101: {  	v7 =	vadd.s32 s18, v2;
	v8 =	vadd.s32 s19, v2  }
0x102: {  	v8 =	vand.u32 $0xFFFFFF80, v8  }
0x103: {  	v9 =	vor.u32 v32, v8  }
0x104: {  	v13, _, _ =	vpop (xrf1)  }
0x105: {  	v11 =	vld.idx.msk [tilespmem:v34+s13+$0x0], $0xffff;
	v15, _, _ =	vpop (xrf1)  }
0x106: {  	v20 =	vmov s18;
	vm0 =	vlt.s32 v12, v6;
	vm14 =	vlt.s32 v10, v6;
	s19 =	simm.s32 $0xC;
	v14 =	vld.idx.msk [tilespmem:v7+s13+$0x0], $0xffff;
	v16, _, _ =	vpop (xrf1)  }
0x107: {  	s22 =	simm.s32 $0xD;
	s23 =	simm.s32 $0xE;
	v18 =	vld.idx.msk [tilespmem:v18+s13+$0x0], $0xffff;
	vm15 =	vlt.s32 v17, v6;
	vm1 =	vlt.s32 v20, v6;
	v17 =	vmov s19;
	v19, _, _ =	vpop (xrf1)  }
0x108: {  	v61 =	vadd.s32 s22, v2;
	v62 =	vadd.s32 s23, v2;
	v9 =	vld.idx.msk [tilespmem:v9+s13+$0x0], $0xffff;
	v16 =	vperm.xlane v16, v1;
	v59, _, _ =	vpop (xrf1)  }
0x109: {  	v8 =	vmov s22;
	v63 =	vand.u32 $0xFFFFFF80, v62;
	v7 =	vmov s23;
	v20, _, _ =	vpop (xrf1)  }
0x10a: {  	v11 =	vnsel vm0, $0xFF800000, v11;
	v12 =	vperm.xlane v59, v1;
	v10 =	vmax.f32 v20, v16  }
0x10b: {  	v15 =	vperm.xlane v15, v1;
	v14 =	vnsel vm1, $0xFF800000, v14;
	v19 =	vperm.xlane v19, v1;
	(xrf1) =	vsort.ascd.msk.f32 $0xffff, v10, v10  }
0x10c: {  	p6 =	sne.s32 s21, $0x1;
	v18 =	vnsel vm14, $0xFF800000, v18;
	v26 =	vmin.f32 v20, v16;
	v16, _, _ =	vpop (xrf1);
	v40 =	vmax.f32 v13, v12;
	(xrf1) =	vsort.ascd.msk.f32 $0xffff, v14, v14  }
.Ltmp8:
0x10d: {  	v9 =	vnsel vm15, $0xFF800000, v9;
	v20 =	vmin.f32 v16, v15;
	v15 =	vmax.f32 v16, v15;
	v10, _, _ =	vpop (xrf1);
	(xrf1) =	vsort.ascd.msk.f32 $0xffff, v11, v11;
	(pc) =	sbr.rel @!p6 .LBB2_13-.Ltmp8, $4  }
0x10e: {  	v16 =	vmin.f32 v13, v12;
	v11 =	vand.u32 $0x7E, v7;
	v60 =	vmin.f32 v10, v19;
	(xrf1) =	vsort.ascd.msk.f32 $0xffff, v15, v15  }
0x10f: {  	v37 =	vmax.f32 v10, v19;
	v10 =	vand.u32 $0x7D, v8;
	v41 =	vmin.f32 v60, v16;
	(xrf1) =	vsort.ascd.msk.f32 $0xffff, v20, v20  }
0x110: {  	v39 =	vmax.f32 v60, v16;
	v44 =	vmax.f32 v37, v40;
	(xrf1) =	vsort.ascd.msk.f32 $0xffff, v9, v9;
	v9 =	vand.u32 $0xFFFFFF80, v61  }
0x111: {  	s21 =	sadd.s32 $0xFFFFFFFF, s21;
	s18 =	simm.s32 $0x13;
	p2 =	por $0x1, $0x1;
	v32 =	vand.u32 $0x7C, v17;
	(xrf1) =	vsort.ascd.msk.f32 $0xffff, v18, v18;
	v34 =	vor.u32 v10, v9;
	v18 =	vor.u32 v11, v63  }
0x112: {  	_ =	sdelay $0x1  }
0x113: {  	(xrf1) =	vsort.ascd.msk.f32 $0xffff, v26, v26;
	_ =	sdelay $0x1  }
0x114: {  	v10 =	vadd.s32 s19, v2  }
0x115: {  	v9 =	vadd.s32 s20, v2;
	v10 =	vand.u32 $0xFFFFFF80, v10  }
0x116: {  	(xrf1) =	vsort.ascd.msk.f32 $0xffff, v39, v39;
	v11 =	vor.u32 v32, v10  }
0x117: {  	(xrf1) =	vsort.ascd.msk.f32 $0xffff, v44, v44;
	v14, _, _ =	vpop (xrf1)  }
0x118: {  	(xrf1) =	vsort.ascd.msk.f32 $0xffff, v41, v41;
	v15, _, _ =	vpop (xrf1)  }
0x119: {  	v16, _, _ =	vpop (xrf1)  }
0x11a: {  	v19 =	vmin.f32 v37, v40;
	v9 =	vld.idx.msk [tilespmem:v9+s13+$0x0], $0xffff;
	v20, _, _ =	vpop (xrf1)  }
0x11b: {  	s22 =	simm.s32 $0x11;
	v21 =	vmov s20;
	vm0 =	vlt.s32 v8, v6;
	v11 =	vld.idx.msk [tilespmem:v11+s13+$0x0], $0xffff;
	v16 =	vperm.xlane v16, v1;
	v8, _, _ =	vpop (xrf1)  }
0x11c: {  	v13 =	vld.idx.msk [tilespmem:v34+s13+$0x0], $0xffff;
	s23 =	simm.s32 $0x12;
	vm14 =	vlt.s32 v7, v6;
	vm15 =	vlt.s32 v17, v6;
	v12 =	vmov s22;
	v61, _, _ =	vpop (xrf1)  }
0x11d: {  	v18 =	vld.idx.msk [tilespmem:v18+s13+$0x0], $0xffff;
	s19 =	simm.s32 $0x10;
	vm1 =	vlt.s32 v21, v6;
	v10 =	vmov s23;
	v7 =	vmax.f32 v61, v16  }
0x11e: {  	v17 =	vmov s19;
	v22 =	vand.u32 $0x7E, v10;
	(xrf1) =	vsort.ascd.msk.f32 $0xffff, v19, v19;
	v8 =	vperm.xlane v8, v1  }
0x11f: {  	v15 =	vperm.xlane v15, v1;
	v20 =	vperm.xlane v20, v1;
	v26 =	vmin.f32 v61, v16;
	v16, _, _ =	vpop (xrf1)  }
0x120: {  	v9 =	vnsel vm1, $0xFF800000, v9;
	v62 =	vnsel vm15, $0xFF800000, v11;
	(xrf1) =	vsort.ascd.msk.f32 $0xffff, v7, v7;
	v11 =	vmin.f32 v14, v8;
	v7, _, _ =	vpop (xrf1)  }
0x121: {  	p6 =	sne.s32 s21, $0x1;
	v13 =	vnsel vm0, $0xFF800000, v13;
	v19 =	vmin.f32 v16, v15;
	(xrf1) =	vsort.ascd.msk.f32 $0xffff, v9, v9;
	v9 =	vmin.f32 v7, v20  }
.Ltmp9:
0x122: {  	v18 =	vnsel vm14, $0xFF800000, v18;
	v16 =	vmax.f32 v16, v15;
	(xrf1) =	vsort.ascd.msk.f32 $0xffff, v13, v13;
	v15 =	vmin.f32 v9, v11;
	(pc) =	sbr.rel @!p6 .LBB2_15-.Ltmp9, $4  }
0x123: {  	(xrf1) =	vsort.ascd.msk.f32 $0xffff, v16, v16;
	v13 =	vmax.f32 v9, v11;
	v9 =	vmax.f32 v14, v8;
	v14 =	vadd.s32 s22, v2  }
0x124: {  	v7 =	vmax.f32 v7, v20;
	v20 =	vand.u32 $0x7D, v12;
	v11, _, _ =	vpop (xrf1);
	(xrf1) =	vsort.ascd.msk.f32 $0xffff, v19, v19;
	v19 =	vadd.s32 s23, v2  }
0x125: {  	v8, _, _ =	vpop (xrf1);
	v16 =	vmax.f32 v7, v9;
	(xrf1) =	vsort.ascd.msk.f32 $0xffff, v62, v62;
	v63 =	vand.u32 $0xFFFFFF80, v14;
	v19 =	vand.u32 $0xFFFFFF80, v19  }
0x126: {  	s21 =	sadd.s32 $0xFFFFFFFF, s21;
	s20 =	simm.s32 $0x17;
	p3 =	por $0x1, $0x1;
	v32 =	vand.u32 $0x7C, v17;
	(xrf1) =	vsort.ascd.msk.f32 $0xffff, v18, v18;
	v34 =	vor.u32 v20, v63;
	v18 =	vor.u32 v22, v19;
	v14, _, _ =	vpop (xrf1)  }
0x127: {  	_ =	sdelay $0x1  }
0x128: {  	(xrf1) =	vsort.ascd.msk.f32 $0xffff, v26, v26  }
0x129: {  	v19 =	vadd.s32 s18, v2  }
0x12a: {  	v20 =	vadd.s32 s19, v2  }
0x12b: {  	(xrf1) =	vsort.ascd.msk.f32 $0xffff, v13, v13;
	v20 =	vand.u32 $0xFFFFFF80, v20  }
0x12c: {  	(xrf1) =	vsort.ascd.msk.f32 $0xffff, v16, v16;
	v23 =	vor.u32 v32, v20;
	v21, _, _ =	vpop (xrf1)  }
0x12d: {  	v22 =	vld.idx.msk [tilespmem:v34+s13+$0x0], $0xffff;
	(xrf1) =	vsort.ascd.msk.f32 $0xffff, v15, v15;
	v25, _, _ =	vpop (xrf1)  }
0x12e: {  	s22 =	simm.s32 $0x15;
	v26 =	vmin.f32 v7, v9;
	vm0 =	vlt.s32 v12, v6;
	vm14 =	vlt.s32 v10, v6;
	v19 =	vld.idx.msk [tilespmem:v19+s13+$0x0], $0xffff;
	v24, _, _ =	vpop (xrf1)  }
0x12f: {  	s23 =	simm.s32 $0x16;
	s19 =	simm.s32 $0x14;
	vm15 =	vlt.s32 v17, v6;
	v33 =	vperm.xlane v11, v1;
	v42 =	vmov s22;
	v27, _, _ =	vpop (xrf1)  }
0x130: {  	v18 =	vld.idx.msk [tilespmem:v18+s13+$0x0], $0xffff;
	v36 =	vmov s23;
	v17 =	vmov s19;
	v20 =	vperm.xlane v21, v1;
	v28, _, _ =	vpop (xrf1)  }
0x131: {  	v23 =	vld.idx.msk [tilespmem:v23+s13+$0x0], $0xffff;
	v21 =	vperm.xlane v24, v1;
	v24 =	vmov s18;
	v27 =	vperm.xlane v27, v1;
	v12, _, _ =	vpop (xrf1)  }
0x132: {  	v33 =	vmax.f32 v5, v33;
	v22 =	vnsel vm0, $0xFF800000, v22;
	vm1 =	vlt.s32 v24, v6;
	v29, _, _ =	vpop (xrf1)  }
0x133: {  	(xrf1) =	vsort.ascd.msk.f32 $0xffff, v26, v26;
	v24 =	vperm.xlane v28, v1;
	v28 =	vnsel vm1, $0xFF800000, v19;
	v10 =	vmax.f32 v29, v27;
	v26, _, _ =	vpop (xrf1)  }
0x134: {  	v12 =	vperm.xlane v12, v1;
	v19 =	vmin.f32 v29, v27;
	v27 =	vmin.f32 v26, v21  }
0x135: {  	v18 =	vnsel vm14, $0xFF800000, v18;
	v26 =	vmax.f32 v26, v21;
	(xrf1) =	vsort.ascd.msk.f32 $0xffff, v10, v10;
	v21 =	vperm.xlane v14, v1  }
0x136: {  	p6 =	sne.s32 s21, $0x1;
	v23 =	vnsel vm15, $0xFF800000, v23;
	v30 =	vmin.f32 v25, v12;
	v25 =	vmax.f32 v25, v12;
	(xrf1) =	vsort.ascd.msk.f32 $0xffff, v28, v28;
	v10, _, _ =	vpop (xrf1)  }
.Ltmp10:
0x137: {  	v12 =	vand.u32 $0x7E, v36;
	(xrf1) =	vsort.ascd.msk.f32 $0xffff, v22, v22;
	v28 =	vmin.f32 v10, v24;
	v24 =	vmax.f32 v10, v24;
	(pc) =	sbr.rel @!p6 .LBB2_17-.Ltmp10, $4  }
0x138: {  	(xrf1) =	vsort.ascd.msk.f32 $0xffff, v26, v26;
	v10 =	vand.u32 $0x7D, v42;
	v26 =	vadd.s32 s22, v2;
	v29 =	vmin.f32 v28, v30  }
0x139: {  	v22 =	vmax.f32 v28, v30;
	(xrf1) =	vsort.ascd.msk.f32 $0xffff, v27, v27;
	v28 =	vmax.f32 v24, v25;
	v30, _, _ =	vpop (xrf1);
	v27 =	vadd.s32 s23, v2  }
0x13a: {  	v26 =	vand.u32 $0xFFFFFF80, v26;
	(xrf1) =	vsort.ascd.msk.f32 $0xffff, v23, v23;
	v23, _, _ =	vpop (xrf1);
	v35 =	vand.u32 $0xFFFFFF80, v27;
	v27 =	vperm.xlane v8, v1  }
0x13b: {  	s21 =	sadd.s32 $0xFFFFFFFF, s21;
	p4 =	por $0x1, $0x1;
	v32 =	vand.u32 $0x7C, v17;
	s18 =	simm.s32 $0x1B;
	v34 =	vor.u32 v10, v26;
	(xrf1) =	vsort.ascd.msk.f32 $0xffff, v18, v18;
	v31, _, _ =	vpop (xrf1);
	v18 =	vor.u32 v12, v35  }
0x13c: {  	_ = 	snop  }
0x13d: {  	(xrf1) =	vsort.ascd.msk.f32 $0xffff, v19, v19;
	v10 =	vadd.s32 s20, v2  }
0x13e: {  	v12 =	vmax.f32 v5, v27;
	v35 =	vmax.f32 v5, v21;
	v37 =	vmax.f32 v5, v20  }
0x13f: {  	v43 =	vmin.f32 v24, v25;
	(xrf1) =	vsort.ascd.msk.f32 $0xffff, v22, v22;
	v38 =	vmax.f32 v12, v33  }
0x140: {  	v26 =	vadd.s32 s19, v2;
	v39 =	vmax.f32 v37, v35;
	v41 =	vmin.f32 v12, v33;
	(xrf1) =	vsort.ascd.msk.f32 $0xffff, v28, v28  }
0x141: {  	v34 =	vld.idx.msk [tilespmem:v34+s13+$0x0], $0xffff;
	v35 =	vmin.f32 v37, v35;
	v12 =	vmin.f32 v38, v39;
	(xrf1) =	vsort.ascd.msk.f32 $0xffff, v29, v29  }
0x142: {  	vm0 =	vlt.s32 v42, v6;
	(xrf1) =	vsort.ascd.msk.f32 $0xffff, v12, v12;
	v40, _, _ =	vpop (xrf1);
	v60 =	vld.idx.msk [tilespmem:v10+s13+$0x0], $0xffff;
	v10 =	vmin.f32 v41, v35  }
0x143: {  	v18 =	vld.idx.msk [tilespmem:v18+s13+$0x0], $0xffff;
	v26 =	vand.u32 $0xFFFFFF80, v26;
	(xrf1) =	vsort.ascd.msk.f32 $0xffff, v10, v10;
	v10 =	vmax.f32 v38, v39;
	v44, _, _ =	vpop (xrf1)  }
0x144: {  	s23 =	simm.s32 $0x1A;
	v48 =	vmov s20;
	v26 =	vor.u32 v32, v26;
	v37 =	vmax.f32 v41, v35;
	(xrf1) =	vsort.ascd.msk.f32 $0xffff, v10, v10;
	v61, _, _ =	vpop (xrf1)  }
0x145: {  	vm14 =	vlt.s32 v36, v6;
	s19 =	simm.s32 $0x18;
	vm1 =	vlt.s32 v48, v6;
	v48 =	vadd.s32 s23, v2;
	(xrf1) =	vsort.ascd.msk.f32 $0xffff, v37, v37;
	v62, _, _ =	vpop (xrf1)  }
0x146: {  	s22 =	simm.s32 $0x19;
	vm15 =	vlt.s32 v17, v6;
	v17 =	vmov s19;
	v48 =	vand.u32 $0xFFFFFF80, v48;
	v49, _, _ =	vpop (xrf1)  }
0x147: {  	v12 =	vmov s22;
	v34 =	vnsel vm0, $0xFF800000, v34;
	(xrf1) =	vsort.ascd.msk.f32 $0xffff, v43, v43;
	v38 =	vperm.xlane v62, v1;
	v50, _, _ =	vpop (xrf1)  }
0x148: {  	v18 =	vnsel vm14, $0xFF800000, v18;
	v35 =	vperm.xlane v40, v1;
	v10 =	vmov s23;
	v54, _, _ =	vpop (xrf1)  }
0x149: {  	v51 =	vld.idx.msk [tilespmem:v26+s13+$0x0], $0xffff;
	v63 =	vperm.xlane v61, v1;
	v43 =	vperm.xlane v31, v1;
	v32 =	vmax.f32 v54, v38  }
0x14a: {  	v53 =	vnsel vm1, $0xFF800000, v60;
	v52 =	vperm.xlane v49, v1;
	v56 =	vperm.xlane v50, v1;
	v55, _, _ =	vpop (xrf1);
	(xrf1) =	vsort.ascd.msk.f32 $0xffff, v32, v32  }
0x14b: {  	v61 =	vand.u32 $0x7E, v10;
	v26 =	vmin.f32 v54, v38;
	v45 =	vmin.f32 v55, v63;
	(xrf1) =	vsort.ascd.msk.f32 $0xffff, v53, v53  }
0x14c: {  	p6 =	sne.s32 s21, $0x1;
	v60 =	vand.u32 $0x7D, v12;
	v57 =	vmax.f32 v55, v63;
	v46, _, _ =	vpop (xrf1);
	v59 =	vmin.f32 v44, v56;
	(xrf1) =	vsort.ascd.msk.f32 $0xffff, v34, v34  }
.Ltmp11:
0x14d: {  	v62 =	vadd.s32 s22, v2;
	v40 =	vmax.f32 v44, v56;
	v63 =	vperm.xlane v30, v1;
	v36, _, _ =	vpop (xrf1);
	(xrf1) =	vsort.ascd.msk.f32 $0xffff, v57, v57;
	(pc) =	sbr.rel @!p6 .LBB2_20-.Ltmp11, $4  }
0x14e: {  	v47 =	vnsel vm15, $0xFF800000, v51;
	v58 =	vmin.f32 v46, v52;
	v37 =	vmax.f32 v46, v52;
	v38, _, _ =	vpop (xrf1);
	(xrf1) =	vsort.ascd.msk.f32 $0xffff, v45, v45  }
0x14f: {  	v49 =	vand.u32 $0xFFFFFF80, v62;
	v41 =	vmin.f32 v58, v59;
	v39 =	vmax.f32 v58, v59;
	v42, _, _ =	vpop (xrf1);
	(xrf1) =	vsort.ascd.msk.f32 $0xffff, v47, v47  }
0x150: {  	v32 =	vand.u32 $0x7C, v17;
	v44 =	vmax.f32 v37, v40;
	v45 =	vperm.xlane v23, v1;
	v50, _, _ =	vpop (xrf1);
	(xrf1) =	vsort.ascd.msk.f32 $0xffff, v18, v18  }
0x151: {  	s20 =	sadd.s32 $0xFFFFFFFF, s21;
	s21 =	simm.s32 $0x1F;
	p5 =	por $0x1, $0x1;
	v34 =	vor.u32 v60, v49;
	v47 =	vmax.f32 v50, v63;
	v18 =	vor.u32 v61, v48;
	v46, _, _ =	vpop (xrf1)  }
.LBB2_19:
0x152: {  	s22 =	sadd.s32 $0xFFFFFFFE, s21;
	s23 =	sadd.s32 $0xFFFFFFFF, s21;
	p6 =	sne.s32 s20, $0x1;
	v48 =	vadd.s32 s19, v2;
	v49 =	vadd.s32 s18, v2;
	(xrf1) =	vsort.ascd.msk.f32 $0xffff, v26, v26;
	v26 =	vmax.f32 v46, v45;
	v45, _, _ =	vpop (xrf1)  }
0x153: {  	s19 =	sadd.s32 $0xFFFFFFFD, s21;
	s20 =	sadd.s32 $0xFFFFFFFF, s20;
	v46 =	vmov s22;
	v50 =	vmov s23;
	(xrf1) =	vsort.ascd.msk.f32 $0xffff, v39, v39;
	v39 =	vmax.f32 v45, v43;
	v43, _, _ =	vpop (xrf1)  }
0x154: {  	v51 =	vmovc v38;
	v45 =	vmov s19;
	v48 =	vand.u32 $0xFFFFFF80, v48;
	(xrf1) =	vsort.ascd.msk.f32 $0xffff, v44, v44;
	v35 =	vmax.f32 v43, v35  }
0x155: {  	v38 =	vor.u32 v32, v48;
	v32 =	vand.u32 $0x7C, v45;
	v43 =	vmax.f32 v26, v47;
	(xrf1) =	vsort.ascd.msk.f32 $0xffff, v41, v41;
	v41, _, _ =	vpop (xrf1)  }
0x156: {  	v26 =	vmin.f32 v26, v47;
	v44 =	vmin.f32 v35, v39;
	v35 =	vmax.f32 v35, v39;
	v34 =	vld.idx.msk [tilespmem:v34+s13+$0x0], $0xffff  }
0x157: {  	v47 =	vmin.f32 v26, v44;
	v26 =	vmax.f32 v26, v44;
	v44 =	vmin.f32 v43, v35;
	v39 =	vld.idx.msk [tilespmem:v49+s13+$0x0], $0xffff  }
0x158: {  	v37 =	vmin.f32 v37, v40;
	v40 =	vmax.f32 v43, v35;
	v48, _, _ =	vpop (xrf1);
	(xrf1) =	vsort.ascd.msk.f32 $0xffff, v44, v44  }
0x159: {  	v35 =	vperm.xlane v41, v1;
	v43, _, _ =	vpop (xrf1);
	(xrf1) =	vsort.ascd.msk.f32 $0xffff, v47, v47  }
0x15a: {  	v38 =	vld.idx.msk [tilespmem:v38+s13+$0x0], $0xffff;
	v41 =	vperm.xlane v43, v1;
	v43, _, _ =	vpop (xrf1);
	(xrf1) =	vsort.ascd.msk.f32 $0xffff, v40, v40  }
0x15b: {  	v40 =	vmov s18;
	s18 =	smov.u32 s21;
	v18 =	vld.idx.msk [tilespmem:v18+s13+$0x0], $0xffff;
	v49 =	vperm.xlane v43, v1;
	v44, _, _ =	vpop (xrf1);
	(xrf1) =	vsort.ascd.msk.f32 $0xffff, v26, v26  }
0x15c: {  	vm0 =	vlt.s32 v12, v6;
	vm1 =	vlt.s32 v40, v6;
	v40 =	vperm.xlane v44, v1;
	v44, _, _ =	vpop (xrf1)  }
0x15d: {  	v12 =	vmov v46;
	v34 =	vnsel vm0, $0xFF800000, v34;
	v39 =	vnsel vm1, $0xFF800000, v39;
	v47, _, _ =	vpop (xrf1);
	(xrf1) =	vsort.ascd.msk.f32 $0xffff, v37, v37  }
0x15e: {  	vm0 =	vlt.s32 v10, v6;
	v26 =	vmin.f32 v47, v49;
	v52 =	vmax.f32 v47, v49;
	v43, _, _ =	vpop (xrf1)  }
0x15f: {  	v10 =	vmovc v50;
	vm1 =	vlt.s32 v17, v6;
	v44 =	vperm.xlane v44, v1;
	v46 =	vmin.f32 v43, v41  }
0x160: {  	v47 =	vnsel vm1, $0xFF800000, v38;
	v49 =	vmax.f32 v43, v41;
	v43 =	vperm.xlane v42, v1;
	(xrf1) =	vsort.ascd.msk.f32 $0xffff, v52, v52;
	v37, _, _ =	vpop (xrf1)  }
0x161: {  	v53 =	vmin.f32 v48, v44;
	v18 =	vnsel vm0, $0xFF800000, v18;
	(xrf1) =	vsort.ascd.msk.f32 $0xffff, v39, v39;
	v52 =	vmin.f32 v37, v40;
	v50, _, _ =	vpop (xrf1)  }
0x162: {  	v17 =	vmov v45;
	(xrf1) =	vsort.ascd.msk.f32 $0xffff, v34, v34;
	v41 =	vmin.f32 v52, v53;
	v39 =	vmax.f32 v52, v53;
	v38, _, _ =	vpop (xrf1)  }
.Ltmp12:
0x163: {  	v37 =	vmax.f32 v37, v40;
	v40 =	vmax.f32 v48, v44;
	(xrf1) =	vsort.ascd.msk.f32 $0xffff, v49, v49;
	v42, _, _ =	vpop (xrf1);
	(pc) =	sbr.rel @p6 .LBB2_19-.Ltmp12, $4  }
0x164: {  	v48 =	vand.u32 $0x7E, v10;
	v34 =	vand.u32 $0x7D, v12;
	v44 =	vmax.f32 v37, v40;
	(xrf1) =	vsort.ascd.msk.f32 $0xffff, v46, v46  }
0x165: {  	v45 =	vadd.s32 s22, v2;
	v53 =	vadd.s32 s23, v2;
	(xrf1) =	vsort.ascd.msk.f32 $0xffff, v47, v47;
	v47 =	vperm.xlane v36, v1;
	v36 =	vmovc v50  }
0x166: {  	v49 =	vand.u32 $0xFFFFFF80, v45;
	v52 =	vand.u32 $0xFFFFFF80, v53;
	v45 =	vperm.xlane v51, v1;
	(xrf1) =	vsort.ascd.msk.f32 $0xffff, v18, v18;
	v50, _, _ =	vpop (xrf1)  }
0x167: {  	s21 =	sadd.s32 $0x4, s21;
	v34 =	vor.u32 v34, v49;
	v18 =	vor.u32 v48, v52;
	v47 =	vmax.f32 v50, v47;
	v46, _, _ =	vpop (xrf1)  }
.LBB2_20:
0x168: {  	v48, _, _ =	vpop @p5 (xrf1)  }
0x169: {  	(xrf1) =	vsort.ascd.msk.f32 @p1 $0xffff, v26, v26;
	v45 =	vmax.f32 @p4 v46, v45;
	v26, _, _ =	vpop @p5 (xrf1)  }
0x16a: {  	v46 =	vpsel p5, v48, v5;
	(xrf1) =	vsort.ascd.msk.f32 @p2 $0xffff, v39, v39;
	v26 =	vpsel p5, v26, v5  }
0x16b: {  	v39 =	vmax.f32 @p4 v46, v43;
	(xrf1) =	vsort.ascd.msk.f32 @p2 $0xffff, v44, v44;
	v26 =	vmax.f32 @p4 v26, v35  }
0x16c: {  	v44 =	vmin.f32 @p4 v45, v47;
	v35 =	vmax.f32 @p4 v45, v47;
	v43 =	vmax.f32 @p4 v26, v39  }
0x16d: {  	v60 =	vadd.s32 s18, v2;
	(xrf1) =	vsort.ascd.msk.f32 @p2 $0xffff, v41, v41;
	v26 =	vmin.f32 @p4 v26, v39;
	v41 =	vmin.f32 @p4 v35, v43  }
0x16e: {  	v39, _, _ =	vpop @p3 (xrf1);
	(xrf1) =	vsort.ascd.msk.f32 @p4 $0xffff, v41, v41;
	v41 =	vmin.f32 @p4 v44, v26  }
0x16f: {  	v61 =	vadd.s32 s19, v2;
	v47, _, _ =	vpop @p1 (xrf1)  }
0x170: {  	v63 =	vand.u32 $0xFFFFFF80, v61;
	v35 =	vmax.f32 @p4 v35, v43;
	v43, _, _ =	vpop @p0 (xrf1)  }
0x171: {  	vm1 =	vlt.s32 v12, v6;
	v32 =	vor.u32 v32, v63;
	(xrf1) =	vsort.ascd.msk.f32 @p4 $0xffff, v41, v41;
	v41, _, _ =	vpop @p0 (xrf1)  }
0x172: {  	v62 =	vld.idx.msk [tilespmem:v60+s13+$0x0], $0xffff;
	v26 =	vmax.f32 @p4 v44, v26;
	(xrf1) =	vsort.ascd.msk.f32 @p4 $0xffff, v35, v35;
	v41 =	vperm.xlane @p0 v41, v1  }
0x173: {  	vm15 =	vlt.s32 v10, v6;
	v45 =	vld.idx.msk [tilespmem:v34+s13+$0x0], $0xffff;
	v35 =	vmin.f32 @p2 v37, v40;
	v40, _, _ =	vpop @p1 (xrf1);
	(xrf1) =	vsort.ascd.msk.f32 @p4 $0xffff, v26, v26  }
0x174: {  	vm2 =	vlt.s32 v17, v6;
	v44 =	vmov s18;
	v37 =	vperm.xlane @p3 v39, v1;
	v39, _, _ =	vpop @p1 (xrf1)  }
0x175: {  	v18 =	vld.idx.msk [tilespmem:v18+s13+$0x0], $0xffff;
	vm0 =	vlt.s32 v44, v6;
	v34 =	vperm.xlane @p0 v43, v1;
	(xrf1) =	vsort.ascd.msk.f32 @p2 $0xffff, v35, v35;
	v43, _, _ =	vpop @p0 (xrf1)  }
0x176: {  	v32 =	vld.idx.msk [tilespmem:v32+s13+$0x0], $0xffff;
	v17 =	vperm.xlane @p1 v39, v1;
	v10 =	vmin.f32 @p0 v43, v41;
	v35 =	vmax.f32 @p0 v43, v41;
	v41, _, _ =	vpop @p0 (xrf1)  }
0x177: {  	v46 =	vnsel vm0, $0xFF800000, v62;
	v12 =	vperm.xlane @p1 v40, v1;
	(xrf1) =	vsort.ascd.msk.f32 @p0 $0xffff, v35, v35;
	v6 =	vmin.f32 @p0 v41, v34  }
0x178: {  	v26 =	vnsel vm1, $0xFF800000, v45;
	v34 =	vmax.f32 @p0 v41, v34;
	(xrf1) =	vsort.ascd.msk.f32 $0xffff, v46, v46;
	v41 =	vmin.f32 @p1 v47, v17  }
0x179: {  	v20 =	vpsel p3, v37, v20;
	v39 =	vperm.xlane @p3 v42, v1;
	v35, _, _ =	vpop @p1 (xrf1);
	(xrf1) =	vsort.ascd.msk.f32 $0xffff, v26, v26  }
0x17a: {  	v40 =	vmin.f32 @p1 v35, v12;
	v42, _, _ =	vpop @p2 (xrf1);
	(xrf1) =	vsort.ascd.msk.f32 @p0 $0xffff, v34, v34;
	v12 =	vmax.f32 @p1 v35, v12  }
0x17b: {  	v35 =	vperm.xlane @p3 v36, v1;
	v26 =	vmin.f32 @p1 v40, v41;
	v40 =	vmax.f32 @p1 v40, v41;
	v41, _, _ =	vpop @p2 (xrf1)  }
0x17c: {  	v32 =	vnsel vm2, $0xFF800000, v32;
	v10 =	vpsel p0, v10, v19;
	v17 =	vmax.f32 @p1 v47, v17;
	(xrf1) =	vsort.ascd.msk.f32 @p0 $0xffff, v6, v6;
	v34, _, _ =	vpop @p2 (xrf1)  }
0x17d: {  	v18 =	vnsel vm15, $0xFF800000, v18;
	v21 =	vpsel p3, v39, v21;
	v6 =	vmax.f32 @p1 v12, v17;
	(xrf1) =	vsort.ascd.msk.f32 $0xffff, v32, v32;
	v36, _, _ =	vpop @p4 (xrf1)  }
0x17e: {  	v32 =	vperm.xlane @p3 v38, v1;
	v22 =	vpsel p1, v40, v22;
	v36 =	vpsel p4, v36, v5  }
0x17f: {  	v6 =	vpsel p1, v6, v28;
	(xrf1) =	vsort.ascd.msk.f32 $0xffff, v18, v18;
	v18 =	vmax.f32 @p3 v36, v35;
	v35, _, _ =	vpop @p4 (xrf1)  }
0x180: {  	v26 =	vpsel p1, v26, v29;
	v27 =	vpsel p3, v32, v27;
	v19 =	vpsel p4, v35, v5;
	v28, _, _ =	vpop @p4 (xrf1)  }
0x181: {  	v18 =	vpsel p3, v18, v33;
	(xrf1) =	vsort.ascd.msk.f32 @p0 $0xffff, v10, v10;
	v10, _, _ =	vpop @p4 (xrf1);
	v19 =	vmax.f32 @p3 v19, v27  }
0x182: {  	v27 =	vpsel p4, v28, v5;
	(xrf1) =	vsort.ascd.msk.f32 @p1 $0xffff, v22, v22;
	v10 =	vpsel p4, v10, v5  }
0x183: {  	v21 =	vmax.f32 @p3 v27, v21;
	(xrf1) =	vsort.ascd.msk.f32 @p1 $0xffff, v6, v6;
	v10 =	vmax.f32 @p3 v10, v20  }
0x184: {  	v6 =	vmax.f32 @p3 v19, v18;
	v18 =	vmin.f32 @p3 v19, v18;
	v20 =	vmax.f32 @p3 v10, v21  }
0x185: {  	(xrf1) =	vsort.ascd.msk.f32 @p1 $0xffff, v26, v26;
	v10 =	vmin.f32 @p3 v10, v21;
	v22 =	vmin.f32 @p3 v6, v20  }
0x186: {  	v19 =	vmin.f32 @p3 v18, v10;
	(xrf1) =	vsort.ascd.msk.f32 @p3 $0xffff, v22, v22;
	_ =	sdelay $0x1  }
0x187: {  	v21, _, _ =	vpop @p2 (xrf1);
	v6 =	vmax.f32 @p3 v6, v20  }
0x188: {  	(xrf1) =	vsort.ascd.msk.f32 @p3 $0xffff, v19, v19;
	v19, _, _ =	vpop @p0 (xrf1)  }
0x189: {  	v48, _, _ =	vpop (xrf1)  }
0x18a: {  	v10 =	vmax.f32 @p3 v18, v10;
	(xrf1) =	vsort.ascd.msk.f32 @p3 $0xffff, v6, v6;
	v6, _, _ =	vpop (xrf1)  }
0x18b: {  	(xrf1) =	vsort.ascd.msk.f32 @p3 $0xffff, v10, v10;
	v22, _, _ =	vpop @p0 (xrf1)  }
0x18c: {  	v12 =	vpsel p1, v12, v24;
	v17 =	vpsel p1, v17, v25;
	v24, _, _ =	vpop @p0 (xrf1)  }
0x18d: {  	v12 =	vmin.f32 @p1 v12, v17;
	v49, _, _ =	vpop (xrf1);
	v24 =	vperm.xlane @p0 v24, v1  }
0x18e: {  	v20 =	vpsel p2, v41, v23;
	v23 =	vpsel p2, v34, v31;
	v6 =	vperm.xlane v6, v1;
	v51, _, _ =	vpop (xrf1)  }
0x18f: {  	v50 =	vperm.xlane v48, v1;
	v18 =	vperm.xlane @p0 v22, v1;
	v26, _, _ =	vpop @p0 (xrf1);
	v27 =	vmin.f32 @p0 v19, v24  }
0x190: {  	(xrf1) =	vsort.ascd.msk.f32 @p1 $0xffff, v12, v12;
	v52 =	vmin.f32 v49, v6;
	v6 =	vmax.f32 v49, v6;
	v22, _, _ =	vpop @p1 (xrf1)  }
0x191: {  	v21 =	vperm.xlane @p2 v21, v1;
	(xrf1) =	vsort.ascd.msk.f32 $0xffff, v6, v6;
	v6 =	vmin.f32 @p0 v26, v18;
	v28, _, _ =	vpop @p1 (xrf1)  }
0x192: {  	v17 =	vmax.f32 v51, v50;
	v29 =	vmin.f32 @p0 v6, v27;
	v6 =	vmax.f32 @p0 v6, v27;
	v27, _, _ =	vpop @p1 (xrf1)  }
0x193: {  	v20 =	vperm.xlane @p2 v20, v1;
	v10 =	vmov @p2 v42;
	(xrf1) =	vsort.ascd.msk.f32 $0xffff, v17, v17;
	v17 =	vmax.f32 @p0 v26, v18;
	v18, _, _ =	vpop @p3 (xrf1)  }
0x194: {  	v23 =	vperm.xlane @p2 v23, v1;
	v10 =	vpsel p2, v10, v30;
	v18 =	vpsel p3, v18, v5  }
0x195: {  	v20 =	vpsel p2, v20, v0;
	v10 =	vperm.xlane @p2 v10, v1;
	v53 =	vmin.f32 v51, v50  }
0x196: {  	v21 =	vpsel p2, v21, v0;
	v19 =	vmax.f32 @p0 v19, v24;
	(xrf1) =	vsort.ascd.msk.f32 $0xffff, v53, v53  }
0x197: {  	v24 =	vmax.f32 @p0 v17, v19;
	v6 =	vpsel p0, v6, v13;
	v10 =	vmax.f32 @p2 v18, v10;
	v18, _, _ =	vpop @p3 (xrf1)  }
0x198: {  	v13 =	vpsel p2, v23, v0;
	v16 =	vpsel p0, v24, v16;
	v15 =	vpsel p0, v29, v15;
	v23, _, _ =	vpop @p3 (xrf1)  }
0x199: {  	v10 =	vpsel p2, v10, v0;
	v18 =	vpsel p3, v18, v5;
	(xrf1) =	vsort.ascd.msk.f32 $0xffff, v52, v52;
	v12, _, _ =	vpop @p3 (xrf1)  }
0x19a: {  	v18 =	vmax.f32 @p2 v18, v20;
	v20 =	vpsel p3, v23, v5;
	v12 =	vpsel p3, v12, v5  }
0x19b: {  	(xrf1) =	vsort.ascd.msk.f32 @p0 $0xffff, v6, v6;
	v6 =	vmax.f32 @p2 v20, v13;
	v12 =	vmax.f32 @p2 v12, v21  }
0x19c: {  	(xrf1) =	vsort.ascd.msk.f32 @p0 $0xffff, v16, v16;
	v13 =	vmax.f32 @p2 v18, v10;
	v16 =	vmax.f32 @p2 v12, v6  }
0x19d: {  	(xrf1) =	vsort.ascd.msk.f32 @p0 $0xffff, v15, v15;
	v15 =	vmin.f32 @p2 v13, v16  }
0x19e: {  	(xrf1) =	vsort.ascd.msk.f32 @p2 $0xffff, v15, v15;
	_ =	sdelay $0x1  }
0x19f: {  	v10 =	vmin.f32 @p2 v18, v10;
	v6 =	vmin.f32 @p2 v12, v6  }
0x1a0: {  	v12 =	vmin.f32 @p2 v10, v6;
	v6 =	vmax.f32 @p2 v10, v6  }
0x1a1: {  	v13 =	vmax.f32 @p2 v13, v16;
	(xrf1) =	vsort.ascd.msk.f32 @p2 $0xffff, v12, v12  }
0x1a2: {  	(xrf1) =	vsort.ascd.msk.f32 @p2 $0xffff, v13, v13  }
0x1a3: {  	(xrf1) =	vsort.ascd.msk.f32 @p2 $0xffff, v6, v6;
	v6, _, _ =	vpop @p1 (xrf1)  }
0x1a4: {  	v10, _, _ =	vpop (xrf1)  }
0x1a5: {  	v9 =	vpsel p0, v19, v9;
	v7 =	vpsel p0, v17, v7;
	v54, _, _ =	vpop (xrf1)  }
0x1a6: {  	v7 =	vmin.f32 @p0 v7, v9;
	v55, _, _ =	vpop (xrf1)  }
0x1a7: {  	v56, _, _ =	vpop (xrf1)  }
0x1a8: {  	v15, _, _ =	vpop @p0 (xrf1)  }
0x1a9: {  	(xrf1) =	vsort.ascd.msk.f32 @p0 $0xffff, v7, v7;
	v7, _, _ =	vpop @p0 (xrf1)  }
0x1aa: {  	v18, _, _ =	vpop @p0 (xrf1)  }
0x1ab: {  	v13 =	vmov @p1 v22;
	v16, _, _ =	vpop @p2 (xrf1)  }
0x1ac: {  	v8 =	vpsel p1, v28, v8;
	v11 =	vpsel p1, v13, v11;
	v12 =	vpsel p2, v16, v5  }
0x1ad: {  	v14 =	vpsel p1, v27, v14;
	v8 =	vperm.xlane @p1 v8, v1;
	v11 =	vperm.xlane @p1 v11, v1  }
0x1ae: {  	v13 =	vperm.xlane @p1 v14, v1;
	v6 =	vperm.xlane @p1 v6, v1  }
0x1af: {  	v9 =	vperm.xlane v54, v1;
	v57 =	vperm.xlane v55, v1;
	v11 =	vmax.f32 @p1 v12, v11;
	v12, _, _ =	vpop @p2 (xrf1)  }
0x1b0: {  	v8 =	vpsel p1, v8, v0;
	v13 =	vpsel p1, v13, v0;
	v12 =	vpsel p2, v12, v5  }
0x1b1: {  	v6 =	vpsel p1, v6, v0;
	v58 =	vmin.f32 v56, v9;
	v59 =	vmin.f32 v10, v57  }
0x1b2: {  	v9 =	vmax.f32 v56, v9;
	v10 =	vmax.f32 v10, v57;
	v60 =	vmin.f32 v58, v59;
	v17, _, _ =	vpop @p2 (xrf1)  }
0x1b3: {  	v14 =	vmax.f32 v58, v59;
	v61 =	vmax.f32 v9, v10;
	v8 =	vmax.f32 @p1 v12, v8;
	v12, _, _ =	vpop @p2 (xrf1)  }
0x1b4: {  	(xrf1) =	vsort.ascd.msk.f32 $0xffff, v14, v14;
	v14 =	vpsel p2, v17, v5;
	v12 =	vpsel p2, v12, v5  }
0x1b5: {  	v11 =	vpsel p1, v11, v0;
	v13 =	vmax.f32 @p1 v14, v13;
	v6 =	vmax.f32 @p1 v12, v6  }
0x1b6: {  	(xrf1) =	vsort.ascd.msk.f32 $0xffff, v61, v61;
	v12 =	vmax.f32 @p1 v8, v11;
	v14 =	vmax.f32 @p1 v6, v13  }
0x1b7: {  	(xrf1) =	vsort.ascd.msk.f32 $0xffff, v60, v60;
	v8 =	vmin.f32 @p1 v8, v11;
	v11 =	vmin.f32 @p1 v12, v14  }
0x1b8: {  	(xrf1) =	vsort.ascd.msk.f32 @p1 $0xffff, v11, v11  }
0x1b9: {  	v6 =	vmin.f32 @p1 v6, v13  }
0x1ba: {  	v13 =	vmin.f32 @p1 v8, v6  }
0x1bb: {  	v11 =	vmax.f32 @p1 v12, v14;
	(xrf1) =	vsort.ascd.msk.f32 @p1 $0xffff, v13, v13  }
0x1bc: {  	v6 =	vmax.f32 @p1 v8, v6;
	(xrf1) =	vsort.ascd.msk.f32 @p1 $0xffff, v11, v11  }
0x1bd: {  	(xrf1) =	vsort.ascd.msk.f32 @p1 $0xffff, v6, v6;
	_ =	sdelay $0x4  }
0x1be: {  	v6, _, _ =	vpop @p0 (xrf1)  }
0x1bf: {  	v8, _, _ =	vpop (xrf1)  }
0x1c0: {  	v62, _, _ =	vpop (xrf1)  }
0x1c1: {  	v63, _, _ =	vpop (xrf1)  }
0x1c2: {  	v11 =	vmov @p0 v15;
	v15, _, _ =	vpop @p1 (xrf1)  }
0x1c3: {  	v7 =	vpsel p0, v7, v0;
	v11 =	vpsel p0, v11, v0;
	v15 =	vpsel p1, v15, v5  }
0x1c4: {  	v7 =	vperm.xlane @p0 v7, v1;
	v13 =	vpsel p0, v18, v0;
	v11 =	vperm.xlane @p0 v11, v1  }
0x1c5: {  	v13 =	vperm.xlane @p0 v13, v1;
	v6 =	vperm.xlane @p0 v6, v1;
	v16, _, _ =	vpop @p1 (xrf1)  }
0x1c6: {  	v9 =	vmin.f32 v9, v10;
	v7 =	vpsel p0, v7, v0;
	v10 =	vmax.f32 @p0 v15, v11;
	v15, _, _ =	vpop @p1 (xrf1)  }
0x1c7: {  	v13 =	vpsel p0, v13, v0;
	v6 =	vpsel p0, v6, v0;
	v11 =	vpsel p1, v16, v5;
	v16, _, _ =	vpop @p1 (xrf1)  }
0x1c8: {  	v10 =	vpsel p0, v10, v0;
	v15 =	vpsel p1, v15, v5;
	v16 =	vpsel p1, v16, v5  }
0x1c9: {  	v7 =	vmax.f32 @p0 v11, v7;
	v11 =	vmax.f32 @p0 v15, v13;
	v6 =	vmax.f32 @p0 v16, v6  }
0x1ca: {  	(xrf1) =	vsort.ascd.msk.f32 $0xffff, v9, v9;
	v9 =	vmax.f32 @p0 v7, v10;
	v13 =	vmax.f32 @p0 v6, v11  }
0x1cb: {  	v7 =	vmin.f32 @p0 v7, v10;
	v6 =	vmin.f32 @p0 v6, v11;
	v10 =	vmin.f32 @p0 v9, v13  }
0x1cc: {  	v11 =	vmin.f32 @p0 v7, v6;
	(xrf1) =	vsort.ascd.msk.f32 @p0 $0xffff, v10, v10  }
0x1cd: {  	v9 =	vmax.f32 @p0 v9, v13;
	(xrf1) =	vsort.ascd.msk.f32 @p0 $0xffff, v11, v11  }
0x1ce: {  	v6 =	vmax.f32 @p0 v7, v6;
	(xrf1) =	vsort.ascd.msk.f32 @p0 $0xffff, v9, v9  }
0x1cf: {  	(xrf1) =	vsort.ascd.msk.f32 @p0 $0xffff, v6, v6;
	_ =	sdelay $0x9  }
0x1d0: {  	v8 =	vperm.xlane v8, v1;
	v6, _, _ =	vpop (xrf1)  }
0x1d1: {  	v7, _, _ =	vpop @p0 (xrf1)  }
0x1d2: {  	v9, _, _ =	vpop @p0 (xrf1)  }
0x1d3: {  	v12 =	vperm.xlane v62, v1;
	v7 =	vpsel p0, v7, v5;
	v10, _, _ =	vpop @p0 (xrf1)  }
0x1d4: {  	v11 =	vperm.xlane v63, v1;
	v6 =	vperm.xlane v6, v1;
	v7 =	vmax.f32 v7, v8;
	v8, _, _ =	vpop @p0 (xrf1)  }
0x1d5: {  	v9 =	vpsel p0, v9, v5;
	v10 =	vpsel p0, v10, v5;
	v8 =	vpsel p0, v8, v5  }
0x1d6: {  	v9 =	vmax.f32 v9, v12;
	v10 =	vmax.f32 v10, v11;
	v6 =	vmax.f32 v8, v6  }
0x1d7: {  	v8 =	vmax.f32 v9, v7;
	v11 =	vmax.f32 v6, v10  }
0x1d8: {  	v7 =	vmin.f32 v9, v7;
	v6 =	vmin.f32 v6, v10;
	v9 =	vmin.f32 v8, v11  }
0x1d9: {  	v10 =	vmin.f32 v7, v6;
	(xrf1) =	vsort.ascd.msk.f32 $0xffff, v9, v9  }
0x1da: {  	v8 =	vmax.f32 v8, v11;
	(xrf1) =	vsort.ascd.msk.f32 $0xffff, v10, v10  }
0x1db: {  	v6 =	vmax.f32 v7, v6;
	(xrf1) =	vsort.ascd.msk.f32 $0xffff, v8, v8  }
0x1dc: {  	(xrf1) =	vsort.ascd.msk.f32 $0xffff, v6, v6;
	_ =	sdelay $0xa  }
0x1dd: {  	v9, _, _ =	vpop (xrf1)  }
0x1de: {  	v7, _, _ =	vpop (xrf1)  }
0x1df: {  	v10, _, _ =	vpop (xrf1)  }
0x1e0: {  	v8, _, _ =	vpop (xrf1)  }
.LBB2_21:
0x1e1: {  	v6 =	vperm.xlane v10, v1  }
0x1e2: {  	v9 =	vperm.xlane v9, v1  }
0x1e3: {  	v7 =	vperm.xlane v7, v1;
	[tilespmem:$0x6080] =	vst v6  }
0x1e4: {  	v6 =	vperm.xlane v8, v1;
	[tilespmem:$0x6090] =	vst v9  }
0x1e5: {  	[tilespmem:$0x60B0] =	vst v7  }
0x1e6: {  	[tilespmem:$0x60A0] =	vst v6  }
0x1e7: {  	_ =	swait.ge [sflag:s14], $0x2000  }
0x1e8: {  	[sflag:s14] =	ssyncset.done $0x0  }
0x1e9: {  	s19 =	simm.s32 $0x2100;
	[sflag:s14] =	ssyncadd.s32 $0xFFFFE000  }
0x1ea: {  	[tilespmem:s2], [sflag:$0x1] =	stream.strided.gather [hbm4b:s5+s9], $0x2000, s10, s9, $0x38;
	[tilespmem:$0x6280] =	vst v63  }
0x1eb: {  	v13 =	vld [tilespmem:s19+$0x80]  }
0x1ec: {  	v14 =	vld [tilespmem:s19+$0x90]  }
0x1ed: {  	v11 =	vld [tilespmem:s19+$0xA0]  }
0x1ee: {  	v12 =	vld [tilespmem:s19+$0xB0]  }
0x1ef: {  	v9 =	vld [tilespmem:s19+$0xC0]  }
0x1f0: {  	v7 =	vld [tilespmem:s19+$0xD0]  }
0x1f1: {  	v6 =	vld [tilespmem:s19+$0xE0]  }
0x1f2: {  	v17 =	vld [tilespmem:s19+$0x0]  }
0x1f3: {  	v18 =	vld [tilespmem:s19+$0x10]  }
0x1f4: {  	v24 =	vld [tilespmem:s19+$0x20]  }
0x1f5: {  	v25 =	vld [tilespmem:s19+$0x30]  }
0x1f6: {  	v28 =	vld [tilespmem:s19+$0x40]  }
0x1f7: {  	v10 =	vld [tilespmem:s19+$0x50]  }
0x1f8: {  	v8 =	vld [tilespmem:s19+$0x60]  }
0x1f9: {  	v19 =	vld [tilespmem:s19+$0xFFFFFF80]  }
0x1fa: {  	v20 =	vld [tilespmem:s19+$0xFFFFFF90]  }
0x1fb: {  	v22 =	vld [tilespmem:s19+$0xFFFFFFA0]  }
0x1fc: {  	v26 =	vld [tilespmem:s19+$0xFFFFFFB0]  }
0x1fd: {  	v27 =	vld [tilespmem:s19+$0xFFFFFFC0]  }
0x1fe: {  	v15 =	vld [tilespmem:s19+$0xFFFFFF00]  }
0x1ff: {  	v21 =	vld [tilespmem:s19+$0xFFFFFF10]  }
0x200: {  	v16 =	vld [tilespmem:s19+$0xFFFFFFD0]  }
0x201: {  	v29 =	vld [tilespmem:s19+$0xFFFFFF20]  }
0x202: {  	v30 =	vld [tilespmem:s19+$0xFFFFFF30]  }
0x203: {  	v31 =	vld [tilespmem:s19+$0xFFFFFF40];
	v23 =	vmax.f32 v5, v15  }
0x204: {  	v21 =	vmax.f32 v5, v21;
	v15 =	vld [tilespmem:s19+$0xFFFFFFE0];
	v19 =	vmax.f32 v23, v19  }
0x205: {  	v23 =	vld [tilespmem:s19+$0xFFFFFF50];
	v20 =	vmax.f32 v21, v20;
	v19 =	vmax.f32 v19, v17  }
0x206: {  	v17 =	vld [tilespmem:s19+$0xFFFFFF60];
	v21 =	vmax.f32 v20, v18;
	v18 =	vmax.f32 v19, v13  }
0x207: {  	v20 =	vld [tilespmem:s19+$0xFFFFFF70];
	v19 =	vmax.f32 v21, v14;
	v13 =	vmax.f32 v5, v29;
	v14 =	vmax.f32 v5, v30  }
0x208: {  	v29 =	vmax.f32 v5, v31;
	v21 =	vld [tilespmem:s19+$0xFFFFFFF0];
	v13 =	vmax.f32 v13, v22;
	v14 =	vmax.f32 v14, v26  }
0x209: {  	v29 =	vmax.f32 v29, v27;
	v22 =	vld [tilespmem:s19+$0x70];
	v27 =	vmax.f32 v13, v24;
	v26 =	vmax.f32 v14, v25  }
0x20a: {  	s18 =	simm.s32 $0x0;
	v25 =	vmax.f32 v29, v28;
	v24 =	vld [tilespmem:s19+$0xF0];
	s19 =	simm.s32 $0x2300;
	v13 =	vimm.f32 $-Inf;
	v14 =	vimm.f32 $-Inf  }
.LBB2_22:
0x20b: {  	v28 =	vld [tilespmem:s19+$0x80];
	v27 =	vmax.f32 v27, v11;
	v26 =	vmax.f32 v26, v12;
	v25 =	vmax.f32 v25, v9  }
0x20c: {  	v5 =	vmax.f32 v5, v23;
	v9 =	vmax.f32 v13, v17;
	v29 =	vld [tilespmem:s19+$0x90];
	v12 =	vmax.f32 v14, v20  }
0x20d: {  	v5 =	vmax.f32 v5, v16;
	v9 =	vmax.f32 v9, v15;
	v11 =	vld [tilespmem:s19+$0xA0];
	v13 =	vmax.f32 v12, v21  }
0x20e: {  	v5 =	vmax.f32 v5, v10;
	v8 =	vmax.f32 v9, v8;
	v12 =	vld [tilespmem:s19+$0xB0];
	v10 =	vmax.f32 v13, v22  }
0x20f: {  	v5 =	vmax.f32 v5, v7;
	v13 =	vmax.f32 v8, v6;
	v9 =	vld [tilespmem:s19+$0xC0];
	v14 =	vmax.f32 v10, v24  }
0x210: {  	v7 =	vld [tilespmem:s19+$0xD0]  }
0x211: {  	v6 =	vld [tilespmem:s19+$0xE0]  }
0x212: {  	v20 =	vld [tilespmem:s19+$0x0]  }
0x213: {  	v21 =	vld [tilespmem:s19+$0x10]  }
0x214: {  	v24 =	vld [tilespmem:s19+$0x20]  }
0x215: {  	v30 =	vld [tilespmem:s19+$0x30]  }
0x216: {  	v31 =	vld [tilespmem:s19+$0x40]  }
0x217: {  	v10 =	vld [tilespmem:s19+$0x50]  }
0x218: {  	v8 =	vld [tilespmem:s19+$0x60]  }
0x219: {  	v17 =	vld [tilespmem:s19+$0xFFFFFF80]  }
0x21a: {  	v22 =	vld [tilespmem:s19+$0xFFFFFF90]  }
0x21b: {  	v32 =	vld [tilespmem:s19+$0xFFFFFFA0]  }
0x21c: {  	v33 =	vld [tilespmem:s19+$0xFFFFFFB0]  }
0x21d: {  	v34 =	vld [tilespmem:s19+$0xFFFFFFC0]  }
0x21e: {  	v15 =	vld [tilespmem:s19+$0xFFFFFF00]  }
0x21f: {  	v23 =	vld [tilespmem:s19+$0xFFFFFF10]  }
0x220: {  	v16 =	vld [tilespmem:s19+$0xFFFFFFD0]  }
0x221: {  	v35 =	vld [tilespmem:s19+$0xFFFFFF20]  }
0x222: {  	v36 =	vld [tilespmem:s19+$0xFFFFFF30]  }
0x223: {  	v37 =	vld [tilespmem:s19+$0xFFFFFF40]  }
0x224: {  	s18 =	sadd.s32 $0x4, s18;
	v18 =	vmax.f32 v18, v15;
	v19 =	vmax.f32 v19, v23;
	v15 =	vld [tilespmem:s19+$0xFFFFFFE0]  }
0x225: {  	p0 =	slt.u32 s18, $0x3C;
	v18 =	vmax.f32 v18, v17;
	v23 =	vld [tilespmem:s19+$0xFFFFFF50];
	v19 =	vmax.f32 v19, v22  }
.Ltmp13:
0x226: {  	v18 =	vmax.f32 v18, v20;
	v17 =	vld [tilespmem:s19+$0xFFFFFF60];
	v19 =	vmax.f32 v19, v21;
	(pc) =	sbr.rel @p0 .LBB2_22-.Ltmp13, $4  }
0x227: {  	v18 =	vmax.f32 v18, v28;
	v20 =	vld [tilespmem:s19+$0xFFFFFF70];
	v19 =	vmax.f32 v19, v29  }
0x228: {  	v22 =	vmax.f32 v27, v35;
	v26 =	vmax.f32 v26, v36;
	v25 =	vmax.f32 v25, v37;
	v21 =	vld [tilespmem:s19+$0xFFFFFFF0]  }
0x229: {  	v27 =	vmax.f32 v22, v32;
	v26 =	vmax.f32 v26, v33;
	v25 =	vmax.f32 v25, v34;
	v22 =	vld [tilespmem:s19+$0x70]  }
0x22a: {  	v27 =	vmax.f32 v27, v24;
	v26 =	vmax.f32 v26, v30;
	v25 =	vmax.f32 v25, v31;
	v24 =	vld [tilespmem:s19+$0xF0];
	s19 =	sadd.s32 $0x200, s19  }
0x22b: {  	(xrf1) =	vsort.ascd.msk.f32 $0xffff, v18, v18  }
0x22c: {  	(xrf1) =	vsort.ascd.msk.f32 $0xffff, v19, v19;
	_ =	sdelay $0xc  }
0x22d: {  	v18, _, _ =	vpop (xrf1)  }
0x22e: {  	v19, _, _ =	vpop (xrf1)  }
0x22f: {  	v19 =	vperm.xlane v19, v1;
	_ =	sdelay $0x1  }
0x230: {  	v28 =	vmin.f32 v18, v19  }
0x231: {  	v18 =	vmax.f32 v18, v19;
	(xrf1) =	vsort.ascd.msk.f32 $0xffff, v28, v28  }
0x232: {  	v11 =	vmax.f32 v27, v11;
	(xrf1) =	vsort.ascd.msk.f32 $0xffff, v18, v18  }
0x233: {  	v12 =	vmax.f32 v26, v12;
	(xrf1) =	vsort.ascd.msk.f32 $0xffff, v11, v11  }
0x234: {  	(xrf1) =	vsort.ascd.msk.f32 $0xffff, v12, v12;
	_ =	sdelay $0xa  }
0x235: {  	v11, _, _ =	vpop (xrf1)  }
0x236: {  	v12, _, _ =	vpop (xrf1)  }
0x237: {  	v18, _, _ =	vpop (xrf1)  }
0x238: {  	v19, _, _ =	vpop (xrf1)  }
0x239: {  	v19 =	vperm.xlane v19, v1;
	_ =	sdelay $0x1  }
0x23a: {  	v61 =	vmin.f32 v18, v19  }
0x23b: {  	v18 =	vmax.f32 v18, v19;
	(xrf1) =	vsort.ascd.msk.f32 $0xffff, v61, v61  }
0x23c: {  	(xrf1) =	vsort.ascd.msk.f32 $0xffff, v18, v18;
	_ =	sdelay $0xc  }
0x23d: {  	v18, _, _ =	vpop (xrf1)  }
0x23e: {  	v19, _, _ =	vpop (xrf1)  }
0x23f: {  	v18 =	vperm.xlane v18, v1;
	v19 =	vperm.xlane v19, v1;
	_ =	sdelay $0x1  }
0x240: {  	v63 =	vmin.f32 v12, v18;
	v62 =	vmin.f32 v11, v19  }
0x241: {  	v11 =	vmax.f32 v11, v19;
	v19 =	vmin.f32 v62, v63  }
0x242: {  	v12 =	vmax.f32 v12, v18;
	v18 =	vmax.f32 v62, v63;
	(xrf1) =	vsort.ascd.msk.f32 $0xffff, v19, v19  }
0x243: {  	v5 =	vmax.f32 v5, v23;
	(xrf1) =	vsort.ascd.msk.f32 $0xffff, v18, v18;
	v18 =	vmin.f32 v11, v12  }
0x244: {  	v5 =	vmax.f32 v5, v16;
	v11 =	vmax.f32 v11, v12;
	(xrf1) =	vsort.ascd.msk.f32 $0xffff, v18, v18  }
0x245: {  	v9 =	vmax.f32 v25, v9;
	v5 =	vmax.f32 v5, v10;
	(xrf1) =	vsort.ascd.msk.f32 $0xffff, v11, v11  }
0x246: {  	v5 =	vmax.f32 v5, v7;
	(xrf1) =	vsort.ascd.msk.f32 $0xffff, v9, v9  }
0x247: {  	(xrf1) =	vsort.ascd.msk.f32 $0xffff, v5, v5;
	_ =	sdelay $0x8  }
0x248: {  	v5, _, _ =	vpop (xrf1)  }
0x249: {  	v7, _, _ =	vpop (xrf1)  }
0x24a: {  	v9, _, _ =	vpop (xrf1)  }
0x24b: {  	v10, _, _ =	vpop (xrf1)  }
0x24c: {  	v11, _, _ =	vpop (xrf1)  }
0x24d: {  	v12, _, _ =	vpop (xrf1)  }
0x24e: {  	v12 =	vperm.xlane v12, v1  }
0x24f: {  	v13 =	vmax.f32 v13, v17;
	v14 =	vmax.f32 v14, v20  }
0x250: {  	v13 =	vmax.f32 v13, v15;
	v14 =	vmax.f32 v14, v21;
	v15 =	vmin.f32 v11, v12  }
0x251: {  	v8 =	vmax.f32 v13, v8;
	v11 =	vmax.f32 v11, v12;
	(xrf1) =	vsort.ascd.msk.f32 $0xffff, v15, v15  }
0x252: {  	v6 =	vmax.f32 v8, v6;
	v12 =	vmax.f32 v14, v22;
	(xrf1) =	vsort.ascd.msk.f32 $0xffff, v11, v11  }
0x253: {  	v8 =	vmax.f32 v12, v24;
	(xrf1) =	vsort.ascd.msk.f32 $0xffff, v6, v6  }
0x254: {  	(xrf1) =	vsort.ascd.msk.f32 $0xffff, v8, v8;
	_ =	sdelay $0xa  }
0x255: {  	v6, _, _ =	vpop (xrf1)  }
0x256: {  	v8, _, _ =	vpop (xrf1)  }
0x257: {  	v11, _, _ =	vpop (xrf1)  }
0x258: {  	v12, _, _ =	vpop (xrf1)  }
0x259: {  	v12 =	vperm.xlane v12, v1;
	_ =	sdelay $0x1  }
0x25a: {  	v13 =	vmin.f32 v11, v12  }
0x25b: {  	v11 =	vmax.f32 v11, v12;
	(xrf1) =	vsort.ascd.msk.f32 $0xffff, v13, v13  }
0x25c: {  	(xrf1) =	vsort.ascd.msk.f32 $0xffff, v11, v11;
	_ =	sdelay $0xc  }
0x25d: {  	v11, _, _ =	vpop (xrf1)  }
0x25e: {  	v12, _, _ =	vpop (xrf1)  }
0x25f: {  	v11 =	vperm.xlane v11, v1;
	v12 =	vperm.xlane v12, v1;
	_ =	sdelay $0x1  }
0x260: {  	v14 =	vmin.f32 v8, v11;
	v13 =	vmin.f32 v6, v12  }
0x261: {  	v6 =	vmax.f32 v6, v12;
	v12 =	vmin.f32 v13, v14  }
0x262: {  	v8 =	vmax.f32 v8, v11;
	v11 =	vmax.f32 v13, v14;
	(xrf1) =	vsort.ascd.msk.f32 $0xffff, v12, v12  }
0x263: {  	(xrf1) =	vsort.ascd.msk.f32 $0xffff, v11, v11;
	v11 =	vmin.f32 v6, v8  }
0x264: {  	v6 =	vmax.f32 v6, v8;
	(xrf1) =	vsort.ascd.msk.f32 $0xffff, v11, v11  }
0x265: {  	(xrf1) =	vsort.ascd.msk.f32 $0xffff, v6, v6;
	_ =	sdelay $0xa  }
0x266: {  	v6, _, _ =	vpop (xrf1)  }
0x267: {  	v8, _, _ =	vpop (xrf1)  }
0x268: {  	v11, _, _ =	vpop (xrf1)  }
0x269: {  	v6 =	vperm.xlane v6, v1;
	v8 =	vperm.xlane v8, v1;
	v12, _, _ =	vpop (xrf1)  }
0x26a: {  	v11 =	vperm.xlane v11, v1;
	v12 =	vperm.xlane v12, v1  }
0x26b: {  	v6 =	vmax.f32 v10, v6  }
0x26c: {  	v8 =	vmax.f32 v9, v8;
	v7 =	vmax.f32 v7, v11;
	v5 =	vmax.f32 v5, v12  }
0x26d: {  	v6 =	vmin.f32 v7, v6;
	v5 =	vmin.f32 v5, v8  }
0x26e: {  	v5 =	vmin.f32 v5, v6  }
0x26f: {  	(xrf1) =	vsort.ascd.msk.f32 $0xffff, v5, v5;
	_ =	sdelay $0xd  }
0x270: {  	v5, _, _ =	vpop (xrf1)  }
0x271: {  	(xrf0) =	vmin.scan.msk.f32 $0xffff, v5;
	_ =	sdelay $0x2  }
0x272: {  	s18 =	simm.s32 $0x2040  }
0x273: {  	v7 =	vld [tilespmem:s18+$0xFFFFFFC0]  }
0x274: {  	v14 =	vld [tilespmem:s18+$0xFFFFFFD0]  }
0x275: {  	v15 =	vld [tilespmem:s18+$0xFFFFFFE0];
	v5, _, _ =	vpop (xrf0)  }
0x276: {  	v17 =	vld [tilespmem:s18+$0xFFFFFFF0];
	v5 =	vbroadcast v5, $0xF  }
0x277: {  	v21 =	vld [tilespmem:s18+$0x0]  }
0x278: {  	v8 =	vld [tilespmem:s18+$0x10];
	v6 =	vmul.u32 $0x200, v0;
	vm1 =	vge.f32 v7, v5  }
0x279: {  	v12 =	vld [tilespmem:s18+$0x20];
	vm2 =	vge.f32 v14, v5;
	v9 =	vsel vm1, $0x1, v3  }
0x27a: {  	v11 =	vld [tilespmem:s18+$0x30];
	vm3 =	vge.f32 v15, v5;
	v18 =	vadd.s32 v9, v6;
	v9 =	vsel vm2, $0x1, v3  }
0x27b: {  	vm4 =	vge.f32 v17, v5;
	v19 =	vadd.s32 v9, v18;
	v9 =	vsel vm3, $0x1, v3  }
0x27c: {  	s18 =	simm.s32 $0x20C0;
	vm5 =	vge.f32 v21, v5;
	v22 =	vadd.s32 v9, v19;
	v9 =	vsel vm4, $0x1, v3  }
0x27d: {  	v10 =	vld [tilespmem:s18+$0xFFFFFFC0];
	vm0 =	vge.f32 v8, v5;
	v23 =	vadd.s32 v9, v22;
	v9 =	vsel vm5, $0x1, v3  }
0x27e: {  	v13 =	vld [tilespmem:s18+$0xFFFFFFD0];
	[tilespmem:v6+s13+$0x0] =	vst.idx.msk vm1, v7;
	v16 =	vadd.s32 v9, v23;
	v7 =	vsel vm0, $0x1, v3;
	vm1 =	vge.f32 v12, v5  }
0x27f: {  	v9 =	vld [tilespmem:s18+$0xFFFFFFE0];
	[tilespmem:v18+s13+$0x0] =	vst.idx.msk vm2, v14;
	v18 =	vadd.s32 v7, v16;
	v7 =	vsel vm1, $0x1, v3;
	vm2 =	vge.f32 v11, v5  }
0x280: {  	v14 =	vld [tilespmem:s18+$0xFFFFFFF0];
	[tilespmem:v19+s13+$0x0] =	vst.idx.msk vm3, v15;
	v20 =	vadd.s32 v7, v18  }
0x281: {  	v7 =	vsel vm2, $0x1, v3;
	v15 =	vld [tilespmem:s18+$0x0];
	[tilespmem:v22+s13+$0x0] =	vst.idx.msk vm4, v17  }
0x282: {  	s19 =	simm.s32 $0x8;
	vm3 =	vge.f32 v10, v5;
	v19 =	vld [tilespmem:s18+$0x10];
	v17 =	vadd.s32 v7, v20;
	[tilespmem:v23+s13+$0x0] =	vst.idx.msk vm5, v21  }
.LBB2_24:
0x283: {  	s19 =	sadd.s32 $0x8, s19;
	v7 =	vsel vm3, $0x1, v3;
	vm4 =	vge.f32 v13, v5;
	v21 =	vld [tilespmem:s18+$0x20];
	[tilespmem:v16+s13+$0x0] =	vst.idx.msk vm0, v8;
	v22 =	vmov v13  }
0x284: {  	p0 =	slt.u32 s19, $0x1F8;
	v7 =	vadd.s32 v7, v17;
	v8 =	vsel vm4, $0x1, v3;
	vm7 =	vge.f32 v9, v5;
	v23 =	vld [tilespmem:s18+$0x30];
	[tilespmem:v18+s13+$0x0] =	vst.idx.msk vm1, v12  }
0x285: {  	v12 =	vadd.s32 v8, v7;
	v16 =	vsel vm7, $0x1, v3;
	vm5 =	vge.f32 v14, v5;
	[tilespmem:v20+s13+$0x0] =	vst.idx.msk vm2, v11  }
0x286: {  	s18 =	sadd.s32 $0x80, s18;
	v11 =	vmovc v9;
	v25 =	vmovc v14;
	v24 =	vadd.s32 v16, v12;
	v13 =	vsel vm5, $0x1, v3;
	vm6 =	vge.f32 v15, v5  }
0x287: {  	v28 =	vmovc v15;
	v26 =	vld [tilespmem:s18+$0xFFFFFFC0];
	v27 =	vadd.s32 v13, v24;
	v9 =	vsel vm6, $0x1, v3;
	vm0 =	vge.f32 v19, v5;
	v8 =	vmovc v19  }
.Ltmp14:
0x288: {  	v13 =	vld [tilespmem:s18+$0xFFFFFFD0];
	[tilespmem:v17+s13+$0x0] =	vst.idx.msk vm3, v10;
	v16 =	vadd.s32 v9, v27;
	v10 =	vsel vm0, $0x1, v3;
	vm1 =	vge.f32 v21, v5;
	(pc) =	sbr.rel @p0 .LBB2_24-.Ltmp14, $4  }
0x289: {  	v9 =	vld [tilespmem:s18+$0xFFFFFFE0];
	[tilespmem:v7+s13+$0x0] =	vst.idx.msk vm4, v22;
	v18 =	vadd.s32 v10, v16;
	v7 =	vsel vm1, $0x1, v3;
	vm2 =	vge.f32 v23, v5  }
0x28a: {  	v14 =	vld [tilespmem:s18+$0xFFFFFFF0];
	[tilespmem:v12+s13+$0x0] =	vst.idx.msk vm7, v11;
	v20 =	vadd.s32 v7, v18;
	v7 =	vsel vm2, $0x1, v3;
	v12 =	vmovc v21;
	v11 =	vmov v23  }
0x28b: {  	v15 =	vld [tilespmem:s18+$0x0];
	[tilespmem:v24+s13+$0x0] =	vst.idx.msk vm5, v25;
	v17 =	vadd.s32 v7, v20  }
0x28c: {  	vm3 =	vge.f32 v26, v5;
	v19 =	vld [tilespmem:s18+$0x10];
	[tilespmem:v27+s13+$0x0] =	vst.idx.msk vm6, v28;
	v10 =	vmov v26  }
0x28d: {  	v7 =	vsel vm3, $0x1, v3;
	vm4 =	vge.f32 v13, v5;
	v21 =	vld [tilespmem:s18+$0x20]  }
0x28e: {  	v23 =	vld [tilespmem:s18+$0x30];
	v22 =	vadd.s32 v7, v17;
	v7 =	vsel vm4, $0x1, v3;
	vm5 =	vge.f32 v9, v5  }
0x28f: {  	v24 =	vadd.s32 v7, v22;
	v7 =	vsel vm5, $0x1, v3;
	vm6 =	vge.f32 v14, v5  }
0x290: {  	v25 =	vadd.s32 v7, v24;
	v7 =	vsel vm6, $0x1, v3;
	vm7 =	vge.f32 v15, v5  }
0x291: {  	v26 =	vadd.s32 v7, v25;
	v7 =	vsel vm7, $0x1, v3;
	vm8 =	vge.f32 v19, v5  }
0x292: {  	v27 =	vadd.s32 v7, v26;
	v7 =	vsel vm8, $0x1, v3;
	vm9 =	vge.f32 v21, v5  }
0x293: {  	vm10 =	vge.f32 v23, v5;
	v28 =	vadd.s32 v7, v27;
	v7 =	vsel vm9, $0x1, v3  }
0x294: {  	v5 =	vsel vm10, $0x1, v3;
	v29 =	vadd.s32 v7, v28  }
0x295: {  	v5 =	vadd.s32 v5, v29  }
0x296: {  	v7 =	vadd.s32 v4, v5  }
0x297: {  	v5 =	vxor.u32 $0x80000000, v7  }
0x298: {  	(xrf0) =	vmax.scan.msk.u32 $0xffff, v5;
	_ =	sdelay $0x5  }
0x299: {  	v5, _, _ =	vpop (xrf0)  }
0x29a: {  	(v2sf) =	vpush v5, $0xF;
	_ =	sdelay $0xc  }
0x29b: {  	[tilespmem:v16+s13+$0x0] =	vst.idx.msk vm0, v8  }
0x29c: {  	[tilespmem:v18+s13+$0x0] =	vst.idx.msk vm1, v12  }
0x29d: {  	[tilespmem:v20+s13+$0x0] =	vst.idx.msk vm2, v11;
	s31 =	spop (v2sf)  }
0x29e: {  	[tilespmem:v17+s13+$0x0] =	vst.idx.msk vm3, v10;
	s18 =	sadd.s32 $0x80000003, s31  }
0x29f: {  	[tilespmem:v22+s13+$0x0] =	vst.idx.msk vm4, v13;
	s20 =	sshrl.u32 s18, $0x2  }
0x2a0: {  	[tilespmem:v24+s13+$0x0] =	vst.idx.msk vm5, v9;
	p0 =	seq.s32 s20, $0x0  }
.Ltmp15:
0x2a1: {  	[tilespmem:v25+s13+$0x0] =	vst.idx.msk vm6, v14;
	(pc) =	sbr.rel @p0 .LBB2_41-.Ltmp15, $4  }
0x2a2: {  	[tilespmem:v26+s13+$0x0] =	vst.idx.msk vm7, v15  }
0x2a3: {  	[tilespmem:v27+s13+$0x0] =	vst.idx.msk vm8, v19  }
0x2a4: {  	v8 =	vimm.f32 $-Inf;
	v10 =	vimm.f32 $-Inf;
	[tilespmem:v28+s13+$0x0] =	vst.idx.msk vm9, v21  }
0x2a5: {  	v11 =	vimm.f32 $-Inf;
	v9 =	vimm.f32 $-Inf;
	[tilespmem:v29+s13+$0x0] =	vst.idx.msk vm10, v23;
	v5 =	vimm.f32 $-Inf;
	s18 =	simm.s32 $0x3  }
0x2a6: {  	s22 =	simm.s32 $0x1;
	p6 =	sne.s32 s20, $0x1  }
.Ltmp16:
0x2a7: {  	s23 =	simm.s32 $0x2;
	s19 =	simm.s32 $0x0;
	(pc) =	sbr.rel @!p6 .LBB2_27-.Ltmp16, $4  }
0x2a8: {  	v13 =	vmov s22;
	v11 =	vmov s23;
	v18 =	vmov s19  }
0x2a9: {  	s21 =	sadd.s32 $0xFFFFFFFF, s20;
	s20 =	simm.s32 $0x7;
	v9 =	vadd.s32 s22, v6;
	v10 =	vadd.s32 s23, v6;
	v8 =	vand.u32 $0x7D, v13  }
0x2aa: {  	p0 =	por $0x0, $0x0;
	p1 =	por $0x0, $0x0;
	p2 =	por $0x0, $0x0;
	v12 =	vand.u32 $0x7E, v11;
	v9 =	vand.u32 $0xFFFFFF80, v9;
	v10 =	vand.u32 $0xFFFFFF80, v10  }
0x2ab: {  	p3 =	por $0x0, $0x0;
	p4 =	por $0x0, $0x0;
	p5 =	por $0x0, $0x0;
	v33 =	vand.u32 $0x7C, v18;
	v35 =	vor.u32 v8, v9;
	v19 =	vor.u32 v12, v10  }
0x2ac: {  	v8 =	vadd.s32 s19, v6;
	v9 =	vadd.s32 s18, v6  }
0x2ad: {  	v8 =	vand.u32 $0xFFFFFF80, v8  }
0x2ae: {  	v8 =	vor.u32 v33, v8;
	_ =	sdelay $0x1  }
0x2af: {  	v12 =	vld.idx.msk [tilespmem:v35+s13+$0x0], $0xffff  }
0x2b0: {  	v9 =	vld.idx.msk [tilespmem:v9+s13+$0x0], $0xffff  }
0x2b1: {  	v15 =	vld.idx.msk [tilespmem:v19+s13+$0x0], $0xffff  }
0x2b2: {  	v14 =	vld.idx.msk [tilespmem:v8+s13+$0x0], $0xffff  }
0x2b3: {  	s22 =	simm.s32 $0x5;
	v16 =	vmov s18;
	vm0 =	vlt.s32 v13, v7;
	vm14 =	vlt.s32 v11, v7  }
0x2b4: {  	s23 =	simm.s32 $0x6;
	vm15 =	vlt.s32 v18, v7;
	p6 =	sne.s32 s21, $0x1;
	v10 =	vmov s22;
	vm1 =	vlt.s32 v16, v7  }
.Ltmp17:
0x2b5: {  	v61 =	vadd.s32 s22, v6;
	v62 =	vadd.s32 s23, v6;
	v58 =	vnsel vm1, $0xFF800000, v9;
	(pc) =	sbr.rel @!p6 .LBB2_29-.Ltmp17, $4  }
0x2b6: {  	v60 =	vand.u32 $0x7D, v10;
	v63 =	vand.u32 $0xFFFFFF80, v62;
	v12 =	vnsel vm0, $0xFF800000, v12;
	(xrf1) =	vsort.ascd.msk.f32 $0xffff, v58, v58  }
0x2b7: {  	s19 =	simm.s32 $0x4;
	v59 =	vnsel vm14, $0xFF800000, v15;
	v8 =	vmov s23;
	v11 =	vnsel vm15, $0xFF800000, v14;
	(xrf1) =	vsort.ascd.msk.f32 $0xffff, v12, v12  }
0x2b8: {  	v16 =	vand.u32 $0x7E, v8;
	v9 =	vmov s19;
	(xrf1) =	vsort.ascd.msk.f32 $0xffff, v11, v11;
	v11 =	vand.u32 $0xFFFFFF80, v61  }
0x2b9: {  	s21 =	sadd.s32 $0xFFFFFFFF, s21;
	s18 =	simm.s32 $0xB;
	p0 =	por $0x1, $0x1;
	v19 =	vor.u32 v16, v63;
	v33 =	vand.u32 $0x7C, v9;
	(xrf1) =	vsort.ascd.msk.f32 $0xffff, v59, v59;
	v35 =	vor.u32 v60, v11  }
0x2ba: {  	_ =	sdelay $0x4  }
0x2bb: {  	v12 =	vadd.s32 s20, v6;
	_ =	sdelay $0x1  }
0x2bc: {  	v11 =	vadd.s32 s19, v6  }
0x2bd: {  	v11 =	vand.u32 $0xFFFFFF80, v11  }
0x2be: {  	v11 =	vor.u32 v33, v11  }
0x2bf: {  	v12 =	vld.idx.msk [tilespmem:v12+s13+$0x0], $0xffff;
	v14, _, _ =	vpop (xrf1)  }
0x2c0: {  	v15 =	vld.idx.msk [tilespmem:v35+s13+$0x0], $0xffff;
	v13, _, _ =	vpop (xrf1)  }
0x2c1: {  	v17 =	vperm.xlane v13, v1  }
0x2c2: {  	v19 =	vld.idx.msk [tilespmem:v19+s13+$0x0], $0xffff;
	v18 =	vmov s20;
	vm1 =	vlt.s32 v10, v7;
	v20, _, _ =	vpop (xrf1)  }
0x2c3: {  	s23 =	simm.s32 $0xA;
	vm14 =	vlt.s32 v8, v7;
	vm0 =	vlt.s32 v18, v7;
	v16 =	vld.idx.msk [tilespmem:v11+s13+$0x0], $0xffff;
	v18 =	vmax.f32 v20, v17  }
0x2c4: {  	v11 =	vmov s23;
	v10 =	vnsel vm0, $0xFF800000, v12;
	v14 =	vperm.xlane v14, v1;
	(xrf1) =	vsort.ascd.msk.f32 $0xffff, v18, v18  }
0x2c5: {  	s22 =	simm.s32 $0x9;
	vm15 =	vlt.s32 v9, v7;
	p6 =	sne.s32 s21, $0x1;
	v12 =	vnsel vm1, $0xFF800000, v15;
	v15 =	vand.u32 $0x7E, v11;
	v8, _, _ =	vpop (xrf1);
	(xrf1) =	vsort.ascd.msk.f32 $0xffff, v10, v10  }
.Ltmp18:
0x2c6: {  	s19 =	simm.s32 $0x8;
	v13 =	vmov s22;
	v27 =	vmin.f32 v20, v17;
	v9 =	vmax.f32 v8, v14;
	(xrf1) =	vsort.ascd.msk.f32 $0xffff, v12, v12;
	(pc) =	sbr.rel @!p6 .LBB2_31-.Ltmp18, $4  }
0x2c7: {  	v8 =	vmin.f32 v8, v14;
	v14 =	vadd.s32 s23, v6;
	v18 =	vmov s19;
	(xrf1) =	vsort.ascd.msk.f32 $0xffff, v9, v9  }
0x2c8: {  	v10 =	vnsel vm15, $0xFF800000, v16;
	v12 =	vnsel vm14, $0xFF800000, v19;
	(xrf1) =	vsort.ascd.msk.f32 $0xffff, v8, v8;
	v8 =	vadd.s32 s22, v6  }
0x2c9: {  	v9 =	vand.u32 $0x7D, v13;
	(xrf1) =	vsort.ascd.msk.f32 $0xffff, v10, v10;
	v8 =	vand.u32 $0xFFFFFF80, v8;
	v10 =	vand.u32 $0xFFFFFF80, v14  }
0x2ca: {  	s21 =	sadd.s32 $0xFFFFFFFF, s21;
	s20 =	simm.s32 $0xF;
	p1 =	por $0x1, $0x1;
	v33 =	vand.u32 $0x7C, v18;
	(xrf1) =	vsort.ascd.msk.f32 $0xffff, v12, v12;
	v35 =	vor.u32 v9, v8;
	v19 =	vor.u32 v15, v10  }
0x2cb: {  	_ =	sdelay $0x1  }
0x2cc: {  	(xrf1) =	vsort.ascd.msk.f32 $0xffff, v27, v27;
	_ =	sdelay $0x1  }
0x2cd: {  	v8 =	vadd.s32 s18, v6  }
0x2ce: {  	v9 =	vadd.s32 s19, v6  }
0x2cf: {  	v9 =	vand.u32 $0xFFFFFF80, v9  }
0x2d0: {  	v10 =	vor.u32 v33, v9;
	v14, _, _ =	vpop (xrf1)  }
0x2d1: {  	v12 =	vld.idx.msk [tilespmem:v35+s13+$0x0], $0xffff;
	v16, _, _ =	vpop (xrf1)  }
0x2d2: {  	v21 =	vmov s18;
	vm0 =	vlt.s32 v13, v7;
	vm14 =	vlt.s32 v11, v7;
	s19 =	simm.s32 $0xC;
	v15 =	vld.idx.msk [tilespmem:v8+s13+$0x0], $0xffff;
	v17, _, _ =	vpop (xrf1)  }
0x2d3: {  	s22 =	simm.s32 $0xD;
	s23 =	simm.s32 $0xE;
	v19 =	vld.idx.msk [tilespmem:v19+s13+$0x0], $0xffff;
	vm15 =	vlt.s32 v18, v7;
	vm1 =	vlt.s32 v21, v7;
	v18 =	vmov s19;
	v20, _, _ =	vpop (xrf1)  }
0x2d4: {  	v61 =	vadd.s32 s22, v6;
	v62 =	vadd.s32 s23, v6;
	v17 =	vperm.xlane v17, v1;
	v56, _, _ =	vpop (xrf1)  }
0x2d5: {  	v9 =	vmov s22;
	v63 =	vand.u32 $0xFFFFFF80, v62;
	v8 =	vmov s23;
	v10 =	vld.idx.msk [tilespmem:v10+s13+$0x0], $0xffff;
	v57, _, _ =	vpop (xrf1)  }
0x2d6: {  	v12 =	vnsel vm0, $0xFF800000, v12;
	v13 =	vperm.xlane v56, v1;
	v11 =	vmax.f32 v57, v17  }
0x2d7: {  	v16 =	vperm.xlane v16, v1;
	v15 =	vnsel vm1, $0xFF800000, v15;
	v20 =	vperm.xlane v20, v1;
	(xrf1) =	vsort.ascd.msk.f32 $0xffff, v11, v11  }
0x2d8: {  	p6 =	sne.s32 s21, $0x1;
	v19 =	vnsel vm14, $0xFF800000, v19;
	v27 =	vmin.f32 v57, v17;
	v17, _, _ =	vpop (xrf1);
	v41 =	vmax.f32 v14, v13;
	(xrf1) =	vsort.ascd.msk.f32 $0xffff, v15, v15  }
.Ltmp19:
0x2d9: {  	v60 =	vand.u32 $0x7E, v8;
	v58 =	vmin.f32 v17, v16;
	v16 =	vmax.f32 v17, v16;
	v11, _, _ =	vpop (xrf1);
	(xrf1) =	vsort.ascd.msk.f32 $0xffff, v12, v12;
	(pc) =	sbr.rel @!p6 .LBB2_33-.Ltmp19, $4  }
0x2da: {  	v10 =	vnsel vm15, $0xFF800000, v10;
	v17 =	vmin.f32 v14, v13;
	v59 =	vmin.f32 v11, v20;
	(xrf1) =	vsort.ascd.msk.f32 $0xffff, v16, v16  }
0x2db: {  	v38 =	vmax.f32 v11, v20;
	v11 =	vand.u32 $0x7D, v9;
	v42 =	vmin.f32 v59, v17;
	(xrf1) =	vsort.ascd.msk.f32 $0xffff, v58, v58  }
0x2dc: {  	v40 =	vmax.f32 v59, v17;
	v45 =	vmax.f32 v38, v41;
	(xrf1) =	vsort.ascd.msk.f32 $0xffff, v10, v10;
	v10 =	vand.u32 $0xFFFFFF80, v61  }
0x2dd: {  	s21 =	sadd.s32 $0xFFFFFFFF, s21;
	s18 =	simm.s32 $0x13;
	p2 =	por $0x1, $0x1;
	v33 =	vand.u32 $0x7C, v18;
	(xrf1) =	vsort.ascd.msk.f32 $0xffff, v19, v19;
	v35 =	vor.u32 v11, v10;
	v19 =	vor.u32 v60, v63  }
0x2de: {  	_ =	sdelay $0x1  }
0x2df: {  	(xrf1) =	vsort.ascd.msk.f32 $0xffff, v27, v27;
	_ =	sdelay $0x1  }
0x2e0: {  	v11 =	vadd.s32 s19, v6  }
0x2e1: {  	v10 =	vadd.s32 s20, v6;
	v11 =	vand.u32 $0xFFFFFF80, v11  }
0x2e2: {  	(xrf1) =	vsort.ascd.msk.f32 $0xffff, v40, v40;
	v12 =	vor.u32 v33, v11  }
0x2e3: {  	(xrf1) =	vsort.ascd.msk.f32 $0xffff, v45, v45;
	v15, _, _ =	vpop (xrf1)  }
0x2e4: {  	(xrf1) =	vsort.ascd.msk.f32 $0xffff, v42, v42;
	v16, _, _ =	vpop (xrf1)  }
0x2e5: {  	v17, _, _ =	vpop (xrf1)  }
0x2e6: {  	v20 =	vmin.f32 v38, v41;
	v10 =	vld.idx.msk [tilespmem:v10+s13+$0x0], $0xffff;
	v21, _, _ =	vpop (xrf1)  }
0x2e7: {  	s22 =	simm.s32 $0x11;
	v22 =	vmov s20;
	vm0 =	vlt.s32 v9, v7;
	v12 =	vld.idx.msk [tilespmem:v12+s13+$0x0], $0xffff;
	v17 =	vperm.xlane v17, v1;
	v9, _, _ =	vpop (xrf1)  }
0x2e8: {  	v14 =	vld.idx.msk [tilespmem:v35+s13+$0x0], $0xffff;
	vm14 =	vlt.s32 v8, v7;
	s19 =	simm.s32 $0x10;
	vm15 =	vlt.s32 v18, v7;
	v13 =	vmov s22;
	v60, _, _ =	vpop (xrf1)  }
0x2e9: {  	s23 =	simm.s32 $0x12;
	vm1 =	vlt.s32 v22, v7;
	v18 =	vmov s19;
	v8 =	vmax.f32 v60, v17  }
0x2ea: {  	v11 =	vmov s23;
	v62 =	vand.u32 $0x7D, v13;
	(xrf1) =	vsort.ascd.msk.f32 $0xffff, v20, v20;
	v9 =	vperm.xlane v9, v1  }
0x2eb: {  	v19 =	vld.idx.msk [tilespmem:v19+s13+$0x0], $0xffff;
	v16 =	vperm.xlane v16, v1;
	v21 =	vperm.xlane v21, v1;
	v27 =	vmin.f32 v60, v17;
	v17, _, _ =	vpop (xrf1)  }
0x2ec: {  	v10 =	vnsel vm1, $0xFF800000, v10;
	v61 =	vnsel vm15, $0xFF800000, v12;
	(xrf1) =	vsort.ascd.msk.f32 $0xffff, v8, v8;
	v12 =	vmin.f32 v15, v9;
	v8, _, _ =	vpop (xrf1)  }
0x2ed: {  	p6 =	sne.s32 s21, $0x1;
	v14 =	vnsel vm0, $0xFF800000, v14;
	v20 =	vmin.f32 v17, v16;
	(xrf1) =	vsort.ascd.msk.f32 $0xffff, v10, v10;
	v10 =	vmin.f32 v8, v21  }
.Ltmp20:
0x2ee: {  	v23 =	vand.u32 $0x7E, v11;
	v17 =	vmax.f32 v17, v16;
	(xrf1) =	vsort.ascd.msk.f32 $0xffff, v14, v14;
	v16 =	vmin.f32 v10, v12;
	(pc) =	sbr.rel @!p6 .LBB2_35-.Ltmp20, $4  }
0x2ef: {  	(xrf1) =	vsort.ascd.msk.f32 $0xffff, v17, v17;
	v14 =	vmax.f32 v10, v12;
	v10 =	vmax.f32 v15, v9;
	v15 =	vadd.s32 s22, v6  }
0x2f0: {  	v19 =	vnsel vm14, $0xFF800000, v19;
	v8 =	vmax.f32 v8, v21;
	v12, _, _ =	vpop (xrf1);
	(xrf1) =	vsort.ascd.msk.f32 $0xffff, v20, v20;
	v20 =	vadd.s32 s23, v6  }
0x2f1: {  	v9, _, _ =	vpop (xrf1);
	v17 =	vmax.f32 v8, v10;
	(xrf1) =	vsort.ascd.msk.f32 $0xffff, v61, v61;
	v63 =	vand.u32 $0xFFFFFF80, v15;
	v20 =	vand.u32 $0xFFFFFF80, v20  }
0x2f2: {  	s21 =	sadd.s32 $0xFFFFFFFF, s21;
	s20 =	simm.s32 $0x17;
	p3 =	por $0x1, $0x1;
	v33 =	vand.u32 $0x7C, v18;
	(xrf1) =	vsort.ascd.msk.f32 $0xffff, v19, v19;
	v35 =	vor.u32 v62, v63;
	v19 =	vor.u32 v23, v20;
	v15, _, _ =	vpop (xrf1)  }
0x2f3: {  	_ =	sdelay $0x1  }
0x2f4: {  	(xrf1) =	vsort.ascd.msk.f32 $0xffff, v27, v27  }
0x2f5: {  	v20 =	vadd.s32 s18, v6  }
0x2f6: {  	v21 =	vadd.s32 s19, v6  }
0x2f7: {  	(xrf1) =	vsort.ascd.msk.f32 $0xffff, v14, v14;
	v21 =	vand.u32 $0xFFFFFF80, v21  }
0x2f8: {  	(xrf1) =	vsort.ascd.msk.f32 $0xffff, v17, v17;
	v24 =	vor.u32 v33, v21;
	v22, _, _ =	vpop (xrf1)  }
0x2f9: {  	v23 =	vld.idx.msk [tilespmem:v35+s13+$0x0], $0xffff;
	(xrf1) =	vsort.ascd.msk.f32 $0xffff, v16, v16;
	v26, _, _ =	vpop (xrf1)  }
0x2fa: {  	s22 =	simm.s32 $0x15;
	v27 =	vmin.f32 v8, v10;
	vm0 =	vlt.s32 v13, v7;
	vm14 =	vlt.s32 v11, v7;
	v20 =	vld.idx.msk [tilespmem:v20+s13+$0x0], $0xffff;
	v25, _, _ =	vpop (xrf1)  }
0x2fb: {  	s23 =	simm.s32 $0x16;
	s19 =	simm.s32 $0x14;
	vm15 =	vlt.s32 v18, v7;
	v34 =	vperm.xlane v12, v1;
	v43 =	vmov s22;
	v28, _, _ =	vpop (xrf1)  }
0x2fc: {  	v19 =	vld.idx.msk [tilespmem:v19+s13+$0x0], $0xffff;
	v37 =	vmov s23;
	v18 =	vmov s19;
	v21 =	vperm.xlane v22, v1;
	v29, _, _ =	vpop (xrf1)  }
0x2fd: {  	v24 =	vld.idx.msk [tilespmem:v24+s13+$0x0], $0xffff;
	v22 =	vperm.xlane v25, v1;
	v25 =	vmov s18;
	v28 =	vperm.xlane v28, v1;
	v13, _, _ =	vpop (xrf1)  }
0x2fe: {  	v34 =	vmax.f32 v5, v34;
	v23 =	vnsel vm0, $0xFF800000, v23;
	vm1 =	vlt.s32 v25, v7;
	v30, _, _ =	vpop (xrf1)  }
0x2ff: {  	(xrf1) =	vsort.ascd.msk.f32 $0xffff, v27, v27;
	v25 =	vperm.xlane v29, v1;
	v29 =	vnsel vm1, $0xFF800000, v20;
	v11 =	vmax.f32 v30, v28;
	v27, _, _ =	vpop (xrf1)  }
0x300: {  	v13 =	vperm.xlane v13, v1;
	v20 =	vmin.f32 v30, v28;
	v28 =	vmin.f32 v27, v22  }
0x301: {  	v19 =	vnsel vm14, $0xFF800000, v19;
	v27 =	vmax.f32 v27, v22;
	(xrf1) =	vsort.ascd.msk.f32 $0xffff, v11, v11;
	v22 =	vperm.xlane v15, v1  }
0x302: {  	p6 =	sne.s32 s21, $0x1;
	v24 =	vnsel vm15, $0xFF800000, v24;
	v31 =	vmin.f32 v26, v13;
	v26 =	vmax.f32 v26, v13;
	(xrf1) =	vsort.ascd.msk.f32 $0xffff, v29, v29;
	v11, _, _ =	vpop (xrf1)  }
.Ltmp21:
0x303: {  	v13 =	vand.u32 $0x7E, v37;
	(xrf1) =	vsort.ascd.msk.f32 $0xffff, v23, v23;
	v29 =	vmin.f32 v11, v25;
	v25 =	vmax.f32 v11, v25;
	(pc) =	sbr.rel @!p6 .LBB2_37-.Ltmp21, $4  }
0x304: {  	(xrf1) =	vsort.ascd.msk.f32 $0xffff, v27, v27;
	v11 =	vand.u32 $0x7D, v43;
	v27 =	vadd.s32 s22, v6;
	v30 =	vmin.f32 v29, v31  }
0x305: {  	v23 =	vmax.f32 v29, v31;
	(xrf1) =	vsort.ascd.msk.f32 $0xffff, v28, v28;
	v29 =	vmax.f32 v25, v26;
	v31, _, _ =	vpop (xrf1);
	v28 =	vadd.s32 s23, v6  }
0x306: {  	v27 =	vand.u32 $0xFFFFFF80, v27;
	(xrf1) =	vsort.ascd.msk.f32 $0xffff, v24, v24;
	v24, _, _ =	vpop (xrf1);
	v36 =	vand.u32 $0xFFFFFF80, v28;
	v28 =	vperm.xlane v9, v1  }
0x307: {  	s21 =	sadd.s32 $0xFFFFFFFF, s21;
	p4 =	por $0x1, $0x1;
	v33 =	vand.u32 $0x7C, v18;
	s18 =	simm.s32 $0x1B;
	v35 =	vor.u32 v11, v27;
	(xrf1) =	vsort.ascd.msk.f32 $0xffff, v19, v19;
	v32, _, _ =	vpop (xrf1);
	v19 =	vor.u32 v13, v36  }
0x308: {  	_ = 	snop  }
0x309: {  	(xrf1) =	vsort.ascd.msk.f32 $0xffff, v20, v20;
	v11 =	vadd.s32 s20, v6;
	v13 =	vmax.f32 v5, v28  }
0x30a: {  	v36 =	vmax.f32 v5, v22;
	v38 =	vmax.f32 v5, v21;
	v44 =	vmin.f32 v25, v26  }
0x30b: {  	v27 =	vadd.s32 s19, v6;
	vm0 =	vlt.s32 v43, v7;
	(xrf1) =	vsort.ascd.msk.f32 $0xffff, v23, v23;
	v39 =	vmax.f32 v13, v34  }
0x30c: {  	v35 =	vld.idx.msk [tilespmem:v35+s13+$0x0], $0xffff;
	v40 =	vmax.f32 v38, v36;
	v42 =	vmin.f32 v13, v34;
	(xrf1) =	vsort.ascd.msk.f32 $0xffff, v29, v29  }
0x30d: {  	v19 =	vld.idx.msk [tilespmem:v19+s13+$0x0], $0xffff;
	v36 =	vmin.f32 v38, v36;
	v13 =	vmin.f32 v39, v40;
	(xrf1) =	vsort.ascd.msk.f32 $0xffff, v30, v30  }
0x30e: {  	v27 =	vand.u32 $0xFFFFFF80, v27;
	(xrf1) =	vsort.ascd.msk.f32 $0xffff, v13, v13;
	v41, _, _ =	vpop (xrf1);
	v60 =	vld.idx.msk [tilespmem:v11+s13+$0x0], $0xffff;
	v11 =	vmin.f32 v42, v36  }
0x30f: {  	v27 =	vor.u32 v33, v27;
	(xrf1) =	vsort.ascd.msk.f32 $0xffff, v11, v11;
	v11 =	vmax.f32 v39, v40;
	v45, _, _ =	vpop (xrf1)  }
0x310: {  	v48 =	vmov s20;
	vm14 =	vlt.s32 v37, v7;
	v38 =	vmax.f32 v42, v36;
	(xrf1) =	vsort.ascd.msk.f32 $0xffff, v11, v11;
	v61, _, _ =	vpop (xrf1)  }
0x311: {  	s22 =	simm.s32 $0x19;
	s19 =	simm.s32 $0x18;
	vm15 =	vlt.s32 v18, v7;
	vm1 =	vlt.s32 v48, v7;
	(xrf1) =	vsort.ascd.msk.f32 $0xffff, v38, v38;
	v62, _, _ =	vpop (xrf1)  }
0x312: {  	v18 =	vmov s19;
	v13 =	vmov s22;
	v35 =	vnsel vm0, $0xFF800000, v35;
	v49, _, _ =	vpop (xrf1)  }
0x313: {  	s23 =	simm.s32 $0x1A;
	v19 =	vnsel vm14, $0xFF800000, v19;
	v36 =	vperm.xlane v41, v1;
	(xrf1) =	vsort.ascd.msk.f32 $0xffff, v44, v44;
	v39 =	vperm.xlane v62, v1;
	v50, _, _ =	vpop (xrf1)  }
0x314: {  	v11 =	vmov s23;
	v51 =	vld.idx.msk [tilespmem:v27+s13+$0x0], $0xffff;
	v63 =	vperm.xlane v61, v1;
	v44 =	vperm.xlane v32, v1;
	v54, _, _ =	vpop (xrf1)  }
0x315: {  	v61 =	vand.u32 $0x7E, v11;
	v53 =	vnsel vm1, $0xFF800000, v60;
	v33 =	vmax.f32 v54, v39  }
0x316: {  	v60 =	vand.u32 $0x7D, v13;
	v52 =	vperm.xlane v49, v1;
	v56 =	vperm.xlane v50, v1;
	v55, _, _ =	vpop (xrf1);
	(xrf1) =	vsort.ascd.msk.f32 $0xffff, v33, v33  }
0x317: {  	v62 =	vadd.s32 s22, v6;
	v27 =	vmin.f32 v54, v39;
	v46 =	vmin.f32 v55, v63;
	(xrf1) =	vsort.ascd.msk.f32 $0xffff, v53, v53  }
0x318: {  	p6 =	sne.s32 s21, $0x1;
	v49 =	vadd.s32 s23, v6;
	v57 =	vmax.f32 v55, v63;
	v47, _, _ =	vpop (xrf1);
	v59 =	vmin.f32 v45, v56;
	(xrf1) =	vsort.ascd.msk.f32 $0xffff, v35, v35  }
.Ltmp22:
0x319: {  	v48 =	vnsel vm15, $0xFF800000, v51;
	v41 =	vmax.f32 v45, v56;
	v63 =	vperm.xlane v31, v1;
	v37, _, _ =	vpop (xrf1);
	(xrf1) =	vsort.ascd.msk.f32 $0xffff, v57, v57;
	(pc) =	sbr.rel @!p6 .LBB2_40-.Ltmp22, $4  }
0x31a: {  	v50 =	vand.u32 $0xFFFFFF80, v62;
	v58 =	vmin.f32 v47, v52;
	v38 =	vmax.f32 v47, v52;
	v39, _, _ =	vpop (xrf1);
	(xrf1) =	vsort.ascd.msk.f32 $0xffff, v46, v46  }
0x31b: {  	v49 =	vand.u32 $0xFFFFFF80, v49;
	v42 =	vmin.f32 v58, v59;
	v40 =	vmax.f32 v58, v59;
	v43, _, _ =	vpop (xrf1);
	(xrf1) =	vsort.ascd.msk.f32 $0xffff, v48, v48  }
0x31c: {  	v33 =	vand.u32 $0x7C, v18;
	v45 =	vmax.f32 v38, v41;
	v46 =	vperm.xlane v24, v1;
	v51, _, _ =	vpop (xrf1);
	(xrf1) =	vsort.ascd.msk.f32 $0xffff, v19, v19  }
0x31d: {  	s20 =	sadd.s32 $0xFFFFFFFF, s21;
	s21 =	simm.s32 $0x1F;
	p5 =	por $0x1, $0x1;
	v35 =	vor.u32 v60, v50;
	v48 =	vmax.f32 v51, v63;
	v19 =	vor.u32 v61, v49;
	v47, _, _ =	vpop (xrf1)  }
.LBB2_39:
0x31e: {  	s22 =	sadd.s32 $0xFFFFFFFE, s21;
	s23 =	sadd.s32 $0xFFFFFFFF, s21;
	p6 =	sne.s32 s20, $0x1;
	v49 =	vadd.s32 s19, v6;
	v50 =	vadd.s32 s18, v6;
	(xrf1) =	vsort.ascd.msk.f32 $0xffff, v27, v27;
	v27 =	vmax.f32 v47, v46;
	v46, _, _ =	vpop (xrf1)  }
0x31f: {  	s19 =	sadd.s32 $0xFFFFFFFD, s21;
	s20 =	sadd.s32 $0xFFFFFFFF, s20;
	v47 =	vmov s22;
	v51 =	vmov s23;
	(xrf1) =	vsort.ascd.msk.f32 $0xffff, v40, v40;
	v40 =	vmax.f32 v46, v44;
	v44, _, _ =	vpop (xrf1)  }
0x320: {  	v52 =	vmovc v39;
	v46 =	vmov s19;
	v49 =	vand.u32 $0xFFFFFF80, v49;
	(xrf1) =	vsort.ascd.msk.f32 $0xffff, v45, v45;
	v36 =	vmax.f32 v44, v36  }
0x321: {  	v39 =	vor.u32 v33, v49;
	v33 =	vand.u32 $0x7C, v46;
	v44 =	vmax.f32 v27, v48;
	(xrf1) =	vsort.ascd.msk.f32 $0xffff, v42, v42;
	v42, _, _ =	vpop (xrf1)  }
0x322: {  	v27 =	vmin.f32 v27, v48;
	v45 =	vmin.f32 v36, v40;
	v36 =	vmax.f32 v36, v40;
	v35 =	vld.idx.msk [tilespmem:v35+s13+$0x0], $0xffff  }
0x323: {  	v48 =	vmin.f32 v27, v45;
	v27 =	vmax.f32 v27, v45;
	v45 =	vmin.f32 v44, v36;
	v40 =	vld.idx.msk [tilespmem:v50+s13+$0x0], $0xffff  }
0x324: {  	v38 =	vmin.f32 v38, v41;
	v41 =	vmax.f32 v44, v36;
	v49, _, _ =	vpop (xrf1);
	(xrf1) =	vsort.ascd.msk.f32 $0xffff, v45, v45  }
0x325: {  	v36 =	vperm.xlane v42, v1;
	v44, _, _ =	vpop (xrf1);
	(xrf1) =	vsort.ascd.msk.f32 $0xffff, v48, v48  }
0x326: {  	v39 =	vld.idx.msk [tilespmem:v39+s13+$0x0], $0xffff;
	v42 =	vperm.xlane v44, v1;
	v44, _, _ =	vpop (xrf1);
	(xrf1) =	vsort.ascd.msk.f32 $0xffff, v41, v41  }
0x327: {  	v41 =	vmov s18;
	s18 =	smov.u32 s21;
	v19 =	vld.idx.msk [tilespmem:v19+s13+$0x0], $0xffff;
	v50 =	vperm.xlane v44, v1;
	v45, _, _ =	vpop (xrf1);
	(xrf1) =	vsort.ascd.msk.f32 $0xffff, v27, v27  }
0x328: {  	vm0 =	vlt.s32 v13, v7;
	vm1 =	vlt.s32 v41, v7;
	v41 =	vperm.xlane v45, v1;
	v45, _, _ =	vpop (xrf1)  }
0x329: {  	v13 =	vmov v47;
	v35 =	vnsel vm0, $0xFF800000, v35;
	v40 =	vnsel vm1, $0xFF800000, v40;
	v48, _, _ =	vpop (xrf1);
	(xrf1) =	vsort.ascd.msk.f32 $0xffff, v38, v38  }
0x32a: {  	vm0 =	vlt.s32 v11, v7;
	v27 =	vmin.f32 v48, v50;
	v53 =	vmax.f32 v48, v50;
	v44, _, _ =	vpop (xrf1)  }
0x32b: {  	v11 =	vmovc v51;
	vm1 =	vlt.s32 v18, v7;
	v45 =	vperm.xlane v45, v1;
	v47 =	vmin.f32 v44, v42  }
0x32c: {  	v48 =	vnsel vm1, $0xFF800000, v39;
	v50 =	vmax.f32 v44, v42;
	v44 =	vperm.xlane v43, v1;
	(xrf1) =	vsort.ascd.msk.f32 $0xffff, v53, v53;
	v38, _, _ =	vpop (xrf1)  }
0x32d: {  	v54 =	vmin.f32 v49, v45;
	v19 =	vnsel vm0, $0xFF800000, v19;
	(xrf1) =	vsort.ascd.msk.f32 $0xffff, v40, v40;
	v53 =	vmin.f32 v38, v41;
	v51, _, _ =	vpop (xrf1)  }
0x32e: {  	v18 =	vmov v46;
	(xrf1) =	vsort.ascd.msk.f32 $0xffff, v35, v35;
	v42 =	vmin.f32 v53, v54;
	v40 =	vmax.f32 v53, v54;
	v39, _, _ =	vpop (xrf1)  }
.Ltmp23:
0x32f: {  	v38 =	vmax.f32 v38, v41;
	v41 =	vmax.f32 v49, v45;
	(xrf1) =	vsort.ascd.msk.f32 $0xffff, v50, v50;
	v43, _, _ =	vpop (xrf1);
	(pc) =	sbr.rel @p6 .LBB2_39-.Ltmp23, $4  }
0x330: {  	v49 =	vand.u32 $0x7E, v11;
	v35 =	vand.u32 $0x7D, v13;
	v45 =	vmax.f32 v38, v41;
	(xrf1) =	vsort.ascd.msk.f32 $0xffff, v47, v47  }
0x331: {  	v46 =	vadd.s32 s22, v6;
	v54 =	vadd.s32 s23, v6;
	(xrf1) =	vsort.ascd.msk.f32 $0xffff, v48, v48;
	v48 =	vperm.xlane v37, v1;
	v37 =	vmovc v51  }
0x332: {  	v50 =	vand.u32 $0xFFFFFF80, v46;
	v53 =	vand.u32 $0xFFFFFF80, v54;
	v46 =	vperm.xlane v52, v1;
	(xrf1) =	vsort.ascd.msk.f32 $0xffff, v19, v19;
	v51, _, _ =	vpop (xrf1)  }
0x333: {  	s21 =	sadd.s32 $0x4, s21;
	v35 =	vor.u32 v35, v50;
	v19 =	vor.u32 v49, v53;
	v48 =	vmax.f32 v51, v48;
	v47, _, _ =	vpop (xrf1)  }
.LBB2_40:
0x334: {  	v49, _, _ =	vpop @p5 (xrf1)  }
0x335: {  	(xrf1) =	vsort.ascd.msk.f32 @p1 $0xffff, v27, v27;
	v46 =	vmax.f32 @p4 v47, v46;
	v27, _, _ =	vpop @p5 (xrf1)  }
0x336: {  	v47 =	vpsel p5, v49, v5;
	(xrf1) =	vsort.ascd.msk.f32 @p2 $0xffff, v40, v40;
	v27 =	vpsel p5, v27, v5  }
0x337: {  	v40 =	vmax.f32 @p4 v47, v44;
	(xrf1) =	vsort.ascd.msk.f32 @p2 $0xffff, v45, v45;
	v27 =	vmax.f32 @p4 v27, v36  }
0x338: {  	v45 =	vmin.f32 @p4 v46, v48;
	v36 =	vmax.f32 @p4 v46, v48;
	v44 =	vmax.f32 @p4 v27, v40  }
0x339: {  	v62 =	vadd.s32 s18, v6;
	(xrf1) =	vsort.ascd.msk.f32 @p2 $0xffff, v42, v42;
	v27 =	vmin.f32 @p4 v27, v40;
	v42 =	vmin.f32 @p4 v36, v44  }
0x33a: {  	(xrf1) =	vsort.ascd.msk.f32 @p4 $0xffff, v42, v42;
	v42 =	vmin.f32 @p4 v45, v27  }
0x33b: {  	v6 =	vadd.s32 s19, v6;
	v40, _, _ =	vpop @p3 (xrf1)  }
0x33c: {  	vm1 =	vlt.s32 v13, v7;
	v6 =	vand.u32 $0xFFFFFF80, v6;
	v47, _, _ =	vpop @p1 (xrf1)  }
0x33d: {  	v6 =	vor.u32 v33, v6;
	v36 =	vmax.f32 @p4 v36, v44;
	(xrf1) =	vsort.ascd.msk.f32 @p4 $0xffff, v42, v42;
	v42, _, _ =	vpop @p0 (xrf1)  }
0x33e: {  	vm15 =	vlt.s32 v11, v7;
	v63 =	vld.idx.msk [tilespmem:v62+s13+$0x0], $0xffff;
	v27 =	vmax.f32 @p4 v45, v27;
	v33, _, _ =	vpop @p0 (xrf1);
	(xrf1) =	vsort.ascd.msk.f32 @p4 $0xffff, v36, v36  }
0x33f: {  	vm2 =	vlt.s32 v18, v7;
	v48 =	vld.idx.msk [tilespmem:v35+s13+$0x0], $0xffff;
	v36 =	vmin.f32 @p2 v38, v41;
	v41, _, _ =	vpop @p1 (xrf1);
	(xrf1) =	vsort.ascd.msk.f32 @p4 $0xffff, v27, v27  }
0x340: {  	v45 =	vmov s18;
	v38 =	vperm.xlane @p3 v40, v1;
	v33 =	vperm.xlane @p0 v33, v1;
	v40, _, _ =	vpop @p1 (xrf1)  }
0x341: {  	v19 =	vld.idx.msk [tilespmem:v19+s13+$0x0], $0xffff;
	vm0 =	vlt.s32 v45, v7;
	v35 =	vperm.xlane @p0 v42, v1;
	(xrf1) =	vsort.ascd.msk.f32 @p2 $0xffff, v36, v36;
	v42, _, _ =	vpop @p0 (xrf1)  }
0x342: {  	v6 =	vld.idx.msk [tilespmem:v6+s13+$0x0], $0xffff;
	v18 =	vperm.xlane @p1 v40, v1;
	v11 =	vmin.f32 @p0 v42, v33;
	v33 =	vmax.f32 @p0 v42, v33  }
0x343: {  	v49 =	vnsel vm0, $0xFF800000, v63;
	v13 =	vperm.xlane @p1 v41, v1;
	v21 =	vpsel p3, v38, v21;
	v36, _, _ =	vpop @p0 (xrf1);
	(xrf1) =	vsort.ascd.msk.f32 @p0 $0xffff, v33, v33  }
0x344: {  	v27 =	vnsel vm1, $0xFF800000, v48;
	v7 =	vmin.f32 @p0 v36, v35;
	v41 =	vmin.f32 @p1 v47, v18;
	(xrf1) =	vsort.ascd.msk.f32 $0xffff, v49, v49  }
0x345: {  	v35 =	vmax.f32 @p0 v36, v35;
	v36 =	vperm.xlane @p3 v43, v1;
	v33, _, _ =	vpop @p1 (xrf1);
	(xrf1) =	vsort.ascd.msk.f32 $0xffff, v27, v27  }
0x346: {  	v18 =	vmax.f32 @p1 v47, v18;
	v40 =	vmin.f32 @p1 v33, v13;
	v42, _, _ =	vpop @p2 (xrf1);
	(xrf1) =	vsort.ascd.msk.f32 @p0 $0xffff, v35, v35  }
0x347: {  	v35 =	vperm.xlane @p3 v37, v1;
	v27 =	vmin.f32 @p1 v40, v41;
	v40 =	vmax.f32 @p1 v40, v41;
	v41, _, _ =	vpop @p2 (xrf1)  }
0x348: {  	v6 =	vnsel vm2, $0xFF800000, v6;
	v11 =	vpsel p0, v11, v20;
	v13 =	vmax.f32 @p1 v33, v13;
	(xrf1) =	vsort.ascd.msk.f32 @p0 $0xffff, v7, v7;
	v33, _, _ =	vpop @p2 (xrf1)  }
0x349: {  	v19 =	vnsel vm15, $0xFF800000, v19;
	v22 =	vpsel p3, v36, v22;
	v7 =	vmax.f32 @p1 v13, v18;
	(xrf1) =	vsort.ascd.msk.f32 $0xffff, v6, v6;
	v37, _, _ =	vpop @p4 (xrf1)  }
0x34a: {  	v6 =	vperm.xlane @p3 v39, v1;
	v23 =	vpsel p1, v40, v23;
	v37 =	vpsel p4, v37, v5  }
0x34b: {  	v7 =	vpsel p1, v7, v29;
	(xrf1) =	vsort.ascd.msk.f32 $0xffff, v19, v19;
	v19 =	vmax.f32 @p3 v37, v35;
	v35, _, _ =	vpop @p4 (xrf1)  }
0x34c: {  	v27 =	vpsel p1, v27, v30;
	v6 =	vpsel p3, v6, v28;
	v20 =	vpsel p4, v35, v5;
	v28, _, _ =	vpop @p4 (xrf1)  }
0x34d: {  	v19 =	vpsel p3, v19, v34;
	(xrf1) =	vsort.ascd.msk.f32 @p0 $0xffff, v11, v11;
	v11, _, _ =	vpop @p4 (xrf1);
	v6 =	vmax.f32 @p3 v20, v6  }
0x34e: {  	v20 =	vpsel p4, v28, v5;
	(xrf1) =	vsort.ascd.msk.f32 @p1 $0xffff, v23, v23;
	v11 =	vpsel p4, v11, v5  }
0x34f: {  	v20 =	vmax.f32 @p3 v20, v22;
	(xrf1) =	vsort.ascd.msk.f32 @p1 $0xffff, v7, v7;
	v11 =	vmax.f32 @p3 v11, v21  }
0x350: {  	v7 =	vmax.f32 @p3 v6, v19;
	v6 =	vmin.f32 @p3 v6, v19;
	v21 =	vmax.f32 @p3 v11, v20  }
0x351: {  	(xrf1) =	vsort.ascd.msk.f32 @p1 $0xffff, v27, v27;
	v11 =	vmin.f32 @p3 v11, v20;
	v22 =	vmin.f32 @p3 v7, v21  }
0x352: {  	v19 =	vmin.f32 @p3 v6, v11;
	(xrf1) =	vsort.ascd.msk.f32 @p3 $0xffff, v22, v22;
	_ =	sdelay $0x1  }
0x353: {  	v20, _, _ =	vpop @p2 (xrf1);
	v7 =	vmax.f32 @p3 v7, v21  }
0x354: {  	(xrf1) =	vsort.ascd.msk.f32 @p3 $0xffff, v19, v19;
	v19, _, _ =	vpop @p0 (xrf1)  }
0x355: {  	v6 =	vmax.f32 @p3 v6, v11;
	v11, _, _ =	vpop (xrf1)  }
0x356: {  	(xrf1) =	vsort.ascd.msk.f32 @p3 $0xffff, v7, v7;
	v7, _, _ =	vpop (xrf1)  }
0x357: {  	(xrf1) =	vsort.ascd.msk.f32 @p3 $0xffff, v6, v6;
	v22, _, _ =	vpop @p0 (xrf1)  }
0x358: {  	v13 =	vpsel p1, v13, v25;
	v21 =	vpsel p2, v41, v24;
	v24, _, _ =	vpop @p0 (xrf1)  }
0x359: {  	v18 =	vpsel p1, v18, v26;
	v23 =	vpsel p2, v33, v32;
	v50, _, _ =	vpop (xrf1);
	v24 =	vperm.xlane @p0 v24, v1  }
0x35a: {  	v13 =	vmin.f32 @p1 v13, v18;
	v23 =	vperm.xlane @p2 v23, v1;
	v7 =	vperm.xlane v7, v1;
	v51, _, _ =	vpop (xrf1)  }
0x35b: {  	v11 =	vperm.xlane v11, v1;
	v18 =	vperm.xlane @p0 v22, v1;
	v26, _, _ =	vpop @p0 (xrf1);
	v27 =	vmin.f32 @p0 v19, v24  }
0x35c: {  	(xrf1) =	vsort.ascd.msk.f32 @p1 $0xffff, v13, v13;
	v52 =	vmin.f32 v50, v7;
	v7 =	vmax.f32 v50, v7;
	v22, _, _ =	vpop @p1 (xrf1)  }
0x35d: {  	v53 =	vmin.f32 v51, v11;
	(xrf1) =	vsort.ascd.msk.f32 $0xffff, v7, v7;
	v7 =	vmin.f32 @p0 v26, v18;
	v28, _, _ =	vpop @p1 (xrf1)  }
0x35e: {  	v11 =	vmax.f32 v51, v11;
	v29 =	vmin.f32 @p0 v7, v27;
	v7 =	vmax.f32 @p0 v7, v27;
	v27, _, _ =	vpop @p1 (xrf1)  }
0x35f: {  	v21 =	vperm.xlane @p2 v21, v1;
	v6 =	vmov @p2 v42;
	(xrf1) =	vsort.ascd.msk.f32 $0xffff, v11, v11;
	v11 =	vmax.f32 @p0 v26, v18;
	v18, _, _ =	vpop @p3 (xrf1)  }
0x360: {  	v20 =	vperm.xlane @p2 v20, v1;
	v6 =	vpsel p2, v6, v31;
	v18 =	vpsel p3, v18, v5  }
0x361: {  	v21 =	vpsel p2, v21, v0;
	v6 =	vperm.xlane @p2 v6, v1  }
0x362: {  	v20 =	vpsel p2, v20, v0;
	v19 =	vmax.f32 @p0 v19, v24;
	(xrf1) =	vsort.ascd.msk.f32 $0xffff, v53, v53  }
0x363: {  	v24 =	vmax.f32 @p0 v11, v19;
	v7 =	vpsel p0, v7, v14;
	v6 =	vmax.f32 @p2 v18, v6;
	v18, _, _ =	vpop @p3 (xrf1)  }
0x364: {  	v14 =	vpsel p2, v23, v0;
	v17 =	vpsel p0, v24, v17;
	v16 =	vpsel p0, v29, v16;
	v23, _, _ =	vpop @p3 (xrf1)  }
0x365: {  	v6 =	vpsel p2, v6, v0;
	v18 =	vpsel p3, v18, v5;
	(xrf1) =	vsort.ascd.msk.f32 $0xffff, v52, v52;
	v13, _, _ =	vpop @p3 (xrf1)  }
0x366: {  	v18 =	vmax.f32 @p2 v18, v21;
	v21 =	vpsel p3, v23, v5;
	v13 =	vpsel p3, v13, v5  }
0x367: {  	(xrf1) =	vsort.ascd.msk.f32 @p0 $0xffff, v7, v7;
	v7 =	vmax.f32 @p2 v21, v14;
	v13 =	vmax.f32 @p2 v13, v20  }
0x368: {  	(xrf1) =	vsort.ascd.msk.f32 @p0 $0xffff, v17, v17;
	v14 =	vmax.f32 @p2 v18, v6;
	v17 =	vmax.f32 @p2 v13, v7  }
0x369: {  	(xrf1) =	vsort.ascd.msk.f32 @p0 $0xffff, v16, v16;
	v16 =	vmin.f32 @p2 v14, v17  }
0x36a: {  	(xrf1) =	vsort.ascd.msk.f32 @p2 $0xffff, v16, v16;
	_ =	sdelay $0x1  }
0x36b: {  	v6 =	vmin.f32 @p2 v18, v6;
	v7 =	vmin.f32 @p2 v13, v7  }
0x36c: {  	v13 =	vmin.f32 @p2 v6, v7;
	v6 =	vmax.f32 @p2 v6, v7  }
0x36d: {  	v14 =	vmax.f32 @p2 v14, v17;
	(xrf1) =	vsort.ascd.msk.f32 @p2 $0xffff, v13, v13  }
0x36e: {  	(xrf1) =	vsort.ascd.msk.f32 @p2 $0xffff, v14, v14  }
0x36f: {  	(xrf1) =	vsort.ascd.msk.f32 @p2 $0xffff, v6, v6;
	v6, _, _ =	vpop @p1 (xrf1)  }
0x370: {  	v7, _, _ =	vpop (xrf1)  }
0x371: {  	v10 =	vpsel p0, v19, v10;
	v8 =	vpsel p0, v11, v8;
	v54, _, _ =	vpop (xrf1)  }
0x372: {  	v8 =	vmin.f32 @p0 v8, v10;
	v55, _, _ =	vpop (xrf1)  }
0x373: {  	v56, _, _ =	vpop (xrf1)  }
0x374: {  	v16, _, _ =	vpop @p0 (xrf1)  }
0x375: {  	(xrf1) =	vsort.ascd.msk.f32 @p0 $0xffff, v8, v8;
	v8, _, _ =	vpop @p0 (xrf1)  }
0x376: {  	v18, _, _ =	vpop @p0 (xrf1)  }
0x377: {  	v11 =	vpsel p1, v27, v15;
	v14 =	vmov @p1 v22;
	v15, _, _ =	vpop @p2 (xrf1)  }
0x378: {  	v9 =	vpsel p1, v28, v9;
	v12 =	vpsel p1, v14, v12;
	v13 =	vpsel p2, v15, v5  }
0x379: {  	v9 =	vperm.xlane @p1 v9, v1;
	v12 =	vperm.xlane @p1 v12, v1  }
0x37a: {  	v11 =	vperm.xlane @p1 v11, v1;
	v6 =	vperm.xlane @p1 v6, v1  }
0x37b: {  	v10 =	vperm.xlane v54, v1;
	v57 =	vperm.xlane v55, v1;
	v12 =	vmax.f32 @p1 v13, v12;
	v13, _, _ =	vpop @p2 (xrf1)  }
0x37c: {  	v9 =	vpsel p1, v9, v0;
	v11 =	vpsel p1, v11, v0;
	v13 =	vpsel p2, v13, v5  }
0x37d: {  	v6 =	vpsel p1, v6, v0;
	v58 =	vmin.f32 v56, v10;
	v59 =	vmin.f32 v7, v57  }
0x37e: {  	v10 =	vmax.f32 v56, v10;
	v7 =	vmax.f32 v7, v57;
	v60 =	vmin.f32 v58, v59;
	v17, _, _ =	vpop @p2 (xrf1)  }
0x37f: {  	v14 =	vmax.f32 v58, v59;
	v61 =	vmax.f32 v10, v7;
	v9 =	vmax.f32 @p1 v13, v9;
	v13, _, _ =	vpop @p2 (xrf1)  }
0x380: {  	(xrf1) =	vsort.ascd.msk.f32 $0xffff, v14, v14;
	v14 =	vpsel p2, v17, v5;
	v13 =	vpsel p2, v13, v5  }
0x381: {  	v12 =	vpsel p1, v12, v0;
	v11 =	vmax.f32 @p1 v14, v11;
	v6 =	vmax.f32 @p1 v13, v6  }
0x382: {  	(xrf1) =	vsort.ascd.msk.f32 $0xffff, v61, v61;
	v13 =	vmax.f32 @p1 v9, v12;
	v14 =	vmax.f32 @p1 v6, v11  }
0x383: {  	(xrf1) =	vsort.ascd.msk.f32 $0xffff, v60, v60;
	v6 =	vmin.f32 @p1 v6, v11;
	v11 =	vmin.f32 @p1 v13, v14  }
0x384: {  	(xrf1) =	vsort.ascd.msk.f32 @p1 $0xffff, v11, v11  }
0x385: {  	v9 =	vmin.f32 @p1 v9, v12  }
0x386: {  	v12 =	vmin.f32 @p1 v9, v6  }
0x387: {  	v11 =	vmax.f32 @p1 v13, v14;
	(xrf1) =	vsort.ascd.msk.f32 @p1 $0xffff, v12, v12  }
0x388: {  	v6 =	vmax.f32 @p1 v9, v6;
	(xrf1) =	vsort.ascd.msk.f32 @p1 $0xffff, v11, v11  }
0x389: {  	(xrf1) =	vsort.ascd.msk.f32 @p1 $0xffff, v6, v6;
	_ =	sdelay $0x4  }
0x38a: {  	v6, _, _ =	vpop @p0 (xrf1)  }
0x38b: {  	v9, _, _ =	vpop (xrf1)  }
0x38c: {  	v62, _, _ =	vpop (xrf1)  }
0x38d: {  	v63, _, _ =	vpop (xrf1)  }
0x38e: {  	v11 =	vmov @p0 v16;
	v15, _, _ =	vpop @p1 (xrf1)  }
0x38f: {  	v8 =	vpsel p0, v8, v0;
	v11 =	vpsel p0, v11, v0;
	v15 =	vpsel p1, v15, v5  }
0x390: {  	v8 =	vperm.xlane @p0 v8, v1;
	v13 =	vpsel p0, v18, v0;
	v11 =	vperm.xlane @p0 v11, v1  }
0x391: {  	v13 =	vperm.xlane @p0 v13, v1;
	v6 =	vperm.xlane @p0 v6, v1;
	v16, _, _ =	vpop @p1 (xrf1)  }
0x392: {  	v7 =	vmin.f32 v10, v7;
	v8 =	vpsel p0, v8, v0;
	v10 =	vmax.f32 @p0 v15, v11;
	v15, _, _ =	vpop @p1 (xrf1)  }
0x393: {  	v13 =	vpsel p0, v13, v0;
	v6 =	vpsel p0, v6, v0;
	v11 =	vpsel p1, v16, v5;
	v16, _, _ =	vpop @p1 (xrf1)  }
0x394: {  	v10 =	vpsel p0, v10, v0;
	v15 =	vpsel p1, v15, v5;
	v16 =	vpsel p1, v16, v5  }
0x395: {  	v8 =	vmax.f32 @p0 v11, v8;
	v11 =	vmax.f32 @p0 v15, v13;
	v6 =	vmax.f32 @p0 v16, v6  }
0x396: {  	(xrf1) =	vsort.ascd.msk.f32 $0xffff, v7, v7;
	v7 =	vmax.f32 @p0 v8, v10;
	v13 =	vmax.f32 @p0 v6, v11  }
0x397: {  	v8 =	vmin.f32 @p0 v8, v10;
	v6 =	vmin.f32 @p0 v6, v11;
	v10 =	vmin.f32 @p0 v7, v13  }
0x398: {  	v11 =	vmin.f32 @p0 v8, v6;
	(xrf1) =	vsort.ascd.msk.f32 @p0 $0xffff, v10, v10  }
0x399: {  	v7 =	vmax.f32 @p0 v7, v13;
	(xrf1) =	vsort.ascd.msk.f32 @p0 $0xffff, v11, v11  }
0x39a: {  	v6 =	vmax.f32 @p0 v8, v6;
	(xrf1) =	vsort.ascd.msk.f32 @p0 $0xffff, v7, v7  }
0x39b: {  	(xrf1) =	vsort.ascd.msk.f32 @p0 $0xffff, v6, v6;
	_ =	sdelay $0x9  }
0x39c: {  	v8 =	vperm.xlane v9, v1;
	v6, _, _ =	vpop (xrf1)  }
0x39d: {  	v7, _, _ =	vpop @p0 (xrf1)  }
0x39e: {  	v9, _, _ =	vpop @p0 (xrf1)  }
0x39f: {  	v12 =	vperm.xlane v62, v1;
	v7 =	vpsel p0, v7, v5;
	v10, _, _ =	vpop @p0 (xrf1)  }
0x3a0: {  	v11 =	vperm.xlane v63, v1;
	v6 =	vperm.xlane v6, v1;
	v7 =	vmax.f32 v7, v8;
	v8, _, _ =	vpop @p0 (xrf1)  }
0x3a1: {  	v9 =	vpsel p0, v9, v5;
	v10 =	vpsel p0, v10, v5;
	v8 =	vpsel p0, v8, v5  }
0x3a2: {  	v9 =	vmax.f32 v9, v12;
	v10 =	vmax.f32 v10, v11;
	v6 =	vmax.f32 v8, v6  }
0x3a3: {  	v8 =	vmax.f32 v9, v7;
	v11 =	vmax.f32 v6, v10  }
0x3a4: {  	v7 =	vmin.f32 v9, v7;
	v6 =	vmin.f32 v6, v10;
	v9 =	vmin.f32 v8, v11  }
0x3a5: {  	v10 =	vmin.f32 v7, v6;
	(xrf1) =	vsort.ascd.msk.f32 $0xffff, v9, v9  }
0x3a6: {  	v8 =	vmax.f32 v8, v11;
	(xrf1) =	vsort.ascd.msk.f32 $0xffff, v10, v10  }
0x3a7: {  	v6 =	vmax.f32 v7, v6;
	(xrf1) =	vsort.ascd.msk.f32 $0xffff, v8, v8  }
0x3a8: {  	(xrf1) =	vsort.ascd.msk.f32 $0xffff, v6, v6;
	_ =	sdelay $0xa  }
0x3a9: {  	v10, _, _ =	vpop (xrf1)  }
0x3aa: {  	v8, _, _ =	vpop (xrf1)  }
0x3ab: {  	v11, _, _ =	vpop (xrf1)  }
0x3ac: {  	v9, _, _ =	vpop (xrf1)  }
.LBB2_41:
0x3ad: {  	v6 =	vperm.xlane v11, v1  }
0x3ae: {  	v7 =	vperm.xlane v10, v1  }
0x3af: {  	[tilespmem:$0x6100] =	vst v6;
	v6 =	vperm.xlane v9, v1  }
0x3b0: {  	[tilespmem:$0x6110] =	vst v7;
	v7 =	vperm.xlane v8, v1  }
0x3b1: {  	[tilespmem:$0x6120] =	vst v6  }
0x3b2: {  	[tilespmem:$0x6130] =	vst v7  }
0x3b3: {  	_ =	swait.ge [sflag:s11], $0x2000  }
0x3b4: {  	[sflag:s11] =	ssyncset.done $0x0  }
0x3b5: {  	s19 =	simm.s32 $0x100;
	[sflag:s11] =	ssyncadd.s32 $0xFFFFE000  }
0x3b6: {  	[tilespmem:s12], [sflag:$0x2] =	stream.strided.gather [hbm4b:s6+s9], $0x2000, s10, s9, $0x38;
	[tilespmem:$0x6280] =	vst v63  }
0x3b7: {  	v13 =	vld [tilespmem:s19+$0x80]  }
0x3b8: {  	v14 =	vld [tilespmem:s19+$0x90]  }
0x3b9: {  	v11 =	vld [tilespmem:s19+$0xA0]  }
0x3ba: {  	v12 =	vld [tilespmem:s19+$0xB0]  }
0x3bb: {  	v9 =	vld [tilespmem:s19+$0xC0]  }
0x3bc: {  	v7 =	vld [tilespmem:s19+$0xD0]  }
0x3bd: {  	v6 =	vld [tilespmem:s19+$0xE0]  }
0x3be: {  	v17 =	vld [tilespmem:s19+$0x0]  }
0x3bf: {  	v18 =	vld [tilespmem:s19+$0x10]  }
0x3c0: {  	v24 =	vld [tilespmem:s19+$0x20]  }
0x3c1: {  	v25 =	vld [tilespmem:s19+$0x30]  }
0x3c2: {  	v28 =	vld [tilespmem:s19+$0x40]  }
0x3c3: {  	v10 =	vld [tilespmem:s19+$0x50]  }
0x3c4: {  	v8 =	vld [tilespmem:s19+$0x60]  }
0x3c5: {  	v19 =	vld [tilespmem:s19+$0xFFFFFF80]  }
0x3c6: {  	v20 =	vld [tilespmem:s19+$0xFFFFFF90]  }
0x3c7: {  	v22 =	vld [tilespmem:s19+$0xFFFFFFA0]  }
0x3c8: {  	v26 =	vld [tilespmem:s19+$0xFFFFFFB0]  }
0x3c9: {  	v27 =	vld [tilespmem:s19+$0xFFFFFFC0]  }
0x3ca: {  	v15 =	vld [tilespmem:s19+$0xFFFFFF00]  }
0x3cb: {  	v21 =	vld [tilespmem:s19+$0xFFFFFF10]  }
0x3cc: {  	v16 =	vld [tilespmem:s19+$0xFFFFFFD0]  }
0x3cd: {  	v29 =	vld [tilespmem:s19+$0xFFFFFF20]  }
0x3ce: {  	v30 =	vld [tilespmem:s19+$0xFFFFFF30]  }
0x3cf: {  	v31 =	vld [tilespmem:s19+$0xFFFFFF40];
	v23 =	vmax.f32 v5, v15  }
0x3d0: {  	v21 =	vmax.f32 v5, v21;
	v15 =	vld [tilespmem:s19+$0xFFFFFFE0];
	v19 =	vmax.f32 v23, v19  }
0x3d1: {  	v23 =	vld [tilespmem:s19+$0xFFFFFF50];
	v20 =	vmax.f32 v21, v20;
	v19 =	vmax.f32 v19, v17  }
0x3d2: {  	v17 =	vld [tilespmem:s19+$0xFFFFFF60];
	v21 =	vmax.f32 v20, v18;
	v18 =	vmax.f32 v19, v13  }
0x3d3: {  	v20 =	vld [tilespmem:s19+$0xFFFFFF70];
	v19 =	vmax.f32 v21, v14;
	v13 =	vmax.f32 v5, v29;
	v14 =	vmax.f32 v5, v30  }
0x3d4: {  	v29 =	vmax.f32 v5, v31;
	v21 =	vld [tilespmem:s19+$0xFFFFFFF0];
	v13 =	vmax.f32 v13, v22;
	v14 =	vmax.f32 v14, v26  }
0x3d5: {  	v29 =	vmax.f32 v29, v27;
	v22 =	vld [tilespmem:s19+$0x70];
	v27 =	vmax.f32 v13, v24;
	v26 =	vmax.f32 v14, v25  }
0x3d6: {  	s18 =	simm.s32 $0x0;
	v25 =	vmax.f32 v29, v28;
	v24 =	vld [tilespmem:s19+$0xF0];
	s19 =	simm.s32 $0x300;
	v13 =	vimm.f32 $-Inf;
	v14 =	vimm.f32 $-Inf  }
.LBB2_42:
0x3d7: {  	v28 =	vld [tilespmem:s19+$0x80];
	v27 =	vmax.f32 v27, v11;
	v26 =	vmax.f32 v26, v12;
	v25 =	vmax.f32 v25, v9  }
0x3d8: {  	v5 =	vmax.f32 v5, v23;
	v9 =	vmax.f32 v13, v17;
	v29 =	vld [tilespmem:s19+$0x90];
	v12 =	vmax.f32 v14, v20  }
0x3d9: {  	v5 =	vmax.f32 v5, v16;
	v9 =	vmax.f32 v9, v15;
	v11 =	vld [tilespmem:s19+$0xA0];
	v13 =	vmax.f32 v12, v21  }
0x3da: {  	v5 =	vmax.f32 v5, v10;
	v8 =	vmax.f32 v9, v8;
	v12 =	vld [tilespmem:s19+$0xB0];
	v10 =	vmax.f32 v13, v22  }
0x3db: {  	v5 =	vmax.f32 v5, v7;
	v13 =	vmax.f32 v8, v6;
	v9 =	vld [tilespmem:s19+$0xC0];
	v14 =	vmax.f32 v10, v24  }
0x3dc: {  	v7 =	vld [tilespmem:s19+$0xD0]  }
0x3dd: {  	v6 =	vld [tilespmem:s19+$0xE0]  }
0x3de: {  	v20 =	vld [tilespmem:s19+$0x0]  }
0x3df: {  	v21 =	vld [tilespmem:s19+$0x10]  }
0x3e0: {  	v24 =	vld [tilespmem:s19+$0x20]  }
0x3e1: {  	v30 =	vld [tilespmem:s19+$0x30]  }
0x3e2: {  	v31 =	vld [tilespmem:s19+$0x40]  }
0x3e3: {  	v10 =	vld [tilespmem:s19+$0x50]  }
0x3e4: {  	v8 =	vld [tilespmem:s19+$0x60]  }
0x3e5: {  	v17 =	vld [tilespmem:s19+$0xFFFFFF80]  }
0x3e6: {  	v22 =	vld [tilespmem:s19+$0xFFFFFF90]  }
0x3e7: {  	v32 =	vld [tilespmem:s19+$0xFFFFFFA0]  }
0x3e8: {  	v33 =	vld [tilespmem:s19+$0xFFFFFFB0]  }
0x3e9: {  	v34 =	vld [tilespmem:s19+$0xFFFFFFC0]  }
0x3ea: {  	v15 =	vld [tilespmem:s19+$0xFFFFFF00]  }
0x3eb: {  	v23 =	vld [tilespmem:s19+$0xFFFFFF10]  }
0x3ec: {  	v16 =	vld [tilespmem:s19+$0xFFFFFFD0]  }
0x3ed: {  	v35 =	vld [tilespmem:s19+$0xFFFFFF20]  }
0x3ee: {  	v36 =	vld [tilespmem:s19+$0xFFFFFF30]  }
0x3ef: {  	v37 =	vld [tilespmem:s19+$0xFFFFFF40]  }
0x3f0: {  	s18 =	sadd.s32 $0x4, s18;
	v18 =	vmax.f32 v18, v15;
	v19 =	vmax.f32 v19, v23;
	v15 =	vld [tilespmem:s19+$0xFFFFFFE0]  }
0x3f1: {  	p0 =	slt.u32 s18, $0x3C;
	v18 =	vmax.f32 v18, v17;
	v23 =	vld [tilespmem:s19+$0xFFFFFF50];
	v19 =	vmax.f32 v19, v22  }
.Ltmp24:
0x3f2: {  	v18 =	vmax.f32 v18, v20;
	v17 =	vld [tilespmem:s19+$0xFFFFFF60];
	v19 =	vmax.f32 v19, v21;
	(pc) =	sbr.rel @p0 .LBB2_42-.Ltmp24, $4  }
0x3f3: {  	v18 =	vmax.f32 v18, v28;
	v20 =	vld [tilespmem:s19+$0xFFFFFF70];
	v19 =	vmax.f32 v19, v29  }
0x3f4: {  	v22 =	vmax.f32 v27, v35;
	v26 =	vmax.f32 v26, v36;
	v25 =	vmax.f32 v25, v37;
	v21 =	vld [tilespmem:s19+$0xFFFFFFF0]  }
0x3f5: {  	v27 =	vmax.f32 v22, v32;
	v26 =	vmax.f32 v26, v33;
	v25 =	vmax.f32 v25, v34;
	v22 =	vld [tilespmem:s19+$0x70]  }
0x3f6: {  	v27 =	vmax.f32 v27, v24;
	v26 =	vmax.f32 v26, v30;
	v25 =	vmax.f32 v25, v31;
	v24 =	vld [tilespmem:s19+$0xF0];
	s19 =	sadd.s32 $0x200, s19  }
0x3f7: {  	(xrf1) =	vsort.ascd.msk.f32 $0xffff, v18, v18  }
0x3f8: {  	(xrf1) =	vsort.ascd.msk.f32 $0xffff, v19, v19;
	_ =	sdelay $0xc  }
0x3f9: {  	v18, _, _ =	vpop (xrf1)  }
0x3fa: {  	v19, _, _ =	vpop (xrf1)  }
0x3fb: {  	v19 =	vperm.xlane v19, v1;
	_ =	sdelay $0x1  }
0x3fc: {  	v28 =	vmin.f32 v18, v19  }
0x3fd: {  	v18 =	vmax.f32 v18, v19;
	(xrf1) =	vsort.ascd.msk.f32 $0xffff, v28, v28  }
0x3fe: {  	v11 =	vmax.f32 v27, v11;
	(xrf1) =	vsort.ascd.msk.f32 $0xffff, v18, v18  }
0x3ff: {  	v12 =	vmax.f32 v26, v12;
	(xrf1) =	vsort.ascd.msk.f32 $0xffff, v11, v11  }
0x400: {  	(xrf1) =	vsort.ascd.msk.f32 $0xffff, v12, v12;
	_ =	sdelay $0xa  }
0x401: {  	v11, _, _ =	vpop (xrf1)  }
0x402: {  	v12, _, _ =	vpop (xrf1)  }
0x403: {  	v18, _, _ =	vpop (xrf1)  }
0x404: {  	v19, _, _ =	vpop (xrf1)  }
0x405: {  	v19 =	vperm.xlane v19, v1;
	_ =	sdelay $0x1  }
0x406: {  	v61 =	vmin.f32 v18, v19  }
0x407: {  	v18 =	vmax.f32 v18, v19;
	(xrf1) =	vsort.ascd.msk.f32 $0xffff, v61, v61  }
0x408: {  	(xrf1) =	vsort.ascd.msk.f32 $0xffff, v18, v18;
	_ =	sdelay $0xc  }
0x409: {  	v18, _, _ =	vpop (xrf1)  }
0x40a: {  	v19, _, _ =	vpop (xrf1)  }
0x40b: {  	v18 =	vperm.xlane v18, v1;
	v19 =	vperm.xlane v19, v1;
	_ =	sdelay $0x1  }
0x40c: {  	v63 =	vmin.f32 v12, v18;
	v62 =	vmin.f32 v11, v19  }
0x40d: {  	v11 =	vmax.f32 v11, v19;
	v19 =	vmin.f32 v62, v63  }
0x40e: {  	v12 =	vmax.f32 v12, v18;
	v18 =	vmax.f32 v62, v63;
	(xrf1) =	vsort.ascd.msk.f32 $0xffff, v19, v19  }
0x40f: {  	v5 =	vmax.f32 v5, v23;
	(xrf1) =	vsort.ascd.msk.f32 $0xffff, v18, v18;
	v18 =	vmin.f32 v11, v12  }
0x410: {  	v5 =	vmax.f32 v5, v16;
	v11 =	vmax.f32 v11, v12;
	(xrf1) =	vsort.ascd.msk.f32 $0xffff, v18, v18  }
0x411: {  	v9 =	vmax.f32 v25, v9;
	v5 =	vmax.f32 v5, v10;
	(xrf1) =	vsort.ascd.msk.f32 $0xffff, v11, v11  }
0x412: {  	v5 =	vmax.f32 v5, v7;
	(xrf1) =	vsort.ascd.msk.f32 $0xffff, v9, v9  }
0x413: {  	(xrf1) =	vsort.ascd.msk.f32 $0xffff, v5, v5;
	_ =	sdelay $0x8  }
0x414: {  	v5, _, _ =	vpop (xrf1)  }
0x415: {  	v7, _, _ =	vpop (xrf1)  }
0x416: {  	v9, _, _ =	vpop (xrf1)  }
0x417: {  	v10, _, _ =	vpop (xrf1)  }
0x418: {  	v11, _, _ =	vpop (xrf1)  }
0x419: {  	v12, _, _ =	vpop (xrf1)  }
0x41a: {  	v12 =	vperm.xlane v12, v1  }
0x41b: {  	v13 =	vmax.f32 v13, v17;
	v14 =	vmax.f32 v14, v20  }
0x41c: {  	v13 =	vmax.f32 v13, v15;
	v14 =	vmax.f32 v14, v21;
	v15 =	vmin.f32 v11, v12  }
0x41d: {  	v8 =	vmax.f32 v13, v8;
	v11 =	vmax.f32 v11, v12;
	(xrf1) =	vsort.ascd.msk.f32 $0xffff, v15, v15  }
0x41e: {  	v6 =	vmax.f32 v8, v6;
	v12 =	vmax.f32 v14, v22;
	(xrf1) =	vsort.ascd.msk.f32 $0xffff, v11, v11  }
0x41f: {  	v8 =	vmax.f32 v12, v24;
	(xrf1) =	vsort.ascd.msk.f32 $0xffff, v6, v6  }
0x420: {  	(xrf1) =	vsort.ascd.msk.f32 $0xffff, v8, v8;
	_ =	sdelay $0xa  }
0x421: {  	v6, _, _ =	vpop (xrf1)  }
0x422: {  	v8, _, _ =	vpop (xrf1)  }
0x423: {  	v11, _, _ =	vpop (xrf1)  }
0x424: {  	v12, _, _ =	vpop (xrf1)  }
0x425: {  	v12 =	vperm.xlane v12, v1;
	_ =	sdelay $0x1  }
0x426: {  	v13 =	vmin.f32 v11, v12  }
0x427: {  	v11 =	vmax.f32 v11, v12;
	(xrf1) =	vsort.ascd.msk.f32 $0xffff, v13, v13  }
0x428: {  	(xrf1) =	vsort.ascd.msk.f32 $0xffff, v11, v11;
	_ =	sdelay $0xc  }
0x429: {  	v11, _, _ =	vpop (xrf1)  }
0x42a: {  	v12, _, _ =	vpop (xrf1)  }
0x42b: {  	v11 =	vperm.xlane v11, v1;
	v12 =	vperm.xlane v12, v1;
	_ =	sdelay $0x1  }
0x42c: {  	v14 =	vmin.f32 v8, v11;
	v13 =	vmin.f32 v6, v12  }
0x42d: {  	v6 =	vmax.f32 v6, v12;
	v12 =	vmin.f32 v13, v14  }
0x42e: {  	v8 =	vmax.f32 v8, v11;
	v11 =	vmax.f32 v13, v14;
	(xrf1) =	vsort.ascd.msk.f32 $0xffff, v12, v12  }
0x42f: {  	(xrf1) =	vsort.ascd.msk.f32 $0xffff, v11, v11;
	v11 =	vmin.f32 v6, v8  }
0x430: {  	v6 =	vmax.f32 v6, v8;
	(xrf1) =	vsort.ascd.msk.f32 $0xffff, v11, v11  }
0x431: {  	(xrf1) =	vsort.ascd.msk.f32 $0xffff, v6, v6;
	_ =	sdelay $0xa  }
0x432: {  	v6, _, _ =	vpop (xrf1)  }
0x433: {  	v8, _, _ =	vpop (xrf1)  }
0x434: {  	v11, _, _ =	vpop (xrf1)  }
0x435: {  	v6 =	vperm.xlane v6, v1;
	v8 =	vperm.xlane v8, v1;
	v12, _, _ =	vpop (xrf1)  }
0x436: {  	v11 =	vperm.xlane v11, v1;
	v12 =	vperm.xlane v12, v1  }
0x437: {  	v6 =	vmax.f32 v10, v6  }
0x438: {  	v8 =	vmax.f32 v9, v8;
	v7 =	vmax.f32 v7, v11;
	v5 =	vmax.f32 v5, v12  }
0x439: {  	v6 =	vmin.f32 v7, v6;
	v5 =	vmin.f32 v5, v8  }
0x43a: {  	v5 =	vmin.f32 v5, v6  }
0x43b: {  	(xrf1) =	vsort.ascd.msk.f32 $0xffff, v5, v5;
	_ =	sdelay $0xd  }
0x43c: {  	v5, _, _ =	vpop (xrf1)  }
0x43d: {  	(xrf0) =	vmin.scan.msk.f32 $0xffff, v5;
	_ =	sdelay $0x2  }
0x43e: {  	s18 =	simm.s32 $0x40  }
0x43f: {  	v7 =	vld [tilespmem:s18+$0xFFFFFFC0]  }
0x440: {  	v14 =	vld [tilespmem:s18+$0xFFFFFFD0]  }
0x441: {  	v15 =	vld [tilespmem:s18+$0xFFFFFFE0];
	v5, _, _ =	vpop (xrf0)  }
0x442: {  	v17 =	vld [tilespmem:s18+$0xFFFFFFF0];
	v5 =	vbroadcast v5, $0xF  }
0x443: {  	v21 =	vld [tilespmem:s18+$0x0]  }
0x444: {  	v8 =	vld [tilespmem:s18+$0x10];
	v6 =	vmul.u32 $0x200, v0;
	vm1 =	vge.f32 v7, v5  }
0x445: {  	v12 =	vld [tilespmem:s18+$0x20];
	vm2 =	vge.f32 v14, v5;
	v9 =	vsel vm1, $0x1, v3  }
0x446: {  	v11 =	vld [tilespmem:s18+$0x30];
	vm3 =	vge.f32 v15, v5;
	v18 =	vadd.s32 v9, v6;
	v9 =	vsel vm2, $0x1, v3  }
0x447: {  	vm4 =	vge.f32 v17, v5;
	v19 =	vadd.s32 v9, v18;
	v9 =	vsel vm3, $0x1, v3  }
0x448: {  	s18 =	simm.s32 $0xC0;
	vm5 =	vge.f32 v21, v5;
	v22 =	vadd.s32 v9, v19;
	v9 =	vsel vm4, $0x1, v3  }
0x449: {  	v10 =	vld [tilespmem:s18+$0xFFFFFFC0];
	vm0 =	vge.f32 v8, v5;
	v23 =	vadd.s32 v9, v22;
	v9 =	vsel vm5, $0x1, v3  }
0x44a: {  	v13 =	vld [tilespmem:s18+$0xFFFFFFD0];
	[tilespmem:v6+s13+$0x0] =	vst.idx.msk vm1, v7;
	v16 =	vadd.s32 v9, v23;
	v7 =	vsel vm0, $0x1, v3;
	vm1 =	vge.f32 v12, v5  }
0x44b: {  	v9 =	vld [tilespmem:s18+$0xFFFFFFE0];
	[tilespmem:v18+s13+$0x0] =	vst.idx.msk vm2, v14;
	v18 =	vadd.s32 v7, v16;
	v7 =	vsel vm1, $0x1, v3;
	vm2 =	vge.f32 v11, v5  }
0x44c: {  	v14 =	vld [tilespmem:s18+$0xFFFFFFF0];
	[tilespmem:v19+s13+$0x0] =	vst.idx.msk vm3, v15;
	v20 =	vadd.s32 v7, v18  }
0x44d: {  	v7 =	vsel vm2, $0x1, v3;
	v15 =	vld [tilespmem:s18+$0x0];
	[tilespmem:v22+s13+$0x0] =	vst.idx.msk vm4, v17  }
0x44e: {  	s19 =	simm.s32 $0x8;
	vm3 =	vge.f32 v10, v5;
	v19 =	vld [tilespmem:s18+$0x10];
	v17 =	vadd.s32 v7, v20;
	[tilespmem:v23+s13+$0x0] =	vst.idx.msk vm5, v21  }
.LBB2_44:
0x44f: {  	s19 =	sadd.s32 $0x8, s19;
	v7 =	vsel vm3, $0x1, v3;
	vm4 =	vge.f32 v13, v5;
	v21 =	vld [tilespmem:s18+$0x20];
	[tilespmem:v16+s13+$0x0] =	vst.idx.msk vm0, v8;
	v22 =	vmov v13  }
0x450: {  	p0 =	slt.u32 s19, $0x1F8;
	v7 =	vadd.s32 v7, v17;
	v8 =	vsel vm4, $0x1, v3;
	vm7 =	vge.f32 v9, v5;
	v23 =	vld [tilespmem:s18+$0x30];
	[tilespmem:v18+s13+$0x0] =	vst.idx.msk vm1, v12  }
0x451: {  	v12 =	vadd.s32 v8, v7;
	v16 =	vsel vm7, $0x1, v3;
	vm5 =	vge.f32 v14, v5;
	[tilespmem:v20+s13+$0x0] =	vst.idx.msk vm2, v11  }
0x452: {  	s18 =	sadd.s32 $0x80, s18;
	v11 =	vmovc v9;
	v25 =	vmovc v14;
	v24 =	vadd.s32 v16, v12;
	v13 =	vsel vm5, $0x1, v3;
	vm6 =	vge.f32 v15, v5  }
0x453: {  	v28 =	vmovc v15;
	v26 =	vld [tilespmem:s18+$0xFFFFFFC0];
	v27 =	vadd.s32 v13, v24;
	v9 =	vsel vm6, $0x1, v3;
	vm0 =	vge.f32 v19, v5;
	v8 =	vmovc v19  }
.Ltmp25:
0x454: {  	v13 =	vld [tilespmem:s18+$0xFFFFFFD0];
	[tilespmem:v17+s13+$0x0] =	vst.idx.msk vm3, v10;
	v16 =	vadd.s32 v9, v27;
	v10 =	vsel vm0, $0x1, v3;
	vm1 =	vge.f32 v21, v5;
	(pc) =	sbr.rel @p0 .LBB2_44-.Ltmp25, $4  }
0x455: {  	v9 =	vld [tilespmem:s18+$0xFFFFFFE0];
	[tilespmem:v7+s13+$0x0] =	vst.idx.msk vm4, v22;
	v18 =	vadd.s32 v10, v16;
	v7 =	vsel vm1, $0x1, v3;
	vm2 =	vge.f32 v23, v5  }
0x456: {  	v14 =	vld [tilespmem:s18+$0xFFFFFFF0];
	[tilespmem:v12+s13+$0x0] =	vst.idx.msk vm7, v11;
	v20 =	vadd.s32 v7, v18;
	v7 =	vsel vm2, $0x1, v3;
	v12 =	vmovc v21;
	v11 =	vmov v23  }
0x457: {  	v15 =	vld [tilespmem:s18+$0x0];
	[tilespmem:v24+s13+$0x0] =	vst.idx.msk vm5, v25;
	v17 =	vadd.s32 v7, v20  }
0x458: {  	vm3 =	vge.f32 v26, v5;
	v19 =	vld [tilespmem:s18+$0x10];
	[tilespmem:v27+s13+$0x0] =	vst.idx.msk vm6, v28;
	v10 =	vmov v26  }
0x459: {  	v7 =	vsel vm3, $0x1, v3;
	vm4 =	vge.f32 v13, v5;
	v21 =	vld [tilespmem:s18+$0x20]  }
0x45a: {  	v23 =	vld [tilespmem:s18+$0x30];
	v22 =	vadd.s32 v7, v17;
	v7 =	vsel vm4, $0x1, v3;
	vm5 =	vge.f32 v9, v5  }
0x45b: {  	v24 =	vadd.s32 v7, v22;
	v7 =	vsel vm5, $0x1, v3;
	vm6 =	vge.f32 v14, v5  }
0x45c: {  	v25 =	vadd.s32 v7, v24;
	v7 =	vsel vm6, $0x1, v3;
	vm7 =	vge.f32 v15, v5  }
0x45d: {  	v26 =	vadd.s32 v7, v25;
	v7 =	vsel vm7, $0x1, v3;
	vm8 =	vge.f32 v19, v5  }
0x45e: {  	v27 =	vadd.s32 v7, v26;
	v7 =	vsel vm8, $0x1, v3;
	vm9 =	vge.f32 v21, v5  }
0x45f: {  	vm10 =	vge.f32 v23, v5;
	v28 =	vadd.s32 v7, v27;
	v7 =	vsel vm9, $0x1, v3  }
0x460: {  	v5 =	vsel vm10, $0x1, v3;
	v29 =	vadd.s32 v7, v28  }
0x461: {  	v5 =	vadd.s32 v5, v29  }
0x462: {  	v7 =	vadd.s32 v4, v5  }
0x463: {  	v5 =	vxor.u32 $0x80000000, v7  }
0x464: {  	(xrf0) =	vmax.scan.msk.u32 $0xffff, v5;
	_ =	sdelay $0x5  }
0x465: {  	v5, _, _ =	vpop (xrf0)  }
0x466: {  	(v2sf) =	vpush v5, $0xF;
	_ =	sdelay $0xc  }
0x467: {  	[tilespmem:v16+s13+$0x0] =	vst.idx.msk vm0, v8  }
0x468: {  	[tilespmem:v18+s13+$0x0] =	vst.idx.msk vm1, v12  }
0x469: {  	[tilespmem:v20+s13+$0x0] =	vst.idx.msk vm2, v11;
	s31 =	spop (v2sf)  }
0x46a: {  	[tilespmem:v17+s13+$0x0] =	vst.idx.msk vm3, v10;
	s18 =	sadd.s32 $0x80000003, s31  }
0x46b: {  	[tilespmem:v22+s13+$0x0] =	vst.idx.msk vm4, v13;
	s20 =	sshrl.u32 s18, $0x2  }
0x46c: {  	[tilespmem:v24+s13+$0x0] =	vst.idx.msk vm5, v9;
	p0 =	seq.s32 s20, $0x0  }
.Ltmp26:
0x46d: {  	[tilespmem:v25+s13+$0x0] =	vst.idx.msk vm6, v14;
	(pc) =	sbr.rel @p0 .LBB2_61-.Ltmp26, $4  }
0x46e: {  	[tilespmem:v26+s13+$0x0] =	vst.idx.msk vm7, v15  }
0x46f: {  	[tilespmem:v27+s13+$0x0] =	vst.idx.msk vm8, v19  }
0x470: {  	v8 =	vimm.f32 $-Inf;
	v10 =	vimm.f32 $-Inf;
	[tilespmem:v28+s13+$0x0] =	vst.idx.msk vm9, v21  }
0x471: {  	v11 =	vimm.f32 $-Inf;
	v9 =	vimm.f32 $-Inf;
	[tilespmem:v29+s13+$0x0] =	vst.idx.msk vm10, v23;
	v5 =	vimm.f32 $-Inf;
	s18 =	simm.s32 $0x3  }
0x472: {  	s22 =	simm.s32 $0x1;
	p6 =	sne.s32 s20, $0x1  }
.Ltmp27:
0x473: {  	s23 =	simm.s32 $0x2;
	s19 =	simm.s32 $0x0;
	(pc) =	sbr.rel @!p6 .LBB2_47-.Ltmp27, $4  }
0x474: {  	v13 =	vmov s22;
	v11 =	vmov s23;
	v18 =	vmov s19  }
0x475: {  	s21 =	sadd.s32 $0xFFFFFFFF, s20;
	s20 =	simm.s32 $0x7;
	v9 =	vadd.s32 s22, v6;
	v10 =	vadd.s32 s23, v6;
	v8 =	vand.u32 $0x7D, v13  }
0x476: {  	p0 =	por $0x0, $0x0;
	p1 =	por $0x0, $0x0;
	p2 =	por $0x0, $0x0;
	v12 =	vand.u32 $0x7E, v11;
	v9 =	vand.u32 $0xFFFFFF80, v9;
	v10 =	vand.u32 $0xFFFFFF80, v10  }
0x477: {  	p3 =	por $0x0, $0x0;
	p4 =	por $0x0, $0x0;
	p5 =	por $0x0, $0x0;
	v33 =	vand.u32 $0x7C, v18;
	v35 =	vor.u32 v8, v9;
	v19 =	vor.u32 v12, v10  }
0x478: {  	v8 =	vadd.s32 s19, v6;
	v9 =	vadd.s32 s18, v6  }
0x479: {  	v8 =	vand.u32 $0xFFFFFF80, v8  }
0x47a: {  	v8 =	vor.u32 v33, v8;
	_ =	sdelay $0x1  }
0x47b: {  	v12 =	vld.idx.msk [tilespmem:v35+s13+$0x0], $0xffff  }
0x47c: {  	v9 =	vld.idx.msk [tilespmem:v9+s13+$0x0], $0xffff  }
0x47d: {  	v15 =	vld.idx.msk [tilespmem:v19+s13+$0x0], $0xffff  }
0x47e: {  	v14 =	vld.idx.msk [tilespmem:v8+s13+$0x0], $0xffff  }
0x47f: {  	s22 =	simm.s32 $0x5;
	v16 =	vmov s18;
	vm0 =	vlt.s32 v13, v7;
	vm14 =	vlt.s32 v11, v7  }
0x480: {  	s23 =	simm.s32 $0x6;
	vm15 =	vlt.s32 v18, v7;
	p6 =	sne.s32 s21, $0x1;
	v10 =	vmov s22;
	vm1 =	vlt.s32 v16, v7  }
.Ltmp28:
0x481: {  	v61 =	vadd.s32 s22, v6;
	v62 =	vadd.s32 s23, v6;
	v58 =	vnsel vm1, $0xFF800000, v9;
	(pc) =	sbr.rel @!p6 .LBB2_49-.Ltmp28, $4  }
0x482: {  	v60 =	vand.u32 $0x7D, v10;
	v63 =	vand.u32 $0xFFFFFF80, v62;
	v12 =	vnsel vm0, $0xFF800000, v12;
	(xrf1) =	vsort.ascd.msk.f32 $0xffff, v58, v58  }
0x483: {  	s19 =	simm.s32 $0x4;
	v59 =	vnsel vm14, $0xFF800000, v15;
	v8 =	vmov s23;
	v11 =	vnsel vm15, $0xFF800000, v14;
	(xrf1) =	vsort.ascd.msk.f32 $0xffff, v12, v12  }
0x484: {  	v16 =	vand.u32 $0x7E, v8;
	v9 =	vmov s19;
	(xrf1) =	vsort.ascd.msk.f32 $0xffff, v11, v11;
	v11 =	vand.u32 $0xFFFFFF80, v61  }
0x485: {  	s21 =	sadd.s32 $0xFFFFFFFF, s21;
	s18 =	simm.s32 $0xB;
	p0 =	por $0x1, $0x1;
	v19 =	vor.u32 v16, v63;
	v33 =	vand.u32 $0x7C, v9;
	(xrf1) =	vsort.ascd.msk.f32 $0xffff, v59, v59;
	v35 =	vor.u32 v60, v11  }
0x486: {  	_ =	sdelay $0x4  }
0x487: {  	v12 =	vadd.s32 s20, v6;
	_ =	sdelay $0x1  }
0x488: {  	v11 =	vadd.s32 s19, v6  }
0x489: {  	v11 =	vand.u32 $0xFFFFFF80, v11  }
0x48a: {  	v11 =	vor.u32 v33, v11  }
0x48b: {  	v12 =	vld.idx.msk [tilespmem:v12+s13+$0x0], $0xffff;
	v14, _, _ =	vpop (xrf1)  }
0x48c: {  	v15 =	vld.idx.msk [tilespmem:v35+s13+$0x0], $0xffff;
	v13, _, _ =	vpop (xrf1)  }
0x48d: {  	v17 =	vperm.xlane v13, v1  }
0x48e: {  	v19 =	vld.idx.msk [tilespmem:v19+s13+$0x0], $0xffff;
	v18 =	vmov s20;
	vm1 =	vlt.s32 v10, v7;
	v20, _, _ =	vpop (xrf1)  }
0x48f: {  	s23 =	simm.s32 $0xA;
	vm14 =	vlt.s32 v8, v7;
	vm0 =	vlt.s32 v18, v7;
	v16 =	vld.idx.msk [tilespmem:v11+s13+$0x0], $0xffff;
	v18 =	vmax.f32 v20, v17  }
0x490: {  	v11 =	vmov s23;
	v10 =	vnsel vm0, $0xFF800000, v12;
	v14 =	vperm.xlane v14, v1;
	(xrf1) =	vsort.ascd.msk.f32 $0xffff, v18, v18  }
0x491: {  	s22 =	simm.s32 $0x9;
	vm15 =	vlt.s32 v9, v7;
	p6 =	sne.s32 s21, $0x1;
	v12 =	vnsel vm1, $0xFF800000, v15;
	v15 =	vand.u32 $0x7E, v11;
	v8, _, _ =	vpop (xrf1);
	(xrf1) =	vsort.ascd.msk.f32 $0xffff, v10, v10  }
.Ltmp29:
0x492: {  	s19 =	simm.s32 $0x8;
	v13 =	vmov s22;
	v27 =	vmin.f32 v20, v17;
	v9 =	vmax.f32 v8, v14;
	(xrf1) =	vsort.ascd.msk.f32 $0xffff, v12, v12;
	(pc) =	sbr.rel @!p6 .LBB2_51-.Ltmp29, $4  }
0x493: {  	v8 =	vmin.f32 v8, v14;
	v14 =	vadd.s32 s23, v6;
	v18 =	vmov s19;
	(xrf1) =	vsort.ascd.msk.f32 $0xffff, v9, v9  }
0x494: {  	v10 =	vnsel vm15, $0xFF800000, v16;
	v12 =	vnsel vm14, $0xFF800000, v19;
	(xrf1) =	vsort.ascd.msk.f32 $0xffff, v8, v8;
	v8 =	vadd.s32 s22, v6  }
0x495: {  	v9 =	vand.u32 $0x7D, v13;
	(xrf1) =	vsort.ascd.msk.f32 $0xffff, v10, v10;
	v8 =	vand.u32 $0xFFFFFF80, v8;
	v10 =	vand.u32 $0xFFFFFF80, v14  }
0x496: {  	s21 =	sadd.s32 $0xFFFFFFFF, s21;
	s20 =	simm.s32 $0xF;
	p1 =	por $0x1, $0x1;
	v33 =	vand.u32 $0x7C, v18;
	(xrf1) =	vsort.ascd.msk.f32 $0xffff, v12, v12;
	v35 =	vor.u32 v9, v8;
	v19 =	vor.u32 v15, v10  }
0x497: {  	_ =	sdelay $0x1  }
0x498: {  	(xrf1) =	vsort.ascd.msk.f32 $0xffff, v27, v27;
	_ =	sdelay $0x1  }
0x499: {  	v8 =	vadd.s32 s18, v6  }
0x49a: {  	v9 =	vadd.s32 s19, v6  }
0x49b: {  	v9 =	vand.u32 $0xFFFFFF80, v9  }
0x49c: {  	v10 =	vor.u32 v33, v9;
	v14, _, _ =	vpop (xrf1)  }
0x49d: {  	v12 =	vld.idx.msk [tilespmem:v35+s13+$0x0], $0xffff;
	v16, _, _ =	vpop (xrf1)  }
0x49e: {  	v21 =	vmov s18;
	vm0 =	vlt.s32 v13, v7;
	vm14 =	vlt.s32 v11, v7;
	s19 =	simm.s32 $0xC;
	v15 =	vld.idx.msk [tilespmem:v8+s13+$0x0], $0xffff;
	v17, _, _ =	vpop (xrf1)  }
0x49f: {  	s22 =	simm.s32 $0xD;
	s23 =	simm.s32 $0xE;
	v19 =	vld.idx.msk [tilespmem:v19+s13+$0x0], $0xffff;
	vm15 =	vlt.s32 v18, v7;
	vm1 =	vlt.s32 v21, v7;
	v18 =	vmov s19;
	v20, _, _ =	vpop (xrf1)  }
0x4a0: {  	v61 =	vadd.s32 s22, v6;
	v62 =	vadd.s32 s23, v6;
	v17 =	vperm.xlane v17, v1;
	v56, _, _ =	vpop (xrf1)  }
0x4a1: {  	v9 =	vmov s22;
	v63 =	vand.u32 $0xFFFFFF80, v62;
	v8 =	vmov s23;
	v10 =	vld.idx.msk [tilespmem:v10+s13+$0x0], $0xffff;
	v57, _, _ =	vpop (xrf1)  }
0x4a2: {  	v12 =	vnsel vm0, $0xFF800000, v12;
	v13 =	vperm.xlane v56, v1;
	v11 =	vmax.f32 v57, v17  }
0x4a3: {  	v16 =	vperm.xlane v16, v1;
	v15 =	vnsel vm1, $0xFF800000, v15;
	v20 =	vperm.xlane v20, v1;
	(xrf1) =	vsort.ascd.msk.f32 $0xffff, v11, v11  }
0x4a4: {  	p6 =	sne.s32 s21, $0x1;
	v19 =	vnsel vm14, $0xFF800000, v19;
	v27 =	vmin.f32 v57, v17;
	v17, _, _ =	vpop (xrf1);
	v41 =	vmax.f32 v14, v13;
	(xrf1) =	vsort.ascd.msk.f32 $0xffff, v15, v15  }
.Ltmp30:
0x4a5: {  	v60 =	vand.u32 $0x7E, v8;
	v58 =	vmin.f32 v17, v16;
	v16 =	vmax.f32 v17, v16;
	v11, _, _ =	vpop (xrf1);
	(xrf1) =	vsort.ascd.msk.f32 $0xffff, v12, v12;
	(pc) =	sbr.rel @!p6 .LBB2_53-.Ltmp30, $4  }
0x4a6: {  	v10 =	vnsel vm15, $0xFF800000, v10;
	v17 =	vmin.f32 v14, v13;
	v59 =	vmin.f32 v11, v20;
	(xrf1) =	vsort.ascd.msk.f32 $0xffff, v16, v16  }
0x4a7: {  	v38 =	vmax.f32 v11, v20;
	v11 =	vand.u32 $0x7D, v9;
	v42 =	vmin.f32 v59, v17;
	(xrf1) =	vsort.ascd.msk.f32 $0xffff, v58, v58  }
0x4a8: {  	v40 =	vmax.f32 v59, v17;
	v45 =	vmax.f32 v38, v41;
	(xrf1) =	vsort.ascd.msk.f32 $0xffff, v10, v10;
	v10 =	vand.u32 $0xFFFFFF80, v61  }
0x4a9: {  	s21 =	sadd.s32 $0xFFFFFFFF, s21;
	s18 =	simm.s32 $0x13;
	p2 =	por $0x1, $0x1;
	v33 =	vand.u32 $0x7C, v18;
	(xrf1) =	vsort.ascd.msk.f32 $0xffff, v19, v19;
	v35 =	vor.u32 v11, v10;
	v19 =	vor.u32 v60, v63  }
0x4aa: {  	_ =	sdelay $0x1  }
0x4ab: {  	(xrf1) =	vsort.ascd.msk.f32 $0xffff, v27, v27;
	_ =	sdelay $0x1  }
0x4ac: {  	v11 =	vadd.s32 s19, v6  }
0x4ad: {  	v10 =	vadd.s32 s20, v6;
	v11 =	vand.u32 $0xFFFFFF80, v11  }
0x4ae: {  	(xrf1) =	vsort.ascd.msk.f32 $0xffff, v40, v40;
	v12 =	vor.u32 v33, v11  }
0x4af: {  	(xrf1) =	vsort.ascd.msk.f32 $0xffff, v45, v45;
	v15, _, _ =	vpop (xrf1)  }
0x4b0: {  	(xrf1) =	vsort.ascd.msk.f32 $0xffff, v42, v42;
	v16, _, _ =	vpop (xrf1)  }
0x4b1: {  	v17, _, _ =	vpop (xrf1)  }
0x4b2: {  	v20 =	vmin.f32 v38, v41;
	v10 =	vld.idx.msk [tilespmem:v10+s13+$0x0], $0xffff;
	v21, _, _ =	vpop (xrf1)  }
0x4b3: {  	s22 =	simm.s32 $0x11;
	v22 =	vmov s20;
	vm0 =	vlt.s32 v9, v7;
	v12 =	vld.idx.msk [tilespmem:v12+s13+$0x0], $0xffff;
	v17 =	vperm.xlane v17, v1;
	v9, _, _ =	vpop (xrf1)  }
0x4b4: {  	v14 =	vld.idx.msk [tilespmem:v35+s13+$0x0], $0xffff;
	vm14 =	vlt.s32 v8, v7;
	s19 =	simm.s32 $0x10;
	vm15 =	vlt.s32 v18, v7;
	v13 =	vmov s22;
	v60, _, _ =	vpop (xrf1)  }
0x4b5: {  	s23 =	simm.s32 $0x12;
	vm1 =	vlt.s32 v22, v7;
	v18 =	vmov s19;
	v8 =	vmax.f32 v60, v17  }
0x4b6: {  	v11 =	vmov s23;
	v62 =	vand.u32 $0x7D, v13;
	(xrf1) =	vsort.ascd.msk.f32 $0xffff, v20, v20;
	v9 =	vperm.xlane v9, v1  }
0x4b7: {  	v19 =	vld.idx.msk [tilespmem:v19+s13+$0x0], $0xffff;
	v16 =	vperm.xlane v16, v1;
	v21 =	vperm.xlane v21, v1;
	v27 =	vmin.f32 v60, v17;
	v17, _, _ =	vpop (xrf1)  }
0x4b8: {  	v10 =	vnsel vm1, $0xFF800000, v10;
	v61 =	vnsel vm15, $0xFF800000, v12;
	(xrf1) =	vsort.ascd.msk.f32 $0xffff, v8, v8;
	v12 =	vmin.f32 v15, v9;
	v8, _, _ =	vpop (xrf1)  }
0x4b9: {  	p6 =	sne.s32 s21, $0x1;
	v14 =	vnsel vm0, $0xFF800000, v14;
	v20 =	vmin.f32 v17, v16;
	(xrf1) =	vsort.ascd.msk.f32 $0xffff, v10, v10;
	v10 =	vmin.f32 v8, v21  }
.Ltmp31:
0x4ba: {  	v23 =	vand.u32 $0x7E, v11;
	v17 =	vmax.f32 v17, v16;
	(xrf1) =	vsort.ascd.msk.f32 $0xffff, v14, v14;
	v16 =	vmin.f32 v10, v12;
	(pc) =	sbr.rel @!p6 .LBB2_55-.Ltmp31, $4  }
0x4bb: {  	(xrf1) =	vsort.ascd.msk.f32 $0xffff, v17, v17;
	v14 =	vmax.f32 v10, v12;
	v10 =	vmax.f32 v15, v9;
	v15 =	vadd.s32 s22, v6  }
0x4bc: {  	v19 =	vnsel vm14, $0xFF800000, v19;
	v8 =	vmax.f32 v8, v21;
	v12, _, _ =	vpop (xrf1);
	(xrf1) =	vsort.ascd.msk.f32 $0xffff, v20, v20;
	v20 =	vadd.s32 s23, v6  }
0x4bd: {  	v9, _, _ =	vpop (xrf1);
	v17 =	vmax.f32 v8, v10;
	(xrf1) =	vsort.ascd.msk.f32 $0xffff, v61, v61;
	v63 =	vand.u32 $0xFFFFFF80, v15;
	v20 =	vand.u32 $0xFFFFFF80, v20  }
0x4be: {  	s21 =	sadd.s32 $0xFFFFFFFF, s21;
	s20 =	simm.s32 $0x17;
	p3 =	por $0x1, $0x1;
	v33 =	vand.u32 $0x7C, v18;
	(xrf1) =	vsort.ascd.msk.f32 $0xffff, v19, v19;
	v35 =	vor.u32 v62, v63;
	v19 =	vor.u32 v23, v20;
	v15, _, _ =	vpop (xrf1)  }
0x4bf: {  	_ =	sdelay $0x1  }
0x4c0: {  	(xrf1) =	vsort.ascd.msk.f32 $0xffff, v27, v27  }
0x4c1: {  	v20 =	vadd.s32 s18, v6  }
0x4c2: {  	v21 =	vadd.s32 s19, v6  }
0x4c3: {  	(xrf1) =	vsort.ascd.msk.f32 $0xffff, v14, v14;
	v21 =	vand.u32 $0xFFFFFF80, v21  }
0x4c4: {  	(xrf1) =	vsort.ascd.msk.f32 $0xffff, v17, v17;
	v24 =	vor.u32 v33, v21;
	v22, _, _ =	vpop (xrf1)  }
0x4c5: {  	v23 =	vld.idx.msk [tilespmem:v35+s13+$0x0], $0xffff;
	(xrf1) =	vsort.ascd.msk.f32 $0xffff, v16, v16;
	v26, _, _ =	vpop (xrf1)  }
0x4c6: {  	s22 =	simm.s32 $0x15;
	v27 =	vmin.f32 v8, v10;
	vm0 =	vlt.s32 v13, v7;
	vm14 =	vlt.s32 v11, v7;
	v20 =	vld.idx.msk [tilespmem:v20+s13+$0x0], $0xffff;
	v25, _, _ =	vpop (xrf1)  }
0x4c7: {  	s23 =	simm.s32 $0x16;
	s19 =	simm.s32 $0x14;
	vm15 =	vlt.s32 v18, v7;
	v34 =	vperm.xlane v12, v1;
	v43 =	vmov s22;
	v28, _, _ =	vpop (xrf1)  }
0x4c8: {  	v19 =	vld.idx.msk [tilespmem:v19+s13+$0x0], $0xffff;
	v37 =	vmov s23;
	v18 =	vmov s19;
	v21 =	vperm.xlane v22, v1;
	v29, _, _ =	vpop (xrf1)  }
0x4c9: {  	v24 =	vld.idx.msk [tilespmem:v24+s13+$0x0], $0xffff;
	v22 =	vperm.xlane v25, v1;
	v25 =	vmov s18;
	v28 =	vperm.xlane v28, v1;
	v13, _, _ =	vpop (xrf1)  }
0x4ca: {  	v34 =	vmax.f32 v5, v34;
	v23 =	vnsel vm0, $0xFF800000, v23;
	vm1 =	vlt.s32 v25, v7;
	v30, _, _ =	vpop (xrf1)  }
0x4cb: {  	(xrf1) =	vsort.ascd.msk.f32 $0xffff, v27, v27;
	v25 =	vperm.xlane v29, v1;
	v29 =	vnsel vm1, $0xFF800000, v20;
	v11 =	vmax.f32 v30, v28;
	v27, _, _ =	vpop (xrf1)  }
0x4cc: {  	v13 =	vperm.xlane v13, v1;
	v20 =	vmin.f32 v30, v28;
	v28 =	vmin.f32 v27, v22  }
0x4cd: {  	v19 =	vnsel vm14, $0xFF800000, v19;
	v27 =	vmax.f32 v27, v22;
	(xrf1) =	vsort.ascd.msk.f32 $0xffff, v11, v11;
	v22 =	vperm.xlane v15, v1  }
0x4ce: {  	p6 =	sne.s32 s21, $0x1;
	v24 =	vnsel vm15, $0xFF800000, v24;
	v31 =	vmin.f32 v26, v13;
	v26 =	vmax.f32 v26, v13;
	(xrf1) =	vsort.ascd.msk.f32 $0xffff, v29, v29;
	v11, _, _ =	vpop (xrf1)  }
.Ltmp32:
0x4cf: {  	v13 =	vand.u32 $0x7E, v37;
	(xrf1) =	vsort.ascd.msk.f32 $0xffff, v23, v23;
	v29 =	vmin.f32 v11, v25;
	v25 =	vmax.f32 v11, v25;
	(pc) =	sbr.rel @!p6 .LBB2_57-.Ltmp32, $4  }
0x4d0: {  	(xrf1) =	vsort.ascd.msk.f32 $0xffff, v27, v27;
	v11 =	vand.u32 $0x7D, v43;
	v27 =	vadd.s32 s22, v6;
	v30 =	vmin.f32 v29, v31  }
0x4d1: {  	v23 =	vmax.f32 v29, v31;
	(xrf1) =	vsort.ascd.msk.f32 $0xffff, v28, v28;
	v29 =	vmax.f32 v25, v26;
	v31, _, _ =	vpop (xrf1);
	v28 =	vadd.s32 s23, v6  }
0x4d2: {  	v27 =	vand.u32 $0xFFFFFF80, v27;
	(xrf1) =	vsort.ascd.msk.f32 $0xffff, v24, v24;
	v24, _, _ =	vpop (xrf1);
	v36 =	vand.u32 $0xFFFFFF80, v28;
	v28 =	vperm.xlane v9, v1  }
0x4d3: {  	s21 =	sadd.s32 $0xFFFFFFFF, s21;
	p4 =	por $0x1, $0x1;
	v33 =	vand.u32 $0x7C, v18;
	s18 =	simm.s32 $0x1B;
	v35 =	vor.u32 v11, v27;
	(xrf1) =	vsort.ascd.msk.f32 $0xffff, v19, v19;
	v32, _, _ =	vpop (xrf1);
	v19 =	vor.u32 v13, v36  }
0x4d4: {  	_ = 	snop  }
0x4d5: {  	(xrf1) =	vsort.ascd.msk.f32 $0xffff, v20, v20;
	v11 =	vadd.s32 s20, v6;
	v13 =	vmax.f32 v5, v28  }
0x4d6: {  	v36 =	vmax.f32 v5, v22;
	v38 =	vmax.f32 v5, v21;
	v44 =	vmin.f32 v25, v26  }
0x4d7: {  	v27 =	vadd.s32 s19, v6;
	vm0 =	vlt.s32 v43, v7;
	(xrf1) =	vsort.ascd.msk.f32 $0xffff, v23, v23;
	v39 =	vmax.f32 v13, v34  }
0x4d8: {  	v35 =	vld.idx.msk [tilespmem:v35+s13+$0x0], $0xffff;
	v40 =	vmax.f32 v38, v36;
	v42 =	vmin.f32 v13, v34;
	(xrf1) =	vsort.ascd.msk.f32 $0xffff, v29, v29  }
0x4d9: {  	v19 =	vld.idx.msk [tilespmem:v19+s13+$0x0], $0xffff;
	v36 =	vmin.f32 v38, v36;
	v13 =	vmin.f32 v39, v40;
	(xrf1) =	vsort.ascd.msk.f32 $0xffff, v30, v30  }
0x4da: {  	v27 =	vand.u32 $0xFFFFFF80, v27;
	(xrf1) =	vsort.ascd.msk.f32 $0xffff, v13, v13;
	v41, _, _ =	vpop (xrf1);
	v60 =	vld.idx.msk [tilespmem:v11+s13+$0x0], $0xffff;
	v11 =	vmin.f32 v42, v36  }
0x4db: {  	v27 =	vor.u32 v33, v27;
	(xrf1) =	vsort.ascd.msk.f32 $0xffff, v11, v11;
	v11 =	vmax.f32 v39, v40;
	v45, _, _ =	vpop (xrf1)  }
0x4dc: {  	v48 =	vmov s20;
	vm14 =	vlt.s32 v37, v7;
	v38 =	vmax.f32 v42, v36;
	(xrf1) =	vsort.ascd.msk.f32 $0xffff, v11, v11;
	v61, _, _ =	vpop (xrf1)  }
0x4dd: {  	s22 =	simm.s32 $0x19;
	s19 =	simm.s32 $0x18;
	vm15 =	vlt.s32 v18, v7;
	vm1 =	vlt.s32 v48, v7;
	(xrf1) =	vsort.ascd.msk.f32 $0xffff, v38, v38;
	v62, _, _ =	vpop (xrf1)  }
0x4de: {  	v18 =	vmov s19;
	v13 =	vmov s22;
	v35 =	vnsel vm0, $0xFF800000, v35;
	v49, _, _ =	vpop (xrf1)  }
0x4df: {  	s23 =	simm.s32 $0x1A;
	v19 =	vnsel vm14, $0xFF800000, v19;
	v36 =	vperm.xlane v41, v1;
	(xrf1) =	vsort.ascd.msk.f32 $0xffff, v44, v44;
	v39 =	vperm.xlane v62, v1;
	v50, _, _ =	vpop (xrf1)  }
0x4e0: {  	v11 =	vmov s23;
	v51 =	vld.idx.msk [tilespmem:v27+s13+$0x0], $0xffff;
	v63 =	vperm.xlane v61, v1;
	v44 =	vperm.xlane v32, v1;
	v54, _, _ =	vpop (xrf1)  }
0x4e1: {  	v61 =	vand.u32 $0x7E, v11;
	v53 =	vnsel vm1, $0xFF800000, v60;
	v33 =	vmax.f32 v54, v39  }
0x4e2: {  	v60 =	vand.u32 $0x7D, v13;
	v52 =	vperm.xlane v49, v1;
	v56 =	vperm.xlane v50, v1;
	v55, _, _ =	vpop (xrf1);
	(xrf1) =	vsort.ascd.msk.f32 $0xffff, v33, v33  }
0x4e3: {  	v62 =	vadd.s32 s22, v6;
	v27 =	vmin.f32 v54, v39;
	v46 =	vmin.f32 v55, v63;
	(xrf1) =	vsort.ascd.msk.f32 $0xffff, v53, v53  }
0x4e4: {  	p6 =	sne.s32 s21, $0x1;
	v49 =	vadd.s32 s23, v6;
	v57 =	vmax.f32 v55, v63;
	v47, _, _ =	vpop (xrf1);
	v59 =	vmin.f32 v45, v56;
	(xrf1) =	vsort.ascd.msk.f32 $0xffff, v35, v35  }
.Ltmp33:
0x4e5: {  	v48 =	vnsel vm15, $0xFF800000, v51;
	v41 =	vmax.f32 v45, v56;
	v63 =	vperm.xlane v31, v1;
	v37, _, _ =	vpop (xrf1);
	(xrf1) =	vsort.ascd.msk.f32 $0xffff, v57, v57;
	(pc) =	sbr.rel @!p6 .LBB2_60-.Ltmp33, $4  }
0x4e6: {  	v50 =	vand.u32 $0xFFFFFF80, v62;
	v58 =	vmin.f32 v47, v52;
	v38 =	vmax.f32 v47, v52;
	v39, _, _ =	vpop (xrf1);
	(xrf1) =	vsort.ascd.msk.f32 $0xffff, v46, v46  }
0x4e7: {  	v49 =	vand.u32 $0xFFFFFF80, v49;
	v42 =	vmin.f32 v58, v59;
	v40 =	vmax.f32 v58, v59;
	v43, _, _ =	vpop (xrf1);
	(xrf1) =	vsort.ascd.msk.f32 $0xffff, v48, v48  }
0x4e8: {  	v33 =	vand.u32 $0x7C, v18;
	v45 =	vmax.f32 v38, v41;
	v46 =	vperm.xlane v24, v1;
	v51, _, _ =	vpop (xrf1);
	(xrf1) =	vsort.ascd.msk.f32 $0xffff, v19, v19  }
0x4e9: {  	s20 =	sadd.s32 $0xFFFFFFFF, s21;
	s21 =	simm.s32 $0x1F;
	p5 =	por $0x1, $0x1;
	v35 =	vor.u32 v60, v50;
	v48 =	vmax.f32 v51, v63;
	v19 =	vor.u32 v61, v49;
	v47, _, _ =	vpop (xrf1)  }
.LBB2_59:
0x4ea: {  	s22 =	sadd.s32 $0xFFFFFFFE, s21;
	s23 =	sadd.s32 $0xFFFFFFFF, s21;
	p6 =	sne.s32 s20, $0x1;
	v49 =	vadd.s32 s19, v6;
	v50 =	vadd.s32 s18, v6;
	(xrf1) =	vsort.ascd.msk.f32 $0xffff, v27, v27;
	v27 =	vmax.f32 v47, v46;
	v46, _, _ =	vpop (xrf1)  }
0x4eb: {  	s19 =	sadd.s32 $0xFFFFFFFD, s21;
	s20 =	sadd.s32 $0xFFFFFFFF, s20;
	v47 =	vmov s22;
	v51 =	vmov s23;
	(xrf1) =	vsort.ascd.msk.f32 $0xffff, v40, v40;
	v40 =	vmax.f32 v46, v44;
	v44, _, _ =	vpop (xrf1)  }
0x4ec: {  	v52 =	vmovc v39;
	v46 =	vmov s19;
	v49 =	vand.u32 $0xFFFFFF80, v49;
	(xrf1) =	vsort.ascd.msk.f32 $0xffff, v45, v45;
	v36 =	vmax.f32 v44, v36  }
0x4ed: {  	v39 =	vor.u32 v33, v49;
	v33 =	vand.u32 $0x7C, v46;
	v44 =	vmax.f32 v27, v48;
	(xrf1) =	vsort.ascd.msk.f32 $0xffff, v42, v42;
	v42, _, _ =	vpop (xrf1)  }
0x4ee: {  	v27 =	vmin.f32 v27, v48;
	v45 =	vmin.f32 v36, v40;
	v36 =	vmax.f32 v36, v40;
	v35 =	vld.idx.msk [tilespmem:v35+s13+$0x0], $0xffff  }
0x4ef: {  	v48 =	vmin.f32 v27, v45;
	v27 =	vmax.f32 v27, v45;
	v45 =	vmin.f32 v44, v36;
	v40 =	vld.idx.msk [tilespmem:v50+s13+$0x0], $0xffff  }
0x4f0: {  	v38 =	vmin.f32 v38, v41;
	v41 =	vmax.f32 v44, v36;
	v49, _, _ =	vpop (xrf1);
	(xrf1) =	vsort.ascd.msk.f32 $0xffff, v45, v45  }
0x4f1: {  	v36 =	vperm.xlane v42, v1;
	v44, _, _ =	vpop (xrf1);
	(xrf1) =	vsort.ascd.msk.f32 $0xffff, v48, v48  }
0x4f2: {  	v39 =	vld.idx.msk [tilespmem:v39+s13+$0x0], $0xffff;
	v42 =	vperm.xlane v44, v1;
	v44, _, _ =	vpop (xrf1);
	(xrf1) =	vsort.ascd.msk.f32 $0xffff, v41, v41  }
0x4f3: {  	v41 =	vmov s18;
	s18 =	smov.u32 s21;
	v19 =	vld.idx.msk [tilespmem:v19+s13+$0x0], $0xffff;
	v50 =	vperm.xlane v44, v1;
	v45, _, _ =	vpop (xrf1);
	(xrf1) =	vsort.ascd.msk.f32 $0xffff, v27, v27  }
0x4f4: {  	vm0 =	vlt.s32 v13, v7;
	vm1 =	vlt.s32 v41, v7;
	v41 =	vperm.xlane v45, v1;
	v45, _, _ =	vpop (xrf1)  }
0x4f5: {  	v13 =	vmov v47;
	v35 =	vnsel vm0, $0xFF800000, v35;
	v40 =	vnsel vm1, $0xFF800000, v40;
	v48, _, _ =	vpop (xrf1);
	(xrf1) =	vsort.ascd.msk.f32 $0xffff, v38, v38  }
0x4f6: {  	vm0 =	vlt.s32 v11, v7;
	v27 =	vmin.f32 v48, v50;
	v53 =	vmax.f32 v48, v50;
	v44, _, _ =	vpop (xrf1)  }
0x4f7: {  	v11 =	vmovc v51;
	vm1 =	vlt.s32 v18, v7;
	v45 =	vperm.xlane v45, v1;
	v47 =	vmin.f32 v44, v42  }
0x4f8: {  	v48 =	vnsel vm1, $0xFF800000, v39;
	v50 =	vmax.f32 v44, v42;
	v44 =	vperm.xlane v43, v1;
	(xrf1) =	vsort.ascd.msk.f32 $0xffff, v53, v53;
	v38, _, _ =	vpop (xrf1)  }
0x4f9: {  	v54 =	vmin.f32 v49, v45;
	v19 =	vnsel vm0, $0xFF800000, v19;
	(xrf1) =	vsort.ascd.msk.f32 $0xffff, v40, v40;
	v53 =	vmin.f32 v38, v41;
	v51, _, _ =	vpop (xrf1)  }
0x4fa: {  	v18 =	vmov v46;
	(xrf1) =	vsort.ascd.msk.f32 $0xffff, v35, v35;
	v42 =	vmin.f32 v53, v54;
	v40 =	vmax.f32 v53, v54;
	v39, _, _ =	vpop (xrf1)  }
.Ltmp34:
0x4fb: {  	v38 =	vmax.f32 v38, v41;
	v41 =	vmax.f32 v49, v45;
	(xrf1) =	vsort.ascd.msk.f32 $0xffff, v50, v50;
	v43, _, _ =	vpop (xrf1);
	(pc) =	sbr.rel @p6 .LBB2_59-.Ltmp34, $4  }
0x4fc: {  	v49 =	vand.u32 $0x7E, v11;
	v35 =	vand.u32 $0x7D, v13;
	v45 =	vmax.f32 v38, v41;
	(xrf1) =	vsort.ascd.msk.f32 $0xffff, v47, v47  }
0x4fd: {  	v46 =	vadd.s32 s22, v6;
	v54 =	vadd.s32 s23, v6;
	(xrf1) =	vsort.ascd.msk.f32 $0xffff, v48, v48;
	v48 =	vperm.xlane v37, v1;
	v37 =	vmovc v51  }
0x4fe: {  	v50 =	vand.u32 $0xFFFFFF80, v46;
	v53 =	vand.u32 $0xFFFFFF80, v54;
	v46 =	vperm.xlane v52, v1;
	(xrf1) =	vsort.ascd.msk.f32 $0xffff, v19, v19;
	v51, _, _ =	vpop (xrf1)  }
0x4ff: {  	s21 =	sadd.s32 $0x4, s21;
	v35 =	vor.u32 v35, v50;
	v19 =	vor.u32 v49, v53;
	v48 =	vmax.f32 v51, v48;
	v47, _, _ =	vpop (xrf1)  }
.LBB2_60:
0x500: {  	v49, _, _ =	vpop @p5 (xrf1)  }
0x501: {  	(xrf1) =	vsort.ascd.msk.f32 @p1 $0xffff, v27, v27;
	v46 =	vmax.f32 @p4 v47, v46;
	v27, _, _ =	vpop @p5 (xrf1)  }
0x502: {  	v47 =	vpsel p5, v49, v5;
	(xrf1) =	vsort.ascd.msk.f32 @p2 $0xffff, v40, v40;
	v27 =	vpsel p5, v27, v5  }
0x503: {  	v40 =	vmax.f32 @p4 v47, v44;
	(xrf1) =	vsort.ascd.msk.f32 @p2 $0xffff, v45, v45;
	v27 =	vmax.f32 @p4 v27, v36  }
0x504: {  	v45 =	vmin.f32 @p4 v46, v48;
	v36 =	vmax.f32 @p4 v46, v48;
	v44 =	vmax.f32 @p4 v27, v40  }
0x505: {  	v62 =	vadd.s32 s18, v6;
	(xrf1) =	vsort.ascd.msk.f32 @p2 $0xffff, v42, v42;
	v27 =	vmin.f32 @p4 v27, v40;
	v42 =	vmin.f32 @p4 v36, v44  }
0x506: {  	(xrf1) =	vsort.ascd.msk.f32 @p4 $0xffff, v42, v42;
	v42 =	vmin.f32 @p4 v45, v27  }
0x507: {  	v6 =	vadd.s32 s19, v6;
	v40, _, _ =	vpop @p3 (xrf1)  }
0x508: {  	vm1 =	vlt.s32 v13, v7;
	v6 =	vand.u32 $0xFFFFFF80, v6;
	v47, _, _ =	vpop @p1 (xrf1)  }
0x509: {  	v6 =	vor.u32 v33, v6;
	v36 =	vmax.f32 @p4 v36, v44;
	(xrf1) =	vsort.ascd.msk.f32 @p4 $0xffff, v42, v42;
	v42, _, _ =	vpop @p0 (xrf1)  }
0x50a: {  	vm15 =	vlt.s32 v11, v7;
	v63 =	vld.idx.msk [tilespmem:v62+s13+$0x0], $0xffff;
	v27 =	vmax.f32 @p4 v45, v27;
	v33, _, _ =	vpop @p0 (xrf1);
	(xrf1) =	vsort.ascd.msk.f32 @p4 $0xffff, v36, v36  }
0x50b: {  	vm2 =	vlt.s32 v18, v7;
	v48 =	vld.idx.msk [tilespmem:v35+s13+$0x0], $0xffff;
	v36 =	vmin.f32 @p2 v38, v41;
	v41, _, _ =	vpop @p1 (xrf1);
	(xrf1) =	vsort.ascd.msk.f32 @p4 $0xffff, v27, v27  }
0x50c: {  	v45 =	vmov s18;
	v38 =	vperm.xlane @p3 v40, v1;
	v33 =	vperm.xlane @p0 v33, v1;
	v40, _, _ =	vpop @p1 (xrf1)  }
0x50d: {  	v19 =	vld.idx.msk [tilespmem:v19+s13+$0x0], $0xffff;
	vm0 =	vlt.s32 v45, v7;
	v35 =	vperm.xlane @p0 v42, v1;
	(xrf1) =	vsort.ascd.msk.f32 @p2 $0xffff, v36, v36;
	v42, _, _ =	vpop @p0 (xrf1)  }
0x50e: {  	v6 =	vld.idx.msk [tilespmem:v6+s13+$0x0], $0xffff;
	v18 =	vperm.xlane @p1 v40, v1;
	v11 =	vmin.f32 @p0 v42, v33;
	v33 =	vmax.f32 @p0 v42, v33  }
0x50f: {  	v49 =	vnsel vm0, $0xFF800000, v63;
	v13 =	vperm.xlane @p1 v41, v1;
	v21 =	vpsel p3, v38, v21;
	v36, _, _ =	vpop @p0 (xrf1);
	(xrf1) =	vsort.ascd.msk.f32 @p0 $0xffff, v33, v33  }
0x510: {  	v27 =	vnsel vm1, $0xFF800000, v48;
	v7 =	vmin.f32 @p0 v36, v35;
	v41 =	vmin.f32 @p1 v47, v18;
	(xrf1) =	vsort.ascd.msk.f32 $0xffff, v49, v49  }
0x511: {  	v35 =	vmax.f32 @p0 v36, v35;
	v36 =	vperm.xlane @p3 v43, v1;
	v33, _, _ =	vpop @p1 (xrf1);
	(xrf1) =	vsort.ascd.msk.f32 $0xffff, v27, v27  }
0x512: {  	v18 =	vmax.f32 @p1 v47, v18;
	v40 =	vmin.f32 @p1 v33, v13;
	v42, _, _ =	vpop @p2 (xrf1);
	(xrf1) =	vsort.ascd.msk.f32 @p0 $0xffff, v35, v35  }
0x513: {  	v35 =	vperm.xlane @p3 v37, v1;
	v27 =	vmin.f32 @p1 v40, v41;
	v40 =	vmax.f32 @p1 v40, v41;
	v41, _, _ =	vpop @p2 (xrf1)  }
0x514: {  	v6 =	vnsel vm2, $0xFF800000, v6;
	v11 =	vpsel p0, v11, v20;
	v13 =	vmax.f32 @p1 v33, v13;
	(xrf1) =	vsort.ascd.msk.f32 @p0 $0xffff, v7, v7;
	v33, _, _ =	vpop @p2 (xrf1)  }
0x515: {  	v19 =	vnsel vm15, $0xFF800000, v19;
	v22 =	vpsel p3, v36, v22;
	v7 =	vmax.f32 @p1 v13, v18;
	(xrf1) =	vsort.ascd.msk.f32 $0xffff, v6, v6;
	v37, _, _ =	vpop @p4 (xrf1)  }
0x516: {  	v6 =	vperm.xlane @p3 v39, v1;
	v23 =	vpsel p1, v40, v23;
	v37 =	vpsel p4, v37, v5  }
0x517: {  	v7 =	vpsel p1, v7, v29;
	(xrf1) =	vsort.ascd.msk.f32 $0xffff, v19, v19;
	v19 =	vmax.f32 @p3 v37, v35;
	v35, _, _ =	vpop @p4 (xrf1)  }
0x518: {  	v27 =	vpsel p1, v27, v30;
	v6 =	vpsel p3, v6, v28;
	v20 =	vpsel p4, v35, v5;
	v28, _, _ =	vpop @p4 (xrf1)  }
0x519: {  	v19 =	vpsel p3, v19, v34;
	(xrf1) =	vsort.ascd.msk.f32 @p0 $0xffff, v11, v11;
	v11, _, _ =	vpop @p4 (xrf1);
	v6 =	vmax.f32 @p3 v20, v6  }
0x51a: {  	v20 =	vpsel p4, v28, v5;
	(xrf1) =	vsort.ascd.msk.f32 @p1 $0xffff, v23, v23;
	v11 =	vpsel p4, v11, v5  }
0x51b: {  	v20 =	vmax.f32 @p3 v20, v22;
	(xrf1) =	vsort.ascd.msk.f32 @p1 $0xffff, v7, v7;
	v11 =	vmax.f32 @p3 v11, v21  }
0x51c: {  	v7 =	vmax.f32 @p3 v6, v19;
	v6 =	vmin.f32 @p3 v6, v19;
	v21 =	vmax.f32 @p3 v11, v20  }
0x51d: {  	(xrf1) =	vsort.ascd.msk.f32 @p1 $0xffff, v27, v27;
	v11 =	vmin.f32 @p3 v11, v20;
	v22 =	vmin.f32 @p3 v7, v21  }
0x51e: {  	v19 =	vmin.f32 @p3 v6, v11;
	(xrf1) =	vsort.ascd.msk.f32 @p3 $0xffff, v22, v22;
	_ =	sdelay $0x1  }
0x51f: {  	v20, _, _ =	vpop @p2 (xrf1);
	v7 =	vmax.f32 @p3 v7, v21  }
0x520: {  	(xrf1) =	vsort.ascd.msk.f32 @p3 $0xffff, v19, v19;
	v19, _, _ =	vpop @p0 (xrf1)  }
0x521: {  	v6 =	vmax.f32 @p3 v6, v11;
	v11, _, _ =	vpop (xrf1)  }
0x522: {  	(xrf1) =	vsort.ascd.msk.f32 @p3 $0xffff, v7, v7;
	v7, _, _ =	vpop (xrf1)  }
0x523: {  	(xrf1) =	vsort.ascd.msk.f32 @p3 $0xffff, v6, v6;
	v22, _, _ =	vpop @p0 (xrf1)  }
0x524: {  	v13 =	vpsel p1, v13, v25;
	v21 =	vpsel p2, v41, v24;
	v24, _, _ =	vpop @p0 (xrf1)  }
0x525: {  	v18 =	vpsel p1, v18, v26;
	v23 =	vpsel p2, v33, v32;
	v50, _, _ =	vpop (xrf1);
	v24 =	vperm.xlane @p0 v24, v1  }
0x526: {  	v13 =	vmin.f32 @p1 v13, v18;
	v23 =	vperm.xlane @p2 v23, v1;
	v7 =	vperm.xlane v7, v1;
	v51, _, _ =	vpop (xrf1)  }
0x527: {  	v11 =	vperm.xlane v11, v1;
	v18 =	vperm.xlane @p0 v22, v1;
	v26, _, _ =	vpop @p0 (xrf1);
	v27 =	vmin.f32 @p0 v19, v24  }
0x528: {  	(xrf1) =	vsort.ascd.msk.f32 @p1 $0xffff, v13, v13;
	v52 =	vmin.f32 v50, v7;
	v7 =	vmax.f32 v50, v7;
	v22, _, _ =	vpop @p1 (xrf1)  }
0x529: {  	v53 =	vmin.f32 v51, v11;
	(xrf1) =	vsort.ascd.msk.f32 $0xffff, v7, v7;
	v7 =	vmin.f32 @p0 v26, v18;
	v28, _, _ =	vpop @p1 (xrf1)  }
0x52a: {  	v11 =	vmax.f32 v51, v11;
	v29 =	vmin.f32 @p0 v7, v27;
	v7 =	vmax.f32 @p0 v7, v27;
	v27, _, _ =	vpop @p1 (xrf1)  }
0x52b: {  	v21 =	vperm.xlane @p2 v21, v1;
	v6 =	vmov @p2 v42;
	(xrf1) =	vsort.ascd.msk.f32 $0xffff, v11, v11;
	v11 =	vmax.f32 @p0 v26, v18;
	v18, _, _ =	vpop @p3 (xrf1)  }
0x52c: {  	v20 =	vperm.xlane @p2 v20, v1;
	v6 =	vpsel p2, v6, v31;
	v18 =	vpsel p3, v18, v5  }
0x52d: {  	v21 =	vpsel p2, v21, v0;
	v6 =	vperm.xlane @p2 v6, v1  }
0x52e: {  	v20 =	vpsel p2, v20, v0;
	v19 =	vmax.f32 @p0 v19, v24;
	(xrf1) =	vsort.ascd.msk.f32 $0xffff, v53, v53  }
0x52f: {  	v24 =	vmax.f32 @p0 v11, v19;
	v7 =	vpsel p0, v7, v14;
	v6 =	vmax.f32 @p2 v18, v6;
	v18, _, _ =	vpop @p3 (xrf1)  }
0x530: {  	v14 =	vpsel p2, v23, v0;
	v17 =	vpsel p0, v24, v17;
	v16 =	vpsel p0, v29, v16;
	v23, _, _ =	vpop @p3 (xrf1)  }
0x531: {  	v6 =	vpsel p2, v6, v0;
	v18 =	vpsel p3, v18, v5;
	(xrf1) =	vsort.ascd.msk.f32 $0xffff, v52, v52;
	v13, _, _ =	vpop @p3 (xrf1)  }
0x532: {  	v18 =	vmax.f32 @p2 v18, v21;
	v21 =	vpsel p3, v23, v5;
	v13 =	vpsel p3, v13, v5  }
0x533: {  	(xrf1) =	vsort.ascd.msk.f32 @p0 $0xffff, v7, v7;
	v7 =	vmax.f32 @p2 v21, v14;
	v13 =	vmax.f32 @p2 v13, v20  }
0x534: {  	(xrf1) =	vsort.ascd.msk.f32 @p0 $0xffff, v17, v17;
	v14 =	vmax.f32 @p2 v18, v6;
	v17 =	vmax.f32 @p2 v13, v7  }
0x535: {  	(xrf1) =	vsort.ascd.msk.f32 @p0 $0xffff, v16, v16;
	v16 =	vmin.f32 @p2 v14, v17  }
0x536: {  	(xrf1) =	vsort.ascd.msk.f32 @p2 $0xffff, v16, v16;
	_ =	sdelay $0x1  }
0x537: {  	v6 =	vmin.f32 @p2 v18, v6;
	v7 =	vmin.f32 @p2 v13, v7  }
0x538: {  	v13 =	vmin.f32 @p2 v6, v7;
	v6 =	vmax.f32 @p2 v6, v7  }
0x539: {  	v14 =	vmax.f32 @p2 v14, v17;
	(xrf1) =	vsort.ascd.msk.f32 @p2 $0xffff, v13, v13  }
0x53a: {  	(xrf1) =	vsort.ascd.msk.f32 @p2 $0xffff, v14, v14  }
0x53b: {  	(xrf1) =	vsort.ascd.msk.f32 @p2 $0xffff, v6, v6;
	v6, _, _ =	vpop @p1 (xrf1)  }
0x53c: {  	v7, _, _ =	vpop (xrf1)  }
0x53d: {  	v10 =	vpsel p0, v19, v10;
	v8 =	vpsel p0, v11, v8;
	v54, _, _ =	vpop (xrf1)  }
0x53e: {  	v8 =	vmin.f32 @p0 v8, v10;
	v55, _, _ =	vpop (xrf1)  }
0x53f: {  	v56, _, _ =	vpop (xrf1)  }
0x540: {  	v16, _, _ =	vpop @p0 (xrf1)  }
0x541: {  	(xrf1) =	vsort.ascd.msk.f32 @p0 $0xffff, v8, v8;
	v8, _, _ =	vpop @p0 (xrf1)  }
0x542: {  	v18, _, _ =	vpop @p0 (xrf1)  }
0x543: {  	v11 =	vpsel p1, v27, v15;
	v14 =	vmov @p1 v22;
	v15, _, _ =	vpop @p2 (xrf1)  }
0x544: {  	v9 =	vpsel p1, v28, v9;
	v12 =	vpsel p1, v14, v12;
	v13 =	vpsel p2, v15, v5  }
0x545: {  	v9 =	vperm.xlane @p1 v9, v1;
	v12 =	vperm.xlane @p1 v12, v1  }
0x546: {  	v11 =	vperm.xlane @p1 v11, v1;
	v6 =	vperm.xlane @p1 v6, v1  }
0x547: {  	v10 =	vperm.xlane v54, v1;
	v57 =	vperm.xlane v55, v1;
	v12 =	vmax.f32 @p1 v13, v12;
	v13, _, _ =	vpop @p2 (xrf1)  }
0x548: {  	v9 =	vpsel p1, v9, v0;
	v11 =	vpsel p1, v11, v0;
	v13 =	vpsel p2, v13, v5  }
0x549: {  	v6 =	vpsel p1, v6, v0;
	v58 =	vmin.f32 v56, v10;
	v59 =	vmin.f32 v7, v57  }
0x54a: {  	v10 =	vmax.f32 v56, v10;
	v7 =	vmax.f32 v7, v57;
	v60 =	vmin.f32 v58, v59;
	v17, _, _ =	vpop @p2 (xrf1)  }
0x54b: {  	v14 =	vmax.f32 v58, v59;
	v61 =	vmax.f32 v10, v7;
	v9 =	vmax.f32 @p1 v13, v9;
	v13, _, _ =	vpop @p2 (xrf1)  }
0x54c: {  	(xrf1) =	vsort.ascd.msk.f32 $0xffff, v14, v14;
	v14 =	vpsel p2, v17, v5;
	v13 =	vpsel p2, v13, v5  }
0x54d: {  	v12 =	vpsel p1, v12, v0;
	v11 =	vmax.f32 @p1 v14, v11;
	v6 =	vmax.f32 @p1 v13, v6  }
0x54e: {  	(xrf1) =	vsort.ascd.msk.f32 $0xffff, v61, v61;
	v13 =	vmax.f32 @p1 v9, v12;
	v14 =	vmax.f32 @p1 v6, v11  }
0x54f: {  	(xrf1) =	vsort.ascd.msk.f32 $0xffff, v60, v60;
	v6 =	vmin.f32 @p1 v6, v11;
	v11 =	vmin.f32 @p1 v13, v14  }
0x550: {  	(xrf1) =	vsort.ascd.msk.f32 @p1 $0xffff, v11, v11  }
0x551: {  	v9 =	vmin.f32 @p1 v9, v12  }
0x552: {  	v12 =	vmin.f32 @p1 v9, v6  }
0x553: {  	v11 =	vmax.f32 @p1 v13, v14;
	(xrf1) =	vsort.ascd.msk.f32 @p1 $0xffff, v12, v12  }
0x554: {  	v6 =	vmax.f32 @p1 v9, v6;
	(xrf1) =	vsort.ascd.msk.f32 @p1 $0xffff, v11, v11  }
0x555: {  	(xrf1) =	vsort.ascd.msk.f32 @p1 $0xffff, v6, v6;
	_ =	sdelay $0x4  }
0x556: {  	v6, _, _ =	vpop @p0 (xrf1)  }
0x557: {  	v9, _, _ =	vpop (xrf1)  }
0x558: {  	v62, _, _ =	vpop (xrf1)  }
0x559: {  	v63, _, _ =	vpop (xrf1)  }
0x55a: {  	v11 =	vmov @p0 v16;
	v15, _, _ =	vpop @p1 (xrf1)  }
0x55b: {  	v8 =	vpsel p0, v8, v0;
	v11 =	vpsel p0, v11, v0;
	v15 =	vpsel p1, v15, v5  }
0x55c: {  	v8 =	vperm.xlane @p0 v8, v1;
	v13 =	vpsel p0, v18, v0;
	v11 =	vperm.xlane @p0 v11, v1  }
0x55d: {  	v13 =	vperm.xlane @p0 v13, v1;
	v6 =	vperm.xlane @p0 v6, v1;
	v16, _, _ =	vpop @p1 (xrf1)  }
0x55e: {  	v7 =	vmin.f32 v10, v7;
	v8 =	vpsel p0, v8, v0;
	v10 =	vmax.f32 @p0 v15, v11;
	v15, _, _ =	vpop @p1 (xrf1)  }
0x55f: {  	v13 =	vpsel p0, v13, v0;
	v6 =	vpsel p0, v6, v0;
	v11 =	vpsel p1, v16, v5;
	v16, _, _ =	vpop @p1 (xrf1)  }
0x560: {  	v10 =	vpsel p0, v10, v0;
	v15 =	vpsel p1, v15, v5;
	v16 =	vpsel p1, v16, v5  }
0x561: {  	v8 =	vmax.f32 @p0 v11, v8;
	v11 =	vmax.f32 @p0 v15, v13;
	v6 =	vmax.f32 @p0 v16, v6  }
0x562: {  	(xrf1) =	vsort.ascd.msk.f32 $0xffff, v7, v7;
	v7 =	vmax.f32 @p0 v8, v10;
	v13 =	vmax.f32 @p0 v6, v11  }
0x563: {  	v8 =	vmin.f32 @p0 v8, v10;
	v6 =	vmin.f32 @p0 v6, v11;
	v10 =	vmin.f32 @p0 v7, v13  }
0x564: {  	v11 =	vmin.f32 @p0 v8, v6;
	(xrf1) =	vsort.ascd.msk.f32 @p0 $0xffff, v10, v10  }
0x565: {  	v7 =	vmax.f32 @p0 v7, v13;
	(xrf1) =	vsort.ascd.msk.f32 @p0 $0xffff, v11, v11  }
0x566: {  	v6 =	vmax.f32 @p0 v8, v6;
	(xrf1) =	vsort.ascd.msk.f32 @p0 $0xffff, v7, v7  }
0x567: {  	(xrf1) =	vsort.ascd.msk.f32 @p0 $0xffff, v6, v6;
	_ =	sdelay $0x9  }
0x568: {  	v8 =	vperm.xlane v9, v1;
	v6, _, _ =	vpop (xrf1)  }
0x569: {  	v7, _, _ =	vpop @p0 (xrf1)  }
0x56a: {  	v9, _, _ =	vpop @p0 (xrf1)  }
0x56b: {  	v12 =	vperm.xlane v62, v1;
	v7 =	vpsel p0, v7, v5;
	v10, _, _ =	vpop @p0 (xrf1)  }
0x56c: {  	v11 =	vperm.xlane v63, v1;
	v6 =	vperm.xlane v6, v1;
	v7 =	vmax.f32 v7, v8;
	v8, _, _ =	vpop @p0 (xrf1)  }
0x56d: {  	v9 =	vpsel p0, v9, v5;
	v10 =	vpsel p0, v10, v5;
	v8 =	vpsel p0, v8, v5  }
0x56e: {  	v9 =	vmax.f32 v9, v12;
	v10 =	vmax.f32 v10, v11;
	v6 =	vmax.f32 v8, v6  }
0x56f: {  	v8 =	vmax.f32 v9, v7;
	v11 =	vmax.f32 v6, v10  }
0x570: {  	v7 =	vmin.f32 v9, v7;
	v6 =	vmin.f32 v6, v10;
	v9 =	vmin.f32 v8, v11  }
0x571: {  	v10 =	vmin.f32 v7, v6;
	(xrf1) =	vsort.ascd.msk.f32 $0xffff, v9, v9  }
0x572: {  	v8 =	vmax.f32 v8, v11;
	(xrf1) =	vsort.ascd.msk.f32 $0xffff, v10, v10  }
0x573: {  	v6 =	vmax.f32 v7, v6;
	(xrf1) =	vsort.ascd.msk.f32 $0xffff, v8, v8  }
0x574: {  	(xrf1) =	vsort.ascd.msk.f32 $0xffff, v6, v6;
	_ =	sdelay $0xa  }
0x575: {  	v10, _, _ =	vpop (xrf1)  }
0x576: {  	v8, _, _ =	vpop (xrf1)  }
0x577: {  	v11, _, _ =	vpop (xrf1)  }
0x578: {  	v9, _, _ =	vpop (xrf1)  }
.LBB2_61:
0x579: {  	v6 =	vperm.xlane v11, v1  }
0x57a: {  	v7 =	vperm.xlane v10, v1  }
0x57b: {  	[tilespmem:$0x6180] =	vst v6;
	v6 =	vperm.xlane v9, v1  }
0x57c: {  	[tilespmem:$0x6190] =	vst v7;
	v7 =	vperm.xlane v8, v1  }
0x57d: {  	[tilespmem:$0x61A0] =	vst v6  }
0x57e: {  	[tilespmem:$0x61B0] =	vst v7  }
0x57f: {  	_ =	swait.ge [sflag:s14], $0x2000  }
0x580: {  	[sflag:s14] =	ssyncset.done $0x0  }
0x581: {  	s19 =	simm.s32 $0x2100;
	[sflag:s14] =	ssyncadd.s32 $0xFFFFE000  }
0x582: {  	v13 =	vld [tilespmem:s19+$0x80]  }
0x583: {  	v14 =	vld [tilespmem:s19+$0x90]  }
0x584: {  	v11 =	vld [tilespmem:s19+$0xA0]  }
0x585: {  	v12 =	vld [tilespmem:s19+$0xB0]  }
0x586: {  	v9 =	vld [tilespmem:s19+$0xC0]  }
0x587: {  	v7 =	vld [tilespmem:s19+$0xD0]  }
0x588: {  	v6 =	vld [tilespmem:s19+$0xE0]  }
0x589: {  	v17 =	vld [tilespmem:s19+$0x0]  }
0x58a: {  	v18 =	vld [tilespmem:s19+$0x10]  }
0x58b: {  	v24 =	vld [tilespmem:s19+$0x20]  }
0x58c: {  	v25 =	vld [tilespmem:s19+$0x30]  }
0x58d: {  	v28 =	vld [tilespmem:s19+$0x40]  }
0x58e: {  	v10 =	vld [tilespmem:s19+$0x50]  }
0x58f: {  	v8 =	vld [tilespmem:s19+$0x60]  }
0x590: {  	v19 =	vld [tilespmem:s19+$0xFFFFFF80]  }
0x591: {  	v20 =	vld [tilespmem:s19+$0xFFFFFF90]  }
0x592: {  	v22 =	vld [tilespmem:s19+$0xFFFFFFA0]  }
0x593: {  	v26 =	vld [tilespmem:s19+$0xFFFFFFB0]  }
0x594: {  	v27 =	vld [tilespmem:s19+$0xFFFFFFC0]  }
0x595: {  	v15 =	vld [tilespmem:s19+$0xFFFFFF00]  }
0x596: {  	v21 =	vld [tilespmem:s19+$0xFFFFFF10]  }
0x597: {  	v16 =	vld [tilespmem:s19+$0xFFFFFFD0]  }
0x598: {  	v29 =	vld [tilespmem:s19+$0xFFFFFF20]  }
0x599: {  	v30 =	vld [tilespmem:s19+$0xFFFFFF30]  }
0x59a: {  	v31 =	vld [tilespmem:s19+$0xFFFFFF40];
	v23 =	vmax.f32 v5, v15  }
0x59b: {  	v21 =	vmax.f32 v5, v21;
	v15 =	vld [tilespmem:s19+$0xFFFFFFE0];
	v19 =	vmax.f32 v23, v19  }
0x59c: {  	v23 =	vld [tilespmem:s19+$0xFFFFFF50];
	v20 =	vmax.f32 v21, v20;
	v19 =	vmax.f32 v19, v17  }
0x59d: {  	v17 =	vld [tilespmem:s19+$0xFFFFFF60];
	v21 =	vmax.f32 v20, v18;
	v18 =	vmax.f32 v19, v13  }
0x59e: {  	v20 =	vld [tilespmem:s19+$0xFFFFFF70];
	v19 =	vmax.f32 v21, v14;
	v13 =	vmax.f32 v5, v29;
	v14 =	vmax.f32 v5, v30  }
0x59f: {  	v29 =	vmax.f32 v5, v31;
	v21 =	vld [tilespmem:s19+$0xFFFFFFF0];
	v13 =	vmax.f32 v13, v22;
	v14 =	vmax.f32 v14, v26  }
0x5a0: {  	v29 =	vmax.f32 v29, v27;
	v22 =	vld [tilespmem:s19+$0x70];
	v27 =	vmax.f32 v13, v24;
	v26 =	vmax.f32 v14, v25  }
0x5a1: {  	s18 =	simm.s32 $0x0;
	v25 =	vmax.f32 v29, v28;
	v24 =	vld [tilespmem:s19+$0xF0];
	s19 =	simm.s32 $0x2300;
	v13 =	vimm.f32 $-Inf;
	v14 =	vimm.f32 $-Inf  }
.LBB2_62:
0x5a2: {  	v28 =	vld [tilespmem:s19+$0x80];
	v27 =	vmax.f32 v27, v11;
	v26 =	vmax.f32 v26, v12;
	v25 =	vmax.f32 v25, v9  }
0x5a3: {  	v5 =	vmax.f32 v5, v23;
	v9 =	vmax.f32 v13, v17;
	v29 =	vld [tilespmem:s19+$0x90];
	v12 =	vmax.f32 v14, v20  }
0x5a4: {  	v5 =	vmax.f32 v5, v16;
	v9 =	vmax.f32 v9, v15;
	v11 =	vld [tilespmem:s19+$0xA0];
	v13 =	vmax.f32 v12, v21  }
0x5a5: {  	v5 =	vmax.f32 v5, v10;
	v8 =	vmax.f32 v9, v8;
	v12 =	vld [tilespmem:s19+$0xB0];
	v10 =	vmax.f32 v13, v22  }
0x5a6: {  	v5 =	vmax.f32 v5, v7;
	v13 =	vmax.f32 v8, v6;
	v9 =	vld [tilespmem:s19+$0xC0];
	v14 =	vmax.f32 v10, v24  }
0x5a7: {  	v7 =	vld [tilespmem:s19+$0xD0]  }
0x5a8: {  	v6 =	vld [tilespmem:s19+$0xE0]  }
0x5a9: {  	v20 =	vld [tilespmem:s19+$0x0]  }
0x5aa: {  	v21 =	vld [tilespmem:s19+$0x10]  }
0x5ab: {  	v24 =	vld [tilespmem:s19+$0x20]  }
0x5ac: {  	v30 =	vld [tilespmem:s19+$0x30]  }
0x5ad: {  	v31 =	vld [tilespmem:s19+$0x40]  }
0x5ae: {  	v10 =	vld [tilespmem:s19+$0x50]  }
0x5af: {  	v8 =	vld [tilespmem:s19+$0x60]  }
0x5b0: {  	v17 =	vld [tilespmem:s19+$0xFFFFFF80]  }
0x5b1: {  	v22 =	vld [tilespmem:s19+$0xFFFFFF90]  }
0x5b2: {  	v32 =	vld [tilespmem:s19+$0xFFFFFFA0]  }
0x5b3: {  	v33 =	vld [tilespmem:s19+$0xFFFFFFB0]  }
0x5b4: {  	v34 =	vld [tilespmem:s19+$0xFFFFFFC0]  }
0x5b5: {  	v15 =	vld [tilespmem:s19+$0xFFFFFF00]  }
0x5b6: {  	v23 =	vld [tilespmem:s19+$0xFFFFFF10]  }
0x5b7: {  	v16 =	vld [tilespmem:s19+$0xFFFFFFD0]  }
0x5b8: {  	v35 =	vld [tilespmem:s19+$0xFFFFFF20]  }
0x5b9: {  	v36 =	vld [tilespmem:s19+$0xFFFFFF30]  }
0x5ba: {  	v37 =	vld [tilespmem:s19+$0xFFFFFF40]  }
0x5bb: {  	s18 =	sadd.s32 $0x4, s18;
	v18 =	vmax.f32 v18, v15;
	v19 =	vmax.f32 v19, v23;
	v15 =	vld [tilespmem:s19+$0xFFFFFFE0]  }
0x5bc: {  	p0 =	slt.u32 s18, $0x3C;
	v18 =	vmax.f32 v18, v17;
	v23 =	vld [tilespmem:s19+$0xFFFFFF50];
	v19 =	vmax.f32 v19, v22  }
.Ltmp35:
0x5bd: {  	v18 =	vmax.f32 v18, v20;
	v17 =	vld [tilespmem:s19+$0xFFFFFF60];
	v19 =	vmax.f32 v19, v21;
	(pc) =	sbr.rel @p0 .LBB2_62-.Ltmp35, $4  }
0x5be: {  	v18 =	vmax.f32 v18, v28;
	v20 =	vld [tilespmem:s19+$0xFFFFFF70];
	v19 =	vmax.f32 v19, v29  }
0x5bf: {  	v22 =	vmax.f32 v27, v35;
	v26 =	vmax.f32 v26, v36;
	v25 =	vmax.f32 v25, v37;
	v21 =	vld [tilespmem:s19+$0xFFFFFFF0]  }
0x5c0: {  	v27 =	vmax.f32 v22, v32;
	v26 =	vmax.f32 v26, v33;
	v25 =	vmax.f32 v25, v34;
	v22 =	vld [tilespmem:s19+$0x70]  }
0x5c1: {  	v27 =	vmax.f32 v27, v24;
	v26 =	vmax.f32 v26, v30;
	v25 =	vmax.f32 v25, v31;
	v24 =	vld [tilespmem:s19+$0xF0];
	s19 =	sadd.s32 $0x200, s19  }
0x5c2: {  	(xrf1) =	vsort.ascd.msk.f32 $0xffff, v18, v18  }
0x5c3: {  	(xrf1) =	vsort.ascd.msk.f32 $0xffff, v19, v19;
	_ =	sdelay $0xc  }
0x5c4: {  	v18, _, _ =	vpop (xrf1)  }
0x5c5: {  	v19, _, _ =	vpop (xrf1)  }
0x5c6: {  	v19 =	vperm.xlane v19, v1;
	_ =	sdelay $0x1  }
0x5c7: {  	v28 =	vmin.f32 v18, v19  }
0x5c8: {  	v18 =	vmax.f32 v18, v19;
	(xrf1) =	vsort.ascd.msk.f32 $0xffff, v28, v28  }
0x5c9: {  	v11 =	vmax.f32 v27, v11;
	(xrf1) =	vsort.ascd.msk.f32 $0xffff, v18, v18  }
0x5ca: {  	v12 =	vmax.f32 v26, v12;
	(xrf1) =	vsort.ascd.msk.f32 $0xffff, v11, v11  }
0x5cb: {  	(xrf1) =	vsort.ascd.msk.f32 $0xffff, v12, v12;
	_ =	sdelay $0xa  }
0x5cc: {  	v11, _, _ =	vpop (xrf1)  }
0x5cd: {  	v12, _, _ =	vpop (xrf1)  }
0x5ce: {  	v18, _, _ =	vpop (xrf1)  }
0x5cf: {  	v19, _, _ =	vpop (xrf1)  }
0x5d0: {  	v19 =	vperm.xlane v19, v1;
	_ =	sdelay $0x1  }
0x5d1: {  	v59 =	vmin.f32 v18, v19  }
0x5d2: {  	v18 =	vmax.f32 v18, v19;
	(xrf1) =	vsort.ascd.msk.f32 $0xffff, v59, v59  }
0x5d3: {  	(xrf1) =	vsort.ascd.msk.f32 $0xffff, v18, v18;
	_ =	sdelay $0xc  }
0x5d4: {  	v18, _, _ =	vpop (xrf1)  }
0x5d5: {  	v19, _, _ =	vpop (xrf1)  }
0x5d6: {  	v18 =	vperm.xlane v18, v1;
	v19 =	vperm.xlane v19, v1;
	_ =	sdelay $0x1  }
0x5d7: {  	v61 =	vmin.f32 v12, v18;
	v60 =	vmin.f32 v11, v19  }
0x5d8: {  	v11 =	vmax.f32 v11, v19;
	v19 =	vmin.f32 v60, v61  }
0x5d9: {  	v12 =	vmax.f32 v12, v18;
	v18 =	vmax.f32 v60, v61;
	(xrf1) =	vsort.ascd.msk.f32 $0xffff, v19, v19  }
0x5da: {  	v5 =	vmax.f32 v5, v23;
	(xrf1) =	vsort.ascd.msk.f32 $0xffff, v18, v18;
	v18 =	vmin.f32 v11, v12  }
0x5db: {  	v5 =	vmax.f32 v5, v16;
	v11 =	vmax.f32 v11, v12;
	(xrf1) =	vsort.ascd.msk.f32 $0xffff, v18, v18  }
0x5dc: {  	v9 =	vmax.f32 v25, v9;
	v5 =	vmax.f32 v5, v10;
	(xrf1) =	vsort.ascd.msk.f32 $0xffff, v11, v11  }
0x5dd: {  	v5 =	vmax.f32 v5, v7;
	(xrf1) =	vsort.ascd.msk.f32 $0xffff, v9, v9  }
0x5de: {  	(xrf1) =	vsort.ascd.msk.f32 $0xffff, v5, v5;
	_ =	sdelay $0x8  }
0x5df: {  	v5, _, _ =	vpop (xrf1)  }
0x5e0: {  	v7, _, _ =	vpop (xrf1)  }
0x5e1: {  	v9, _, _ =	vpop (xrf1)  }
0x5e2: {  	v10, _, _ =	vpop (xrf1)  }
0x5e3: {  	v11, _, _ =	vpop (xrf1)  }
0x5e4: {  	v12, _, _ =	vpop (xrf1)  }
0x5e5: {  	v12 =	vperm.xlane v12, v1  }
0x5e6: {  	v13 =	vmax.f32 v13, v17;
	v14 =	vmax.f32 v14, v20  }
0x5e7: {  	v13 =	vmax.f32 v13, v15;
	v14 =	vmax.f32 v14, v21;
	v15 =	vmin.f32 v11, v12  }
0x5e8: {  	v8 =	vmax.f32 v13, v8;
	v11 =	vmax.f32 v11, v12;
	(xrf1) =	vsort.ascd.msk.f32 $0xffff, v15, v15  }
0x5e9: {  	v6 =	vmax.f32 v8, v6;
	v12 =	vmax.f32 v14, v22;
	(xrf1) =	vsort.ascd.msk.f32 $0xffff, v11, v11  }
0x5ea: {  	v8 =	vmax.f32 v12, v24;
	(xrf1) =	vsort.ascd.msk.f32 $0xffff, v6, v6  }
0x5eb: {  	(xrf1) =	vsort.ascd.msk.f32 $0xffff, v8, v8;
	_ =	sdelay $0xa  }
0x5ec: {  	v6, _, _ =	vpop (xrf1)  }
0x5ed: {  	v8, _, _ =	vpop (xrf1)  }
0x5ee: {  	v11, _, _ =	vpop (xrf1)  }
0x5ef: {  	v12, _, _ =	vpop (xrf1)  }
0x5f0: {  	v12 =	vperm.xlane v12, v1;
	_ =	sdelay $0x1  }
0x5f1: {  	v13 =	vmin.f32 v11, v12  }
0x5f2: {  	v11 =	vmax.f32 v11, v12;
	(xrf1) =	vsort.ascd.msk.f32 $0xffff, v13, v13  }
0x5f3: {  	(xrf1) =	vsort.ascd.msk.f32 $0xffff, v11, v11;
	_ =	sdelay $0xc  }
0x5f4: {  	v11, _, _ =	vpop (xrf1)  }
0x5f5: {  	v12, _, _ =	vpop (xrf1)  }
0x5f6: {  	v11 =	vperm.xlane v11, v1;
	v12 =	vperm.xlane v12, v1;
	_ =	sdelay $0x1  }
0x5f7: {  	v14 =	vmin.f32 v8, v11;
	v13 =	vmin.f32 v6, v12  }
0x5f8: {  	v6 =	vmax.f32 v6, v12;
	v12 =	vmin.f32 v13, v14  }
0x5f9: {  	v8 =	vmax.f32 v8, v11;
	v11 =	vmax.f32 v13, v14;
	(xrf1) =	vsort.ascd.msk.f32 $0xffff, v12, v12  }
0x5fa: {  	(xrf1) =	vsort.ascd.msk.f32 $0xffff, v11, v11;
	v11 =	vmin.f32 v6, v8  }
0x5fb: {  	v6 =	vmax.f32 v6, v8;
	(xrf1) =	vsort.ascd.msk.f32 $0xffff, v11, v11  }
0x5fc: {  	(xrf1) =	vsort.ascd.msk.f32 $0xffff, v6, v6;
	_ =	sdelay $0xa  }
0x5fd: {  	v6, _, _ =	vpop (xrf1)  }
0x5fe: {  	v8, _, _ =	vpop (xrf1)  }
0x5ff: {  	v11, _, _ =	vpop (xrf1)  }
0x600: {  	v6 =	vperm.xlane v6, v1;
	v8 =	vperm.xlane v8, v1;
	v12, _, _ =	vpop (xrf1)  }
0x601: {  	v11 =	vperm.xlane v11, v1;
	v12 =	vperm.xlane v12, v1  }
0x602: {  	v6 =	vmax.f32 v10, v6  }
0x603: {  	v8 =	vmax.f32 v9, v8;
	v7 =	vmax.f32 v7, v11;
	v5 =	vmax.f32 v5, v12  }
0x604: {  	v6 =	vmin.f32 v7, v6;
	v5 =	vmin.f32 v5, v8  }
0x605: {  	v5 =	vmin.f32 v5, v6  }
0x606: {  	(xrf1) =	vsort.ascd.msk.f32 $0xffff, v5, v5;
	_ =	sdelay $0xd  }
0x607: {  	v5, _, _ =	vpop (xrf1)  }
0x608: {  	(xrf0) =	vmin.scan.msk.f32 $0xffff, v5;
	_ =	sdelay $0x2  }
0x609: {  	s18 =	simm.s32 $0x2040  }
0x60a: {  	v8 =	vld [tilespmem:s18+$0xFFFFFFC0]  }
0x60b: {  	v13 =	vld [tilespmem:s18+$0xFFFFFFD0]  }
0x60c: {  	v14 =	vld [tilespmem:s18+$0xFFFFFFE0];
	v5, _, _ =	vpop (xrf0)  }
0x60d: {  	v16 =	vld [tilespmem:s18+$0xFFFFFFF0];
	v6 =	vbroadcast v5, $0xF  }
0x60e: {  	v20 =	vld [tilespmem:s18+$0x0]  }
0x60f: {  	v7 =	vld [tilespmem:s18+$0x10];
	v5 =	vmul.u32 $0x200, v0;
	vm1 =	vge.f32 v8, v6  }
0x610: {  	v11 =	vld [tilespmem:s18+$0x20];
	vm2 =	vge.f32 v13, v6;
	v9 =	vsel vm1, $0x1, v3  }
0x611: {  	v10 =	vld [tilespmem:s18+$0x30];
	vm3 =	vge.f32 v14, v6;
	v17 =	vadd.s32 v9, v5;
	v9 =	vsel vm2, $0x1, v3  }
0x612: {  	vm4 =	vge.f32 v16, v6;
	v18 =	vadd.s32 v9, v17;
	v9 =	vsel vm3, $0x1, v3  }
0x613: {  	s18 =	simm.s32 $0x20C0;
	vm5 =	vge.f32 v20, v6;
	v12 =	vsel vm4, $0x1, v3;
	v62 =	vadd.s32 v9, v18  }
0x614: {  	vm0 =	vge.f32 v7, v6;
	v15 =	vsel vm5, $0x1, v3;
	v9 =	vld [tilespmem:s18+$0xFFFFFFC0];
	v63 =	vadd.s32 v12, v62  }
0x615: {  	v19 =	vsel vm0, $0x1, v3;
	v12 =	vld [tilespmem:s18+$0xFFFFFFD0];
	[tilespmem:v5+s13+$0x0] =	vst.idx.msk vm1, v8;
	v15 =	vadd.s32 v15, v63;
	vm1 =	vge.f32 v11, v6  }
0x616: {  	v8 =	vld [tilespmem:s18+$0xFFFFFFE0];
	[tilespmem:v17+s13+$0x0] =	vst.idx.msk vm2, v13;
	v17 =	vadd.s32 v19, v15;
	v19 =	vsel vm1, $0x1, v3;
	vm2 =	vge.f32 v10, v6  }
0x617: {  	v13 =	vld [tilespmem:s18+$0xFFFFFFF0];
	[tilespmem:v18+s13+$0x0] =	vst.idx.msk vm3, v14;
	v19 =	vadd.s32 v19, v17  }
0x618: {  	v18 =	vsel vm2, $0x1, v3;
	v14 =	vld [tilespmem:s18+$0x0];
	[tilespmem:v62+s13+$0x0] =	vst.idx.msk vm4, v16  }
0x619: {  	s19 =	simm.s32 $0x8;
	v16 =	vadd.s32 v18, v19;
	vm3 =	vge.f32 v9, v6;
	v18 =	vld [tilespmem:s18+$0x10];
	[tilespmem:v63+s13+$0x0] =	vst.idx.msk vm5, v20  }
.LBB2_64:
0x61a: {  	s19 =	sadd.s32 $0x8, s19;
	v20 =	vsel vm3, $0x1, v3;
	vm4 =	vge.f32 v12, v6;
	v21 =	vld [tilespmem:s18+$0x20];
	[tilespmem:v15+s13+$0x0] =	vst.idx.msk vm0, v7;
	v22 =	vmov v12  }
0x61b: {  	p0 =	slt.u32 s19, $0x1F8;
	v20 =	vadd.s32 v20, v16;
	v7 =	vsel vm4, $0x1, v3;
	vm7 =	vge.f32 v8, v6;
	v23 =	vld [tilespmem:s18+$0x30];
	[tilespmem:v17+s13+$0x0] =	vst.idx.msk vm1, v11  }
0x61c: {  	v11 =	vadd.s32 v7, v20;
	v15 =	vsel vm7, $0x1, v3;
	vm5 =	vge.f32 v13, v6;
	[tilespmem:v19+s13+$0x0] =	vst.idx.msk vm2, v10  }
0x61d: {  	s18 =	sadd.s32 $0x80, s18;
	v10 =	vmovc v8;
	v25 =	vmovc v13;
	v24 =	vadd.s32 v15, v11;
	v12 =	vsel vm5, $0x1, v3;
	vm6 =	vge.f32 v14, v6  }
0x61e: {  	v28 =	vmovc v14;
	v26 =	vld [tilespmem:s18+$0xFFFFFFC0];
	v27 =	vadd.s32 v12, v24;
	v8 =	vsel vm6, $0x1, v3;
	vm0 =	vge.f32 v18, v6;
	v7 =	vmovc v18  }
.Ltmp36:
0x61f: {  	v12 =	vld [tilespmem:s18+$0xFFFFFFD0];
	[tilespmem:v16+s13+$0x0] =	vst.idx.msk vm3, v9;
	v15 =	vadd.s32 v8, v27;
	v9 =	vsel vm0, $0x1, v3;
	vm1 =	vge.f32 v21, v6;
	(pc) =	sbr.rel @p0 .LBB2_64-.Ltmp36, $4  }
0x620: {  	v8 =	vld [tilespmem:s18+$0xFFFFFFE0];
	[tilespmem:v20+s13+$0x0] =	vst.idx.msk vm4, v22;
	v17 =	vadd.s32 v9, v15;
	v9 =	vsel vm1, $0x1, v3;
	vm2 =	vge.f32 v23, v6  }
0x621: {  	v13 =	vld [tilespmem:s18+$0xFFFFFFF0];
	[tilespmem:v11+s13+$0x0] =	vst.idx.msk vm7, v10;
	v19 =	vadd.s32 v9, v17;
	v20 =	vsel vm2, $0x1, v3;
	v11 =	vmovc v21;
	v10 =	vmov v23  }
0x622: {  	v14 =	vld [tilespmem:s18+$0x0];
	[tilespmem:v24+s13+$0x0] =	vst.idx.msk vm5, v25;
	v16 =	vadd.s32 v20, v19  }
0x623: {  	vm3 =	vge.f32 v26, v6;
	v18 =	vld [tilespmem:s18+$0x10];
	[tilespmem:v27+s13+$0x0] =	vst.idx.msk vm6, v28;
	v9 =	vmov v26  }
0x624: {  	v20 =	vsel vm3, $0x1, v3;
	vm4 =	vge.f32 v12, v6;
	v21 =	vld [tilespmem:s18+$0x20]  }
0x625: {  	v23 =	vld [tilespmem:s18+$0x30];
	v20 =	vadd.s32 v20, v16;
	v22 =	vsel vm4, $0x1, v3;
	vm5 =	vge.f32 v8, v6  }
0x626: {  	v22 =	vadd.s32 v22, v20;
	v24 =	vsel vm5, $0x1, v3;
	vm6 =	vge.f32 v13, v6  }
0x627: {  	v24 =	vadd.s32 v24, v22;
	v25 =	vsel vm6, $0x1, v3;
	vm7 =	vge.f32 v14, v6  }
0x628: {  	v25 =	vadd.s32 v25, v24;
	v26 =	vsel vm7, $0x1, v3;
	vm8 =	vge.f32 v18, v6  }
0x629: {  	v26 =	vadd.s32 v26, v25;
	v27 =	vsel vm8, $0x1, v3;
	vm9 =	vge.f32 v21, v6  }
0x62a: {  	vm10 =	vge.f32 v23, v6;
	v27 =	vadd.s32 v27, v26;
	v28 =	vsel vm9, $0x1, v3  }
0x62b: {  	v6 =	vsel vm10, $0x1, v3;
	v28 =	vadd.s32 v28, v27  }
0x62c: {  	v6 =	vadd.s32 v6, v28  }
0x62d: {  	v6 =	vadd.s32 v4, v6  }
0x62e: {  	v4 =	vxor.u32 $0x80000000, v6  }
0x62f: {  	(xrf0) =	vmax.scan.msk.u32 $0xffff, v4;
	_ =	sdelay $0x5  }
0x630: {  	v4, _, _ =	vpop (xrf0)  }
0x631: {  	(v2sf) =	vpush v4, $0xF;
	_ =	sdelay $0xc  }
0x632: {  	[tilespmem:v15+s13+$0x0] =	vst.idx.msk vm0, v7  }
0x633: {  	[tilespmem:v17+s13+$0x0] =	vst.idx.msk vm1, v11  }
0x634: {  	[tilespmem:v19+s13+$0x0] =	vst.idx.msk vm2, v10;
	s31 =	spop (v2sf)  }
0x635: {  	[tilespmem:v16+s13+$0x0] =	vst.idx.msk vm3, v9;
	s18 =	sadd.s32 $0x80000003, s31  }
0x636: {  	[tilespmem:v20+s13+$0x0] =	vst.idx.msk vm4, v12;
	s20 =	sshrl.u32 s18, $0x2  }
0x637: {  	[tilespmem:v22+s13+$0x0] =	vst.idx.msk vm5, v8;
	p0 =	seq.s32 s20, $0x0  }
.Ltmp37:
0x638: {  	[tilespmem:v24+s13+$0x0] =	vst.idx.msk vm6, v13;
	(pc) =	sbr.rel @p0 .LBB2_66-.Ltmp37, $4  }
0x639: {  	[tilespmem:v25+s13+$0x0] =	vst.idx.msk vm7, v14  }
0x63a: {  	[tilespmem:v26+s13+$0x0] =	vst.idx.msk vm8, v18  }
0x63b: {  	[tilespmem:v27+s13+$0x0] =	vst.idx.msk vm9, v21  }
0x63c: {  	[tilespmem:v28+s13+$0x0] =	vst.idx.msk vm10, v23;
	v4 =	vimm.f32 $-Inf;
	s18 =	simm.s32 $0x3  }
0x63d: {  	s22 =	simm.s32 $0x1;
	p6 =	sne.s32 s20, $0x1  }
.Ltmp38:
0x63e: {  	s23 =	simm.s32 $0x2;
	s19 =	simm.s32 $0x0;
	(pc) =	sbr.rel @!p6 .LBB2_68-.Ltmp38, $4  }
0x63f: {  	v12 =	vmov s22;
	v10 =	vmov s23;
	v17 =	vmov s19  }
0x640: {  	s21 =	sadd.s32 $0xFFFFFFFF, s20;
	s20 =	simm.s32 $0x7;
	v8 =	vadd.s32 s22, v5;
	v9 =	vadd.s32 s23, v5;
	v7 =	vand.u32 $0x7D, v12  }
0x641: {  	p0 =	por $0x0, $0x0;
	p1 =	por $0x0, $0x0;
	p2 =	por $0x0, $0x0;
	v11 =	vand.u32 $0x7E, v10;
	v8 =	vand.u32 $0xFFFFFF80, v8;
	v9 =	vand.u32 $0xFFFFFF80, v9  }
0x642: {  	p3 =	por $0x0, $0x0;
	p4 =	por $0x0, $0x0;
	p5 =	por $0x0, $0x0;
	v32 =	vand.u32 $0x7C, v17;
	v34 =	vor.u32 v7, v8;
	v18 =	vor.u32 v11, v9  }
0x643: {  	v7 =	vadd.s32 s19, v5;
	v8 =	vadd.s32 s18, v5  }
0x644: {  	v7 =	vand.u32 $0xFFFFFF80, v7  }
0x645: {  	v7 =	vor.u32 v32, v7;
	_ =	sdelay $0x1  }
0x646: {  	v11 =	vld.idx.msk [tilespmem:v34+s13+$0x0], $0xffff  }
0x647: {  	v8 =	vld.idx.msk [tilespmem:v8+s13+$0x0], $0xffff  }
0x648: {  	v14 =	vld.idx.msk [tilespmem:v18+s13+$0x0], $0xffff  }
0x649: {  	v13 =	vld.idx.msk [tilespmem:v7+s13+$0x0], $0xffff  }
0x64a: {  	s22 =	simm.s32 $0x5;
	v15 =	vmov s18;
	vm0 =	vlt.s32 v12, v6;
	vm14 =	vlt.s32 v10, v6  }
0x64b: {  	s23 =	simm.s32 $0x6;
	vm15 =	vlt.s32 v17, v6;
	p6 =	sne.s32 s21, $0x1;
	v9 =	vmov s22;
	vm1 =	vlt.s32 v15, v6  }
.Ltmp39:
0x64c: {  	v60 =	vadd.s32 s22, v5;
	v61 =	vadd.s32 s23, v5;
	v58 =	vnsel vm1, $0xFF800000, v8;
	(pc) =	sbr.rel @!p6 .LBB2_70-.Ltmp39, $4  }
0x64d: {  	v63 =	vand.u32 $0xFFFFFF80, v61;
	v11 =	vnsel vm0, $0xFF800000, v11;
	v7 =	vmov s23;
	(xrf1) =	vsort.ascd.msk.f32 $0xffff, v58, v58  }
0x64e: {  	s19 =	simm.s32 $0x4;
	v59 =	vnsel vm14, $0xFF800000, v14;
	v62 =	vand.u32 $0x7E, v7;
	v10 =	vnsel vm15, $0xFF800000, v13;
	(xrf1) =	vsort.ascd.msk.f32 $0xffff, v11, v11  }
0x64f: {  	v8 =	vmov s19;
	v11 =	vand.u32 $0x7D, v9;
	(xrf1) =	vsort.ascd.msk.f32 $0xffff, v10, v10;
	v10 =	vand.u32 $0xFFFFFF80, v60  }
0x650: {  	s21 =	sadd.s32 $0xFFFFFFFF, s21;
	s18 =	simm.s32 $0xB;
	p0 =	por $0x1, $0x1;
	v18 =	vor.u32 v62, v63;
	v32 =	vand.u32 $0x7C, v8;
	(xrf1) =	vsort.ascd.msk.f32 $0xffff, v59, v59;
	v34 =	vor.u32 v11, v10  }
0x651: {  	_ =	sdelay $0x4  }
0x652: {  	v11 =	vadd.s32 s20, v5;
	_ =	sdelay $0x1  }
0x653: {  	v10 =	vadd.s32 s19, v5  }
0x654: {  	v10 =	vand.u32 $0xFFFFFF80, v10  }
0x655: {  	v10 =	vor.u32 v32, v10  }
0x656: {  	v11 =	vld.idx.msk [tilespmem:v11+s13+$0x0], $0xffff;
	v13, _, _ =	vpop (xrf1)  }
0x657: {  	v14 =	vld.idx.msk [tilespmem:v34+s13+$0x0], $0xffff;
	v12, _, _ =	vpop (xrf1)  }
0x658: {  	v16 =	vperm.xlane v12, v1  }
0x659: {  	v18 =	vld.idx.msk [tilespmem:v18+s13+$0x0], $0xffff;
	v17 =	vmov s20;
	vm1 =	vlt.s32 v9, v6;
	v19, _, _ =	vpop (xrf1)  }
0x65a: {  	s23 =	simm.s32 $0xA;
	vm14 =	vlt.s32 v7, v6;
	vm0 =	vlt.s32 v17, v6;
	v15 =	vld.idx.msk [tilespmem:v10+s13+$0x0], $0xffff;
	v17 =	vmax.f32 v19, v16  }
0x65b: {  	v10 =	vmov s23;
	v9 =	vnsel vm0, $0xFF800000, v11;
	v13 =	vperm.xlane v13, v1;
	(xrf1) =	vsort.ascd.msk.f32 $0xffff, v17, v17  }
0x65c: {  	s22 =	simm.s32 $0x9;
	vm15 =	vlt.s32 v8, v6;
	p6 =	sne.s32 s21, $0x1;
	v11 =	vnsel vm1, $0xFF800000, v14;
	v14 =	vand.u32 $0x7E, v10;
	v7, _, _ =	vpop (xrf1);
	(xrf1) =	vsort.ascd.msk.f32 $0xffff, v9, v9  }
.Ltmp40:
0x65d: {  	s19 =	simm.s32 $0x8;
	v12 =	vmov s22;
	v26 =	vmin.f32 v19, v16;
	v8 =	vmax.f32 v7, v13;
	(xrf1) =	vsort.ascd.msk.f32 $0xffff, v11, v11;
	(pc) =	sbr.rel @!p6 .LBB2_72-.Ltmp40, $4  }
0x65e: {  	v7 =	vmin.f32 v7, v13;
	v13 =	vadd.s32 s23, v5;
	v17 =	vmov s19;
	(xrf1) =	vsort.ascd.msk.f32 $0xffff, v8, v8  }
0x65f: {  	v9 =	vnsel vm15, $0xFF800000, v15;
	v11 =	vnsel vm14, $0xFF800000, v18;
	(xrf1) =	vsort.ascd.msk.f32 $0xffff, v7, v7;
	v7 =	vadd.s32 s22, v5  }
0x660: {  	v8 =	vand.u32 $0x7D, v12;
	(xrf1) =	vsort.ascd.msk.f32 $0xffff, v9, v9;
	v7 =	vand.u32 $0xFFFFFF80, v7;
	v9 =	vand.u32 $0xFFFFFF80, v13  }
0x661: {  	s21 =	sadd.s32 $0xFFFFFFFF, s21;
	s20 =	simm.s32 $0xF;
	p1 =	por $0x1, $0x1;
	v32 =	vand.u32 $0x7C, v17;
	(xrf1) =	vsort.ascd.msk.f32 $0xffff, v11, v11;
	v34 =	vor.u32 v8, v7;
	v18 =	vor.u32 v14, v9  }
0x662: {  	_ =	sdelay $0x1  }
0x663: {  	(xrf1) =	vsort.ascd.msk.f32 $0xffff, v26, v26;
	_ =	sdelay $0x1  }
0x664: {  	v7 =	vadd.s32 s18, v5;
	v8 =	vadd.s32 s19, v5  }
0x665: {  	v8 =	vand.u32 $0xFFFFFF80, v8  }
0x666: {  	v9 =	vor.u32 v32, v8  }
0x667: {  	v13, _, _ =	vpop (xrf1)  }
0x668: {  	v11 =	vld.idx.msk [tilespmem:v34+s13+$0x0], $0xffff;
	v15, _, _ =	vpop (xrf1)  }
0x669: {  	v20 =	vmov s18;
	vm0 =	vlt.s32 v12, v6;
	vm14 =	vlt.s32 v10, v6;
	s19 =	simm.s32 $0xC;
	v14 =	vld.idx.msk [tilespmem:v7+s13+$0x0], $0xffff;
	v16, _, _ =	vpop (xrf1)  }
0x66a: {  	s22 =	simm.s32 $0xD;
	s23 =	simm.s32 $0xE;
	v18 =	vld.idx.msk [tilespmem:v18+s13+$0x0], $0xffff;
	vm15 =	vlt.s32 v17, v6;
	vm1 =	vlt.s32 v20, v6;
	v17 =	vmov s19;
	v19, _, _ =	vpop (xrf1)  }
0x66b: {  	v61 =	vadd.s32 s22, v5;
	v62 =	vadd.s32 s23, v5;
	v9 =	vld.idx.msk [tilespmem:v9+s13+$0x0], $0xffff;
	v16 =	vperm.xlane v16, v1;
	v59, _, _ =	vpop (xrf1)  }
0x66c: {  	v8 =	vmov s22;
	v63 =	vand.u32 $0xFFFFFF80, v62;
	v7 =	vmov s23;
	v20, _, _ =	vpop (xrf1)  }
0x66d: {  	v11 =	vnsel vm0, $0xFF800000, v11;
	v12 =	vperm.xlane v59, v1;
	v10 =	vmax.f32 v20, v16  }
0x66e: {  	v15 =	vperm.xlane v15, v1;
	v14 =	vnsel vm1, $0xFF800000, v14;
	v19 =	vperm.xlane v19, v1;
	(xrf1) =	vsort.ascd.msk.f32 $0xffff, v10, v10  }
0x66f: {  	p6 =	sne.s32 s21, $0x1;
	v18 =	vnsel vm14, $0xFF800000, v18;
	v26 =	vmin.f32 v20, v16;
	v16, _, _ =	vpop (xrf1);
	v40 =	vmax.f32 v13, v12;
	(xrf1) =	vsort.ascd.msk.f32 $0xffff, v14, v14  }
.Ltmp41:
0x670: {  	v9 =	vnsel vm15, $0xFF800000, v9;
	v20 =	vmin.f32 v16, v15;
	v15 =	vmax.f32 v16, v15;
	v10, _, _ =	vpop (xrf1);
	(xrf1) =	vsort.ascd.msk.f32 $0xffff, v11, v11;
	(pc) =	sbr.rel @!p6 .LBB2_74-.Ltmp41, $4  }
0x671: {  	v16 =	vmin.f32 v13, v12;
	v11 =	vand.u32 $0x7E, v7;
	v60 =	vmin.f32 v10, v19;
	(xrf1) =	vsort.ascd.msk.f32 $0xffff, v15, v15  }
0x672: {  	v37 =	vmax.f32 v10, v19;
	v10 =	vand.u32 $0x7D, v8;
	v41 =	vmin.f32 v60, v16;
	(xrf1) =	vsort.ascd.msk.f32 $0xffff, v20, v20  }
0x673: {  	v39 =	vmax.f32 v60, v16;
	v44 =	vmax.f32 v37, v40;
	(xrf1) =	vsort.ascd.msk.f32 $0xffff, v9, v9;
	v9 =	vand.u32 $0xFFFFFF80, v61  }
0x674: {  	s21 =	sadd.s32 $0xFFFFFFFF, s21;
	s18 =	simm.s32 $0x13;
	p2 =	por $0x1, $0x1;
	v32 =	vand.u32 $0x7C, v17;
	(xrf1) =	vsort.ascd.msk.f32 $0xffff, v18, v18;
	v34 =	vor.u32 v10, v9;
	v18 =	vor.u32 v11, v63  }
0x675: {  	_ =	sdelay $0x1  }
0x676: {  	(xrf1) =	vsort.ascd.msk.f32 $0xffff, v26, v26;
	_ =	sdelay $0x1  }
0x677: {  	v10 =	vadd.s32 s19, v5  }
0x678: {  	v9 =	vadd.s32 s20, v5;
	v10 =	vand.u32 $0xFFFFFF80, v10  }
0x679: {  	(xrf1) =	vsort.ascd.msk.f32 $0xffff, v39, v39;
	v11 =	vor.u32 v32, v10  }
0x67a: {  	(xrf1) =	vsort.ascd.msk.f32 $0xffff, v44, v44;
	v14, _, _ =	vpop (xrf1)  }
0x67b: {  	(xrf1) =	vsort.ascd.msk.f32 $0xffff, v41, v41;
	v15, _, _ =	vpop (xrf1)  }
0x67c: {  	v16, _, _ =	vpop (xrf1)  }
0x67d: {  	v19 =	vmin.f32 v37, v40;
	v9 =	vld.idx.msk [tilespmem:v9+s13+$0x0], $0xffff;
	v20, _, _ =	vpop (xrf1)  }
0x67e: {  	s22 =	simm.s32 $0x11;
	v21 =	vmov s20;
	vm0 =	vlt.s32 v8, v6;
	v11 =	vld.idx.msk [tilespmem:v11+s13+$0x0], $0xffff;
	v16 =	vperm.xlane v16, v1;
	v8, _, _ =	vpop (xrf1)  }
0x67f: {  	v13 =	vld.idx.msk [tilespmem:v34+s13+$0x0], $0xffff;
	s23 =	simm.s32 $0x12;
	vm14 =	vlt.s32 v7, v6;
	vm15 =	vlt.s32 v17, v6;
	v12 =	vmov s22;
	v61, _, _ =	vpop (xrf1)  }
0x680: {  	v18 =	vld.idx.msk [tilespmem:v18+s13+$0x0], $0xffff;
	s19 =	simm.s32 $0x10;
	vm1 =	vlt.s32 v21, v6;
	v10 =	vmov s23;
	v7 =	vmax.f32 v61, v16  }
0x681: {  	v17 =	vmov s19;
	v22 =	vand.u32 $0x7E, v10;
	(xrf1) =	vsort.ascd.msk.f32 $0xffff, v19, v19;
	v8 =	vperm.xlane v8, v1  }
0x682: {  	v15 =	vperm.xlane v15, v1;
	v20 =	vperm.xlane v20, v1;
	v26 =	vmin.f32 v61, v16;
	v16, _, _ =	vpop (xrf1)  }
0x683: {  	v9 =	vnsel vm1, $0xFF800000, v9;
	v62 =	vnsel vm15, $0xFF800000, v11;
	(xrf1) =	vsort.ascd.msk.f32 $0xffff, v7, v7;
	v11 =	vmin.f32 v14, v8;
	v7, _, _ =	vpop (xrf1)  }
0x684: {  	p6 =	sne.s32 s21, $0x1;
	v13 =	vnsel vm0, $0xFF800000, v13;
	v19 =	vmin.f32 v16, v15;
	(xrf1) =	vsort.ascd.msk.f32 $0xffff, v9, v9;
	v9 =	vmin.f32 v7, v20  }
.Ltmp42:
0x685: {  	v18 =	vnsel vm14, $0xFF800000, v18;
	v16 =	vmax.f32 v16, v15;
	(xrf1) =	vsort.ascd.msk.f32 $0xffff, v13, v13;
	v15 =	vmin.f32 v9, v11;
	(pc) =	sbr.rel @!p6 .LBB2_76-.Ltmp42, $4  }
0x686: {  	(xrf1) =	vsort.ascd.msk.f32 $0xffff, v16, v16;
	v13 =	vmax.f32 v9, v11;
	v9 =	vmax.f32 v14, v8;
	v14 =	vadd.s32 s22, v5  }
0x687: {  	v7 =	vmax.f32 v7, v20;
	v20 =	vand.u32 $0x7D, v12;
	v11, _, _ =	vpop (xrf1);
	(xrf1) =	vsort.ascd.msk.f32 $0xffff, v19, v19;
	v19 =	vadd.s32 s23, v5  }
0x688: {  	v8, _, _ =	vpop (xrf1);
	v16 =	vmax.f32 v7, v9;
	(xrf1) =	vsort.ascd.msk.f32 $0xffff, v62, v62;
	v63 =	vand.u32 $0xFFFFFF80, v14;
	v19 =	vand.u32 $0xFFFFFF80, v19  }
0x689: {  	s21 =	sadd.s32 $0xFFFFFFFF, s21;
	s20 =	simm.s32 $0x17;
	p3 =	por $0x1, $0x1;
	v32 =	vand.u32 $0x7C, v17;
	(xrf1) =	vsort.ascd.msk.f32 $0xffff, v18, v18;
	v34 =	vor.u32 v20, v63;
	v18 =	vor.u32 v22, v19;
	v14, _, _ =	vpop (xrf1)  }
0x68a: {  	_ =	sdelay $0x1  }
0x68b: {  	(xrf1) =	vsort.ascd.msk.f32 $0xffff, v26, v26  }
0x68c: {  	v19 =	vadd.s32 s18, v5  }
0x68d: {  	v20 =	vadd.s32 s19, v5  }
0x68e: {  	(xrf1) =	vsort.ascd.msk.f32 $0xffff, v13, v13;
	v20 =	vand.u32 $0xFFFFFF80, v20  }
0x68f: {  	(xrf1) =	vsort.ascd.msk.f32 $0xffff, v16, v16;
	v23 =	vor.u32 v32, v20;
	v21, _, _ =	vpop (xrf1)  }
0x690: {  	v22 =	vld.idx.msk [tilespmem:v34+s13+$0x0], $0xffff;
	(xrf1) =	vsort.ascd.msk.f32 $0xffff, v15, v15;
	v25, _, _ =	vpop (xrf1)  }
0x691: {  	s22 =	simm.s32 $0x15;
	v26 =	vmin.f32 v7, v9;
	vm0 =	vlt.s32 v12, v6;
	vm14 =	vlt.s32 v10, v6;
	v19 =	vld.idx.msk [tilespmem:v19+s13+$0x0], $0xffff;
	v24, _, _ =	vpop (xrf1)  }
0x692: {  	s23 =	simm.s32 $0x16;
	s19 =	simm.s32 $0x14;
	vm15 =	vlt.s32 v17, v6;
	v33 =	vperm.xlane v11, v1;
	v42 =	vmov s22;
	v27, _, _ =	vpop (xrf1)  }
0x693: {  	v18 =	vld.idx.msk [tilespmem:v18+s13+$0x0], $0xffff;
	v36 =	vmov s23;
	v17 =	vmov s19;
	v20 =	vperm.xlane v21, v1;
	v28, _, _ =	vpop (xrf1)  }
0x694: {  	v23 =	vld.idx.msk [tilespmem:v23+s13+$0x0], $0xffff;
	v21 =	vperm.xlane v24, v1;
	v24 =	vmov s18;
	v27 =	vperm.xlane v27, v1;
	v12, _, _ =	vpop (xrf1)  }
0x695: {  	v33 =	vmax.f32 v4, v33;
	v22 =	vnsel vm0, $0xFF800000, v22;
	vm1 =	vlt.s32 v24, v6;
	v29, _, _ =	vpop (xrf1)  }
0x696: {  	(xrf1) =	vsort.ascd.msk.f32 $0xffff, v26, v26;
	v24 =	vperm.xlane v28, v1;
	v28 =	vnsel vm1, $0xFF800000, v19;
	v10 =	vmax.f32 v29, v27;
	v26, _, _ =	vpop (xrf1)  }
0x697: {  	v12 =	vperm.xlane v12, v1;
	v19 =	vmin.f32 v29, v27;
	v27 =	vmin.f32 v26, v21  }
0x698: {  	v18 =	vnsel vm14, $0xFF800000, v18;
	v26 =	vmax.f32 v26, v21;
	(xrf1) =	vsort.ascd.msk.f32 $0xffff, v10, v10;
	v21 =	vperm.xlane v14, v1  }
0x699: {  	p6 =	sne.s32 s21, $0x1;
	v23 =	vnsel vm15, $0xFF800000, v23;
	v30 =	vmin.f32 v25, v12;
	v25 =	vmax.f32 v25, v12;
	(xrf1) =	vsort.ascd.msk.f32 $0xffff, v28, v28;
	v10, _, _ =	vpop (xrf1)  }
.Ltmp43:
0x69a: {  	v12 =	vand.u32 $0x7E, v36;
	(xrf1) =	vsort.ascd.msk.f32 $0xffff, v22, v22;
	v28 =	vmin.f32 v10, v24;
	v24 =	vmax.f32 v10, v24;
	(pc) =	sbr.rel @!p6 .LBB2_78-.Ltmp43, $4  }
0x69b: {  	(xrf1) =	vsort.ascd.msk.f32 $0xffff, v26, v26;
	v10 =	vand.u32 $0x7D, v42;
	v26 =	vadd.s32 s22, v5;
	v29 =	vmin.f32 v28, v30  }
0x69c: {  	v22 =	vmax.f32 v28, v30;
	(xrf1) =	vsort.ascd.msk.f32 $0xffff, v27, v27;
	v28 =	vmax.f32 v24, v25;
	v30, _, _ =	vpop (xrf1);
	v27 =	vadd.s32 s23, v5  }
0x69d: {  	v26 =	vand.u32 $0xFFFFFF80, v26;
	(xrf1) =	vsort.ascd.msk.f32 $0xffff, v23, v23;
	v23, _, _ =	vpop (xrf1);
	v35 =	vand.u32 $0xFFFFFF80, v27;
	v27 =	vperm.xlane v8, v1  }
0x69e: {  	s21 =	sadd.s32 $0xFFFFFFFF, s21;
	p4 =	por $0x1, $0x1;
	v32 =	vand.u32 $0x7C, v17;
	s18 =	simm.s32 $0x1B;
	v34 =	vor.u32 v10, v26;
	(xrf1) =	vsort.ascd.msk.f32 $0xffff, v18, v18;
	v31, _, _ =	vpop (xrf1);
	v18 =	vor.u32 v12, v35  }
0x69f: {  	_ = 	snop  }
0x6a0: {  	(xrf1) =	vsort.ascd.msk.f32 $0xffff, v19, v19;
	v10 =	vadd.s32 s20, v5  }
0x6a1: {  	v12 =	vmax.f32 v4, v27;
	v35 =	vmax.f32 v4, v21;
	v37 =	vmax.f32 v4, v20  }
0x6a2: {  	v43 =	vmin.f32 v24, v25;
	(xrf1) =	vsort.ascd.msk.f32 $0xffff, v22, v22;
	v38 =	vmax.f32 v12, v33  }
0x6a3: {  	v26 =	vadd.s32 s19, v5;
	v39 =	vmax.f32 v37, v35;
	v41 =	vmin.f32 v12, v33;
	(xrf1) =	vsort.ascd.msk.f32 $0xffff, v28, v28  }
0x6a4: {  	v34 =	vld.idx.msk [tilespmem:v34+s13+$0x0], $0xffff;
	v35 =	vmin.f32 v37, v35;
	v12 =	vmin.f32 v38, v39;
	(xrf1) =	vsort.ascd.msk.f32 $0xffff, v29, v29  }
0x6a5: {  	vm0 =	vlt.s32 v42, v6;
	(xrf1) =	vsort.ascd.msk.f32 $0xffff, v12, v12;
	v40, _, _ =	vpop (xrf1);
	v60 =	vld.idx.msk [tilespmem:v10+s13+$0x0], $0xffff;
	v10 =	vmin.f32 v41, v35  }
0x6a6: {  	v18 =	vld.idx.msk [tilespmem:v18+s13+$0x0], $0xffff;
	v26 =	vand.u32 $0xFFFFFF80, v26;
	(xrf1) =	vsort.ascd.msk.f32 $0xffff, v10, v10;
	v10 =	vmax.f32 v38, v39;
	v44, _, _ =	vpop (xrf1)  }
0x6a7: {  	s23 =	simm.s32 $0x1A;
	v48 =	vmov s20;
	v26 =	vor.u32 v32, v26;
	v37 =	vmax.f32 v41, v35;
	(xrf1) =	vsort.ascd.msk.f32 $0xffff, v10, v10;
	v61, _, _ =	vpop (xrf1)  }
0x6a8: {  	vm14 =	vlt.s32 v36, v6;
	s19 =	simm.s32 $0x18;
	vm1 =	vlt.s32 v48, v6;
	v48 =	vadd.s32 s23, v5;
	(xrf1) =	vsort.ascd.msk.f32 $0xffff, v37, v37;
	v62, _, _ =	vpop (xrf1)  }
0x6a9: {  	s22 =	simm.s32 $0x19;
	vm15 =	vlt.s32 v17, v6;
	v17 =	vmov s19;
	v48 =	vand.u32 $0xFFFFFF80, v48;
	v49, _, _ =	vpop (xrf1)  }
0x6aa: {  	v12 =	vmov s22;
	v34 =	vnsel vm0, $0xFF800000, v34;
	(xrf1) =	vsort.ascd.msk.f32 $0xffff, v43, v43;
	v38 =	vperm.xlane v62, v1;
	v50, _, _ =	vpop (xrf1)  }
0x6ab: {  	v18 =	vnsel vm14, $0xFF800000, v18;
	v35 =	vperm.xlane v40, v1;
	v10 =	vmov s23;
	v54, _, _ =	vpop (xrf1)  }
0x6ac: {  	v51 =	vld.idx.msk [tilespmem:v26+s13+$0x0], $0xffff;
	v63 =	vperm.xlane v61, v1;
	v43 =	vperm.xlane v31, v1;
	v32 =	vmax.f32 v54, v38  }
0x6ad: {  	v53 =	vnsel vm1, $0xFF800000, v60;
	v52 =	vperm.xlane v49, v1;
	v56 =	vperm.xlane v50, v1;
	v55, _, _ =	vpop (xrf1);
	(xrf1) =	vsort.ascd.msk.f32 $0xffff, v32, v32  }
0x6ae: {  	v61 =	vand.u32 $0x7E, v10;
	v26 =	vmin.f32 v54, v38;
	v45 =	vmin.f32 v55, v63;
	(xrf1) =	vsort.ascd.msk.f32 $0xffff, v53, v53  }
0x6af: {  	p6 =	sne.s32 s21, $0x1;
	v60 =	vand.u32 $0x7D, v12;
	v57 =	vmax.f32 v55, v63;
	v46, _, _ =	vpop (xrf1);
	v59 =	vmin.f32 v44, v56;
	(xrf1) =	vsort.ascd.msk.f32 $0xffff, v34, v34  }
.Ltmp44:
0x6b0: {  	v62 =	vadd.s32 s22, v5;
	v40 =	vmax.f32 v44, v56;
	v63 =	vperm.xlane v30, v1;
	v36, _, _ =	vpop (xrf1);
	(xrf1) =	vsort.ascd.msk.f32 $0xffff, v57, v57;
	(pc) =	sbr.rel @!p6 .LBB2_81-.Ltmp44, $4  }
0x6b1: {  	v47 =	vnsel vm15, $0xFF800000, v51;
	v58 =	vmin.f32 v46, v52;
	v37 =	vmax.f32 v46, v52;
	v38, _, _ =	vpop (xrf1);
	(xrf1) =	vsort.ascd.msk.f32 $0xffff, v45, v45  }
0x6b2: {  	v49 =	vand.u32 $0xFFFFFF80, v62;
	v41 =	vmin.f32 v58, v59;
	v39 =	vmax.f32 v58, v59;
	v42, _, _ =	vpop (xrf1);
	(xrf1) =	vsort.ascd.msk.f32 $0xffff, v47, v47  }
0x6b3: {  	v32 =	vand.u32 $0x7C, v17;
	v44 =	vmax.f32 v37, v40;
	v45 =	vperm.xlane v23, v1;
	v50, _, _ =	vpop (xrf1);
	(xrf1) =	vsort.ascd.msk.f32 $0xffff, v18, v18  }
0x6b4: {  	s20 =	sadd.s32 $0xFFFFFFFF, s21;
	s21 =	simm.s32 $0x1F;
	p5 =	por $0x1, $0x1;
	v34 =	vor.u32 v60, v49;
	v47 =	vmax.f32 v50, v63;
	v18 =	vor.u32 v61, v48;
	v46, _, _ =	vpop (xrf1)  }
.LBB2_80:
0x6b5: {  	s22 =	sadd.s32 $0xFFFFFFFE, s21;
	s23 =	sadd.s32 $0xFFFFFFFF, s21;
	p6 =	sne.s32 s20, $0x1;
	v48 =	vadd.s32 s19, v5;
	v49 =	vadd.s32 s18, v5;
	(xrf1) =	vsort.ascd.msk.f32 $0xffff, v26, v26;
	v26 =	vmax.f32 v46, v45;
	v45, _, _ =	vpop (xrf1)  }
0x6b6: {  	s19 =	sadd.s32 $0xFFFFFFFD, s21;
	s20 =	sadd.s32 $0xFFFFFFFF, s20;
	v46 =	vmov s22;
	v50 =	vmov s23;
	(xrf1) =	vsort.ascd.msk.f32 $0xffff, v39, v39;
	v39 =	vmax.f32 v45, v43;
	v43, _, _ =	vpop (xrf1)  }
0x6b7: {  	v51 =	vmovc v38;
	v45 =	vmov s19;
	v48 =	vand.u32 $0xFFFFFF80, v48;
	(xrf1) =	vsort.ascd.msk.f32 $0xffff, v44, v44;
	v35 =	vmax.f32 v43, v35  }
0x6b8: {  	v38 =	vor.u32 v32, v48;
	v32 =	vand.u32 $0x7C, v45;
	v43 =	vmax.f32 v26, v47;
	(xrf1) =	vsort.ascd.msk.f32 $0xffff, v41, v41;
	v41, _, _ =	vpop (xrf1)  }
0x6b9: {  	v26 =	vmin.f32 v26, v47;
	v44 =	vmin.f32 v35, v39;
	v35 =	vmax.f32 v35, v39;
	v34 =	vld.idx.msk [tilespmem:v34+s13+$0x0], $0xffff  }
0x6ba: {  	v47 =	vmin.f32 v26, v44;
	v26 =	vmax.f32 v26, v44;
	v44 =	vmin.f32 v43, v35;
	v39 =	vld.idx.msk [tilespmem:v49+s13+$0x0], $0xffff  }
0x6bb: {  	v37 =	vmin.f32 v37, v40;
	v40 =	vmax.f32 v43, v35;
	v48, _, _ =	vpop (xrf1);
	(xrf1) =	vsort.ascd.msk.f32 $0xffff, v44, v44  }
0x6bc: {  	v35 =	vperm.xlane v41, v1;
	v43, _, _ =	vpop (xrf1);
	(xrf1) =	vsort.ascd.msk.f32 $0xffff, v47, v47  }
0x6bd: {  	v38 =	vld.idx.msk [tilespmem:v38+s13+$0x0], $0xffff;
	v41 =	vperm.xlane v43, v1;
	v43, _, _ =	vpop (xrf1);
	(xrf1) =	vsort.ascd.msk.f32 $0xffff, v40, v40  }
0x6be: {  	v40 =	vmov s18;
	s18 =	smov.u32 s21;
	v18 =	vld.idx.msk [tilespmem:v18+s13+$0x0], $0xffff;
	v49 =	vperm.xlane v43, v1;
	v44, _, _ =	vpop (xrf1);
	(xrf1) =	vsort.ascd.msk.f32 $0xffff, v26, v26  }
0x6bf: {  	vm0 =	vlt.s32 v12, v6;
	vm1 =	vlt.s32 v40, v6;
	v40 =	vperm.xlane v44, v1;
	v44, _, _ =	vpop (xrf1)  }
0x6c0: {  	v12 =	vmov v46;
	v34 =	vnsel vm0, $0xFF800000, v34;
	v39 =	vnsel vm1, $0xFF800000, v39;
	v47, _, _ =	vpop (xrf1);
	(xrf1) =	vsort.ascd.msk.f32 $0xffff, v37, v37  }
0x6c1: {  	vm0 =	vlt.s32 v10, v6;
	v26 =	vmin.f32 v47, v49;
	v52 =	vmax.f32 v47, v49;
	v43, _, _ =	vpop (xrf1)  }
0x6c2: {  	v10 =	vmovc v50;
	vm1 =	vlt.s32 v17, v6;
	v44 =	vperm.xlane v44, v1;
	v46 =	vmin.f32 v43, v41  }
0x6c3: {  	v47 =	vnsel vm1, $0xFF800000, v38;
	v49 =	vmax.f32 v43, v41;
	v43 =	vperm.xlane v42, v1;
	(xrf1) =	vsort.ascd.msk.f32 $0xffff, v52, v52;
	v37, _, _ =	vpop (xrf1)  }
0x6c4: {  	v53 =	vmin.f32 v48, v44;
	v18 =	vnsel vm0, $0xFF800000, v18;
	(xrf1) =	vsort.ascd.msk.f32 $0xffff, v39, v39;
	v52 =	vmin.f32 v37, v40;
	v50, _, _ =	vpop (xrf1)  }
0x6c5: {  	v17 =	vmov v45;
	(xrf1) =	vsort.ascd.msk.f32 $0xffff, v34, v34;
	v41 =	vmin.f32 v52, v53;
	v39 =	vmax.f32 v52, v53;
	v38, _, _ =	vpop (xrf1)  }
.Ltmp45:
0x6c6: {  	v37 =	vmax.f32 v37, v40;
	v40 =	vmax.f32 v48, v44;
	(xrf1) =	vsort.ascd.msk.f32 $0xffff, v49, v49;
	v42, _, _ =	vpop (xrf1);
	(pc) =	sbr.rel @p6 .LBB2_80-.Ltmp45, $4  }
0x6c7: {  	v48 =	vand.u32 $0x7E, v10;
	v34 =	vand.u32 $0x7D, v12;
	v44 =	vmax.f32 v37, v40;
	(xrf1) =	vsort.ascd.msk.f32 $0xffff, v46, v46  }
0x6c8: {  	v45 =	vadd.s32 s22, v5;
	v53 =	vadd.s32 s23, v5;
	(xrf1) =	vsort.ascd.msk.f32 $0xffff, v47, v47;
	v47 =	vperm.xlane v36, v1;
	v36 =	vmovc v50  }
0x6c9: {  	v49 =	vand.u32 $0xFFFFFF80, v45;
	v52 =	vand.u32 $0xFFFFFF80, v53;
	v45 =	vperm.xlane v51, v1;
	(xrf1) =	vsort.ascd.msk.f32 $0xffff, v18, v18;
	v50, _, _ =	vpop (xrf1)  }
0x6ca: {  	s21 =	sadd.s32 $0x4, s21;
	v34 =	vor.u32 v34, v49;
	v18 =	vor.u32 v48, v52;
	v47 =	vmax.f32 v50, v47;
	v46, _, _ =	vpop (xrf1)  }
.LBB2_81:
0x6cb: {  	v48, _, _ =	vpop @p5 (xrf1)  }
0x6cc: {  	(xrf1) =	vsort.ascd.msk.f32 @p1 $0xffff, v26, v26;
	v45 =	vmax.f32 @p4 v46, v45;
	v26, _, _ =	vpop @p5 (xrf1)  }
0x6cd: {  	v46 =	vpsel p5, v48, v4;
	(xrf1) =	vsort.ascd.msk.f32 @p2 $0xffff, v39, v39;
	v26 =	vpsel p5, v26, v4  }
0x6ce: {  	v39 =	vmax.f32 @p4 v46, v43;
	(xrf1) =	vsort.ascd.msk.f32 @p2 $0xffff, v44, v44;
	v26 =	vmax.f32 @p4 v26, v35  }
0x6cf: {  	v44 =	vmin.f32 @p4 v45, v47;
	v35 =	vmax.f32 @p4 v45, v47;
	v43 =	vmax.f32 @p4 v26, v39  }
0x6d0: {  	v61 =	vadd.s32 s18, v5;
	(xrf1) =	vsort.ascd.msk.f32 @p2 $0xffff, v41, v41;
	v26 =	vmin.f32 @p4 v26, v39;
	v41 =	vmin.f32 @p4 v35, v43  }
0x6d1: {  	(xrf1) =	vsort.ascd.msk.f32 @p4 $0xffff, v41, v41;
	v41 =	vmin.f32 @p4 v44, v26  }
0x6d2: {  	v5 =	vadd.s32 s19, v5;
	v39, _, _ =	vpop @p3 (xrf1)  }
0x6d3: {  	v5 =	vand.u32 $0xFFFFFF80, v5;
	v46, _, _ =	vpop @p1 (xrf1)  }
0x6d4: {  	v5 =	vor.u32 v32, v5;
	v35 =	vmax.f32 @p4 v35, v43;
	(xrf1) =	vsort.ascd.msk.f32 @p4 $0xffff, v41, v41;
	v41, _, _ =	vpop @p0 (xrf1)  }
0x6d5: {  	vm1 =	vlt.s32 v12, v6;
	v62 =	vld.idx.msk [tilespmem:v61+s13+$0x0], $0xffff;
	v26 =	vmax.f32 @p4 v44, v26;
	v32, _, _ =	vpop @p0 (xrf1);
	(xrf1) =	vsort.ascd.msk.f32 @p4 $0xffff, v35, v35  }
0x6d6: {  	v63 =	vmov s18;
	vm15 =	vlt.s32 v10, v6;
	v44 =	vld.idx.msk [tilespmem:v34+s13+$0x0], $0xffff;
	v35 =	vmin.f32 @p2 v37, v40;
	v40, _, _ =	vpop @p1 (xrf1);
	(xrf1) =	vsort.ascd.msk.f32 @p4 $0xffff, v26, v26  }
0x6d7: {  	vm2 =	vlt.s32 v17, v6;
	v37 =	vperm.xlane @p3 v39, v1;
	v32 =	vperm.xlane @p0 v32, v1;
	v39, _, _ =	vpop @p1 (xrf1)  }
0x6d8: {  	v18 =	vld.idx.msk [tilespmem:v18+s13+$0x0], $0xffff;
	vm0 =	vlt.s32 v63, v6;
	v34 =	vperm.xlane @p0 v41, v1;
	(xrf1) =	vsort.ascd.msk.f32 @p2 $0xffff, v35, v35;
	v41, _, _ =	vpop @p0 (xrf1)  }
0x6d9: {  	v5 =	vld.idx.msk [tilespmem:v5+s13+$0x0], $0xffff;
	v17 =	vperm.xlane @p1 v39, v1;
	v10 =	vmin.f32 @p0 v41, v32;
	v32 =	vmax.f32 @p0 v41, v32  }
0x6da: {  	v45 =	vnsel vm0, $0xFF800000, v62;
	v12 =	vperm.xlane @p1 v40, v1;
	v20 =	vpsel p3, v37, v20;
	v35, _, _ =	vpop @p0 (xrf1);
	(xrf1) =	vsort.ascd.msk.f32 @p0 $0xffff, v32, v32  }
0x6db: {  	v26 =	vnsel vm1, $0xFF800000, v44;
	v6 =	vmin.f32 @p0 v35, v34;
	v40 =	vmin.f32 @p1 v46, v17;
	(xrf1) =	vsort.ascd.msk.f32 $0xffff, v45, v45  }
0x6dc: {  	v34 =	vmax.f32 @p0 v35, v34;
	v35 =	vperm.xlane @p3 v42, v1;
	v32, _, _ =	vpop @p1 (xrf1);
	(xrf1) =	vsort.ascd.msk.f32 $0xffff, v26, v26  }
0x6dd: {  	v17 =	vmax.f32 @p1 v46, v17;
	v39 =	vmin.f32 @p1 v32, v12;
	v41, _, _ =	vpop @p2 (xrf1);
	(xrf1) =	vsort.ascd.msk.f32 @p0 $0xffff, v34, v34  }
0x6de: {  	v34 =	vperm.xlane @p3 v36, v1;
	v26 =	vmin.f32 @p1 v39, v40;
	v39 =	vmax.f32 @p1 v39, v40;
	v40, _, _ =	vpop @p2 (xrf1)  }
0x6df: {  	v5 =	vnsel vm2, $0xFF800000, v5;
	v10 =	vpsel p0, v10, v19;
	v12 =	vmax.f32 @p1 v32, v12;
	(xrf1) =	vsort.ascd.msk.f32 @p0 $0xffff, v6, v6;
	v32, _, _ =	vpop @p2 (xrf1)  }
0x6e0: {  	v18 =	vnsel vm15, $0xFF800000, v18;
	v21 =	vpsel p3, v35, v21;
	v6 =	vmax.f32 @p1 v12, v17;
	(xrf1) =	vsort.ascd.msk.f32 $0xffff, v5, v5;
	v36, _, _ =	vpop @p4 (xrf1)  }
0x6e1: {  	v5 =	vperm.xlane @p3 v38, v1;
	v22 =	vpsel p1, v39, v22;
	v36 =	vpsel p4, v36, v4  }
0x6e2: {  	v6 =	vpsel p1, v6, v28;
	(xrf1) =	vsort.ascd.msk.f32 $0xffff, v18, v18;
	v18 =	vmax.f32 @p3 v36, v34;
	v34, _, _ =	vpop @p4 (xrf1)  }
0x6e3: {  	v26 =	vpsel p1, v26, v29;
	v5 =	vpsel p3, v5, v27;
	v19 =	vpsel p4, v34, v4;
	v27, _, _ =	vpop @p4 (xrf1)  }
0x6e4: {  	v18 =	vpsel p3, v18, v33;
	(xrf1) =	vsort.ascd.msk.f32 @p0 $0xffff, v10, v10;
	v10, _, _ =	vpop @p4 (xrf1);
	v5 =	vmax.f32 @p3 v19, v5  }
0x6e5: {  	v19 =	vpsel p4, v27, v4;
	(xrf1) =	vsort.ascd.msk.f32 @p1 $0xffff, v22, v22;
	v10 =	vpsel p4, v10, v4  }
0x6e6: {  	v19 =	vmax.f32 @p3 v19, v21;
	(xrf1) =	vsort.ascd.msk.f32 @p1 $0xffff, v6, v6;
	v10 =	vmax.f32 @p3 v10, v20  }
0x6e7: {  	v6 =	vmax.f32 @p3 v5, v18;
	v5 =	vmin.f32 @p3 v5, v18;
	v20 =	vmax.f32 @p3 v10, v19  }
0x6e8: {  	(xrf1) =	vsort.ascd.msk.f32 @p1 $0xffff, v26, v26;
	v10 =	vmin.f32 @p3 v10, v19;
	v21 =	vmin.f32 @p3 v6, v20  }
0x6e9: {  	v18 =	vmin.f32 @p3 v5, v10;
	(xrf1) =	vsort.ascd.msk.f32 @p3 $0xffff, v21, v21;
	_ =	sdelay $0x1  }
0x6ea: {  	v19, _, _ =	vpop @p2 (xrf1);
	v6 =	vmax.f32 @p3 v6, v20  }
0x6eb: {  	(xrf1) =	vsort.ascd.msk.f32 @p3 $0xffff, v18, v18;
	v18, _, _ =	vpop @p0 (xrf1)  }
0x6ec: {  	v47, _, _ =	vpop (xrf1)  }
0x6ed: {  	v5 =	vmax.f32 @p3 v5, v10;
	(xrf1) =	vsort.ascd.msk.f32 @p3 $0xffff, v6, v6;
	v6, _, _ =	vpop (xrf1)  }
0x6ee: {  	(xrf1) =	vsort.ascd.msk.f32 @p3 $0xffff, v5, v5;
	v21, _, _ =	vpop @p0 (xrf1)  }
0x6ef: {  	v12 =	vpsel p1, v12, v24;
	v20 =	vpsel p2, v40, v23;
	v23, _, _ =	vpop @p0 (xrf1)  }
0x6f0: {  	v17 =	vpsel p1, v17, v25;
	v22 =	vpsel p2, v32, v31;
	v48, _, _ =	vpop (xrf1);
	v23 =	vperm.xlane @p0 v23, v1  }
0x6f1: {  	v12 =	vmin.f32 @p1 v12, v17;
	v22 =	vperm.xlane @p2 v22, v1;
	v6 =	vperm.xlane v6, v1;
	v49, _, _ =	vpop (xrf1)  }
0x6f2: {  	v10 =	vperm.xlane v47, v1;
	v17 =	vperm.xlane @p0 v21, v1;
	v25, _, _ =	vpop @p0 (xrf1);
	v26 =	vmin.f32 @p0 v18, v23  }
0x6f3: {  	(xrf1) =	vsort.ascd.msk.f32 @p1 $0xffff, v12, v12;
	v50 =	vmin.f32 v48, v6;
	v6 =	vmax.f32 v48, v6;
	v21, _, _ =	vpop @p1 (xrf1)  }
0x6f4: {  	v51 =	vmin.f32 v49, v10;
	(xrf1) =	vsort.ascd.msk.f32 $0xffff, v6, v6;
	v6 =	vmin.f32 @p0 v25, v17;
	v27, _, _ =	vpop @p1 (xrf1)  }
0x6f5: {  	v10 =	vmax.f32 v49, v10;
	v28 =	vmin.f32 @p0 v6, v26;
	v6 =	vmax.f32 @p0 v6, v26;
	v26, _, _ =	vpop @p1 (xrf1)  }
0x6f6: {  	v20 =	vperm.xlane @p2 v20, v1;
	v5 =	vmov @p2 v41;
	(xrf1) =	vsort.ascd.msk.f32 $0xffff, v10, v10;
	v10 =	vmax.f32 @p0 v25, v17;
	v17, _, _ =	vpop @p3 (xrf1)  }
0x6f7: {  	v19 =	vperm.xlane @p2 v19, v1;
	v5 =	vpsel p2, v5, v30;
	v17 =	vpsel p3, v17, v4  }
0x6f8: {  	v20 =	vpsel p2, v20, v0;
	v5 =	vperm.xlane @p2 v5, v1  }
0x6f9: {  	v19 =	vpsel p2, v19, v0;
	v18 =	vmax.f32 @p0 v18, v23;
	(xrf1) =	vsort.ascd.msk.f32 $0xffff, v51, v51  }
0x6fa: {  	v23 =	vmax.f32 @p0 v10, v18;
	v6 =	vpsel p0, v6, v13;
	v5 =	vmax.f32 @p2 v17, v5;
	v17, _, _ =	vpop @p3 (xrf1)  }
0x6fb: {  	v13 =	vpsel p2, v22, v0;
	v16 =	vpsel p0, v23, v16;
	v15 =	vpsel p0, v28, v15;
	v22, _, _ =	vpop @p3 (xrf1)  }
0x6fc: {  	v5 =	vpsel p2, v5, v0;
	v17 =	vpsel p3, v17, v4;
	(xrf1) =	vsort.ascd.msk.f32 $0xffff, v50, v50;
	v12, _, _ =	vpop @p3 (xrf1)  }
0x6fd: {  	v17 =	vmax.f32 @p2 v17, v20;
	v20 =	vpsel p3, v22, v4;
	v12 =	vpsel p3, v12, v4  }
0x6fe: {  	(xrf1) =	vsort.ascd.msk.f32 @p0 $0xffff, v6, v6;
	v6 =	vmax.f32 @p2 v20, v13;
	v12 =	vmax.f32 @p2 v12, v19  }
0x6ff: {  	(xrf1) =	vsort.ascd.msk.f32 @p0 $0xffff, v16, v16;
	v13 =	vmax.f32 @p2 v17, v5;
	v16 =	vmax.f32 @p2 v12, v6  }
0x700: {  	(xrf1) =	vsort.ascd.msk.f32 @p0 $0xffff, v15, v15;
	v15 =	vmin.f32 @p2 v13, v16  }
0x701: {  	(xrf1) =	vsort.ascd.msk.f32 @p2 $0xffff, v15, v15;
	_ =	sdelay $0x1  }
0x702: {  	v5 =	vmin.f32 @p2 v17, v5;
	v6 =	vmin.f32 @p2 v12, v6  }
0x703: {  	v12 =	vmin.f32 @p2 v5, v6;
	v5 =	vmax.f32 @p2 v5, v6  }
0x704: {  	v13 =	vmax.f32 @p2 v13, v16;
	(xrf1) =	vsort.ascd.msk.f32 @p2 $0xffff, v12, v12  }
0x705: {  	(xrf1) =	vsort.ascd.msk.f32 @p2 $0xffff, v13, v13  }
0x706: {  	(xrf1) =	vsort.ascd.msk.f32 @p2 $0xffff, v5, v5;
	v5, _, _ =	vpop @p1 (xrf1)  }
0x707: {  	v6, _, _ =	vpop (xrf1)  }
0x708: {  	v9 =	vpsel p0, v18, v9;
	v7 =	vpsel p0, v10, v7;
	v52, _, _ =	vpop (xrf1)  }
0x709: {  	v7 =	vmin.f32 @p0 v7, v9;
	v53, _, _ =	vpop (xrf1)  }
0x70a: {  	v54, _, _ =	vpop (xrf1)  }
0x70b: {  	v15, _, _ =	vpop @p0 (xrf1)  }
0x70c: {  	(xrf1) =	vsort.ascd.msk.f32 @p0 $0xffff, v7, v7;
	v7, _, _ =	vpop @p0 (xrf1)  }
0x70d: {  	v17, _, _ =	vpop @p0 (xrf1)  }
0x70e: {  	v10 =	vpsel p1, v26, v14;
	v13 =	vmov @p1 v21;
	v14, _, _ =	vpop @p2 (xrf1)  }
0x70f: {  	v8 =	vpsel p1, v27, v8;
	v11 =	vpsel p1, v13, v11;
	v12 =	vpsel p2, v14, v4  }
0x710: {  	v8 =	vperm.xlane @p1 v8, v1;
	v11 =	vperm.xlane @p1 v11, v1  }
0x711: {  	v10 =	vperm.xlane @p1 v10, v1;
	v5 =	vperm.xlane @p1 v5, v1  }
0x712: {  	v55 =	vperm.xlane v52, v1;
	v56 =	vperm.xlane v53, v1;
	v11 =	vmax.f32 @p1 v12, v11;
	v12, _, _ =	vpop @p2 (xrf1)  }
0x713: {  	v8 =	vpsel p1, v8, v0;
	v10 =	vpsel p1, v10, v0;
	v12 =	vpsel p2, v12, v4  }
0x714: {  	v5 =	vpsel p1, v5, v0;
	v57 =	vmin.f32 v54, v55;
	v58 =	vmin.f32 v6, v56  }
0x715: {  	v9 =	vmax.f32 v54, v55;
	v6 =	vmax.f32 v6, v56;
	v59 =	vmin.f32 v57, v58;
	v16, _, _ =	vpop @p2 (xrf1)  }
0x716: {  	v13 =	vmax.f32 v57, v58;
	v60 =	vmax.f32 v9, v6;
	v8 =	vmax.f32 @p1 v12, v8;
	v12, _, _ =	vpop @p2 (xrf1)  }
0x717: {  	(xrf1) =	vsort.ascd.msk.f32 $0xffff, v13, v13;
	v13 =	vpsel p2, v16, v4;
	v12 =	vpsel p2, v12, v4  }
0x718: {  	v11 =	vpsel p1, v11, v0;
	v10 =	vmax.f32 @p1 v13, v10;
	v5 =	vmax.f32 @p1 v12, v5  }
0x719: {  	(xrf1) =	vsort.ascd.msk.f32 $0xffff, v60, v60;
	v12 =	vmax.f32 @p1 v8, v11;
	v13 =	vmax.f32 @p1 v5, v10  }
0x71a: {  	(xrf1) =	vsort.ascd.msk.f32 $0xffff, v59, v59;
	v5 =	vmin.f32 @p1 v5, v10;
	v10 =	vmin.f32 @p1 v12, v13  }
0x71b: {  	(xrf1) =	vsort.ascd.msk.f32 @p1 $0xffff, v10, v10  }
0x71c: {  	v8 =	vmin.f32 @p1 v8, v11  }
0x71d: {  	v11 =	vmin.f32 @p1 v8, v5  }
0x71e: {  	v10 =	vmax.f32 @p1 v12, v13;
	(xrf1) =	vsort.ascd.msk.f32 @p1 $0xffff, v11, v11  }
0x71f: {  	v5 =	vmax.f32 @p1 v8, v5;
	(xrf1) =	vsort.ascd.msk.f32 @p1 $0xffff, v10, v10  }
0x720: {  	(xrf1) =	vsort.ascd.msk.f32 @p1 $0xffff, v5, v5;
	_ =	sdelay $0x4  }
0x721: {  	v5, _, _ =	vpop @p0 (xrf1)  }
0x722: {  	v8, _, _ =	vpop (xrf1)  }
0x723: {  	v61, _, _ =	vpop (xrf1)  }
0x724: {  	v62, _, _ =	vpop (xrf1)  }
0x725: {  	v10 =	vmov @p0 v15;
	v14, _, _ =	vpop @p1 (xrf1)  }
0x726: {  	v7 =	vpsel p0, v7, v0;
	v10 =	vpsel p0, v10, v0;
	v14 =	vpsel p1, v14, v4  }
0x727: {  	v7 =	vperm.xlane @p0 v7, v1;
	v12 =	vpsel p0, v17, v0;
	v10 =	vperm.xlane @p0 v10, v1  }
0x728: {  	v12 =	vperm.xlane @p0 v12, v1;
	v5 =	vperm.xlane @p0 v5, v1;
	v15, _, _ =	vpop @p1 (xrf1)  }
0x729: {  	v6 =	vmin.f32 v9, v6;
	v7 =	vpsel p0, v7, v0;
	v9 =	vmax.f32 @p0 v14, v10;
	v14, _, _ =	vpop @p1 (xrf1)  }
0x72a: {  	v12 =	vpsel p0, v12, v0;
	v5 =	vpsel p0, v5, v0;
	v10 =	vpsel p1, v15, v4;
	v15, _, _ =	vpop @p1 (xrf1)  }
0x72b: {  	v9 =	vpsel p0, v9, v0;
	v14 =	vpsel p1, v14, v4;
	v15 =	vpsel p1, v15, v4  }
0x72c: {  	v7 =	vmax.f32 @p0 v10, v7;
	v10 =	vmax.f32 @p0 v14, v12;
	v5 =	vmax.f32 @p0 v15, v5  }
0x72d: {  	(xrf1) =	vsort.ascd.msk.f32 $0xffff, v6, v6;
	v6 =	vmax.f32 @p0 v7, v9;
	v12 =	vmax.f32 @p0 v5, v10  }
0x72e: {  	v7 =	vmin.f32 @p0 v7, v9;
	v5 =	vmin.f32 @p0 v5, v10;
	v9 =	vmin.f32 @p0 v6, v12  }
0x72f: {  	v10 =	vmin.f32 @p0 v7, v5;
	(xrf1) =	vsort.ascd.msk.f32 @p0 $0xffff, v9, v9  }
0x730: {  	v6 =	vmax.f32 @p0 v6, v12;
	(xrf1) =	vsort.ascd.msk.f32 @p0 $0xffff, v10, v10  }
0x731: {  	v5 =	vmax.f32 @p0 v7, v5;
	(xrf1) =	vsort.ascd.msk.f32 @p0 $0xffff, v6, v6  }
0x732: {  	(xrf1) =	vsort.ascd.msk.f32 @p0 $0xffff, v5, v5;
	_ =	sdelay $0x9  }
0x733: {  	v7 =	vperm.xlane v8, v1;
	v5, _, _ =	vpop (xrf1)  }
0x734: {  	v6, _, _ =	vpop @p0 (xrf1)  }
0x735: {  	v8, _, _ =	vpop @p0 (xrf1)  }
0x736: {  	v11 =	vperm.xlane v61, v1;
	v6 =	vpsel p0, v6, v4;
	v9, _, _ =	vpop @p0 (xrf1)  }
0x737: {  	v63 =	vperm.xlane v62, v1;
	v5 =	vperm.xlane v5, v1;
	v6 =	vmax.f32 v6, v7;
	v7, _, _ =	vpop @p0 (xrf1)  }
0x738: {  	v8 =	vpsel p0, v8, v4;
	v9 =	vpsel p0, v9, v4;
	v4 =	vpsel p0, v7, v4  }
0x739: {  	v7 =	vmax.f32 v8, v11;
	v8 =	vmax.f32 v9, v63;
	v4 =	vmax.f32 v4, v5  }
0x73a: {  	v5 =	vmax.f32 v7, v6;
	v9 =	vmax.f32 v4, v8  }
0x73b: {  	v6 =	vmin.f32 v7, v6;
	v4 =	vmin.f32 v4, v8;
	v7 =	vmin.f32 v5, v9  }
0x73c: {  	v8 =	vmin.f32 v6, v4;
	(xrf1) =	vsort.ascd.msk.f32 $0xffff, v7, v7  }
0x73d: {  	v5 =	vmax.f32 v5, v9;
	(xrf1) =	vsort.ascd.msk.f32 $0xffff, v8, v8  }
0x73e: {  	v4 =	vmax.f32 v6, v4;
	(xrf1) =	vsort.ascd.msk.f32 $0xffff, v5, v5  }
0x73f: {  	(xrf1) =	vsort.ascd.msk.f32 $0xffff, v4, v4;
	_ =	sdelay $0x9  }
.Ltmp46:
0x740: {  	_ = 	snop;
	(pc) =	sbr.rel .LBB2_82-.Ltmp46, $4  }
0x741: {  	v6, _, _ =	vpop (xrf1)  }
0x742: {  	v4, _, _ =	vpop (xrf1)  }
0x743: {  	v7, _, _ =	vpop (xrf1)  }
0x744: {  	v5, _, _ =	vpop (xrf1)  }
.LBB2_7:
.Ltmp47:
0x745: {  	(pc) =	sbr.rel .LBB2_20-.Ltmp47, $2  }
0x746: {  	_ =	sdelay $0x2  }
0x747: {  	v46 =	vimm.f32 $-Inf  }
.LBB2_27:
.Ltmp48:
0x748: {  	(pc) =	sbr.rel .LBB2_40-.Ltmp48, $2  }
0x749: {  	_ =	sdelay $0x2  }
0x74a: {  	v47 =	vimm.f32 $-Inf  }
.LBB2_47:
.Ltmp49:
0x74b: {  	(pc) =	sbr.rel .LBB2_60-.Ltmp49, $2  }
0x74c: {  	_ =	sdelay $0x2  }
0x74d: {  	v47 =	vimm.f32 $-Inf  }
.LBB2_68:
.Ltmp50:
0x74e: {  	(pc) =	sbr.rel .LBB2_81-.Ltmp50, $2  }
0x74f: {  	_ =	sdelay $0x2  }
0x750: {  	v46 =	vimm.f32 $-Inf  }
.LBB2_9:
.Ltmp51:
0x751: {  	(pc) =	sbr.rel .LBB2_20-.Ltmp51, $2  }
0x752: {  	_ =	sdelay $0x2  }
0x753: {  	s18 =	simm.s32 $0x7;
	v46 =	vimm.f32 $-Inf;
	v12 =	vmovc v9;
	v10 =	vmov v7;
	v17 =	vmov v8  }
.LBB2_29:
.Ltmp52:
0x754: {  	(pc) =	sbr.rel .LBB2_40-.Ltmp52, $2  }
0x755: {  	_ =	sdelay $0x2  }
0x756: {  	s18 =	simm.s32 $0x7;
	v47 =	vimm.f32 $-Inf;
	v13 =	vmovc v10;
	v11 =	vmov v8;
	v18 =	vmov v9  }
.LBB2_49:
.Ltmp53:
0x757: {  	(pc) =	sbr.rel .LBB2_60-.Ltmp53, $2  }
0x758: {  	_ =	sdelay $0x2  }
0x759: {  	s18 =	simm.s32 $0x7;
	v47 =	vimm.f32 $-Inf;
	v13 =	vmovc v10;
	v11 =	vmov v8;
	v18 =	vmov v9  }
.LBB2_70:
.Ltmp54:
0x75a: {  	(pc) =	sbr.rel .LBB2_81-.Ltmp54, $2  }
0x75b: {  	_ =	sdelay $0x2  }
0x75c: {  	s18 =	simm.s32 $0x7;
	v46 =	vimm.f32 $-Inf;
	v12 =	vmovc v9;
	v10 =	vmov v7;
	v17 =	vmov v8  }
.LBB2_11:
.Ltmp55:
0x75d: {  	(pc) =	sbr.rel .LBB2_20-.Ltmp55, $2  }
0x75e: {  	_ =	sdelay $0x2  }
0x75f: {  	v46 =	vimm.f32 $-Inf  }
.LBB2_31:
.Ltmp56:
0x760: {  	(pc) =	sbr.rel .LBB2_40-.Ltmp56, $2  }
0x761: {  	_ =	sdelay $0x2  }
0x762: {  	v47 =	vimm.f32 $-Inf  }
.LBB2_51:
.Ltmp57:
0x763: {  	(pc) =	sbr.rel .LBB2_60-.Ltmp57, $2  }
0x764: {  	_ =	sdelay $0x2  }
0x765: {  	v47 =	vimm.f32 $-Inf  }
.LBB2_72:
.Ltmp58:
0x766: {  	(pc) =	sbr.rel .LBB2_81-.Ltmp58, $2  }
0x767: {  	_ =	sdelay $0x2  }
0x768: {  	v46 =	vimm.f32 $-Inf  }
.LBB2_13:
.Ltmp59:
0x769: {  	(pc) =	sbr.rel .LBB2_20-.Ltmp59, $2  }
0x76a: {  	_ =	sdelay $0x2  }
0x76b: {  	s18 =	simm.s32 $0xF;
	v46 =	vimm.f32 $-Inf;
	v12 =	vmov v8;
	v10 =	vmov v7  }
.LBB2_33:
.Ltmp60:
0x76c: {  	(pc) =	sbr.rel .LBB2_40-.Ltmp60, $2  }
0x76d: {  	_ =	sdelay $0x2  }
0x76e: {  	s18 =	simm.s32 $0xF;
	v47 =	vimm.f32 $-Inf;
	v13 =	vmov v9;
	v11 =	vmov v8  }
.LBB2_53:
.Ltmp61:
0x76f: {  	(pc) =	sbr.rel .LBB2_60-.Ltmp61, $2  }
0x770: {  	_ =	sdelay $0x2  }
0x771: {  	s18 =	simm.s32 $0xF;
	v47 =	vimm.f32 $-Inf;
	v13 =	vmov v9;
	v11 =	vmov v8  }
.LBB2_74:
.Ltmp62:
0x772: {  	(pc) =	sbr.rel .LBB2_81-.Ltmp62, $2  }
0x773: {  	_ =	sdelay $0x2  }
0x774: {  	s18 =	simm.s32 $0xF;
	v46 =	vimm.f32 $-Inf;
	v12 =	vmov v8;
	v10 =	vmov v7  }
.LBB2_15:
.Ltmp63:
0x775: {  	(pc) =	sbr.rel .LBB2_20-.Ltmp63, $3  }
0x776: {  	_ =	sdelay $0x1  }
0x777: {  	v46 =	vimm.f32 $-Inf;
	v39 =	vmovc v13;
	v44 =	vmov v16;
	v38 =	vmov v8  }
0x778: {  	v41 =	vmovc v15;
	v37 =	vmovc v7;
	v40 =	vmov v9;
	v42 =	vmov v14;
	v36 =	vmov v11  }
.LBB2_35:
.Ltmp64:
0x779: {  	(pc) =	sbr.rel .LBB2_40-.Ltmp64, $3  }
0x77a: {  	_ =	sdelay $0x1  }
0x77b: {  	v47 =	vimm.f32 $-Inf;
	v40 =	vmovc v14;
	v45 =	vmov v17;
	v39 =	vmov v9  }
0x77c: {  	v42 =	vmovc v16;
	v38 =	vmovc v8;
	v41 =	vmov v10;
	v43 =	vmov v15;
	v37 =	vmov v12  }
.LBB2_55:
.Ltmp65:
0x77d: {  	(pc) =	sbr.rel .LBB2_60-.Ltmp65, $3  }
0x77e: {  	_ =	sdelay $0x1  }
0x77f: {  	v47 =	vimm.f32 $-Inf;
	v40 =	vmovc v14;
	v45 =	vmov v17;
	v39 =	vmov v9  }
0x780: {  	v42 =	vmovc v16;
	v38 =	vmovc v8;
	v41 =	vmov v10;
	v43 =	vmov v15;
	v37 =	vmov v12  }
.LBB2_76:
.Ltmp66:
0x781: {  	(pc) =	sbr.rel .LBB2_81-.Ltmp66, $3  }
0x782: {  	_ =	sdelay $0x1  }
0x783: {  	v46 =	vimm.f32 $-Inf;
	v39 =	vmovc v13;
	v44 =	vmov v16;
	v38 =	vmov v8  }
0x784: {  	v41 =	vmovc v15;
	v37 =	vmovc v7;
	v40 =	vmov v9;
	v42 =	vmov v14;
	v36 =	vmov v11  }
.LBB2_17:
.Ltmp67:
0x785: {  	(pc) =	sbr.rel .LBB2_20-.Ltmp67, $4  }
0x786: {  	v26 =	vmov v19  }
0x787: {  	v46 =	vimm.f32 $-Inf;
	v45 =	vmovc v27;
	v39 =	vmovc v22;
	v43 =	vmov v21;
	v44 =	vmov v28  }
0x788: {  	v35 =	vmovc v20;
	v38 =	vmovc v23;
	v41 =	vmov v29;
	v47 =	vmov v33;
	v37 =	vmov v24  }
0x789: {  	s18 =	simm.s32 $0x17;
	v40 =	vmovc v25;
	v12 =	vmovc v42;
	v10 =	vmov v36;
	v42 =	vmov v31;
	v36 =	vmov v30  }
.LBB2_37:
.Ltmp68:
0x78a: {  	(pc) =	sbr.rel .LBB2_40-.Ltmp68, $4  }
0x78b: {  	v27 =	vmov v20  }
0x78c: {  	v47 =	vimm.f32 $-Inf;
	v46 =	vmovc v28;
	v40 =	vmovc v23;
	v44 =	vmov v22;
	v45 =	vmov v29  }
0x78d: {  	v36 =	vmovc v21;
	v39 =	vmovc v24;
	v42 =	vmov v30;
	v48 =	vmov v34;
	v38 =	vmov v25  }
0x78e: {  	s18 =	simm.s32 $0x17;
	v41 =	vmovc v26;
	v13 =	vmovc v43;
	v11 =	vmov v37;
	v43 =	vmov v32;
	v37 =	vmov v31  }
.LBB2_57:
.Ltmp69:
0x78f: {  	(pc) =	sbr.rel .LBB2_60-.Ltmp69, $4  }
0x790: {  	v27 =	vmov v20  }
0x791: {  	v47 =	vimm.f32 $-Inf;
	v46 =	vmovc v28;
	v40 =	vmovc v23;
	v44 =	vmov v22;
	v45 =	vmov v29  }
0x792: {  	v36 =	vmovc v21;
	v39 =	vmovc v24;
	v42 =	vmov v30;
	v48 =	vmov v34;
	v38 =	vmov v25  }
0x793: {  	s18 =	simm.s32 $0x17;
	v41 =	vmovc v26;
	v13 =	vmovc v43;
	v11 =	vmov v37;
	v43 =	vmov v32;
	v37 =	vmov v31  }
.LBB2_78:
.Ltmp70:
0x794: {  	(pc) =	sbr.rel .LBB2_81-.Ltmp70, $4  }
0x795: {  	v26 =	vmov v19  }
0x796: {  	v46 =	vimm.f32 $-Inf;
	v45 =	vmovc v27;
	v39 =	vmovc v22;
	v43 =	vmov v21;
	v44 =	vmov v28  }
0x797: {  	v35 =	vmovc v20;
	v38 =	vmovc v23;
	v41 =	vmov v29;
	v47 =	vmov v33;
	v37 =	vmov v24  }
0x798: {  	s18 =	simm.s32 $0x17;
	v40 =	vmovc v25;
	v12 =	vmovc v42;
	v10 =	vmov v36;
	v42 =	vmov v31;
	v36 =	vmov v30  }
.LBB2_83:
0x799: {  	_ =	sfence.sel $0x180000  }
0x79a: {  	[bflag:$0x0] =	sbarrier.arrive $0xFFFF  }
0x79b: {  	p0 =	sne.s32 s1, $0x0;
	_ =	strace $0x90000047  }
0x79c: {  	s0 =	sadd.s32 @!p0 $0x100000, s0;
	[bflag:$0x2] =	sbarrier.arrive $0xFFFF  }
0x79d: {  	[sflag:s0] =	ssyncadd.tile.s32 @!p0 $0x1;
	_ =	shalt  }
.Lfunc_end2:
_tile_overlayer_lowered:
.L_overlay_start_2:
0x79e: {  	(tag) =	ssettag $0x2  }
0x79f: {  	s0 =	rddreg [dreg:$0x0];
	s2 =	stileid.u32  }
0x7a0: {  	s1 =	rddreg [dreg:$0x1];
	p0 =	sne.s32 s2, $0x0  }
0x7a1: {  	s3 =	rddreg [dreg:$0x2];
	[bflag:$0x3] =	sbarrier.arrive $0xFFFF;
	s2 =	simm.s32 @!p0 $0x1C03  }
0x7a2: {  	[timem:s3], [sflag:s2] =	dma.local @!p0 [hbm:s0], s1  }
0x7a3: {  	s0 =	simm.s32 @!p0 $0x3  }
0x7a4: {  	_ =	swait.ge @!p0 [sflag:s0], s1  }
0x7a5: {  	s1 =	ssub.s32 @!p0 $0x0, s1;
	[sflag:s0] =	ssyncset.done @!p0 $0x0  }
0x7a6: {  	[sflag:s0] =	ssyncadd.s32 @!p0 s1  }
0x7a7: {  	[bflag:$0x3] =	sbarrier.arrive $0xFFFF  }
0x7a8: {  	_ =	shalt  }

</sc_bundles>
